<compile_context>
chip_gen: v7x
topology: tpu7x:2x2x1
jax: 0.10.2.dev20260603
libtpu: 0.0.44.dev20260713+nightly
codegen_flags: <defaults>
</compile_context>

<pallas_src>
import functools

import jax
import jax.numpy as jnp
from jax.experimental import pallas as pl
from jax.experimental.pallas import tpu as pltpu
from jax.experimental.pallas import tpu_sc as plsc

TM = 128
BH = 512


def _routing_body(
    x_ref, gw_ref, pos0_ref, pos1_ref, w0_ref, w1_ref,
    ti_ref, ei_ref, tot_ref,
):
    x = x_ref[...]
    gw = gw_ref[...]
    logits = jax.lax.dot_general(
        x, gw, (((1,), (1,)), ((), ())), preferred_element_type=jnp.float32
    )
    t, e = logits.shape
    neg = jnp.float32(-1e30)
    eidx = jax.lax.broadcasted_iota(jnp.int32, (t, e), 1)
    m0 = jnp.max(logits, axis=1, keepdims=True)
    a0 = jnp.min(jnp.where(logits == m0, eidx, e), axis=1, keepdims=True)
    oh0 = eidx == a0
    masked = jnp.where(oh0, neg, logits)
    m1 = jnp.max(masked, axis=1, keepdims=True)
    a1 = jnp.min(jnp.where(masked == m1, eidx, e), axis=1, keepdims=True)
    oh1 = eidx == a1
    z = jnp.exp(m1 - m0)
    denom = 1.0 + z
    w0_ref[...] = (1.0 / denom).astype(jnp.float32)
    w1_ref[...] = (z / denom).astype(jnp.float32)
    both = oh0.astype(jnp.float32) + oh1.astype(jnp.float32)
    blk = 128
    ridx = jax.lax.broadcasted_iota(jnp.int32, (blk, t), 1)
    excl_blocks = []
    for c in range(t // blk):
        rows = c * blk + jax.lax.broadcasted_iota(jnp.int32, (blk, t), 0)
        tri = (ridx < rows).astype(jnp.float32)
        excl_blocks.append(
            jax.lax.dot_general(
                tri, both, (((1,), (0,)), ((), ())),
                preferred_element_type=jnp.float32,
            )
        )
    excl = jnp.concatenate(excl_blocks, axis=0)
    counts = jnp.sum(both, axis=0, keepdims=True)
    ce = jax.lax.broadcasted_iota(jnp.int32, (e, e), 0)
    re_ = jax.lax.broadcasted_iota(jnp.int32, (e, e), 1)
    tril_e = (ce < re_).astype(jnp.float32)
    inv_tm = jnp.float32(1.0 / TM)
    ftm = jnp.float32(TM)
    cpad = jnp.floor((counts + (TM - 1.0)) * inv_tm) * ftm
    starts = jax.lax.dot_general(
        cpad, tril_e, (((1,), (0,)), ((), ())),
        preferred_element_type=jnp.float32,
    )
    base = starts + excl
    pos0 = jnp.sum(jnp.where(oh0, base, 0.0), axis=1)
    pos1 = jnp.sum(jnp.where(oh1, base, 0.0), axis=1)
    pos0_ref[...] = pos0[:, None].astype(jnp.int32)
    pos1_ref[...] = pos1[:, None].astype(jnp.int32)

    wpad = ti_ref.shape[0]
    nt = cpad * inv_tm
    us = jax.lax.dot_general(
        nt, tril_e, (((1,), (0,)), ((), ())),
        preferred_element_type=jnp.float32,
    )
    total = jnp.sum(nt)
    first = starts * inv_tm
    uvec = jax.lax.broadcasted_iota(jnp.int32, (wpad, 1), 0).astype(jnp.float32)
    cmp = us <= uvec
    e_of = jnp.sum(cmp.astype(jnp.float32), axis=1, keepdims=True) - 1.0
    eidw = jax.lax.broadcasted_iota(jnp.int32, (wpad, e), 1).astype(jnp.float32)
    ohw = (eidw == e_of).astype(jnp.float32)
    first_u = jnp.sum(ohw * first, axis=1, keepdims=True)
    us_u = jnp.sum(ohw * us, axis=1, keepdims=True)
    ti_u = first_u + (uvec - us_u)
    valid = uvec < total
    lastmask = (uvec == total - 1.0).astype(jnp.float32)
    ti_last = jnp.sum(lastmask * ti_u)
    ei_last = jnp.sum(lastmask * e_of)
    ti_u = jnp.where(valid, ti_u, ti_last)
    e_of = jnp.where(valid, e_of, ei_last)
    ti_ref[...] = ti_u.astype(jnp.int32)
    ei_ref[...] = e_of.astype(jnp.int32)
    tot_ref[...] = (jnp.zeros((1, 1), jnp.float32) + total).astype(jnp.int32)


def _routing(x, gate_w, wpad):
    t, _ = x.shape
    e = gate_w.shape[0]
    return pl.pallas_call(
        _routing_body,
        out_shape=(
            jax.ShapeDtypeStruct((t, 1), jnp.int32),
            jax.ShapeDtypeStruct((t, 1), jnp.int32),
            jax.ShapeDtypeStruct((t, 1), jnp.float32),
            jax.ShapeDtypeStruct((t, 1), jnp.float32),
            jax.ShapeDtypeStruct((wpad, 1), jnp.int32),
            jax.ShapeDtypeStruct((wpad, 1), jnp.int32),
            jax.ShapeDtypeStruct((1, 1), jnp.int32),
        ),
    )(x, gate_w)


def _gmm_inner_body(idxs, xs_b, w1_b, w3_b, w2_b, out_b):
    _, hj = idxs
    x_t = xs_b[...]
    w1c = w1_b[0]
    w3c = w3_b[0]
    w2c = w2_b[0]
    xw1 = jax.lax.dot_general(
        x_t, w1c, (((1,), (1,)), ((), ())), preferred_element_type=jnp.float32
    )
    xw3 = jax.lax.dot_general(
        x_t, w3c, (((1,), (1,)), ((), ())), preferred_element_type=jnp.float32
    )
    h = (xw1 * jax.nn.sigmoid(xw1)) * xw3
    o = jax.lax.dot_general(
        h, w2c, (((1,), (0,)), ((), ())), preferred_element_type=jnp.float32
    )
    @pl.when(hj == 0)
    def _():
        out_b[...] = o

    @pl.when(hj != 0)
    def _():
        out_b[...] = out_b[...] + o


def _make_gmm_outer(d, nhj):
    def _gmm_outer_body(
        ti_ref, ei_ref, tot_ref, xs_hbm, w1_hbm, w2_hbm, w3_hbm, out_hbm
    ):
        total = tot_ref[0]
        wmode = pl.Buffered(buffer_count=3, use_lookahead=True)
        wspec1 = pl.BlockSpec(
            (1, BH, d), lambda u, hj: (ei_ref[u], hj, 0), pipeline_mode=wmode)
        wspec3 = pl.BlockSpec(
            (1, BH, d), lambda u, hj: (ei_ref[u], hj, 0), pipeline_mode=wmode)
        wspec2 = pl.BlockSpec(
            (1, BH, d), lambda u, hj: (ei_ref[u], hj, 0), pipeline_mode=wmode)
        xspec = pl.BlockSpec(
            (TM, d), lambda u, hj: (ti_ref[u], 0),
            pipeline_mode=pl.Buffered(buffer_count=3, use_lookahead=True))
        ospec = pl.BlockSpec((TM, d), lambda u, hj: (ti_ref[u], 0))
        pltpu.emit_pipeline(
            _gmm_inner_body,
            grid=(total, nhj),
            in_specs=[xspec, wspec1, wspec3, wspec2],
            out_specs=[ospec],
            _explicit_indices=True,
        )(xs_hbm, w1_hbm, w3_hbm, w2_hbm, out_hbm)

    return _gmm_outer_body


def _gmm(xs, w1, w2, w3, ti, ei, tot):
    sp, d = xs.shape
    e, h, _ = w1.shape
    nhj = h // BH
    anyspec = pl.BlockSpec(memory_space=pl.ANY)
    smemspec = pl.BlockSpec(memory_space=pltpu.SMEM)
    return pl.pallas_call(
        _make_gmm_outer(d, nhj),
        in_specs=[smemspec, smemspec, smemspec,
                  anyspec, anyspec, anyspec, anyspec],
        out_specs=anyspec,
        out_shape=jax.ShapeDtypeStruct((sp, d), jnp.float32),
    )(ti, ei, tot, xs, w1, w2, w3)


def _combine_body(g0_ref, g1_ref, w0_ref, w1_ref, y_ref):
    y_ref[...] = g0_ref[...] * w0_ref[...] + g1_ref[...] * w1_ref[...]


def _combine(g0, g1, w0, w1):
    t, d = g0.shape
    tmc = 256
    return pl.pallas_call(
        _combine_body,
        grid=(t // tmc,),
        in_specs=[
            pl.BlockSpec((tmc, d), lambda i: (i, 0)),
            pl.BlockSpec((tmc, d), lambda i: (i, 0)),
            pl.BlockSpec((tmc, 1), lambda i: (i, 0)),
            pl.BlockSpec((tmc, 1), lambda i: (i, 0)),
        ],
        out_specs=pl.BlockSpec((tmc, d), lambda i: (i, 0)),
        out_shape=jax.ShapeDtypeStruct((t, d), jnp.float32),
    )(g0, g1, w0, w1)


_NC = 2
_NS = 16
_NW = _NC * _NS


def _sc_dispatch(x, p0, p1, s):
    t, d = x.shape
    bpw = t // _NW
    mesh = plsc.VectorSubcoreMesh(core_axis_name="c", subcore_axis_name="s")

    @functools.partial(
        pl.kernel,
        mesh=mesh,
        out_type=jax.ShapeDtypeStruct((s, d), jnp.float32),
        scratch_types=[
            pltpu.VMEM((bpw,), jnp.int32),
            pltpu.VMEM((bpw,), jnp.int32),
            pltpu.VMEM((bpw, d), jnp.float32),
            pltpu.SemaphoreType.DMA,
        ],
    )
    def k(x_hbm, p0_hbm, p1_hbm, o_hbm, i0_v, i1_v, rows_v, sem):
        wid = jax.lax.axis_index("s") * _NC + jax.lax.axis_index("c")
        base = wid * bpw
        pltpu.sync_copy(p0_hbm.at[pl.ds(base, bpw)], i0_v)
        pltpu.sync_copy(p1_hbm.at[pl.ds(base, bpw)], i1_v)
        pltpu.sync_copy(x_hbm.at[pl.ds(base, bpw)], rows_v)
        pltpu.async_copy(rows_v, o_hbm.at[i0_v], sem).wait()
        pltpu.async_copy(rows_v, o_hbm.at[i1_v], sem).wait()

    return k(x, p0, p1)


def _sc_gather2(os_, p0, p1):
    s, d = os_.shape
    t = p0.shape[0]
    bpw = t // _NW
    mesh = plsc.VectorSubcoreMesh(core_axis_name="c", subcore_axis_name="s")
    ot = jax.ShapeDtypeStruct((t, d), jnp.float32)

    @functools.partial(
        pl.kernel,
        mesh=mesh,
        out_type=(ot, ot),
        scratch_types=[
            pltpu.VMEM((bpw,), jnp.int32),
            pltpu.VMEM((bpw, d), jnp.float32),
            pltpu.SemaphoreType.DMA,
        ],
    )
    def k(os_hbm, p0_hbm, p1_hbm, g0_hbm, g1_hbm, idx_v, rows_v, sem):
        wid = jax.lax.axis_index("s") * _NC + jax.lax.axis_index("c")
        base = wid * bpw
        pltpu.sync_copy(p0_hbm.at[pl.ds(base, bpw)], idx_v)
        pltpu.async_copy(os_hbm.at[idx_v], rows_v, sem).wait()
        pltpu.sync_copy(rows_v, g0_hbm.at[pl.ds(base, bpw)])
        pltpu.sync_copy(p1_hbm.at[pl.ds(base, bpw)], idx_v)
        pltpu.async_copy(os_hbm.at[idx_v], rows_v, sem).wait()
        pltpu.sync_copy(rows_v, g1_hbm.at[pl.ds(base, bpw)])

    return k(os_, p0, p1)


def kernel(x, gate_w, w1, w2, w3):
    t, d = x.shape
    e = gate_w.shape[0]
    k = 2
    s = t * k
    w_static = s // TM + e
    spad = s + e * TM

    wpad = -(-w_static // 8) * 8

    pos0, pos1, wt0, wt1, ti2, ei2, tot2 = _routing(x, gate_w, wpad)
    p0r = pos0.reshape(t)
    p1r = pos1.reshape(t)
    ti = ti2.reshape(wpad)
    ei = ei2.reshape(wpad)
    tot = tot2.reshape(1)

    xs = _sc_dispatch(x, p0r, p1r, spad)
    os = _gmm(xs, w1, w2, w3, ti, ei, tot)
    g0, g1 = _sc_gather2(os, p0r, p1r)
    return _combine(g0, g1, wt0, wt1)

# --- scband reference (transcript-rebuilt; emitter-appended) ---
"""Pipeline reference for scband-moe-layer-50216757624886 (READ-ONLY COPY).

The authoritative reference and input builder live on the scoring server;
editing this copy changes nothing except your own understanding.
"""

import jax, jax.numpy as jnp
import numpy as np

T = 2048
D = 1024
H = 2048
E = 64
K = 2


def setup_inputs(seed: int = 0) -> dict:
    key = jax.random.key(seed)
    ks = jax.random.split(key, 5)
    x = jax.random.normal(ks[0], (T, D), dtype=jnp.float32)
    gate_w = jax.random.normal(ks[1], (E, D), dtype=jnp.float32) * 0.02
    # Experts dict ws[f'{li}.{ei}.w1'] etc. represented as stacked tensors [E, H, D]
    w1 = jax.random.normal(ks[2], (E, H, D), dtype=jnp.float32) * 0.02
    w2 = jax.random.normal(ks[3], (E, H, D), dtype=jnp.float32) * 0.02
    w3 = jax.random.normal(ks[4], (E, H, D), dtype=jnp.float32) * 0.02
    return {"x": x, "gate_w": gate_w, "w1": w1, "w2": w2, "w3": w3}


def reference(x, gate_w, w1, w2, w3):
    # ---- prep_ins ----
    gate_logits = x @ gate_w.T
    topk_weight, topk_ids = jax.lax.top_k(gate_logits, K)
    topk_weight = jax.nn.softmax(topk_weight.astype(jnp.float32), axis=1).astype(x.dtype)
    flat_ids = topk_ids.reshape(-1)
    idxs = jnp.argsort(flat_ids)  # stable sort of expert ids -> permutation
    sorted_tokens = x[idxs // K]
    # ---- experts_infer ----
    sorted_ids = flat_ids[idxs]
    num_experts = w1.shape[0]

    def expert_step(acc, ew):
        e, w1e, w2e, w3e = ew
        # silu(x @ w1.T) * (x @ w3.T) @ w2
        h = jax.nn.silu(sorted_tokens @ w1e.T) * (sorted_tokens @ w3e.T)
        o = h @ w2e
        acc = jnp.where((sorted_ids == e)[:, None], o, acc)
        return acc, None

    init = jnp.zeros(sorted_tokens.shape, dtype=x.dtype)
    outs, _ = jax.lax.scan(
        expert_step, init, (jnp.arange(num_experts, dtype=sorted_ids.dtype), w1, w2, w3)
    )
    new_x = jnp.zeros_like(outs).at[idxs].set(outs)  # new_x[idxs] = outs
    y = (new_x.reshape(T, K, D) * topk_weight[:, :, None]).sum(axis=1)
    return y

if __name__ == "__main__":
    import jax
    _d = setup_inputs()
    print(jax.jit(kernel)(*tuple(_d.values())))

</pallas_src>

<mosaic_0001>
#map = affine_map<(d0, d1) -> (0, 0)>
#map1 = affine_map<(d0, d1) -> (0)>
module attributes {stable_mosaic.version = 14 : i64} {
  func.func @k(%arg0: i32, %arg1: i32, %arg2: memref<12288x1024xf32, #tpu.memory_space<hbm>>, %arg3: memref<2048xi32, #tpu.memory_space<hbm>>, %arg4: memref<2048xi32, #tpu.memory_space<hbm>>, %arg5: memref<2048x1024xf32, #tpu.memory_space<hbm>>, %arg6: memref<2048x1024xf32, #tpu.memory_space<hbm>>, %arg7: memref<64xi32, #tpu.memory_space<vmem>>, %arg8: memref<64x1024xf32, #tpu.memory_space<vmem>>, %arg9: memref<!tpu.dma_semaphore, #tpu.memory_space<semaphore_mem>>) attributes {dimension_semantics = [#tpu.dimension_semantics<core_parallel>, #tpu.dimension_semantics<subcore_parallel>], iteration_bounds = array<i64: 2, 16>, scalar_prefetch = 0 : i64, scratch_operands = 3 : i64, tpu.core_type = #tpu.core_type<sc_vector_subcore>, window_params = [{transform_indices = #map}, {transform_indices = #map1}, {transform_indices = #map1}, {transform_indices = #map}, {transform_indices = #map}]} {
    %mul3A = arith.constant 2 : i32
    %mul3A_0 = arith.muli %arg1, %mul3A : i32
    %add3A = arith.addi %mul3A_0, %arg0 : i32
    %mul3A_1 = arith.constant 64 : i32
    %mul3A_2 = arith.muli %add3A, %mul3A_1 : i32
    "tpu.region"() ({
      %run_scoped3A = tpu.sem_alloc : memref<!tpu.dma_semaphore, #tpu.memory_space<semaphore_mem>>
      %dma_start3A_13 = tpu.memref_slice %arg3[%mul3A_2] : memref<2048xi32, #tpu.memory_space<hbm>> -> memref<64xi32, #tpu.memory_space<hbm>>
      %dma_start3A_14 = tpu.memref_slice %arg3[%mul3A_2] : memref<2048xi32, #tpu.memory_space<hbm>> -> memref<64xi32, #tpu.memory_space<hbm>>
      tpu.enqueue_dma source(%dma_start3A_14 : memref<64xi32, #tpu.memory_space<hbm>>) target(%arg7 : memref<64xi32, #tpu.memory_space<vmem>>) target_semaphore(%run_scoped3A : memref<!tpu.dma_semaphore, #tpu.memory_space<semaphore_mem>>)
      %dma_wait3A_15 = tpu.memref_slice %arg3[%mul3A_2] : memref<2048xi32, #tpu.memory_space<hbm>> -> memref<64xi32, #tpu.memory_space<hbm>>
      %dma_wait3A_16 = tpu.memref_slice %arg3[%mul3A_2] : memref<2048xi32, #tpu.memory_space<hbm>> -> memref<64xi32, #tpu.memory_space<hbm>>
      tpu.wait_dma2 semaphore(%run_scoped3A : memref<!tpu.dma_semaphore, #tpu.memory_space<semaphore_mem>>) src(%dma_wait3A_16 : memref<64xi32, #tpu.memory_space<hbm>>) dst(%arg7 : memref<64xi32, #tpu.memory_space<vmem>>)
      tpu.yield
    }) : () -> ()
    %dma_start3A = arith.constant 0 : i32
    %dma_start3A_3 = arith.constant 0 : i32
    %dma_start3A_4 = tpu.memref_slice %arg2[%dma_start3A, %dma_start3A_3] : memref<12288x1024xf32, #tpu.memory_space<hbm>> -> memref<12288x1024xf32, #tpu.memory_space<hbm>>
    tpu.enqueue_indirect_dma source(%dma_start3A_4 : memref<12288x1024xf32, #tpu.memory_space<hbm>>) target(%arg8 : memref<64x1024xf32, #tpu.memory_space<vmem>>) offsets(%arg7 : memref<64xi32, #tpu.memory_space<vmem>>) semaphore(%arg9 : memref<!tpu.dma_semaphore, #tpu.memory_space<semaphore_mem>>)
    %dma_wait3A = arith.constant 0 : i32
    %dma_wait3A_5 = arith.constant 0 : i32
    %dma_wait3A_6 = tpu.memref_slice %arg2[%dma_wait3A, %dma_wait3A_5] : memref<12288x1024xf32, #tpu.memory_space<hbm>> -> memref<12288x1024xf32, #tpu.memory_space<hbm>>
    tpu.wait_indirect_dma semaphore(%arg9 : memref<!tpu.dma_semaphore, #tpu.memory_space<semaphore_mem>>) src(%dma_wait3A_6 : memref<12288x1024xf32, #tpu.memory_space<hbm>>) dst(%arg8 : memref<64x1024xf32, #tpu.memory_space<vmem>>)
    "tpu.region"() ({
      %run_scoped3A = tpu.sem_alloc : memref<!tpu.dma_semaphore, #tpu.memory_space<semaphore_mem>>
      %dma_start3A_13 = arith.constant 0 : i32
      %dma_start3A_14 = tpu.memref_slice %arg5[%mul3A_2, %dma_start3A_13] : memref<2048x1024xf32, #tpu.memory_space<hbm>> -> memref<64x1024xf32, #tpu.memory_space<hbm>>
      %dma_start3A_15 = arith.constant 0 : i32
      %dma_start3A_16 = tpu.memref_slice %arg5[%mul3A_2, %dma_start3A_15] : memref<2048x1024xf32, #tpu.memory_space<hbm>> -> memref<64x1024xf32, #tpu.memory_space<hbm>>
      tpu.enqueue_dma source(%arg8 : memref<64x1024xf32, #tpu.memory_space<vmem>>) target(%dma_start3A_16 : memref<64x1024xf32, #tpu.memory_space<hbm>>) target_semaphore(%run_scoped3A : memref<!tpu.dma_semaphore, #tpu.memory_space<semaphore_mem>>)
      %dma_wait3A_17 = arith.constant 0 : i32
      %dma_wait3A_18 = tpu.memref_slice %arg5[%mul3A_2, %dma_wait3A_17] : memref<2048x1024xf32, #tpu.memory_space<hbm>> -> memref<64x1024xf32, #tpu.memory_space<hbm>>
      %dma_wait3A_19 = arith.constant 0 : i32
      %dma_wait3A_20 = tpu.memref_slice %arg5[%mul3A_2, %dma_wait3A_19] : memref<2048x1024xf32, #tpu.memory_space<hbm>> -> memref<64x1024xf32, #tpu.memory_space<hbm>>
      tpu.wait_dma2 semaphore(%run_scoped3A : memref<!tpu.dma_semaphore, #tpu.memory_space<semaphore_mem>>) src(%arg8 : memref<64x1024xf32, #tpu.memory_space<vmem>>) dst(%dma_wait3A_20 : memref<64x1024xf32, #tpu.memory_space<hbm>>)
      tpu.yield
    }) : () -> ()
    "tpu.region"() ({
      %run_scoped3A = tpu.sem_alloc : memref<!tpu.dma_semaphore, #tpu.memory_space<semaphore_mem>>
      %dma_start3A_13 = tpu.memref_slice %arg4[%mul3A_2] : memref<2048xi32, #tpu.memory_space<hbm>> -> memref<64xi32, #tpu.memory_space<hbm>>
      %dma_start3A_14 = tpu.memref_slice %arg4[%mul3A_2] : memref<2048xi32, #tpu.memory_space<hbm>> -> memref<64xi32, #tpu.memory_space<hbm>>
      tpu.enqueue_dma source(%dma_start3A_14 : memref<64xi32, #tpu.memory_space<hbm>>) target(%arg7 : memref<64xi32, #tpu.memory_space<vmem>>) target_semaphore(%run_scoped3A : memref<!tpu.dma_semaphore, #tpu.memory_space<semaphore_mem>>)
      %dma_wait3A_15 = tpu.memref_slice %arg4[%mul3A_2] : memref<2048xi32, #tpu.memory_space<hbm>> -> memref<64xi32, #tpu.memory_space<hbm>>
      %dma_wait3A_16 = tpu.memref_slice %arg4[%mul3A_2] : memref<2048xi32, #tpu.memory_space<hbm>> -> memref<64xi32, #tpu.memory_space<hbm>>
      tpu.wait_dma2 semaphore(%run_scoped3A : memref<!tpu.dma_semaphore, #tpu.memory_space<semaphore_mem>>) src(%dma_wait3A_16 : memref<64xi32, #tpu.memory_space<hbm>>) dst(%arg7 : memref<64xi32, #tpu.memory_space<vmem>>)
      tpu.yield
    }) : () -> ()
    %dma_start3A_7 = arith.constant 0 : i32
    %dma_start3A_8 = arith.constant 0 : i32
    %dma_start3A_9 = tpu.memref_slice %arg2[%dma_start3A_7, %dma_start3A_8] : memref<12288x1024xf32, #tpu.memory_space<hbm>> -> memref<12288x1024xf32, #tpu.memory_space<hbm>>
    tpu.enqueue_indirect_dma source(%dma_start3A_9 : memref<12288x1024xf32, #tpu.memory_space<hbm>>) target(%arg8 : memref<64x1024xf32, #tpu.memory_space<vmem>>) offsets(%arg7 : memref<64xi32, #tpu.memory_space<vmem>>) semaphore(%arg9 : memref<!tpu.dma_semaphore, #tpu.memory_space<semaphore_mem>>)
    %dma_wait3A_10 = arith.constant 0 : i32
    %dma_wait3A_11 = arith.constant 0 : i32
    %dma_wait3A_12 = tpu.memref_slice %arg2[%dma_wait3A_10, %dma_wait3A_11] : memref<12288x1024xf32, #tpu.memory_space<hbm>> -> memref<12288x1024xf32, #tpu.memory_space<hbm>>
    tpu.wait_indirect_dma semaphore(%arg9 : memref<!tpu.dma_semaphore, #tpu.memory_space<semaphore_mem>>) src(%dma_wait3A_12 : memref<12288x1024xf32, #tpu.memory_space<hbm>>) dst(%arg8 : memref<64x1024xf32, #tpu.memory_space<vmem>>)
    "tpu.region"() ({
      %run_scoped3A = tpu.sem_alloc : memref<!tpu.dma_semaphore, #tpu.memory_space<semaphore_mem>>
      %dma_start3A_13 = arith.constant 0 : i32
      %dma_start3A_14 = tpu.memref_slice %arg6[%mul3A_2, %dma_start3A_13] : memref<2048x1024xf32, #tpu.memory_space<hbm>> -> memref<64x1024xf32, #tpu.memory_space<hbm>>
      %dma_start3A_15 = arith.constant 0 : i32
      %dma_start3A_16 = tpu.memref_slice %arg6[%mul3A_2, %dma_start3A_15] : memref<2048x1024xf32, #tpu.memory_space<hbm>> -> memref<64x1024xf32, #tpu.memory_space<hbm>>
      tpu.enqueue_dma source(%arg8 : memref<64x1024xf32, #tpu.memory_space<vmem>>) target(%dma_start3A_16 : memref<64x1024xf32, #tpu.memory_space<hbm>>) target_semaphore(%run_scoped3A : memref<!tpu.dma_semaphore, #tpu.memory_space<semaphore_mem>>)
      %dma_wait3A_17 = arith.constant 0 : i32
      %dma_wait3A_18 = tpu.memref_slice %arg6[%mul3A_2, %dma_wait3A_17] : memref<2048x1024xf32, #tpu.memory_space<hbm>> -> memref<64x1024xf32, #tpu.memory_space<hbm>>
      %dma_wait3A_19 = arith.constant 0 : i32
      %dma_wait3A_20 = tpu.memref_slice %arg6[%mul3A_2, %dma_wait3A_19] : memref<2048x1024xf32, #tpu.memory_space<hbm>> -> memref<64x1024xf32, #tpu.memory_space<hbm>>
      tpu.wait_dma2 semaphore(%run_scoped3A : memref<!tpu.dma_semaphore, #tpu.memory_space<semaphore_mem>>) src(%arg8 : memref<64x1024xf32, #tpu.memory_space<vmem>>) dst(%dma_wait3A_20 : memref<64x1024xf32, #tpu.memory_space<hbm>>)
      tpu.yield
    }) : () -> ()
    return
  }
}

#map = affine_map<(d0, d1) -> (0, 0)>
#map1 = affine_map<(d0, d1) -> (0)>
module attributes {stable_mosaic.version = 14 : i64} {
  func.func @k(%arg0: i32, %arg1: i32, %arg2: memref<2048x1024xf32, #tpu.memory_space<hbm>>, %arg3: memref<2048xi32, #tpu.memory_space<hbm>>, %arg4: memref<2048xi32, #tpu.memory_space<hbm>>, %arg5: memref<12288x1024xf32, #tpu.memory_space<hbm>>, %arg6: memref<64xi32, #tpu.memory_space<vmem>>, %arg7: memref<64xi32, #tpu.memory_space<vmem>>, %arg8: memref<64x1024xf32, #tpu.memory_space<vmem>>, %arg9: memref<!tpu.dma_semaphore, #tpu.memory_space<semaphore_mem>>) attributes {dimension_semantics = [#tpu.dimension_semantics<core_parallel>, #tpu.dimension_semantics<subcore_parallel>], iteration_bounds = array<i64: 2, 16>, scalar_prefetch = 0 : i64, scratch_operands = 4 : i64, tpu.core_type = #tpu.core_type<sc_vector_subcore>, window_params = [{transform_indices = #map}, {transform_indices = #map1}, {transform_indices = #map1}, {transform_indices = #map}]} {
    %mul3A = arith.constant 2 : i32
    %mul3A_0 = arith.muli %arg1, %mul3A : i32
    %add3A = arith.addi %mul3A_0, %arg0 : i32
    %mul3A_1 = arith.constant 64 : i32
    %mul3A_2 = arith.muli %add3A, %mul3A_1 : i32
    "tpu.region"() ({
      %run_scoped3A = tpu.sem_alloc : memref<!tpu.dma_semaphore, #tpu.memory_space<semaphore_mem>>
      %dma_start3A_13 = tpu.memref_slice %arg3[%mul3A_2] : memref<2048xi32, #tpu.memory_space<hbm>> -> memref<64xi32, #tpu.memory_space<hbm>>
      %dma_start3A_14 = tpu.memref_slice %arg3[%mul3A_2] : memref<2048xi32, #tpu.memory_space<hbm>> -> memref<64xi32, #tpu.memory_space<hbm>>
      tpu.enqueue_dma source(%dma_start3A_14 : memref<64xi32, #tpu.memory_space<hbm>>) target(%arg6 : memref<64xi32, #tpu.memory_space<vmem>>) target_semaphore(%run_scoped3A : memref<!tpu.dma_semaphore, #tpu.memory_space<semaphore_mem>>)
      %dma_wait3A_15 = tpu.memref_slice %arg3[%mul3A_2] : memref<2048xi32, #tpu.memory_space<hbm>> -> memref<64xi32, #tpu.memory_space<hbm>>
      %dma_wait3A_16 = tpu.memref_slice %arg3[%mul3A_2] : memref<2048xi32, #tpu.memory_space<hbm>> -> memref<64xi32, #tpu.memory_space<hbm>>
      tpu.wait_dma2 semaphore(%run_scoped3A : memref<!tpu.dma_semaphore, #tpu.memory_space<semaphore_mem>>) src(%dma_wait3A_16 : memref<64xi32, #tpu.memory_space<hbm>>) dst(%arg6 : memref<64xi32, #tpu.memory_space<vmem>>)
      tpu.yield
    }) : () -> ()
    "tpu.region"() ({
      %run_scoped3A = tpu.sem_alloc : memref<!tpu.dma_semaphore, #tpu.memory_space<semaphore_mem>>
      %dma_start3A_13 = tpu.memref_slice %arg4[%mul3A_2] : memref<2048xi32, #tpu.memory_space<hbm>> -> memref<64xi32, #tpu.memory_space<hbm>>
      %dma_start3A_14 = tpu.memref_slice %arg4[%mul3A_2] : memref<2048xi32, #tpu.memory_space<hbm>> -> memref<64xi32, #tpu.memory_space<hbm>>
      tpu.enqueue_dma source(%dma_start3A_14 : memref<64xi32, #tpu.memory_space<hbm>>) target(%arg7 : memref<64xi32, #tpu.memory_space<vmem>>) target_semaphore(%run_scoped3A : memref<!tpu.dma_semaphore, #tpu.memory_space<semaphore_mem>>)
      %dma_wait3A_15 = tpu.memref_slice %arg4[%mul3A_2] : memref<2048xi32, #tpu.memory_space<hbm>> -> memref<64xi32, #tpu.memory_space<hbm>>
      %dma_wait3A_16 = tpu.memref_slice %arg4[%mul3A_2] : memref<2048xi32, #tpu.memory_space<hbm>> -> memref<64xi32, #tpu.memory_space<hbm>>
      tpu.wait_dma2 semaphore(%run_scoped3A : memref<!tpu.dma_semaphore, #tpu.memory_space<semaphore_mem>>) src(%dma_wait3A_16 : memref<64xi32, #tpu.memory_space<hbm>>) dst(%arg7 : memref<64xi32, #tpu.memory_space<vmem>>)
      tpu.yield
    }) : () -> ()
    "tpu.region"() ({
      %run_scoped3A = tpu.sem_alloc : memref<!tpu.dma_semaphore, #tpu.memory_space<semaphore_mem>>
      %dma_start3A_13 = arith.constant 0 : i32
      %dma_start3A_14 = tpu.memref_slice %arg2[%mul3A_2, %dma_start3A_13] : memref<2048x1024xf32, #tpu.memory_space<hbm>> -> memref<64x1024xf32, #tpu.memory_space<hbm>>
      %dma_start3A_15 = arith.constant 0 : i32
      %dma_start3A_16 = tpu.memref_slice %arg2[%mul3A_2, %dma_start3A_15] : memref<2048x1024xf32, #tpu.memory_space<hbm>> -> memref<64x1024xf32, #tpu.memory_space<hbm>>
      tpu.enqueue_dma source(%dma_start3A_16 : memref<64x1024xf32, #tpu.memory_space<hbm>>) target(%arg8 : memref<64x1024xf32, #tpu.memory_space<vmem>>) target_semaphore(%run_scoped3A : memref<!tpu.dma_semaphore, #tpu.memory_space<semaphore_mem>>)
      %dma_wait3A_17 = arith.constant 0 : i32
      %dma_wait3A_18 = tpu.memref_slice %arg2[%mul3A_2, %dma_wait3A_17] : memref<2048x1024xf32, #tpu.memory_space<hbm>> -> memref<64x1024xf32, #tpu.memory_space<hbm>>
      %dma_wait3A_19 = arith.constant 0 : i32
      %dma_wait3A_20 = tpu.memref_slice %arg2[%mul3A_2, %dma_wait3A_19] : memref<2048x1024xf32, #tpu.memory_space<hbm>> -> memref<64x1024xf32, #tpu.memory_space<hbm>>
      tpu.wait_dma2 semaphore(%run_scoped3A : memref<!tpu.dma_semaphore, #tpu.memory_space<semaphore_mem>>) src(%dma_wait3A_20 : memref<64x1024xf32, #tpu.memory_space<hbm>>) dst(%arg8 : memref<64x1024xf32, #tpu.memory_space<vmem>>)
      tpu.yield
    }) : () -> ()
    %dma_start3A = arith.constant 0 : i32
    %dma_start3A_3 = arith.constant 0 : i32
    %dma_start3A_4 = tpu.memref_slice %arg5[%dma_start3A, %dma_start3A_3] : memref<12288x1024xf32, #tpu.memory_space<hbm>> -> memref<12288x1024xf32, #tpu.memory_space<hbm>>
    tpu.enqueue_indirect_dma source(%arg8 : memref<64x1024xf32, #tpu.memory_space<vmem>>) target(%dma_start3A_4 : memref<12288x1024xf32, #tpu.memory_space<hbm>>) offsets(%arg6 : memref<64xi32, #tpu.memory_space<vmem>>) semaphore(%arg9 : memref<!tpu.dma_semaphore, #tpu.memory_space<semaphore_mem>>)
    %dma_wait3A = arith.constant 0 : i32
    %dma_wait3A_5 = arith.constant 0 : i32
    %dma_wait3A_6 = tpu.memref_slice %arg5[%dma_wait3A, %dma_wait3A_5] : memref<12288x1024xf32, #tpu.memory_space<hbm>> -> memref<12288x1024xf32, #tpu.memory_space<hbm>>
    tpu.wait_indirect_dma semaphore(%arg9 : memref<!tpu.dma_semaphore, #tpu.memory_space<semaphore_mem>>) src(%arg8 : memref<64x1024xf32, #tpu.memory_space<vmem>>) dst(%dma_wait3A_6 : memref<12288x1024xf32, #tpu.memory_space<hbm>>)
    %dma_start3A_7 = arith.constant 0 : i32
    %dma_start3A_8 = arith.constant 0 : i32
    %dma_start3A_9 = tpu.memref_slice %arg5[%dma_start3A_7, %dma_start3A_8] : memref<12288x1024xf32, #tpu.memory_space<hbm>> -> memref<12288x1024xf32, #tpu.memory_space<hbm>>
    tpu.enqueue_indirect_dma source(%arg8 : memref<64x1024xf32, #tpu.memory_space<vmem>>) target(%dma_start3A_9 : memref<12288x1024xf32, #tpu.memory_space<hbm>>) offsets(%arg7 : memref<64xi32, #tpu.memory_space<vmem>>) semaphore(%arg9 : memref<!tpu.dma_semaphore, #tpu.memory_space<semaphore_mem>>)
    %dma_wait3A_10 = arith.constant 0 : i32
    %dma_wait3A_11 = arith.constant 0 : i32
    %dma_wait3A_12 = tpu.memref_slice %arg5[%dma_wait3A_10, %dma_wait3A_11] : memref<12288x1024xf32, #tpu.memory_space<hbm>> -> memref<12288x1024xf32, #tpu.memory_space<hbm>>
    tpu.wait_indirect_dma semaphore(%arg9 : memref<!tpu.dma_semaphore, #tpu.memory_space<semaphore_mem>>) src(%arg8 : memref<64x1024xf32, #tpu.memory_space<vmem>>) dst(%dma_wait3A_12 : memref<12288x1024xf32, #tpu.memory_space<hbm>>)
    return
  }
}

module attributes {stable_mosaic.version = 14 : i64} {
  func.func @_combine_body(%arg0: i32, %arg1: memref<256x1024xf32, #tpu.memory_space<vmem>>, %arg2: memref<256x1024xf32, #tpu.memory_space<vmem>>, %arg3: memref<256x1xf32, #tpu.memory_space<vmem>>, %arg4: memref<256x1xf32, #tpu.memory_space<vmem>>, %arg5: memref<256x1024xf32, #tpu.memory_space<vmem>>) attributes {dimension_semantics = [#tpu.dimension_semantics<arbitrary>], iteration_bounds = array<i64: 8>, scalar_prefetch = 0 : i64, scratch_operands = 0 : i64, tpu.core_type = #tpu.core_type<tc>, window_params = [{transform_indices = @transform_0, window_bounds = array<i64: 256, 1024>}, {transform_indices = @transform_1, window_bounds = array<i64: 256, 1024>}, {transform_indices = @transform_2, window_bounds = array<i64: 256, 1>}, {transform_indices = @transform_3, window_bounds = array<i64: 256, 1>}, {transform_indices = @transform_4, window_bounds = array<i64: 256, 1024>}]} {
    %get3A = arith.constant 0 : index
    %get3A_0 = arith.constant 0 : index
    %get3A_1 = vector.load %arg1[%get3A, %get3A_0] : memref<256x1024xf32, #tpu.memory_space<vmem>>, vector<256x1024xf32>
    %get3A_2 = arith.constant 0 : index
    %get3A_3 = arith.constant 0 : index
    %get3A_4 = vector.load %arg3[%get3A_2, %get3A_3] : memref<256x1xf32, #tpu.memory_space<vmem>>, vector<256x1xf32>
    %mul3A = vector.broadcast %get3A_4 : vector<256x1xf32> to vector<256x1024xf32>
    %mul3A_5 = arith.mulf %get3A_1, %mul3A : vector<256x1024xf32>
    %get3A_6 = arith.constant 0 : index
    %get3A_7 = arith.constant 0 : index
    %get3A_8 = vector.load %arg2[%get3A_6, %get3A_7] : memref<256x1024xf32, #tpu.memory_space<vmem>>, vector<256x1024xf32>
    %get3A_9 = arith.constant 0 : index
    %get3A_10 = arith.constant 0 : index
    %get3A_11 = vector.load %arg4[%get3A_9, %get3A_10] : memref<256x1xf32, #tpu.memory_space<vmem>>, vector<256x1xf32>
    %mul3A_12 = vector.broadcast %get3A_11 : vector<256x1xf32> to vector<256x1024xf32>
    %mul3A_13 = arith.mulf %get3A_8, %mul3A_12 : vector<256x1024xf32>
    %add3A = arith.addf %mul3A_5, %mul3A_13 : vector<256x1024xf32>
    %swap3A = arith.constant 0 : index
    %swap3A_14 = arith.constant 0 : index
    %swap3A_15 = vector.load %arg5[%swap3A, %swap3A_14] : memref<256x1024xf32, #tpu.memory_space<vmem>>, vector<256x1024xf32>
    tpu.vector_store %arg5[%swap3A, %swap3A_14], %add3A {strides = array<i32>} : memref<256x1024xf32, #tpu.memory_space<vmem>>, vector<256x1024xf32>,
    return
  }
  func.func @transform_0(%arg0: i32) -> (i32, i32) {
    %c0_i32 = arith.constant 0 : i32
    %c0_i32_0 = arith.constant 0 : i32
    return %arg0, %c0_i32 : i32, i32
  }
  func.func @transform_1(%arg0: i32) -> (i32, i32) {
    %c0_i32 = arith.constant 0 : i32
    %c0_i32_0 = arith.constant 0 : i32
    return %arg0, %c0_i32 : i32, i32
  }
  func.func @transform_2(%arg0: i32) -> (i32, i32) {
    %c0_i32 = arith.constant 0 : i32
    %c0_i32_0 = arith.constant 0 : i32
    return %arg0, %c0_i32 : i32, i32
  }
  func.func @transform_3(%arg0: i32) -> (i32, i32) {
    %c0_i32 = arith.constant 0 : i32
    %c0_i32_0 = arith.constant 0 : i32
    return %arg0, %c0_i32 : i32, i32
  }
  func.func @transform_4(%arg0: i32) -> (i32, i32) {
    %c0_i32 = arith.constant 0 : i32
    %c0_i32_0 = arith.constant 0 : i32
    return %arg0, %c0_i32 : i32, i32
  }
}

module attributes {stable_mosaic.version = 14 : i64} {
  func.func @_routing_body(%arg0: memref<2048x1024xf32, #tpu.memory_space<vmem>>, %arg1: memref<64x1024xf32, #tpu.memory_space<vmem>>, %arg2: memref<2048x1xi32, #tpu.memory_space<vmem>>, %arg3: memref<2048x1xi32, #tpu.memory_space<vmem>>, %arg4: memref<2048x1xf32, #tpu.memory_space<vmem>>, %arg5: memref<2048x1xf32, #tpu.memory_space<vmem>>, %arg6: memref<96x1xi32, #tpu.memory_space<vmem>>, %arg7: memref<96x1xi32, #tpu.memory_space<vmem>>, %arg8: memref<1x1xi32, #tpu.memory_space<vmem>>) attributes {dimension_semantics = [], scalar_prefetch = 0 : i64, scratch_operands = 0 : i64, tpu.core_type = #tpu.core_type<tc>} {
    %get3A = arith.constant 0 : index
    %get3A_0 = arith.constant 0 : index
    %get3A_1 = vector.load %arg0[%get3A, %get3A_0] : memref<2048x1024xf32, #tpu.memory_space<vmem>>, vector<2048x1024xf32>
    %get3A_2 = arith.constant 0 : index
    %get3A_3 = arith.constant 0 : index
    %get3A_4 = vector.load %arg1[%get3A_2, %get3A_3] : memref<64x1024xf32, #tpu.memory_space<vmem>>, vector<64x1024xf32>
    %dot_general3A = arith.constant dense<0.000000e+00> : vector<2048x64xf32>
    %dot_general3A_5 = tpu.matmul %get3A_1, %get3A_4, %dot_general3A {dimension_numbers = #tpu.dot_dimension_numbers<[1], [1], [0], [0], [0, 0, 1, 0], [], []>, transpose_lhs_hint = false} : vector<2048x1024xf32>, vector<64x1024xf32>, vector<2048x64xf32> -> vector<2048x64xf32>
    %iota3A = tpu.iota {dimensions = array<i32: 1>} : vector<2048x64xi32>
    %reduce_max3A = arith.constant dense<0xFF800000> : vector<2048xf32>
    %reduce_max3A_6 = vector.multi_reduction <maximumf>, %dot_general3A_5, %reduce_max3A [1] : vector<2048x64xf32> to vector<2048xf32>
    %broadcast_in_dim3A = vector.shape_cast %reduce_max3A_6 : vector<2048xf32> to vector<2048x1xf32>
    %eq3A = vector.broadcast %broadcast_in_dim3A : vector<2048x1xf32> to vector<2048x64xf32>
    %eq3A_7 = arith.cmpf oeq, %dot_general3A_5, %eq3A : vector<2048x64xf32>
    %jit3A = arith.constant 64 : i32
    %broadcast_in_dim3A_8 = vector.broadcast %jit3A : i32 to vector<2048x64xi32>
    %select_n3A = arith.select %eq3A_7, %iota3A, %broadcast_in_dim3A_8 : vector<2048x64xi1>, vector<2048x64xi32>
    %reduce_min3A = arith.constant dense<2147483647> : vector<2048xi32>
    %reduce_min3A_9 = vector.multi_reduction <minsi>, %select_n3A, %reduce_min3A [1] : vector<2048x64xi32> to vector<2048xi32>
    %broadcast_in_dim3A_10 = vector.shape_cast %reduce_min3A_9 : vector<2048xi32> to vector<2048x1xi32>
    %eq3A_11 = vector.broadcast %broadcast_in_dim3A_10 : vector<2048x1xi32> to vector<2048x64xi32>
    %eq3A_12 = arith.cmpi eq, %iota3A, %eq3A_11 : vector<2048x64xi32>
    %jit3A_13 = arith.constant -1.000000e+30 : f32
    %broadcast_in_dim3A_14 = vector.broadcast %jit3A_13 : f32 to vector<2048x64xf32>
    %select_n3A_15 = arith.select %eq3A_12, %broadcast_in_dim3A_14, %dot_general3A_5 : vector<2048x64xi1>, vector<2048x64xf32>
    %reduce_max3A_16 = arith.constant dense<0xFF800000> : vector<2048xf32>
    %reduce_max3A_17 = vector.multi_reduction <maximumf>, %select_n3A_15, %reduce_max3A_16 [1] : vector<2048x64xf32> to vector<2048xf32>
    %broadcast_in_dim3A_18 = vector.shape_cast %reduce_max3A_17 : vector<2048xf32> to vector<2048x1xf32>
    %eq3A_19 = vector.broadcast %broadcast_in_dim3A_18 : vector<2048x1xf32> to vector<2048x64xf32>
    %eq3A_20 = arith.cmpf oeq, %select_n3A_15, %eq3A_19 : vector<2048x64xf32>
    %jit3A_21 = arith.constant 64 : i32
    %broadcast_in_dim3A_22 = vector.broadcast %jit3A_21 : i32 to vector<2048x64xi32>
    %select_n3A_23 = arith.select %eq3A_20, %iota3A, %broadcast_in_dim3A_22 : vector<2048x64xi1>, vector<2048x64xi32>
    %reduce_min3A_24 = arith.constant dense<2147483647> : vector<2048xi32>
    %reduce_min3A_25 = vector.multi_reduction <minsi>, %select_n3A_23, %reduce_min3A_24 [1] : vector<2048x64xi32> to vector<2048xi32>
    %broadcast_in_dim3A_26 = vector.shape_cast %reduce_min3A_25 : vector<2048xi32> to vector<2048x1xi32>
    %eq3A_27 = vector.broadcast %broadcast_in_dim3A_26 : vector<2048x1xi32> to vector<2048x64xi32>
    %eq3A_28 = arith.cmpi eq, %iota3A, %eq3A_27 : vector<2048x64xi32>
    %sub3A = arith.subf %broadcast_in_dim3A_18, %broadcast_in_dim3A : vector<2048x1xf32>
    %exp3A = math.exp %sub3A : vector<2048x1xf32>
    %add3A = arith.constant 1.000000e+00 : f32
    %add3A_29 = vector.broadcast %add3A : f32 to vector<2048x1xf32>
    %add3A_30 = arith.addf %add3A_29, %exp3A : vector<2048x1xf32>
    %div3A = arith.constant 1.000000e+00 : f32
    %div3A_31 = vector.broadcast %div3A : f32 to vector<2048x1xf32>
    %div3A_32 = arith.divf %div3A_31, %add3A_30 : vector<2048x1xf32>
    %swap3A = arith.constant 0 : index
    %swap3A_33 = arith.constant 0 : index
    %swap3A_34 = vector.load %arg4[%swap3A, %swap3A_33] : memref<2048x1xf32, #tpu.memory_space<vmem>>, vector<2048x1xf32>
    tpu.vector_store %arg4[%swap3A, %swap3A_33], %div3A_32 {strides = array<i32>} : memref<2048x1xf32, #tpu.memory_space<vmem>>, vector<2048x1xf32>,
    %div3A_35 = arith.divf %exp3A, %add3A_30 : vector<2048x1xf32>
    %swap3A_36 = arith.constant 0 : index
    %swap3A_37 = arith.constant 0 : index
    %swap3A_38 = vector.load %arg5[%swap3A_36, %swap3A_37] : memref<2048x1xf32, #tpu.memory_space<vmem>>, vector<2048x1xf32>
    tpu.vector_store %arg5[%swap3A_36, %swap3A_37], %div3A_35 {strides = array<i32>} : memref<2048x1xf32, #tpu.memory_space<vmem>>, vector<2048x1xf32>,
    %convert_element_type3A = arith.extui %eq3A_12 : vector<2048x64xi1> to vector<2048x64xi32>
    %convert_element_type3A_39 = arith.sitofp %convert_element_type3A : vector<2048x64xi32> to vector<2048x64xf32>
    %convert_element_type3A_40 = arith.extui %eq3A_28 : vector<2048x64xi1> to vector<2048x64xi32>
    %convert_element_type3A_41 = arith.sitofp %convert_element_type3A_40 : vector<2048x64xi32> to vector<2048x64xf32>
    %add3A_42 = arith.addf %convert_element_type3A_39, %convert_element_type3A_41 : vector<2048x64xf32>
    %iota3A_43 = tpu.iota {dimensions = array<i32: 1>} : vector<128x2048xi32>
    %iota3A_44 = tpu.iota {dimensions = array<i32: 0>} : vector<128x2048xi32>
    %add3A_45 = arith.constant 0 : i32
    %add3A_46 = vector.broadcast %add3A_45 : i32 to vector<128x2048xi32>
    %add3A_47 = arith.addi %add3A_46, %iota3A_44 : vector<128x2048xi32>
    %lt3A = arith.cmpi slt, %iota3A_43, %add3A_47 : vector<128x2048xi32>
    %convert_element_type3A_48 = arith.extui %lt3A : vector<128x2048xi1> to vector<128x2048xi32>
    %convert_element_type3A_49 = arith.sitofp %convert_element_type3A_48 : vector<128x2048xi32> to vector<128x2048xf32>
    %dot_general3A_50 = arith.constant dense<0.000000e+00> : vector<128x64xf32>
    %dot_general3A_51 = tpu.matmul %convert_element_type3A_49, %add3A_42, %dot_general3A_50 {dimension_numbers = #tpu.dot_dimension_numbers<[1], [0], [0], [1], [0, 0, 1, 1], [], []>, transpose_lhs_hint = false} : vector<128x2048xf32>, vector<2048x64xf32>, vector<128x64xf32> -> vector<128x64xf32>
    %iota3A_52 = tpu.iota {dimensions = array<i32: 0>} : vector<128x2048xi32>
    %add3A_53 = arith.constant 128 : i32
    %add3A_54 = vector.broadcast %add3A_53 : i32 to vector<128x2048xi32>
    %add3A_55 = arith.addi %add3A_54, %iota3A_52 : vector<128x2048xi32>
    %lt3A_56 = arith.cmpi slt, %iota3A_43, %add3A_55 : vector<128x2048xi32>
    %convert_element_type3A_57 = arith.extui %lt3A_56 : vector<128x2048xi1> to vector<128x2048xi32>
    %convert_element_type3A_58 = arith.sitofp %convert_element_type3A_57 : vector<128x2048xi32> to vector<128x2048xf32>
    %dot_general3A_59 = arith.constant dense<0.000000e+00> : vector<128x64xf32>
    %dot_general3A_60 = tpu.matmul %convert_element_type3A_58, %add3A_42, %dot_general3A_59 {dimension_numbers = #tpu.dot_dimension_numbers<[1], [0], [0], [1], [0, 0, 1, 1], [], []>, transpose_lhs_hint = false} : vector<128x2048xf32>, vector<2048x64xf32>, vector<128x64xf32> -> vector<128x64xf32>
    %iota3A_61 = tpu.iota {dimensions = array<i32: 0>} : vector<128x2048xi32>
    %add3A_62 = arith.constant 256 : i32
    %add3A_63 = vector.broadcast %add3A_62 : i32 to vector<128x2048xi32>
    %add3A_64 = arith.addi %add3A_63, %iota3A_61 : vector<128x2048xi32>
    %lt3A_65 = arith.cmpi slt, %iota3A_43, %add3A_64 : vector<128x2048xi32>
    %convert_element_type3A_66 = arith.extui %lt3A_65 : vector<128x2048xi1> to vector<128x2048xi32>
    %convert_element_type3A_67 = arith.sitofp %convert_element_type3A_66 : vector<128x2048xi32> to vector<128x2048xf32>
    %dot_general3A_68 = arith.constant dense<0.000000e+00> : vector<128x64xf32>
    %dot_general3A_69 = tpu.matmul %convert_element_type3A_67, %add3A_42, %dot_general3A_68 {dimension_numbers = #tpu.dot_dimension_numbers<[1], [0], [0], [1], [0, 0, 1, 1], [], []>, transpose_lhs_hint = false} : vector<128x2048xf32>, vector<2048x64xf32>, vector<128x64xf32> -> vector<128x64xf32>
    %iota3A_70 = tpu.iota {dimensions = array<i32: 0>} : vector<128x2048xi32>
    %add3A_71 = arith.constant 384 : i32
    %add3A_72 = vector.broadcast %add3A_71 : i32 to vector<128x2048xi32>
    %add3A_73 = arith.addi %add3A_72, %iota3A_70 : vector<128x2048xi32>
    %lt3A_74 = arith.cmpi slt, %iota3A_43, %add3A_73 : vector<128x2048xi32>
    %convert_element_type3A_75 = arith.extui %lt3A_74 : vector<128x2048xi1> to vector<128x2048xi32>
    %convert_element_type3A_76 = arith.sitofp %convert_element_type3A_75 : vector<128x2048xi32> to vector<128x2048xf32>
    %dot_general3A_77 = arith.constant dense<0.000000e+00> : vector<128x64xf32>
    %dot_general3A_78 = tpu.matmul %convert_element_type3A_76, %add3A_42, %dot_general3A_77 {dimension_numbers = #tpu.dot_dimension_numbers<[1], [0], [0], [1], [0, 0, 1, 1], [], []>, transpose_lhs_hint = false} : vector<128x2048xf32>, vector<2048x64xf32>, vector<128x64xf32> -> vector<128x64xf32>
    %iota3A_79 = tpu.iota {dimensions = array<i32: 0>} : vector<128x2048xi32>
    %add3A_80 = arith.constant 512 : i32
    %add3A_81 = vector.broadcast %add3A_80 : i32 to vector<128x2048xi32>
    %add3A_82 = arith.addi %add3A_81, %iota3A_79 : vector<128x2048xi32>
    %lt3A_83 = arith.cmpi slt, %iota3A_43, %add3A_82 : vector<128x2048xi32>
    %convert_element_type3A_84 = arith.extui %lt3A_83 : vector<128x2048xi1> to vector<128x2048xi32>
    %convert_element_type3A_85 = arith.sitofp %convert_element_type3A_84 : vector<128x2048xi32> to vector<128x2048xf32>
    %dot_general3A_86 = arith.constant dense<0.000000e+00> : vector<128x64xf32>
    %dot_general3A_87 = tpu.matmul %convert_element_type3A_85, %add3A_42, %dot_general3A_86 {dimension_numbers = #tpu.dot_dimension_numbers<[1], [0], [0], [1], [0, 0, 1, 1], [], []>, transpose_lhs_hint = false} : vector<128x2048xf32>, vector<2048x64xf32>, vector<128x64xf32> -> vector<128x64xf32>
    %iota3A_88 = tpu.iota {dimensions = array<i32: 0>} : vector<128x2048xi32>
    %add3A_89 = arith.constant 640 : i32
    %add3A_90 = vector.broadcast %add3A_89 : i32 to vector<128x2048xi32>
    %add3A_91 = arith.addi %add3A_90, %iota3A_88 : vector<128x2048xi32>
    %lt3A_92 = arith.cmpi slt, %iota3A_43, %add3A_91 : vector<128x2048xi32>
    %convert_element_type3A_93 = arith.extui %lt3A_92 : vector<128x2048xi1> to vector<128x2048xi32>
    %convert_element_type3A_94 = arith.sitofp %convert_element_type3A_93 : vector<128x2048xi32> to vector<128x2048xf32>
    %dot_general3A_95 = arith.constant dense<0.000000e+00> : vector<128x64xf32>
    %dot_general3A_96 = tpu.matmul %convert_element_type3A_94, %add3A_42, %dot_general3A_95 {dimension_numbers = #tpu.dot_dimension_numbers<[1], [0], [0], [1], [0, 0, 1, 1], [], []>, transpose_lhs_hint = false} : vector<128x2048xf32>, vector<2048x64xf32>, vector<128x64xf32> -> vector<128x64xf32>
    %iota3A_97 = tpu.iota {dimensions = array<i32: 0>} : vector<128x2048xi32>
    %add3A_98 = arith.constant 768 : i32
    %add3A_99 = vector.broadcast %add3A_98 : i32 to vector<128x2048xi32>
    %add3A_100 = arith.addi %add3A_99, %iota3A_97 : vector<128x2048xi32>
    %lt3A_101 = arith.cmpi slt, %iota3A_43, %add3A_100 : vector<128x2048xi32>
    %convert_element_type3A_102 = arith.extui %lt3A_101 : vector<128x2048xi1> to vector<128x2048xi32>
    %convert_element_type3A_103 = arith.sitofp %convert_element_type3A_102 : vector<128x2048xi32> to vector<128x2048xf32>
    %dot_general3A_104 = arith.constant dense<0.000000e+00> : vector<128x64xf32>
    %dot_general3A_105 = tpu.matmul %convert_element_type3A_103, %add3A_42, %dot_general3A_104 {dimension_numbers = #tpu.dot_dimension_numbers<[1], [0], [0], [1], [0, 0, 1, 1], [], []>, transpose_lhs_hint = false} : vector<128x2048xf32>, vector<2048x64xf32>, vector<128x64xf32> -> vector<128x64xf32>
    %iota3A_106 = tpu.iota {dimensions = array<i32: 0>} : vector<128x2048xi32>
    %add3A_107 = arith.constant 896 : i32
    %add3A_108 = vector.broadcast %add3A_107 : i32 to vector<128x2048xi32>
    %add3A_109 = arith.addi %add3A_108, %iota3A_106 : vector<128x2048xi32>
    %lt3A_110 = arith.cmpi slt, %iota3A_43, %add3A_109 : vector<128x2048xi32>
    %convert_element_type3A_111 = arith.extui %lt3A_110 : vector<128x2048xi1> to vector<128x2048xi32>
    %convert_element_type3A_112 = arith.sitofp %convert_element_type3A_111 : vector<128x2048xi32> to vector<128x2048xf32>
    %dot_general3A_113 = arith.constant dense<0.000000e+00> : vector<128x64xf32>
    %dot_general3A_114 = tpu.matmul %convert_element_type3A_112, %add3A_42, %dot_general3A_113 {dimension_numbers = #tpu.dot_dimension_numbers<[1], [0], [0], [1], [0, 0, 1, 1], [], []>, transpose_lhs_hint = false} : vector<128x2048xf32>, vector<2048x64xf32>, vector<128x64xf32> -> vector<128x64xf32>
    %iota3A_115 = tpu.iota {dimensions = array<i32: 0>} : vector<128x2048xi32>
    %add3A_116 = arith.constant 1024 : i32
    %add3A_117 = vector.broadcast %add3A_116 : i32 to vector<128x2048xi32>
    %add3A_118 = arith.addi %add3A_117, %iota3A_115 : vector<128x2048xi32>
    %lt3A_119 = arith.cmpi slt, %iota3A_43, %add3A_118 : vector<128x2048xi32>
    %convert_element_type3A_120 = arith.extui %lt3A_119 : vector<128x2048xi1> to vector<128x2048xi32>
    %convert_element_type3A_121 = arith.sitofp %convert_element_type3A_120 : vector<128x2048xi32> to vector<128x2048xf32>
    %dot_general3A_122 = arith.constant dense<0.000000e+00> : vector<128x64xf32>
    %dot_general3A_123 = tpu.matmul %convert_element_type3A_121, %add3A_42, %dot_general3A_122 {dimension_numbers = #tpu.dot_dimension_numbers<[1], [0], [0], [1], [0, 0, 1, 1], [], []>, transpose_lhs_hint = false} : vector<128x2048xf32>, vector<2048x64xf32>, vector<128x64xf32> -> vector<128x64xf32>
    %iota3A_124 = tpu.iota {dimensions = array<i32: 0>} : vector<128x2048xi32>
    %add3A_125 = arith.constant 1152 : i32
    %add3A_126 = vector.broadcast %add3A_125 : i32 to vector<128x2048xi32>
    %add3A_127 = arith.addi %add3A_126, %iota3A_124 : vector<128x2048xi32>
    %lt3A_128 = arith.cmpi slt, %iota3A_43, %add3A_127 : vector<128x2048xi32>
    %convert_element_type3A_129 = arith.extui %lt3A_128 : vector<128x2048xi1> to vector<128x2048xi32>
    %convert_element_type3A_130 = arith.sitofp %convert_element_type3A_129 : vector<128x2048xi32> to vector<128x2048xf32>
    %dot_general3A_131 = arith.constant dense<0.000000e+00> : vector<128x64xf32>
    %dot_general3A_132 = tpu.matmul %convert_element_type3A_130, %add3A_42, %dot_general3A_131 {dimension_numbers = #tpu.dot_dimension_numbers<[1], [0], [0], [1], [0, 0, 1, 1], [], []>, transpose_lhs_hint = false} : vector<128x2048xf32>, vector<2048x64xf32>, vector<128x64xf32> -> vector<128x64xf32>
    %iota3A_133 = tpu.iota {dimensions = array<i32: 0>} : vector<128x2048xi32>
    %add3A_134 = arith.constant 1280 : i32
    %add3A_135 = vector.broadcast %add3A_134 : i32 to vector<128x2048xi32>
    %add3A_136 = arith.addi %add3A_135, %iota3A_133 : vector<128x2048xi32>
    %lt3A_137 = arith.cmpi slt, %iota3A_43, %add3A_136 : vector<128x2048xi32>
    %convert_element_type3A_138 = arith.extui %lt3A_137 : vector<128x2048xi1> to vector<128x2048xi32>
    %convert_element_type3A_139 = arith.sitofp %convert_element_type3A_138 : vector<128x2048xi32> to vector<128x2048xf32>
    %dot_general3A_140 = arith.constant dense<0.000000e+00> : vector<128x64xf32>
    %dot_general3A_141 = tpu.matmul %convert_element_type3A_139, %add3A_42, %dot_general3A_140 {dimension_numbers = #tpu.dot_dimension_numbers<[1], [0], [0], [1], [0, 0, 1, 1], [], []>, transpose_lhs_hint = false} : vector<128x2048xf32>, vector<2048x64xf32>, vector<128x64xf32> -> vector<128x64xf32>
    %iota3A_142 = tpu.iota {dimensions = array<i32: 0>} : vector<128x2048xi32>
    %add3A_143 = arith.constant 1408 : i32
    %add3A_144 = vector.broadcast %add3A_143 : i32 to vector<128x2048xi32>
    %add3A_145 = arith.addi %add3A_144, %iota3A_142 : vector<128x2048xi32>
    %lt3A_146 = arith.cmpi slt, %iota3A_43, %add3A_145 : vector<128x2048xi32>
    %convert_element_type3A_147 = arith.extui %lt3A_146 : vector<128x2048xi1> to vector<128x2048xi32>
    %convert_element_type3A_148 = arith.sitofp %convert_element_type3A_147 : vector<128x2048xi32> to vector<128x2048xf32>
    %dot_general3A_149 = arith.constant dense<0.000000e+00> : vector<128x64xf32>
    %dot_general3A_150 = tpu.matmul %convert_element_type3A_148, %add3A_42, %dot_general3A_149 {dimension_numbers = #tpu.dot_dimension_numbers<[1], [0], [0], [1], [0, 0, 1, 1], [], []>, transpose_lhs_hint = false} : vector<128x2048xf32>, vector<2048x64xf32>, vector<128x64xf32> -> vector<128x64xf32>
    %iota3A_151 = tpu.iota {dimensions = array<i32: 0>} : vector<128x2048xi32>
    %add3A_152 = arith.constant 1536 : i32
    %add3A_153 = vector.broadcast %add3A_152 : i32 to vector<128x2048xi32>
    %add3A_154 = arith.addi %add3A_153, %iota3A_151 : vector<128x2048xi32>
    %lt3A_155 = arith.cmpi slt, %iota3A_43, %add3A_154 : vector<128x2048xi32>
    %convert_element_type3A_156 = arith.extui %lt3A_155 : vector<128x2048xi1> to vector<128x2048xi32>
    %convert_element_type3A_157 = arith.sitofp %convert_element_type3A_156 : vector<128x2048xi32> to vector<128x2048xf32>
    %dot_general3A_158 = arith.constant dense<0.000000e+00> : vector<128x64xf32>
    %dot_general3A_159 = tpu.matmul %convert_element_type3A_157, %add3A_42, %dot_general3A_158 {dimension_numbers = #tpu.dot_dimension_numbers<[1], [0], [0], [1], [0, 0, 1, 1], [], []>, transpose_lhs_hint = false} : vector<128x2048xf32>, vector<2048x64xf32>, vector<128x64xf32> -> vector<128x64xf32>
    %iota3A_160 = tpu.iota {dimensions = array<i32: 0>} : vector<128x2048xi32>
    %add3A_161 = arith.constant 1664 : i32
    %add3A_162 = vector.broadcast %add3A_161 : i32 to vector<128x2048xi32>
    %add3A_163 = arith.addi %add3A_162, %iota3A_160 : vector<128x2048xi32>
    %lt3A_164 = arith.cmpi slt, %iota3A_43, %add3A_163 : vector<128x2048xi32>
    %convert_element_type3A_165 = arith.extui %lt3A_164 : vector<128x2048xi1> to vector<128x2048xi32>
    %convert_element_type3A_166 = arith.sitofp %convert_element_type3A_165 : vector<128x2048xi32> to vector<128x2048xf32>
    %dot_general3A_167 = arith.constant dense<0.000000e+00> : vector<128x64xf32>
    %dot_general3A_168 = tpu.matmul %convert_element_type3A_166, %add3A_42, %dot_general3A_167 {dimension_numbers = #tpu.dot_dimension_numbers<[1], [0], [0], [1], [0, 0, 1, 1], [], []>, transpose_lhs_hint = false} : vector<128x2048xf32>, vector<2048x64xf32>, vector<128x64xf32> -> vector<128x64xf32>
    %iota3A_169 = tpu.iota {dimensions = array<i32: 0>} : vector<128x2048xi32>
    %add3A_170 = arith.constant 1792 : i32
    %add3A_171 = vector.broadcast %add3A_170 : i32 to vector<128x2048xi32>
    %add3A_172 = arith.addi %add3A_171, %iota3A_169 : vector<128x2048xi32>
    %lt3A_173 = arith.cmpi slt, %iota3A_43, %add3A_172 : vector<128x2048xi32>
    %convert_element_type3A_174 = arith.extui %lt3A_173 : vector<128x2048xi1> to vector<128x2048xi32>
    %convert_element_type3A_175 = arith.sitofp %convert_element_type3A_174 : vector<128x2048xi32> to vector<128x2048xf32>
    %dot_general3A_176 = arith.constant dense<0.000000e+00> : vector<128x64xf32>
    %dot_general3A_177 = tpu.matmul %convert_element_type3A_175, %add3A_42, %dot_general3A_176 {dimension_numbers = #tpu.dot_dimension_numbers<[1], [0], [0], [1], [0, 0, 1, 1], [], []>, transpose_lhs_hint = false} : vector<128x2048xf32>, vector<2048x64xf32>, vector<128x64xf32> -> vector<128x64xf32>
    %iota3A_178 = tpu.iota {dimensions = array<i32: 0>} : vector<128x2048xi32>
    %add3A_179 = arith.constant 1920 : i32
    %add3A_180 = vector.broadcast %add3A_179 : i32 to vector<128x2048xi32>
    %add3A_181 = arith.addi %add3A_180, %iota3A_178 : vector<128x2048xi32>
    %lt3A_182 = arith.cmpi slt, %iota3A_43, %add3A_181 : vector<128x2048xi32>
    %convert_element_type3A_183 = arith.extui %lt3A_182 : vector<128x2048xi1> to vector<128x2048xi32>
    %convert_element_type3A_184 = arith.sitofp %convert_element_type3A_183 : vector<128x2048xi32> to vector<128x2048xf32>
    %dot_general3A_185 = arith.constant dense<0.000000e+00> : vector<128x64xf32>
    %dot_general3A_186 = tpu.matmul %convert_element_type3A_184, %add3A_42, %dot_general3A_185 {dimension_numbers = #tpu.dot_dimension_numbers<[1], [0], [0], [1], [0, 0, 1, 1], [], []>, transpose_lhs_hint = false} : vector<128x2048xf32>, vector<2048x64xf32>, vector<128x64xf32> -> vector<128x64xf32>
    %concatenate3A = tpu.concatenate %dot_general3A_51, %dot_general3A_60, %dot_general3A_69, %dot_general3A_78, %dot_general3A_87, %dot_general3A_96, %dot_general3A_105, %dot_general3A_114, %dot_general3A_123, %dot_general3A_132, %dot_general3A_141, %dot_general3A_150, %dot_general3A_159, %dot_general3A_168, %dot_general3A_177, %dot_general3A_186 in 0 : vector<128x64xf32>, vector<128x64xf32>, vector<128x64xf32>, vector<128x64xf32>, vector<128x64xf32>, vector<128x64xf32>, vector<128x64xf32>, vector<128x64xf32>, vector<128x64xf32>, vector<128x64xf32>, vector<128x64xf32>, vector<128x64xf32>, vector<128x64xf32>, vector<128x64xf32>, vector<128x64xf32>, vector<128x64xf32> -> vector<2048x64xf32>
    %reduce_sum3A = arith.constant dense<0.000000e+00> : vector<64xf32>
    %reduce_sum3A_187 = vector.multi_reduction <add>, %add3A_42, %reduce_sum3A [0] : vector<2048x64xf32> to vector<64xf32>
    %broadcast_in_dim3A_188 = vector.shape_cast %reduce_sum3A_187 : vector<64xf32> to vector<1x64xf32>
    %iota3A_189 = tpu.iota {dimensions = array<i32: 0>} : vector<64x64xi32>
    %iota3A_190 = tpu.iota {dimensions = array<i32: 1>} : vector<64x64xi32>
    %lt3A_191 = arith.cmpi slt, %iota3A_189, %iota3A_190 : vector<64x64xi32>
    %convert_element_type3A_192 = arith.extui %lt3A_191 : vector<64x64xi1> to vector<64x64xi32>
    %convert_element_type3A_193 = arith.sitofp %convert_element_type3A_192 : vector<64x64xi32> to vector<64x64xf32>
    %add3A_194 = arith.constant 1.270000e+02 : f32
    %add3A_195 = vector.broadcast %add3A_194 : f32 to vector<1x64xf32>
    %add3A_196 = arith.addf %broadcast_in_dim3A_188, %add3A_195 : vector<1x64xf32>
    %mul3A = arith.constant 7.812500e-03 : f32
    %mul3A_197 = vector.broadcast %mul3A : f32 to vector<1x64xf32>
    %mul3A_198 = arith.mulf %add3A_196, %mul3A_197 : vector<1x64xf32>
    %floor3A = math.floor %mul3A_198 : vector<1x64xf32>
    %mul3A_199 = arith.constant 1.280000e+02 : f32
    %mul3A_200 = vector.broadcast %mul3A_199 : f32 to vector<1x64xf32>
    %mul3A_201 = arith.mulf %floor3A, %mul3A_200 : vector<1x64xf32>
    %dot_general3A_202 = arith.constant dense<0.000000e+00> : vector<1x64xf32>
    %dot_general3A_203 = tpu.matmul %mul3A_201, %convert_element_type3A_193, %dot_general3A_202 {dimension_numbers = #tpu.dot_dimension_numbers<[1], [0], [0], [1], [0, 0, 1, 1], [], []>, transpose_lhs_hint = false} : vector<1x64xf32>, vector<64x64xf32>, vector<1x64xf32> -> vector<1x64xf32>
    %add3A_204 = vector.broadcast %dot_general3A_203 : vector<1x64xf32> to vector<2048x64xf32>
    %add3A_205 = arith.addf %add3A_204, %concatenate3A : vector<2048x64xf32>
    %jit3A_206 = arith.constant 0.000000e+00 : f32
    %broadcast_in_dim3A_207 = vector.broadcast %jit3A_206 : f32 to vector<2048x64xf32>
    %select_n3A_208 = arith.select %eq3A_12, %add3A_205, %broadcast_in_dim3A_207 : vector<2048x64xi1>, vector<2048x64xf32>
    %reduce_sum3A_209 = arith.constant dense<0.000000e+00> : vector<2048xf32>
    %reduce_sum3A_210 = vector.multi_reduction <add>, %select_n3A_208, %reduce_sum3A_209 [1] : vector<2048x64xf32> to vector<2048xf32>
    %jit3A_211 = arith.constant 0.000000e+00 : f32
    %broadcast_in_dim3A_212 = vector.broadcast %jit3A_211 : f32 to vector<2048x64xf32>
    %select_n3A_213 = arith.select %eq3A_28, %add3A_205, %broadcast_in_dim3A_212 : vector<2048x64xi1>, vector<2048x64xf32>
    %reduce_sum3A_214 = arith.constant dense<0.000000e+00> : vector<2048xf32>
    %reduce_sum3A_215 = vector.multi_reduction <add>, %select_n3A_213, %reduce_sum3A_214 [1] : vector<2048x64xf32> to vector<2048xf32>
    %broadcast_in_dim3A_216 = vector.shape_cast %reduce_sum3A_210 : vector<2048xf32> to vector<2048x1xf32>
    %convert_element_type3A_217 = arith.fptosi %broadcast_in_dim3A_216 : vector<2048x1xf32> to vector<2048x1xi32>
    %swap3A_218 = arith.constant 0 : index
    %swap3A_219 = arith.constant 0 : index
    %swap3A_220 = vector.load %arg2[%swap3A_218, %swap3A_219] : memref<2048x1xi32, #tpu.memory_space<vmem>>, vector<2048x1xi32>
    tpu.vector_store %arg2[%swap3A_218, %swap3A_219], %convert_element_type3A_217 {strides = array<i32>} : memref<2048x1xi32, #tpu.memory_space<vmem>>, vector<2048x1xi32>,
    %broadcast_in_dim3A_221 = vector.shape_cast %reduce_sum3A_215 : vector<2048xf32> to vector<2048x1xf32>
    %convert_element_type3A_222 = arith.fptosi %broadcast_in_dim3A_221 : vector<2048x1xf32> to vector<2048x1xi32>
    %swap3A_223 = arith.constant 0 : index
    %swap3A_224 = arith.constant 0 : index
    %swap3A_225 = vector.load %arg3[%swap3A_223, %swap3A_224] : memref<2048x1xi32, #tpu.memory_space<vmem>>, vector<2048x1xi32>
    tpu.vector_store %arg3[%swap3A_223, %swap3A_224], %convert_element_type3A_222 {strides = array<i32>} : memref<2048x1xi32, #tpu.memory_space<vmem>>, vector<2048x1xi32>,
    %mul3A_226 = arith.constant 7.812500e-03 : f32
    %mul3A_227 = vector.broadcast %mul3A_226 : f32 to vector<1x64xf32>
    %mul3A_228 = arith.mulf %mul3A_201, %mul3A_227 : vector<1x64xf32>
    %dot_general3A_229 = arith.constant dense<0.000000e+00> : vector<1x64xf32>
    %dot_general3A_230 = tpu.matmul %mul3A_228, %convert_element_type3A_193, %dot_general3A_229 {dimension_numbers = #tpu.dot_dimension_numbers<[1], [0], [0], [1], [0, 0, 1, 1], [], []>, transpose_lhs_hint = false} : vector<1x64xf32>, vector<64x64xf32>, vector<1x64xf32> -> vector<1x64xf32>
    %reduce_sum3A_231 = vector.shape_cast %mul3A_228 : vector<1x64xf32> to vector<1x1x64xf32>
    %reduce_sum3A_232 = arith.constant dense<0.000000e+00> : vector<1xf32>
    %reduce_sum3A_233 = vector.multi_reduction <add>, %reduce_sum3A_231, %reduce_sum3A_232 [1, 2] : vector<1x1x64xf32> to vector<1xf32>
    %reduce_sum3A_234 = vector.shape_cast %reduce_sum3A_233 : vector<1xf32> to vector<1x1x1xf32>
    %reduce_sum3A_235 = vector.extract %reduce_sum3A_234[0, 0, 0] : f32 from vector<1x1x1xf32>
    %mul3A_236 = arith.constant 7.812500e-03 : f32
    %mul3A_237 = vector.broadcast %mul3A_236 : f32 to vector<1x64xf32>
    %mul3A_238 = arith.mulf %dot_general3A_203, %mul3A_237 : vector<1x64xf32>
    %iota3A_239 = tpu.iota {dimensions = array<i32: 0>} : vector<96x1xi32>
    %convert_element_type3A_240 = arith.sitofp %iota3A_239 : vector<96x1xi32> to vector<96x1xf32>
    %le3A = vector.broadcast %dot_general3A_230 : vector<1x64xf32> to vector<96x64xf32>
    %le3A_241 = vector.broadcast %convert_element_type3A_240 : vector<96x1xf32> to vector<96x64xf32>
    %le3A_242 = arith.cmpf ole, %le3A, %le3A_241 : vector<96x64xf32>
    %convert_element_type3A_243 = arith.extui %le3A_242 : vector<96x64xi1> to vector<96x64xi32>
    %convert_element_type3A_244 = arith.sitofp %convert_element_type3A_243 : vector<96x64xi32> to vector<96x64xf32>
    %reduce_sum3A_245 = arith.constant dense<0.000000e+00> : vector<96xf32>
    %reduce_sum3A_246 = vector.multi_reduction <add>, %convert_element_type3A_244, %reduce_sum3A_245 [1] : vector<96x64xf32> to vector<96xf32>
    %broadcast_in_dim3A_247 = vector.shape_cast %reduce_sum3A_246 : vector<96xf32> to vector<96x1xf32>
    %sub3A_248 = arith.constant 1.000000e+00 : f32
    %sub3A_249 = vector.broadcast %sub3A_248 : f32 to vector<96x1xf32>
    %sub3A_250 = arith.subf %broadcast_in_dim3A_247, %sub3A_249 : vector<96x1xf32>
    %iota3A_251 = tpu.iota {dimensions = array<i32: 1>} : vector<96x64xi32>
    %convert_element_type3A_252 = arith.sitofp %iota3A_251 : vector<96x64xi32> to vector<96x64xf32>
    %eq3A_253 = vector.broadcast %sub3A_250 : vector<96x1xf32> to vector<96x64xf32>
    %eq3A_254 = arith.cmpf oeq, %convert_element_type3A_252, %eq3A_253 : vector<96x64xf32>
    %convert_element_type3A_255 = arith.extui %eq3A_254 : vector<96x64xi1> to vector<96x64xi32>
    %convert_element_type3A_256 = arith.sitofp %convert_element_type3A_255 : vector<96x64xi32> to vector<96x64xf32>
    %mul3A_257 = vector.broadcast %mul3A_238 : vector<1x64xf32> to vector<96x64xf32>
    %mul3A_258 = arith.mulf %convert_element_type3A_256, %mul3A_257 : vector<96x64xf32>
    %reduce_sum3A_259 = arith.constant dense<0.000000e+00> : vector<96xf32>
    %reduce_sum3A_260 = vector.multi_reduction <add>, %mul3A_258, %reduce_sum3A_259 [1] : vector<96x64xf32> to vector<96xf32>
    %broadcast_in_dim3A_261 = vector.shape_cast %reduce_sum3A_260 : vector<96xf32> to vector<96x1xf32>
    %mul3A_262 = vector.broadcast %dot_general3A_230 : vector<1x64xf32> to vector<96x64xf32>
    %mul3A_263 = arith.mulf %convert_element_type3A_256, %mul3A_262 : vector<96x64xf32>
    %reduce_sum3A_264 = arith.constant dense<0.000000e+00> : vector<96xf32>
    %reduce_sum3A_265 = vector.multi_reduction <add>, %mul3A_263, %reduce_sum3A_264 [1] : vector<96x64xf32> to vector<96xf32>
    %broadcast_in_dim3A_266 = vector.shape_cast %reduce_sum3A_265 : vector<96xf32> to vector<96x1xf32>
    %sub3A_267 = arith.subf %convert_element_type3A_240, %broadcast_in_dim3A_266 : vector<96x1xf32>
    %add3A_268 = arith.addf %broadcast_in_dim3A_261, %sub3A_267 : vector<96x1xf32>
    %lt3A_269 = vector.broadcast %reduce_sum3A_235 : f32 to vector<96x1xf32>
    %lt3A_270 = arith.cmpf olt, %convert_element_type3A_240, %lt3A_269 : vector<96x1xf32>
    %sub3A_271 = arith.constant 1.000000e+00 : f32
    %sub3A_272 = arith.subf %reduce_sum3A_235, %sub3A_271 : f32
    %eq3A_273 = vector.broadcast %sub3A_272 : f32 to vector<96x1xf32>
    %eq3A_274 = arith.cmpf oeq, %convert_element_type3A_240, %eq3A_273 : vector<96x1xf32>
    %convert_element_type3A_275 = arith.extui %eq3A_274 : vector<96x1xi1> to vector<96x1xi32>
    %convert_element_type3A_276 = arith.sitofp %convert_element_type3A_275 : vector<96x1xi32> to vector<96x1xf32>
    %mul3A_277 = arith.mulf %convert_element_type3A_276, %add3A_268 : vector<96x1xf32>
    %reduce_sum3A_278 = vector.shape_cast %mul3A_277 : vector<96x1xf32> to vector<1x96x1xf32>
    %reduce_sum3A_279 = arith.constant dense<0.000000e+00> : vector<1xf32>
    %reduce_sum3A_280 = vector.multi_reduction <add>, %reduce_sum3A_278, %reduce_sum3A_279 [1, 2] : vector<1x96x1xf32> to vector<1xf32>
    %reduce_sum3A_281 = vector.shape_cast %reduce_sum3A_280 : vector<1xf32> to vector<1x1x1xf32>
    %reduce_sum3A_282 = vector.extract %reduce_sum3A_281[0, 0, 0] : f32 from vector<1x1x1xf32>
    %mul3A_283 = arith.mulf %convert_element_type3A_276, %sub3A_250 : vector<96x1xf32>
    %reduce_sum3A_284 = vector.shape_cast %mul3A_283 : vector<96x1xf32> to vector<1x96x1xf32>
    %reduce_sum3A_285 = arith.constant dense<0.000000e+00> : vector<1xf32>
    %reduce_sum3A_286 = vector.multi_reduction <add>, %reduce_sum3A_284, %reduce_sum3A_285 [1, 2] : vector<1x96x1xf32> to vector<1xf32>
    %reduce_sum3A_287 = vector.shape_cast %reduce_sum3A_286 : vector<1xf32> to vector<1x1x1xf32>
    %reduce_sum3A_288 = vector.extract %reduce_sum3A_287[0, 0, 0] : f32 from vector<1x1x1xf32>
    %broadcast_in_dim3A_289 = vector.broadcast %reduce_sum3A_282 : f32 to vector<96x1xf32>
    %select_n3A_290 = arith.select %lt3A_270, %add3A_268, %broadcast_in_dim3A_289 : vector<96x1xi1>, vector<96x1xf32>
    %broadcast_in_dim3A_291 = vector.broadcast %reduce_sum3A_288 : f32 to vector<96x1xf32>
    %select_n3A_292 = arith.select %lt3A_270, %sub3A_250, %broadcast_in_dim3A_291 : vector<96x1xi1>, vector<96x1xf32>
    %convert_element_type3A_293 = arith.fptosi %select_n3A_290 : vector<96x1xf32> to vector<96x1xi32>
    %swap3A_294 = arith.constant 0 : index
    %swap3A_295 = arith.constant 0 : index
    %swap3A_296 = vector.load %arg6[%swap3A_294, %swap3A_295] : memref<96x1xi32, #tpu.memory_space<vmem>>, vector<96x1xi32>
    tpu.vector_store %arg6[%swap3A_294, %swap3A_295], %convert_element_type3A_293 {strides = array<i32>} : memref<96x1xi32, #tpu.memory_space<vmem>>, vector<96x1xi32>,
    %convert_element_type3A_297 = arith.fptosi %select_n3A_292 : vector<96x1xf32> to vector<96x1xi32>
    %swap3A_298 = arith.constant 0 : index
    %swap3A_299 = arith.constant 0 : index
    %swap3A_300 = vector.load %arg7[%swap3A_298, %swap3A_299] : memref<96x1xi32, #tpu.memory_space<vmem>>, vector<96x1xi32>
    tpu.vector_store %arg7[%swap3A_298, %swap3A_299], %convert_element_type3A_297 {strides = array<i32>} : memref<96x1xi32, #tpu.memory_space<vmem>>, vector<96x1xi32>,
    %broadcast_in_dim3A_301 = arith.constant 0.000000e+00 : f32
    %broadcast_in_dim3A_302 = vector.broadcast %broadcast_in_dim3A_301 : f32 to vector<1x1xf32>
    %add3A_303 = vector.broadcast %reduce_sum3A_235 : f32 to vector<1x1xf32>
    %add3A_304 = arith.addf %broadcast_in_dim3A_302, %add3A_303 : vector<1x1xf32>
    %convert_element_type3A_305 = arith.fptosi %add3A_304 : vector<1x1xf32> to vector<1x1xi32>
    %swap3A_306 = arith.constant 0 : index
    %swap3A_307 = arith.constant 0 : index
    %swap3A_308 = vector.load %arg8[%swap3A_306, %swap3A_307] : memref<1x1xi32, #tpu.memory_space<vmem>>, vector<1x1xi32>
    tpu.vector_store %arg8[%swap3A_306, %swap3A_307], %convert_element_type3A_305 {strides = array<i32>} : memref<1x1xi32, #tpu.memory_space<vmem>>, vector<1x1xi32>,
    return
  }
}

module attributes {stable_mosaic.version = 14 : i64} {
  func.func @_gmm_outer_body(%arg0: memref<96xi32, #tpu.memory_space<smem>>, %arg1: memref<96xi32, #tpu.memory_space<smem>>, %arg2: memref<1xi32, #tpu.memory_space<smem>>, %arg3: memref<12288x1024xf32, #tpu.memory_space<any>>, %arg4: memref<64x2048x1024xf32, #tpu.memory_space<any>>, %arg5: memref<64x2048x1024xf32, #tpu.memory_space<any>>, %arg6: memref<64x2048x1024xf32, #tpu.memory_space<any>>, %arg7: memref<12288x1024xf32, #tpu.memory_space<any>>) attributes {dimension_semantics = [], scalar_prefetch = 0 : i64, scratch_operands = 0 : i64, tpu.core_type = #tpu.core_type<tc>} {
    %get3A = arith.constant 0 : index
    %get3A_0 = memref.load %arg2[%get3A] : memref<1xi32, #tpu.memory_space<smem>>
    %mul3A = arith.constant 1 : i32
    %mul3A_1 = arith.muli %mul3A, %get3A_0 : i32
    %mul3A_2 = arith.constant 4 : i32
    %mul3A_3 = arith.muli %mul3A_1, %mul3A_2 : i32
    "tpu.region"() ({
      %run_scoped3A = memref.alloca() : memref<3x128x1024xf32, #tpu.memory_space<vmem>>
      %run_scoped3A_4 = tpu.sem_alloc : memref<3x!tpu.dma_semaphore, #tpu.memory_space<semaphore_mem>>
      %run_scoped3A_5 = memref.alloca() : memref<3x1x512x1024xf32, #tpu.memory_space<vmem>>
      %run_scoped3A_6 = tpu.sem_alloc : memref<3x!tpu.dma_semaphore, #tpu.memory_space<semaphore_mem>>
      %run_scoped3A_7 = memref.alloca() : memref<3x1x512x1024xf32, #tpu.memory_space<vmem>>
      %run_scoped3A_8 = tpu.sem_alloc : memref<3x!tpu.dma_semaphore, #tpu.memory_space<semaphore_mem>>
      %run_scoped3A_9 = memref.alloca() : memref<3x1x512x1024xf32, #tpu.memory_space<vmem>>
      %run_scoped3A_10 = tpu.sem_alloc : memref<3x!tpu.dma_semaphore, #tpu.memory_space<semaphore_mem>>
      %run_scoped3A_11 = memref.alloca() : memref<2x128x1024xf32, #tpu.memory_space<vmem>>
      %run_scoped3A_12 = tpu.sem_alloc : memref<2x!tpu.dma_semaphore, #tpu.memory_space<semaphore_mem>>
      %gt3A = arith.constant 0 : i32
      %gt3A_13 = arith.cmpi sgt, %mul3A_3, %gt3A : i32
      %convert_element_type3A = arith.extui %gt3A_13 : i1 to i32
      %cond3A = arith.constant 0 : i32
      %cond3A_14 = arith.cmpi ne, %convert_element_type3A, %cond3A : i32
      scf.if %cond3A_14 {
        %mul3A_15 = arith.constant 1 : i32
        %mul3A_16 = arith.muli %mul3A_15, %get3A_0 : i32
        %mul3A_17 = arith.constant 4 : i32
        %mul3A_18 = arith.muli %mul3A_16, %mul3A_17 : i32
        %sub3A = arith.constant 1 : i32
        %sub3A_19 = arith.subi %mul3A_18, %sub3A : i32
        %eq3A = arith.constant 0 : i32
        %eq3A_20 = arith.cmpi eq, %sub3A_19, %eq3A : i32
        %select_n3A = arith.constant true
        %select_n3A_21 = arith.constant 0 : i32
        %select_n3A_22 = arith.constant -1 : i32
        %select_n3A_23 = arith.select %select_n3A, %select_n3A_22, %select_n3A_21 : i32
        %eq3A_24 = arith.constant -1 : i32
        %eq3A_25 = arith.cmpi eq, %select_n3A_23, %eq3A_24 : i32
        %select_n3A_26 = arith.constant 3 : i32
        %select_n3A_27 = arith.select %eq3A_25, %select_n3A_26, %select_n3A_23 : i32
        %select_n3A_28 = arith.constant 0 : i32
        %select_n3A_29 = arith.constant -1 : i32
        %select_n3A_30 = arith.select %eq3A_25, %select_n3A_29, %select_n3A_28 : i32
        %eq3A_31 = arith.constant -1 : i32
        %eq3A_32 = arith.cmpi eq, %select_n3A_30, %eq3A_31 : i32
        %sub3A_33 = arith.constant 1 : i32
        %sub3A_34 = arith.subi %get3A_0, %sub3A_33 : i32
        %select_n3A_35 = arith.select %eq3A_32, %sub3A_34, %select_n3A_30 : i32
        %add3A = arith.constant 0 : i32
        %add3A_36 = arith.addi %select_n3A_35, %add3A : i32
        %add3A_37 = arith.constant 0 : i32
        %add3A_38 = arith.addi %select_n3A_27, %add3A_37 : i32
        %select_n3A_39 = arith.constant true
        %select_n3A_40 = arith.constant 0 : i32
        %select_n3A_41 = arith.constant 1 : i32
        %select_n3A_42 = arith.select %select_n3A_39, %select_n3A_41, %select_n3A_40 : i32
        %eq3A_43 = arith.constant 4 : i32
        %eq3A_44 = arith.cmpi eq, %select_n3A_42, %eq3A_43 : i32
        %select_n3A_45 = arith.constant 0 : i32
        %select_n3A_46 = arith.select %eq3A_44, %select_n3A_45, %select_n3A_42 : i32
        %select_n3A_47 = arith.constant 0 : i32
        %select_n3A_48 = arith.constant 1 : i32
        %select_n3A_49 = arith.select %eq3A_44, %select_n3A_48, %select_n3A_47 : i32
        %eq3A_50 = arith.cmpi eq, %select_n3A_49, %get3A_0 : i32
        %select_n3A_51 = arith.constant 0 : i32
        %select_n3A_52 = arith.select %eq3A_50, %select_n3A_51, %select_n3A_49 : i32
        %add3A_53 = arith.constant 0 : i32
        %add3A_54 = arith.addi %select_n3A_52, %add3A_53 : i32
        %add3A_55 = arith.constant 0 : i32
        %add3A_56 = arith.addi %select_n3A_46, %add3A_55 : i32
        %add3A_57 = arith.constant 1 : i32
        %add3A_58 = arith.addi %select_n3A_46, %add3A_57 : i32
        %select_n3A_59 = arith.constant true
        %select_n3A_60 = arith.select %select_n3A_59, %add3A_58, %select_n3A_46 : i32
        %eq3A_61 = arith.constant 4 : i32
        %eq3A_62 = arith.cmpi eq, %select_n3A_60, %eq3A_61 : i32
        %select_n3A_63 = arith.constant 0 : i32
        %select_n3A_64 = arith.select %eq3A_62, %select_n3A_63, %select_n3A_60 : i32
        %add3A_65 = arith.constant 1 : i32
        %add3A_66 = arith.addi %select_n3A_52, %add3A_65 : i32
        %select_n3A_67 = arith.select %eq3A_62, %add3A_66, %select_n3A_52 : i32
        %eq3A_68 = arith.cmpi eq, %select_n3A_67, %get3A_0 : i32
        %select_n3A_69 = arith.constant 0 : i32
        %select_n3A_70 = arith.select %eq3A_68, %select_n3A_69, %select_n3A_67 : i32
        %add3A_71 = arith.constant 0 : i32
        %add3A_72 = arith.addi %select_n3A_70, %add3A_71 : i32
        %add3A_73 = arith.constant 0 : i32
        %add3A_74 = arith.addi %select_n3A_64, %add3A_73 : i32
        %add3A_75 = arith.constant 1 : i32
        %add3A_76 = arith.addi %select_n3A_64, %add3A_75 : i32
        %select_n3A_77 = arith.constant true
        %select_n3A_78 = arith.select %select_n3A_77, %add3A_76, %select_n3A_64 : i32
        %eq3A_79 = arith.constant 4 : i32
        %eq3A_80 = arith.cmpi eq, %select_n3A_78, %eq3A_79 : i32
        %select_n3A_81 = arith.constant 0 : i32
        %select_n3A_82 = arith.select %eq3A_80, %select_n3A_81, %select_n3A_78 : i32
        %add3A_83 = arith.constant 1 : i32
        %add3A_84 = arith.addi %select_n3A_70, %add3A_83 : i32
        %select_n3A_85 = arith.select %eq3A_80, %add3A_84, %select_n3A_70 : i32
        %eq3A_86 = arith.cmpi eq, %select_n3A_85, %get3A_0 : i32
        %select_n3A_87 = arith.constant 0 : i32
        %select_n3A_88 = arith.select %eq3A_86, %select_n3A_87, %select_n3A_85 : i32
        %add3A_89 = arith.constant 0 : i32
        %add3A_90 = arith.addi %select_n3A_88, %add3A_89 : i32
        %add3A_91 = arith.constant 0 : i32
        %add3A_92 = arith.addi %select_n3A_82, %add3A_91 : i32
        "tpu.trace_start"() <{level = 10 : i32, message = "ep_initialize_0"}> : () -> ()
        %add3A_93 = arith.constant 0 : i32
        %add3A_94 = arith.constant 0 : i32
        %add3A_95 = arith.addi %add3A_93, %add3A_94 : i32
        %add3A_96 = arith.constant 0 : i32
        %add3A_97 = arith.constant 0 : i32
        %add3A_98 = arith.addi %add3A_96, %add3A_97 : i32
        %rem3A = arith.constant 0 : i32
        %rem3A_99 = arith.constant 3 : i32
        %rem3A_100 = arith.remui %rem3A, %rem3A_99 : i32
        %get3A_101 = arith.index_cast %add3A_95 : i32 to index
        %get3A_102 = memref.load %arg0[%get3A_101] : memref<96xi32, #tpu.memory_space<smem>>
        %mul3A_103 = arith.constant 128 : i32
        %mul3A_104 = arith.muli %mul3A_103, %get3A_102 : i32
        %dma_start3A = tpu.memref_slice %run_scoped3A_4[%rem3A_100] : memref<3x!tpu.dma_semaphore, #tpu.memory_space<semaphore_mem>> -> memref<1x!tpu.dma_semaphore, #tpu.memory_space<semaphore_mem>>
        %dma_start3A_105 = tpu.memref_squeeze %dma_start3A : memref<1x!tpu.dma_semaphore, #tpu.memory_space<semaphore_mem>> -> memref<!tpu.dma_semaphore, #tpu.memory_space<semaphore_mem>>
        %dma_start3A_106 = arith.constant 0 : i32
        %dma_start3A_107 = arith.constant 0 : i32
        %dma_start3A_108 = tpu.memref_slice %run_scoped3A[%rem3A_100, %dma_start3A_106, %dma_start3A_107] : memref<3x128x1024xf32, #tpu.memory_space<vmem>> -> memref<1x128x1024xf32, #tpu.memory_space<vmem>>
        %dma_start3A_109 = tpu.memref_squeeze %dma_start3A_108 : memref<1x128x1024xf32, #tpu.memory_space<vmem>> -> memref<128x1024xf32, #tpu.memory_space<vmem>>
        %dma_start3A_110 = arith.constant 0 : i32
        %dma_start3A_111 = tpu.memref_slice %arg3[%mul3A_104, %dma_start3A_110] : memref<12288x1024xf32, #tpu.memory_space<any>> -> memref<128x1024xf32, #tpu.memory_space<any>>
        tpu.enqueue_dma source(%dma_start3A_111 : memref<128x1024xf32, #tpu.memory_space<any>>) target(%dma_start3A_109 : memref<128x1024xf32, #tpu.memory_space<vmem>>) target_semaphore(%dma_start3A_105 : memref<!tpu.dma_semaphore, #tpu.memory_space<semaphore_mem>>)
        %add3A_112 = arith.constant 0 : i32
        %add3A_113 = arith.constant 1 : i32
        %add3A_114 = arith.addi %add3A_112, %add3A_113 : i32
        %select_n3A_115 = arith.constant true
        %select_n3A_116 = arith.constant 0 : i32
        %select_n3A_117 = arith.select %select_n3A_115, %add3A_114, %select_n3A_116 : i32
        %add3A_118 = arith.constant 0 : i32
        %add3A_119 = arith.constant 0 : i32
        %add3A_120 = arith.addi %add3A_118, %add3A_119 : i32
        %add3A_121 = arith.constant 0 : i32
        %add3A_122 = arith.constant 0 : i32
        %add3A_123 = arith.addi %add3A_121, %add3A_122 : i32
        %rem3A_124 = arith.constant 0 : i32
        %rem3A_125 = arith.constant 3 : i32
        %rem3A_126 = arith.remui %rem3A_124, %rem3A_125 : i32
        %get3A_127 = arith.index_cast %add3A_120 : i32 to index
        %get3A_128 = memref.load %arg1[%get3A_127] : memref<96xi32, #tpu.memory_space<smem>>
        %mul3A_129 = arith.constant 1 : i32
        %mul3A_130 = arith.muli %mul3A_129, %get3A_128 : i32
        %mul3A_131 = arith.constant 512 : i32
        %mul3A_132 = arith.muli %mul3A_131, %add3A_123 : i32
        %dma_start3A_133 = tpu.memref_slice %run_scoped3A_6[%rem3A_126] : memref<3x!tpu.dma_semaphore, #tpu.memory_space<semaphore_mem>> -> memref<1x!tpu.dma_semaphore, #tpu.memory_space<semaphore_mem>>
        %dma_start3A_134 = tpu.memref_squeeze %dma_start3A_133 : memref<1x!tpu.dma_semaphore, #tpu.memory_space<semaphore_mem>> -> memref<!tpu.dma_semaphore, #tpu.memory_space<semaphore_mem>>
        %dma_start3A_135 = arith.constant 0 : i32
        %dma_start3A_136 = arith.constant 0 : i32
        %dma_start3A_137 = arith.constant 0 : i32
        %dma_start3A_138 = tpu.memref_slice %run_scoped3A_5[%rem3A_126, %dma_start3A_135, %dma_start3A_136, %dma_start3A_137] : memref<3x1x512x1024xf32, #tpu.memory_space<vmem>> -> memref<1x1x512x1024xf32, #tpu.memory_space<vmem>>
        %dma_start3A_139 = tpu.memref_squeeze %dma_start3A_138 : memref<1x1x512x1024xf32, #tpu.memory_space<vmem>> -> memref<1x512x1024xf32, #tpu.memory_space<vmem>>
        %dma_start3A_140 = arith.constant 0 : i32
        %dma_start3A_141 = tpu.memref_slice %arg4[%mul3A_130, %mul3A_132, %dma_start3A_140] : memref<64x2048x1024xf32, #tpu.memory_space<any>> -> memref<1x512x1024xf32, #tpu.memory_space<any>>
        tpu.enqueue_dma source(%dma_start3A_141 : memref<1x512x1024xf32, #tpu.memory_space<any>>) target(%dma_start3A_139 : memref<1x512x1024xf32, #tpu.memory_space<vmem>>) target_semaphore(%dma_start3A_134 : memref<!tpu.dma_semaphore, #tpu.memory_space<semaphore_mem>>)
        %add3A_142 = arith.constant 0 : i32
        %add3A_143 = arith.constant 1 : i32
        %add3A_144 = arith.addi %add3A_142, %add3A_143 : i32
        %select_n3A_145 = arith.constant true
        %select_n3A_146 = arith.constant 0 : i32
        %select_n3A_147 = arith.select %select_n3A_145, %add3A_144, %select_n3A_146 : i32
        %add3A_148 = arith.constant 0 : i32
        %add3A_149 = arith.constant 0 : i32
        %add3A_150 = arith.addi %add3A_148, %add3A_149 : i32
        %add3A_151 = arith.constant 0 : i32
        %add3A_152 = arith.constant 0 : i32
        %add3A_153 = arith.addi %add3A_151, %add3A_152 : i32
        %rem3A_154 = arith.constant 0 : i32
        %rem3A_155 = arith.constant 3 : i32
        %rem3A_156 = arith.remui %rem3A_154, %rem3A_155 : i32
        %get3A_157 = arith.index_cast %add3A_150 : i32 to index
        %get3A_158 = memref.load %arg1[%get3A_157] : memref<96xi32, #tpu.memory_space<smem>>
        %mul3A_159 = arith.constant 1 : i32
        %mul3A_160 = arith.muli %mul3A_159, %get3A_158 : i32
        %mul3A_161 = arith.constant 512 : i32
        %mul3A_162 = arith.muli %mul3A_161, %add3A_153 : i32
        %dma_start3A_163 = tpu.memref_slice %run_scoped3A_8[%rem3A_156] : memref<3x!tpu.dma_semaphore, #tpu.memory_space<semaphore_mem>> -> memref<1x!tpu.dma_semaphore, #tpu.memory_space<semaphore_mem>>
        %dma_start3A_164 = tpu.memref_squeeze %dma_start3A_163 : memref<1x!tpu.dma_semaphore, #tpu.memory_space<semaphore_mem>> -> memref<!tpu.dma_semaphore, #tpu.memory_space<semaphore_mem>>
        %dma_start3A_165 = arith.constant 0 : i32
        %dma_start3A_166 = arith.constant 0 : i32
        %dma_start3A_167 = arith.constant 0 : i32
        %dma_start3A_168 = tpu.memref_slice %run_scoped3A_7[%rem3A_156, %dma_start3A_165, %dma_start3A_166, %dma_start3A_167] : memref<3x1x512x1024xf32, #tpu.memory_space<vmem>> -> memref<1x1x512x1024xf32, #tpu.memory_space<vmem>>
        %dma_start3A_169 = tpu.memref_squeeze %dma_start3A_168 : memref<1x1x512x1024xf32, #tpu.memory_space<vmem>> -> memref<1x512x1024xf32, #tpu.memory_space<vmem>>
        %dma_start3A_170 = arith.constant 0 : i32
        %dma_start3A_171 = tpu.memref_slice %arg6[%mul3A_160, %mul3A_162, %dma_start3A_170] : memref<64x2048x1024xf32, #tpu.memory_space<any>> -> memref<1x512x1024xf32, #tpu.memory_space<any>>
        tpu.enqueue_dma source(%dma_start3A_171 : memref<1x512x1024xf32, #tpu.memory_space<any>>) target(%dma_start3A_169 : memref<1x512x1024xf32, #tpu.memory_space<vmem>>) target_semaphore(%dma_start3A_164 : memref<!tpu.dma_semaphore, #tpu.memory_space<semaphore_mem>>)
        %add3A_172 = arith.constant 0 : i32
        %add3A_173 = arith.constant 1 : i32
        %add3A_174 = arith.addi %add3A_172, %add3A_173 : i32
        %select_n3A_175 = arith.constant true
        %select_n3A_176 = arith.constant 0 : i32
        %select_n3A_177 = arith.select %select_n3A_175, %add3A_174, %select_n3A_176 : i32
        %add3A_178 = arith.constant 0 : i32
        %add3A_179 = arith.constant 0 : i32
        %add3A_180 = arith.addi %add3A_178, %add3A_179 : i32
        %add3A_181 = arith.constant 0 : i32
        %add3A_182 = arith.constant 0 : i32
        %add3A_183 = arith.addi %add3A_181, %add3A_182 : i32
        %rem3A_184 = arith.constant 0 : i32
        %rem3A_185 = arith.constant 3 : i32
        %rem3A_186 = arith.remui %rem3A_184, %rem3A_185 : i32
        %get3A_187 = arith.index_cast %add3A_180 : i32 to index
        %get3A_188 = memref.load %arg1[%get3A_187] : memref<96xi32, #tpu.memory_space<smem>>
        %mul3A_189 = arith.constant 1 : i32
        %mul3A_190 = arith.muli %mul3A_189, %get3A_188 : i32
        %mul3A_191 = arith.constant 512 : i32
        %mul3A_192 = arith.muli %mul3A_191, %add3A_183 : i32
        %dma_start3A_193 = tpu.memref_slice %run_scoped3A_10[%rem3A_186] : memref<3x!tpu.dma_semaphore, #tpu.memory_space<semaphore_mem>> -> memref<1x!tpu.dma_semaphore, #tpu.memory_space<semaphore_mem>>
        %dma_start3A_194 = tpu.memref_squeeze %dma_start3A_193 : memref<1x!tpu.dma_semaphore, #tpu.memory_space<semaphore_mem>> -> memref<!tpu.dma_semaphore, #tpu.memory_space<semaphore_mem>>
        %dma_start3A_195 = arith.constant 0 : i32
        %dma_start3A_196 = arith.constant 0 : i32
        %dma_start3A_197 = arith.constant 0 : i32
        %dma_start3A_198 = tpu.memref_slice %run_scoped3A_9[%rem3A_186, %dma_start3A_195, %dma_start3A_196, %dma_start3A_197] : memref<3x1x512x1024xf32, #tpu.memory_space<vmem>> -> memref<1x1x512x1024xf32, #tpu.memory_space<vmem>>
        %dma_start3A_199 = tpu.memref_squeeze %dma_start3A_198 : memref<1x1x512x1024xf32, #tpu.memory_space<vmem>> -> memref<1x512x1024xf32, #tpu.memory_space<vmem>>
        %dma_start3A_200 = arith.constant 0 : i32
        %dma_start3A_201 = tpu.memref_slice %arg5[%mul3A_190, %mul3A_192, %dma_start3A_200] : memref<64x2048x1024xf32, #tpu.memory_space<any>> -> memref<1x512x1024xf32, #tpu.memory_space<any>>
        tpu.enqueue_dma source(%dma_start3A_201 : memref<1x512x1024xf32, #tpu.memory_space<any>>) target(%dma_start3A_199 : memref<1x512x1024xf32, #tpu.memory_space<vmem>>) target_semaphore(%dma_start3A_194 : memref<!tpu.dma_semaphore, #tpu.memory_space<semaphore_mem>>)
        %add3A_202 = arith.constant 0 : i32
        %add3A_203 = arith.constant 1 : i32
        %add3A_204 = arith.addi %add3A_202, %add3A_203 : i32
        %select_n3A_205 = arith.constant true
        %select_n3A_206 = arith.constant 0 : i32
        %select_n3A_207 = arith.select %select_n3A_205, %add3A_204, %select_n3A_206 : i32
        "tpu.trace_stop"() : () -> ()
        "tpu.trace_start"() <{level = 10 : i32, message = "ep_initialize_1"}> : () -> ()
        %add3A_208 = arith.constant 0 : i32
        %add3A_209 = arith.constant 3 : i32
        %add3A_210 = arith.addi %add3A_208, %add3A_209 : i32
        %add3A_211 = arith.constant 1 : i32
        %add3A_212 = arith.addi %select_n3A_117, %add3A_211 : i32
        %lt3A = arith.cmpi ult, %add3A_210, %add3A_212 : i32
        %select_n3A_213 = arith.select %lt3A, %add3A_210, %add3A_212 : i32
        %add3A_214 = arith.constant 0 : i32
        %add3A_215 = arith.constant 1 : i32
        %add3A_216 = arith.addi %add3A_214, %add3A_215 : i32
        %select_n3A_217 = arith.constant true
        %select_n3A_218 = arith.constant 0 : i32
        %select_n3A_219 = arith.select %select_n3A_217, %add3A_216, %select_n3A_218 : i32
        %eq3A_220 = arith.constant 4 : i32
        %eq3A_221 = arith.cmpi eq, %select_n3A_219, %eq3A_220 : i32
        %select_n3A_222 = arith.constant 0 : i32
        %select_n3A_223 = arith.select %eq3A_221, %select_n3A_222, %select_n3A_219 : i32
        %add3A_224 = arith.constant 0 : i32
        %add3A_225 = arith.constant 1 : i32
        %add3A_226 = arith.addi %add3A_224, %add3A_225 : i32
        %select_n3A_227 = arith.constant 0 : i32
        %select_n3A_228 = arith.select %eq3A_221, %add3A_226, %select_n3A_227 : i32
        %select_n3A_229 = arith.constant false
        %select_n3A_230 = arith.constant 0 : i32
        %select_n3A_231 = arith.select %select_n3A_229, %select_n3A_230, %select_n3A_228 : i32
        %while3A = arith.constant 0 : i32
        %while3A_232 = arith.constant 0 : i32
        %while3A_233:5 = scf.while (%while3A_457 = %while3A, %while3A_458 = %while3A_232, %while3A_459 = %select_n3A_231, %while3A_460 = %select_n3A_223, %while3A_461 = %select_n3A_117) : (i32, i32, i32, i32, i32) -> (i32, i32, i32, i32, i32) {
          %lt3A_462 = arith.cmpi ult, %while3A_461, %select_n3A_213 : i32
          %lt3A_463 = arith.cmpi slt, %while3A_459, %get3A_0 : i32
          %lt3A_464 = arith.constant 4 : i32
          %lt3A_465 = arith.cmpi slt, %while3A_460, %lt3A_464 : i32
          %and3A = arith.constant true
          %and3A_466 = arith.andi %and3A, %lt3A_463 : i1
          %and3A_467 = arith.andi %and3A_466, %lt3A_465 : i1
          %and3A_468 = arith.constant true
          %and3A_469 = arith.andi %and3A_468, %lt3A_462 : i1
          %and3A_470 = arith.andi %and3A_469, %and3A_467 : i1
          scf.condition(%and3A_470) %while3A_457, %while3A_458, %while3A_459, %while3A_460, %while3A_461 : i32, i32, i32, i32, i32
        } do {
        ^bb0(%while3A_457: i32, %while3A_458: i32, %while3A_459: i32, %while3A_460: i32, %while3A_461: i32):
          %add3A_462 = arith.constant 0 : i32
          %add3A_463 = arith.addi %while3A_457, %add3A_462 : i32
          %add3A_464 = arith.constant 0 : i32
          %add3A_465 = arith.addi %while3A_458, %add3A_464 : i32
          %add3A_466 = arith.constant 0 : i32
          %add3A_467 = arith.addi %while3A_459, %add3A_466 : i32
          %add3A_468 = arith.constant 0 : i32
          %add3A_469 = arith.addi %while3A_460, %add3A_468 : i32
          %get3A_470 = arith.index_cast %add3A_463 : i32 to index
          %get3A_471 = memref.load %arg0[%get3A_470] : memref<96xi32, #tpu.memory_space<smem>>
          %get3A_472 = arith.index_cast %add3A_467 : i32 to index
          %get3A_473 = memref.load %arg0[%get3A_472] : memref<96xi32, #tpu.memory_space<smem>>
          %ne3A = arith.cmpi ne, %get3A_471, %get3A_473 : i32
          %or3A = arith.constant false
          %or3A_474 = arith.ori %or3A, %ne3A : i1
          %or3A_475 = arith.constant false
          %or3A_476 = arith.ori %or3A_474, %or3A_475 : i1
          %convert_element_type3A_477 = arith.extui %or3A_476 : i1 to i32
          %cond3A_478 = arith.constant 0 : i32
          %cond3A_479 = arith.cmpi ne, %convert_element_type3A_477, %cond3A_478 : i32
          scf.if %cond3A_479 {
            %rem3A_496 = arith.constant 3 : i32
            %rem3A_497 = arith.remui %while3A_461, %rem3A_496 : i32
            %get3A_498 = arith.index_cast %add3A_467 : i32 to index
            %get3A_499 = memref.load %arg0[%get3A_498] : memref<96xi32, #tpu.memory_space<smem>>
            %mul3A_500 = arith.constant 128 : i32
            %mul3A_501 = arith.muli %mul3A_500, %get3A_499 : i32
            %dma_start3A_502 = tpu.memref_slice %run_scoped3A_4[%rem3A_497] : memref<3x!tpu.dma_semaphore, #tpu.memory_space<semaphore_mem>> -> memref<1x!tpu.dma_semaphore, #tpu.memory_space<semaphore_mem>>
            %dma_start3A_503 = tpu.memref_squeeze %dma_start3A_502 : memref<1x!tpu.dma_semaphore, #tpu.memory_space<semaphore_mem>> -> memref<!tpu.dma_semaphore, #tpu.memory_space<semaphore_mem>>
            %dma_start3A_504 = arith.constant 0 : i32
            %dma_start3A_505 = arith.constant 0 : i32
            %dma_start3A_506 = tpu.memref_slice %run_scoped3A[%rem3A_497, %dma_start3A_504, %dma_start3A_505] : memref<3x128x1024xf32, #tpu.memory_space<vmem>> -> memref<1x128x1024xf32, #tpu.memory_space<vmem>>
            %dma_start3A_507 = tpu.memref_squeeze %dma_start3A_506 : memref<1x128x1024xf32, #tpu.memory_space<vmem>> -> memref<128x1024xf32, #tpu.memory_space<vmem>>
            %dma_start3A_508 = arith.constant 0 : i32
            %dma_start3A_509 = tpu.memref_slice %arg3[%mul3A_501, %dma_start3A_508] : memref<12288x1024xf32, #tpu.memory_space<any>> -> memref<128x1024xf32, #tpu.memory_space<any>>
            tpu.enqueue_dma source(%dma_start3A_509 : memref<128x1024xf32, #tpu.memory_space<any>>) target(%dma_start3A_507 : memref<128x1024xf32, #tpu.memory_space<vmem>>) target_semaphore(%dma_start3A_503 : memref<!tpu.dma_semaphore, #tpu.memory_space<semaphore_mem>>)
          } else {
          }
          %convert_element_type3A_480 = arith.extui %or3A_476 : i1 to i32
          %add3A_481 = arith.addi %while3A_461, %convert_element_type3A_480 : i32
          %add3A_482 = arith.constant 1 : i32
          %add3A_483 = arith.addi %while3A_460, %add3A_482 : i32
          %select_n3A_484 = arith.constant true
          %select_n3A_485 = arith.select %select_n3A_484, %add3A_483, %while3A_460 : i32
          %eq3A_486 = arith.constant 4 : i32
          %eq3A_487 = arith.cmpi eq, %select_n3A_485, %eq3A_486 : i32
          %select_n3A_488 = arith.constant 0 : i32
          %select_n3A_489 = arith.select %eq3A_487, %select_n3A_488, %select_n3A_485 : i32
          %add3A_490 = arith.constant 1 : i32
          %add3A_491 = arith.addi %while3A_459, %add3A_490 : i32
          %select_n3A_492 = arith.select %eq3A_487, %add3A_491, %while3A_459 : i32
          %select_n3A_493 = arith.constant false
          %select_n3A_494 = arith.constant 0 : i32
          %select_n3A_495 = arith.select %select_n3A_493, %select_n3A_494, %select_n3A_492 : i32
          scf.yield %while3A_459, %while3A_460, %select_n3A_495, %select_n3A_489, %add3A_481 : i32, i32, i32, i32, i32
        }
        %add3A_234 = arith.constant 0 : i32
        %add3A_235 = arith.constant 3 : i32
        %add3A_236 = arith.addi %add3A_234, %add3A_235 : i32
        %add3A_237 = arith.constant 1 : i32
        %add3A_238 = arith.addi %select_n3A_147, %add3A_237 : i32
        %lt3A_239 = arith.cmpi ult, %add3A_236, %add3A_238 : i32
        %select_n3A_240 = arith.select %lt3A_239, %add3A_236, %add3A_238 : i32
        %add3A_241 = arith.constant 0 : i32
        %add3A_242 = arith.constant 1 : i32
        %add3A_243 = arith.addi %add3A_241, %add3A_242 : i32
        %select_n3A_244 = arith.constant true
        %select_n3A_245 = arith.constant 0 : i32
        %select_n3A_246 = arith.select %select_n3A_244, %add3A_243, %select_n3A_245 : i32
        %eq3A_247 = arith.constant 4 : i32
        %eq3A_248 = arith.cmpi eq, %select_n3A_246, %eq3A_247 : i32
        %select_n3A_249 = arith.constant 0 : i32
        %select_n3A_250 = arith.select %eq3A_248, %select_n3A_249, %select_n3A_246 : i32
        %add3A_251 = arith.constant 0 : i32
        %add3A_252 = arith.constant 1 : i32
        %add3A_253 = arith.addi %add3A_251, %add3A_252 : i32
        %select_n3A_254 = arith.constant 0 : i32
        %select_n3A_255 = arith.select %eq3A_248, %add3A_253, %select_n3A_254 : i32
        %select_n3A_256 = arith.constant false
        %select_n3A_257 = arith.constant 0 : i32
        %select_n3A_258 = arith.select %select_n3A_256, %select_n3A_257, %select_n3A_255 : i32
        %while3A_259 = arith.constant 0 : i32
        %while3A_260 = arith.constant 0 : i32
        %while3A_261:5 = scf.while (%while3A_457 = %while3A_259, %while3A_458 = %while3A_260, %while3A_459 = %select_n3A_258, %while3A_460 = %select_n3A_250, %while3A_461 = %select_n3A_147) : (i32, i32, i32, i32, i32) -> (i32, i32, i32, i32, i32) {
          %lt3A_462 = arith.cmpi ult, %while3A_461, %select_n3A_240 : i32
          %lt3A_463 = arith.cmpi slt, %while3A_459, %get3A_0 : i32
          %lt3A_464 = arith.constant 4 : i32
          %lt3A_465 = arith.cmpi slt, %while3A_460, %lt3A_464 : i32
          %and3A = arith.constant true
          %and3A_466 = arith.andi %and3A, %lt3A_463 : i1
          %and3A_467 = arith.andi %and3A_466, %lt3A_465 : i1
          %and3A_468 = arith.constant true
          %and3A_469 = arith.andi %and3A_468, %lt3A_462 : i1
          %and3A_470 = arith.andi %and3A_469, %and3A_467 : i1
          scf.condition(%and3A_470) %while3A_457, %while3A_458, %while3A_459, %while3A_460, %while3A_461 : i32, i32, i32, i32, i32
        } do {
        ^bb0(%while3A_457: i32, %while3A_458: i32, %while3A_459: i32, %while3A_460: i32, %while3A_461: i32):
          %add3A_462 = arith.constant 0 : i32
          %add3A_463 = arith.addi %while3A_457, %add3A_462 : i32
          %add3A_464 = arith.constant 0 : i32
          %add3A_465 = arith.addi %while3A_458, %add3A_464 : i32
          %add3A_466 = arith.constant 0 : i32
          %add3A_467 = arith.addi %while3A_459, %add3A_466 : i32
          %add3A_468 = arith.constant 0 : i32
          %add3A_469 = arith.addi %while3A_460, %add3A_468 : i32
          %get3A_470 = arith.index_cast %add3A_463 : i32 to index
          %get3A_471 = memref.load %arg1[%get3A_470] : memref<96xi32, #tpu.memory_space<smem>>
          %get3A_472 = arith.index_cast %add3A_467 : i32 to index
          %get3A_473 = memref.load %arg1[%get3A_472] : memref<96xi32, #tpu.memory_space<smem>>
          %ne3A = arith.cmpi ne, %get3A_471, %get3A_473 : i32
          %ne3A_474 = arith.cmpi ne, %add3A_465, %add3A_469 : i32
          %or3A = arith.constant false
          %or3A_475 = arith.ori %or3A, %ne3A : i1
          %or3A_476 = arith.ori %or3A_475, %ne3A_474 : i1
          %or3A_477 = arith.constant false
          %or3A_478 = arith.ori %or3A_476, %or3A_477 : i1
          %convert_element_type3A_479 = arith.extui %or3A_478 : i1 to i32
          %cond3A_480 = arith.constant 0 : i32
          %cond3A_481 = arith.cmpi ne, %convert_element_type3A_479, %cond3A_480 : i32
          scf.if %cond3A_481 {
            %rem3A_498 = arith.constant 3 : i32
            %rem3A_499 = arith.remui %while3A_461, %rem3A_498 : i32
            %get3A_500 = arith.index_cast %add3A_467 : i32 to index
            %get3A_501 = memref.load %arg1[%get3A_500] : memref<96xi32, #tpu.memory_space<smem>>
            %mul3A_502 = arith.constant 1 : i32
            %mul3A_503 = arith.muli %mul3A_502, %get3A_501 : i32
            %mul3A_504 = arith.constant 512 : i32
            %mul3A_505 = arith.muli %mul3A_504, %add3A_469 : i32
            %dma_start3A_506 = tpu.memref_slice %run_scoped3A_6[%rem3A_499] : memref<3x!tpu.dma_semaphore, #tpu.memory_space<semaphore_mem>> -> memref<1x!tpu.dma_semaphore, #tpu.memory_space<semaphore_mem>>
            %dma_start3A_507 = tpu.memref_squeeze %dma_start3A_506 : memref<1x!tpu.dma_semaphore, #tpu.memory_space<semaphore_mem>> -> memref<!tpu.dma_semaphore, #tpu.memory_space<semaphore_mem>>
            %dma_start3A_508 = arith.constant 0 : i32
            %dma_start3A_509 = arith.constant 0 : i32
            %dma_start3A_510 = arith.constant 0 : i32
            %dma_start3A_511 = tpu.memref_slice %run_scoped3A_5[%rem3A_499, %dma_start3A_508, %dma_start3A_509, %dma_start3A_510] : memref<3x1x512x1024xf32, #tpu.memory_space<vmem>> -> memref<1x1x512x1024xf32, #tpu.memory_space<vmem>>
            %dma_start3A_512 = tpu.memref_squeeze %dma_start3A_511 : memref<1x1x512x1024xf32, #tpu.memory_space<vmem>> -> memref<1x512x1024xf32, #tpu.memory_space<vmem>>
            %dma_start3A_513 = arith.constant 0 : i32
            %dma_start3A_514 = tpu.memref_slice %arg4[%mul3A_503, %mul3A_505, %dma_start3A_513] : memref<64x2048x1024xf32, #tpu.memory_space<any>> -> memref<1x512x1024xf32, #tpu.memory_space<any>>
            tpu.enqueue_dma source(%dma_start3A_514 : memref<1x512x1024xf32, #tpu.memory_space<any>>) target(%dma_start3A_512 : memref<1x512x1024xf32, #tpu.memory_space<vmem>>) target_semaphore(%dma_start3A_507 : memref<!tpu.dma_semaphore, #tpu.memory_space<semaphore_mem>>)
          } else {
          }
          %convert_element_type3A_482 = arith.extui %or3A_478 : i1 to i32
          %add3A_483 = arith.addi %while3A_461, %convert_element_type3A_482 : i32
          %add3A_484 = arith.constant 1 : i32
          %add3A_485 = arith.addi %while3A_460, %add3A_484 : i32
          %select_n3A_486 = arith.constant true
          %select_n3A_487 = arith.select %select_n3A_486, %add3A_485, %while3A_460 : i32
          %eq3A_488 = arith.constant 4 : i32
          %eq3A_489 = arith.cmpi eq, %select_n3A_487, %eq3A_488 : i32
          %select_n3A_490 = arith.constant 0 : i32
          %select_n3A_491 = arith.select %eq3A_489, %select_n3A_490, %select_n3A_487 : i32
          %add3A_492 = arith.constant 1 : i32
          %add3A_493 = arith.addi %while3A_459, %add3A_492 : i32
          %select_n3A_494 = arith.select %eq3A_489, %add3A_493, %while3A_459 : i32
          %select_n3A_495 = arith.constant false
          %select_n3A_496 = arith.constant 0 : i32
          %select_n3A_497 = arith.select %select_n3A_495, %select_n3A_496, %select_n3A_494 : i32
          scf.yield %while3A_459, %while3A_460, %select_n3A_497, %select_n3A_491, %add3A_483 : i32, i32, i32, i32, i32
        }
        %add3A_262 = arith.constant 0 : i32
        %add3A_263 = arith.constant 3 : i32
        %add3A_264 = arith.addi %add3A_262, %add3A_263 : i32
        %add3A_265 = arith.constant 1 : i32
        %add3A_266 = arith.addi %select_n3A_177, %add3A_265 : i32
        %lt3A_267 = arith.cmpi ult, %add3A_264, %add3A_266 : i32
        %select_n3A_268 = arith.select %lt3A_267, %add3A_264, %add3A_266 : i32
        %add3A_269 = arith.constant 0 : i32
        %add3A_270 = arith.constant 1 : i32
        %add3A_271 = arith.addi %add3A_269, %add3A_270 : i32
        %select_n3A_272 = arith.constant true
        %select_n3A_273 = arith.constant 0 : i32
        %select_n3A_274 = arith.select %select_n3A_272, %add3A_271, %select_n3A_273 : i32
        %eq3A_275 = arith.constant 4 : i32
        %eq3A_276 = arith.cmpi eq, %select_n3A_274, %eq3A_275 : i32
        %select_n3A_277 = arith.constant 0 : i32
        %select_n3A_278 = arith.select %eq3A_276, %select_n3A_277, %select_n3A_274 : i32
        %add3A_279 = arith.constant 0 : i32
        %add3A_280 = arith.constant 1 : i32
        %add3A_281 = arith.addi %add3A_279, %add3A_280 : i32
        %select_n3A_282 = arith.constant 0 : i32
        %select_n3A_283 = arith.select %eq3A_276, %add3A_281, %select_n3A_282 : i32
        %select_n3A_284 = arith.constant false
        %select_n3A_285 = arith.constant 0 : i32
        %select_n3A_286 = arith.select %select_n3A_284, %select_n3A_285, %select_n3A_283 : i32
        %while3A_287 = arith.constant 0 : i32
        %while3A_288 = arith.constant 0 : i32
        %while3A_289:5 = scf.while (%while3A_457 = %while3A_287, %while3A_458 = %while3A_288, %while3A_459 = %select_n3A_286, %while3A_460 = %select_n3A_278, %while3A_461 = %select_n3A_177) : (i32, i32, i32, i32, i32) -> (i32, i32, i32, i32, i32) {
          %lt3A_462 = arith.cmpi ult, %while3A_461, %select_n3A_268 : i32
          %lt3A_463 = arith.cmpi slt, %while3A_459, %get3A_0 : i32
          %lt3A_464 = arith.constant 4 : i32
          %lt3A_465 = arith.cmpi slt, %while3A_460, %lt3A_464 : i32
          %and3A = arith.constant true
          %and3A_466 = arith.andi %and3A, %lt3A_463 : i1
          %and3A_467 = arith.andi %and3A_466, %lt3A_465 : i1
          %and3A_468 = arith.constant true
          %and3A_469 = arith.andi %and3A_468, %lt3A_462 : i1
          %and3A_470 = arith.andi %and3A_469, %and3A_467 : i1
          scf.condition(%and3A_470) %while3A_457, %while3A_458, %while3A_459, %while3A_460, %while3A_461 : i32, i32, i32, i32, i32
        } do {
        ^bb0(%while3A_457: i32, %while3A_458: i32, %while3A_459: i32, %while3A_460: i32, %while3A_461: i32):
          %add3A_462 = arith.constant 0 : i32
          %add3A_463 = arith.addi %while3A_457, %add3A_462 : i32
          %add3A_464 = arith.constant 0 : i32
          %add3A_465 = arith.addi %while3A_458, %add3A_464 : i32
          %add3A_466 = arith.constant 0 : i32
          %add3A_467 = arith.addi %while3A_459, %add3A_466 : i32
          %add3A_468 = arith.constant 0 : i32
          %add3A_469 = arith.addi %while3A_460, %add3A_468 : i32
          %get3A_470 = arith.index_cast %add3A_463 : i32 to index
          %get3A_471 = memref.load %arg1[%get3A_470] : memref<96xi32, #tpu.memory_space<smem>>
          %get3A_472 = arith.index_cast %add3A_467 : i32 to index
          %get3A_473 = memref.load %arg1[%get3A_472] : memref<96xi32, #tpu.memory_space<smem>>
          %ne3A = arith.cmpi ne, %get3A_471, %get3A_473 : i32
          %ne3A_474 = arith.cmpi ne, %add3A_465, %add3A_469 : i32
          %or3A = arith.constant false
          %or3A_475 = arith.ori %or3A, %ne3A : i1
          %or3A_476 = arith.ori %or3A_475, %ne3A_474 : i1
          %or3A_477 = arith.constant false
          %or3A_478 = arith.ori %or3A_476, %or3A_477 : i1
          %convert_element_type3A_479 = arith.extui %or3A_478 : i1 to i32
          %cond3A_480 = arith.constant 0 : i32
          %cond3A_481 = arith.cmpi ne, %convert_element_type3A_479, %cond3A_480 : i32
          scf.if %cond3A_481 {
            %rem3A_498 = arith.constant 3 : i32
            %rem3A_499 = arith.remui %while3A_461, %rem3A_498 : i32
            %get3A_500 = arith.index_cast %add3A_467 : i32 to index
            %get3A_501 = memref.load %arg1[%get3A_500] : memref<96xi32, #tpu.memory_space<smem>>
            %mul3A_502 = arith.constant 1 : i32
            %mul3A_503 = arith.muli %mul3A_502, %get3A_501 : i32
            %mul3A_504 = arith.constant 512 : i32
            %mul3A_505 = arith.muli %mul3A_504, %add3A_469 : i32
            %dma_start3A_506 = tpu.memref_slice %run_scoped3A_8[%rem3A_499] : memref<3x!tpu.dma_semaphore, #tpu.memory_space<semaphore_mem>> -> memref<1x!tpu.dma_semaphore, #tpu.memory_space<semaphore_mem>>
            %dma_start3A_507 = tpu.memref_squeeze %dma_start3A_506 : memref<1x!tpu.dma_semaphore, #tpu.memory_space<semaphore_mem>> -> memref<!tpu.dma_semaphore, #tpu.memory_space<semaphore_mem>>
            %dma_start3A_508 = arith.constant 0 : i32
            %dma_start3A_509 = arith.constant 0 : i32
            %dma_start3A_510 = arith.constant 0 : i32
            %dma_start3A_511 = tpu.memref_slice %run_scoped3A_7[%rem3A_499, %dma_start3A_508, %dma_start3A_509, %dma_start3A_510] : memref<3x1x512x1024xf32, #tpu.memory_space<vmem>> -> memref<1x1x512x1024xf32, #tpu.memory_space<vmem>>
            %dma_start3A_512 = tpu.memref_squeeze %dma_start3A_511 : memref<1x1x512x1024xf32, #tpu.memory_space<vmem>> -> memref<1x512x1024xf32, #tpu.memory_space<vmem>>
            %dma_start3A_513 = arith.constant 0 : i32
            %dma_start3A_514 = tpu.memref_slice %arg6[%mul3A_503, %mul3A_505, %dma_start3A_513] : memref<64x2048x1024xf32, #tpu.memory_space<any>> -> memref<1x512x1024xf32, #tpu.memory_space<any>>
            tpu.enqueue_dma source(%dma_start3A_514 : memref<1x512x1024xf32, #tpu.memory_space<any>>) target(%dma_start3A_512 : memref<1x512x1024xf32, #tpu.memory_space<vmem>>) target_semaphore(%dma_start3A_507 : memref<!tpu.dma_semaphore, #tpu.memory_space<semaphore_mem>>)
          } else {
          }
          %convert_element_type3A_482 = arith.extui %or3A_478 : i1 to i32
          %add3A_483 = arith.addi %while3A_461, %convert_element_type3A_482 : i32
          %add3A_484 = arith.constant 1 : i32
          %add3A_485 = arith.addi %while3A_460, %add3A_484 : i32
          %select_n3A_486 = arith.constant true
          %select_n3A_487 = arith.select %select_n3A_486, %add3A_485, %while3A_460 : i32
          %eq3A_488 = arith.constant 4 : i32
          %eq3A_489 = arith.cmpi eq, %select_n3A_487, %eq3A_488 : i32
          %select_n3A_490 = arith.constant 0 : i32
          %select_n3A_491 = arith.select %eq3A_489, %select_n3A_490, %select_n3A_487 : i32
          %add3A_492 = arith.constant 1 : i32
          %add3A_493 = arith.addi %while3A_459, %add3A_492 : i32
          %select_n3A_494 = arith.select %eq3A_489, %add3A_493, %while3A_459 : i32
          %select_n3A_495 = arith.constant false
          %select_n3A_496 = arith.constant 0 : i32
          %select_n3A_497 = arith.select %select_n3A_495, %select_n3A_496, %select_n3A_494 : i32
          scf.yield %while3A_459, %while3A_460, %select_n3A_497, %select_n3A_491, %add3A_483 : i32, i32, i32, i32, i32
        }
        %add3A_290 = arith.constant 0 : i32
        %add3A_291 = arith.constant 3 : i32
        %add3A_292 = arith.addi %add3A_290, %add3A_291 : i32
        %add3A_293 = arith.constant 1 : i32
        %add3A_294 = arith.addi %select_n3A_207, %add3A_293 : i32
        %lt3A_295 = arith.cmpi ult, %add3A_292, %add3A_294 : i32
        %select_n3A_296 = arith.select %lt3A_295, %add3A_292, %add3A_294 : i32
        %add3A_297 = arith.constant 0 : i32
        %add3A_298 = arith.constant 1 : i32
        %add3A_299 = arith.addi %add3A_297, %add3A_298 : i32
        %select_n3A_300 = arith.constant true
        %select_n3A_301 = arith.constant 0 : i32
        %select_n3A_302 = arith.select %select_n3A_300, %add3A_299, %select_n3A_301 : i32
        %eq3A_303 = arith.constant 4 : i32
        %eq3A_304 = arith.cmpi eq, %select_n3A_302, %eq3A_303 : i32
        %select_n3A_305 = arith.constant 0 : i32
        %select_n3A_306 = arith.select %eq3A_304, %select_n3A_305, %select_n3A_302 : i32
        %add3A_307 = arith.constant 0 : i32
        %add3A_308 = arith.constant 1 : i32
        %add3A_309 = arith.addi %add3A_307, %add3A_308 : i32
        %select_n3A_310 = arith.constant 0 : i32
        %select_n3A_311 = arith.select %eq3A_304, %add3A_309, %select_n3A_310 : i32
        %select_n3A_312 = arith.constant false
        %select_n3A_313 = arith.constant 0 : i32
        %select_n3A_314 = arith.select %select_n3A_312, %select_n3A_313, %select_n3A_311 : i32
        %while3A_315 = arith.constant 0 : i32
        %while3A_316 = arith.constant 0 : i32
        %while3A_317:5 = scf.while (%while3A_457 = %while3A_315, %while3A_458 = %while3A_316, %while3A_459 = %select_n3A_314, %while3A_460 = %select_n3A_306, %while3A_461 = %select_n3A_207) : (i32, i32, i32, i32, i32) -> (i32, i32, i32, i32, i32) {
          %lt3A_462 = arith.cmpi ult, %while3A_461, %select_n3A_296 : i32
          %lt3A_463 = arith.cmpi slt, %while3A_459, %get3A_0 : i32
          %lt3A_464 = arith.constant 4 : i32
          %lt3A_465 = arith.cmpi slt, %while3A_460, %lt3A_464 : i32
          %and3A = arith.constant true
          %and3A_466 = arith.andi %and3A, %lt3A_463 : i1
          %and3A_467 = arith.andi %and3A_466, %lt3A_465 : i1
          %and3A_468 = arith.constant true
          %and3A_469 = arith.andi %and3A_468, %lt3A_462 : i1
          %and3A_470 = arith.andi %and3A_469, %and3A_467 : i1
          scf.condition(%and3A_470) %while3A_457, %while3A_458, %while3A_459, %while3A_460, %while3A_461 : i32, i32, i32, i32, i32
        } do {
        ^bb0(%while3A_457: i32, %while3A_458: i32, %while3A_459: i32, %while3A_460: i32, %while3A_461: i32):
          %add3A_462 = arith.constant 0 : i32
          %add3A_463 = arith.addi %while3A_457, %add3A_462 : i32
          %add3A_464 = arith.constant 0 : i32
          %add3A_465 = arith.addi %while3A_458, %add3A_464 : i32
          %add3A_466 = arith.constant 0 : i32
          %add3A_467 = arith.addi %while3A_459, %add3A_466 : i32
          %add3A_468 = arith.constant 0 : i32
          %add3A_469 = arith.addi %while3A_460, %add3A_468 : i32
          %get3A_470 = arith.index_cast %add3A_463 : i32 to index
          %get3A_471 = memref.load %arg1[%get3A_470] : memref<96xi32, #tpu.memory_space<smem>>
          %get3A_472 = arith.index_cast %add3A_467 : i32 to index
          %get3A_473 = memref.load %arg1[%get3A_472] : memref<96xi32, #tpu.memory_space<smem>>
          %ne3A = arith.cmpi ne, %get3A_471, %get3A_473 : i32
          %ne3A_474 = arith.cmpi ne, %add3A_465, %add3A_469 : i32
          %or3A = arith.constant false
          %or3A_475 = arith.ori %or3A, %ne3A : i1
          %or3A_476 = arith.ori %or3A_475, %ne3A_474 : i1
          %or3A_477 = arith.constant false
          %or3A_478 = arith.ori %or3A_476, %or3A_477 : i1
          %convert_element_type3A_479 = arith.extui %or3A_478 : i1 to i32
          %cond3A_480 = arith.constant 0 : i32
          %cond3A_481 = arith.cmpi ne, %convert_element_type3A_479, %cond3A_480 : i32
          scf.if %cond3A_481 {
            %rem3A_498 = arith.constant 3 : i32
            %rem3A_499 = arith.remui %while3A_461, %rem3A_498 : i32
            %get3A_500 = arith.index_cast %add3A_467 : i32 to index
            %get3A_501 = memref.load %arg1[%get3A_500] : memref<96xi32, #tpu.memory_space<smem>>
            %mul3A_502 = arith.constant 1 : i32
            %mul3A_503 = arith.muli %mul3A_502, %get3A_501 : i32
            %mul3A_504 = arith.constant 512 : i32
            %mul3A_505 = arith.muli %mul3A_504, %add3A_469 : i32
            %dma_start3A_506 = tpu.memref_slice %run_scoped3A_10[%rem3A_499] : memref<3x!tpu.dma_semaphore, #tpu.memory_space<semaphore_mem>> -> memref<1x!tpu.dma_semaphore, #tpu.memory_space<semaphore_mem>>
            %dma_start3A_507 = tpu.memref_squeeze %dma_start3A_506 : memref<1x!tpu.dma_semaphore, #tpu.memory_space<semaphore_mem>> -> memref<!tpu.dma_semaphore, #tpu.memory_space<semaphore_mem>>
            %dma_start3A_508 = arith.constant 0 : i32
            %dma_start3A_509 = arith.constant 0 : i32
            %dma_start3A_510 = arith.constant 0 : i32
            %dma_start3A_511 = tpu.memref_slice %run_scoped3A_9[%rem3A_499, %dma_start3A_508, %dma_start3A_509, %dma_start3A_510] : memref<3x1x512x1024xf32, #tpu.memory_space<vmem>> -> memref<1x1x512x1024xf32, #tpu.memory_space<vmem>>
            %dma_start3A_512 = tpu.memref_squeeze %dma_start3A_511 : memref<1x1x512x1024xf32, #tpu.memory_space<vmem>> -> memref<1x512x1024xf32, #tpu.memory_space<vmem>>
            %dma_start3A_513 = arith.constant 0 : i32
            %dma_start3A_514 = tpu.memref_slice %arg5[%mul3A_503, %mul3A_505, %dma_start3A_513] : memref<64x2048x1024xf32, #tpu.memory_space<any>> -> memref<1x512x1024xf32, #tpu.memory_space<any>>
            tpu.enqueue_dma source(%dma_start3A_514 : memref<1x512x1024xf32, #tpu.memory_space<any>>) target(%dma_start3A_512 : memref<1x512x1024xf32, #tpu.memory_space<vmem>>) target_semaphore(%dma_start3A_507 : memref<!tpu.dma_semaphore, #tpu.memory_space<semaphore_mem>>)
          } else {
          }
          %convert_element_type3A_482 = arith.extui %or3A_478 : i1 to i32
          %add3A_483 = arith.addi %while3A_461, %convert_element_type3A_482 : i32
          %add3A_484 = arith.constant 1 : i32
          %add3A_485 = arith.addi %while3A_460, %add3A_484 : i32
          %select_n3A_486 = arith.constant true
          %select_n3A_487 = arith.select %select_n3A_486, %add3A_485, %while3A_460 : i32
          %eq3A_488 = arith.constant 4 : i32
          %eq3A_489 = arith.cmpi eq, %select_n3A_487, %eq3A_488 : i32
          %select_n3A_490 = arith.constant 0 : i32
          %select_n3A_491 = arith.select %eq3A_489, %select_n3A_490, %select_n3A_487 : i32
          %add3A_492 = arith.constant 1 : i32
          %add3A_493 = arith.addi %while3A_459, %add3A_492 : i32
          %select_n3A_494 = arith.select %eq3A_489, %add3A_493, %while3A_459 : i32
          %select_n3A_495 = arith.constant false
          %select_n3A_496 = arith.constant 0 : i32
          %select_n3A_497 = arith.select %select_n3A_495, %select_n3A_496, %select_n3A_494 : i32
          scf.yield %while3A_459, %while3A_460, %select_n3A_497, %select_n3A_491, %add3A_483 : i32, i32, i32, i32, i32
        }
        %while3A_318 = arith.constant 0 : i32
        %while3A_319 = arith.constant 0 : i32
        %while3A_320 = arith.constant 0 : i32
        %while3A_321 = arith.constant 0 : i32
        %while3A_322 = arith.constant 0 : i32
        %while3A_323 = arith.constant 0 : i32
        %while3A_324 = arith.constant 0 : i32
        %while3A_325 = arith.constant 0 : i32
        %while3A_326 = arith.constant 0 : i32
        "tpu.trace_stop"() : () -> ()
        %while3A_327 = arith.subi %mul3A_3, %while3A_318 : i32
        %while3A_328 = arith.addi %while3A_318, %while3A_327 : i32
        %while3A_329 = arith.constant 1 : i32
        %while3A_330 = arith.divsi %while3A_327, %while3A_329 : i32
        %while3A_331 = arith.muli %while3A_330, %while3A_329 : i32
        %while3A_332 = arith.addi %while3A_318, %while3A_331 : i32
        %while3A_333 = arith.constant 1 : i32
        %while3A_334:20 = scf.for %while3A_457 = %while3A_318 to %while3A_332 step %while3A_333 iter_args(%while3A_458 = %while3A_233#4, %while3A_459 = %while3A_319, %while3A_460 = %while3A_233#0, %while3A_461 = %while3A_233#1, %while3A_462 = %while3A_261#4, %while3A_463 = %while3A_320, %while3A_464 = %while3A_261#0, %while3A_465 = %while3A_261#1, %while3A_466 = %while3A_289#4, %while3A_467 = %while3A_321, %while3A_468 = %while3A_289#0, %while3A_469 = %while3A_289#1, %while3A_470 = %while3A_317#4, %while3A_471 = %while3A_322, %while3A_472 = %while3A_317#0, %while3A_473 = %while3A_317#1, %while3A_474 = %while3A_323, %while3A_475 = %while3A_324, %while3A_476 = %while3A_325, %while3A_477 = %while3A_326) -> (i32, i32, i32, i32, i32, i32, i32, i32, i32, i32, i32, i32, i32, i32, i32, i32, i32, i32, i32, i32)  : i32 {
          %mul3A_478 = arith.constant 1 : i32
          %mul3A_479 = arith.muli %mul3A_478, %get3A_0 : i32
          %mul3A_480 = arith.constant 4 : i32
          %mul3A_481 = arith.muli %mul3A_479, %mul3A_480 : i32
          %eq3A_482 = arith.constant 0 : i32
          %eq3A_483 = arith.cmpi eq, %while3A_457, %eq3A_482 : i32
          %sub3A_484 = arith.constant 1 : i32
          %sub3A_485 = arith.subi %mul3A_481, %sub3A_484 : i32
          %eq3A_486 = arith.cmpi eq, %while3A_457, %sub3A_485 : i32
          %add3A_487 = arith.constant 0 : i32
          %add3A_488 = arith.addi %while3A_476, %add3A_487 : i32
          %add3A_489 = arith.constant 0 : i32
          %add3A_490 = arith.addi %while3A_477, %add3A_489 : i32
          %sub3A_491 = arith.constant 1 : i32
          %sub3A_492 = arith.subi %while3A_477, %sub3A_491 : i32
          %select_n3A_493 = arith.constant true
          %select_n3A_494 = arith.select %select_n3A_493, %sub3A_492, %while3A_477 : i32
          %eq3A_495 = arith.constant -1 : i32
          %eq3A_496 = arith.cmpi eq, %select_n3A_494, %eq3A_495 : i32
          %select_n3A_497 = arith.constant 3 : i32
          %select_n3A_498 = arith.select %eq3A_496, %select_n3A_497, %select_n3A_494 : i32
          %sub3A_499 = arith.constant 1 : i32
          %sub3A_500 = arith.subi %while3A_476, %sub3A_499 : i32
          %select_n3A_501 = arith.select %eq3A_496, %sub3A_500, %while3A_476 : i32
          %eq3A_502 = arith.constant -1 : i32
          %eq3A_503 = arith.cmpi eq, %select_n3A_501, %eq3A_502 : i32
          %sub3A_504 = arith.constant 1 : i32
          %sub3A_505 = arith.subi %get3A_0, %sub3A_504 : i32
          %select_n3A_506 = arith.select %eq3A_503, %sub3A_505, %select_n3A_501 : i32
          %add3A_507 = arith.constant 0 : i32
          %add3A_508 = arith.addi %select_n3A_506, %add3A_507 : i32
          %add3A_509 = arith.constant 0 : i32
          %add3A_510 = arith.addi %select_n3A_498, %add3A_509 : i32
          %add3A_511 = arith.constant 1 : i32
          %add3A_512 = arith.addi %while3A_477, %add3A_511 : i32
          %select_n3A_513 = arith.constant true
          %select_n3A_514 = arith.select %select_n3A_513, %add3A_512, %while3A_477 : i32
          %eq3A_515 = arith.constant 4 : i32
          %eq3A_516 = arith.cmpi eq, %select_n3A_514, %eq3A_515 : i32
          %select_n3A_517 = arith.constant 0 : i32
          %select_n3A_518 = arith.select %eq3A_516, %select_n3A_517, %select_n3A_514 : i32
          %add3A_519 = arith.constant 1 : i32
          %add3A_520 = arith.addi %while3A_476, %add3A_519 : i32
          %select_n3A_521 = arith.select %eq3A_516, %add3A_520, %while3A_476 : i32
          %eq3A_522 = arith.cmpi eq, %select_n3A_521, %get3A_0 : i32
          %select_n3A_523 = arith.constant 0 : i32
          %select_n3A_524 = arith.select %eq3A_522, %select_n3A_523, %select_n3A_521 : i32
          %add3A_525 = arith.constant 0 : i32
          %add3A_526 = arith.addi %select_n3A_524, %add3A_525 : i32
          %add3A_527 = arith.constant 0 : i32
          %add3A_528 = arith.addi %select_n3A_518, %add3A_527 : i32
          %add3A_529 = arith.constant 1 : i32
          %add3A_530 = arith.addi %select_n3A_518, %add3A_529 : i32
          %select_n3A_531 = arith.constant true
          %select_n3A_532 = arith.select %select_n3A_531, %add3A_530, %select_n3A_518 : i32
          %eq3A_533 = arith.constant 4 : i32
          %eq3A_534 = arith.cmpi eq, %select_n3A_532, %eq3A_533 : i32
          %select_n3A_535 = arith.constant 0 : i32
          %select_n3A_536 = arith.select %eq3A_534, %select_n3A_535, %select_n3A_532 : i32
          %add3A_537 = arith.constant 1 : i32
          %add3A_538 = arith.addi %select_n3A_524, %add3A_537 : i32
          %select_n3A_539 = arith.select %eq3A_534, %add3A_538, %select_n3A_524 : i32
          %eq3A_540 = arith.cmpi eq, %select_n3A_539, %get3A_0 : i32
          %select_n3A_541 = arith.constant 0 : i32
          %select_n3A_542 = arith.select %eq3A_540, %select_n3A_541, %select_n3A_539 : i32
          %add3A_543 = arith.constant 0 : i32
          %add3A_544 = arith.addi %select_n3A_542, %add3A_543 : i32
          %add3A_545 = arith.constant 0 : i32
          %add3A_546 = arith.addi %select_n3A_536, %add3A_545 : i32
          %add3A_547 = arith.constant 1 : i32
          %add3A_548 = arith.addi %select_n3A_536, %add3A_547 : i32
          %select_n3A_549 = arith.constant true
          %select_n3A_550 = arith.select %select_n3A_549, %add3A_548, %select_n3A_536 : i32
          %eq3A_551 = arith.constant 4 : i32
          %eq3A_552 = arith.cmpi eq, %select_n3A_550, %eq3A_551 : i32
          %select_n3A_553 = arith.constant 0 : i32
          %select_n3A_554 = arith.select %eq3A_552, %select_n3A_553, %select_n3A_550 : i32
          %add3A_555 = arith.constant 1 : i32
          %add3A_556 = arith.addi %select_n3A_542, %add3A_555 : i32
          %select_n3A_557 = arith.select %eq3A_552, %add3A_556, %select_n3A_542 : i32
          %eq3A_558 = arith.cmpi eq, %select_n3A_557, %get3A_0 : i32
          %select_n3A_559 = arith.constant 0 : i32
          %select_n3A_560 = arith.select %eq3A_558, %select_n3A_559, %select_n3A_557 : i32
          %add3A_561 = arith.constant 0 : i32
          %add3A_562 = arith.addi %select_n3A_560, %add3A_561 : i32
          %add3A_563 = arith.constant 0 : i32
          %add3A_564 = arith.addi %select_n3A_554, %add3A_563 : i32
          %get3A_565 = arith.index_cast %add3A_526 : i32 to index
          %get3A_566 = memref.load %arg0[%get3A_565] : memref<96xi32, #tpu.memory_space<smem>>
          %get3A_567 = arith.index_cast %add3A_544 : i32 to index
          %get3A_568 = memref.load %arg0[%get3A_567] : memref<96xi32, #tpu.memory_space<smem>>
          %ne3A = arith.cmpi ne, %get3A_566, %get3A_568 : i32
          %or3A = arith.constant false
          %or3A_569 = arith.ori %or3A, %ne3A : i1
          %or3A_570 = arith.constant false
          %or3A_571 = arith.ori %or3A_569, %or3A_570 : i1
          %sub3A_572 = arith.constant 3 : i32
          %sub3A_573 = arith.subi %mul3A_481, %sub3A_572 : i32
          %add3A_574 = arith.constant 1 : i32
          %add3A_575 = arith.addi %sub3A_573, %add3A_574 : i32
          %ge3A = arith.cmpi sge, %while3A_457, %add3A_575 : i32
          %not3A = arith.constant true
          %not3A_576 = arith.xori %ge3A, %not3A : i1
          %and3A = arith.andi %or3A_571, %not3A_576 : i1
          %add3A_577 = arith.constant 3 : i32
          %add3A_578 = arith.addi %while3A_459, %add3A_577 : i32
          %add3A_579 = arith.constant 1 : i32
          %add3A_580 = arith.addi %while3A_461, %add3A_579 : i32
          %select_n3A_581 = arith.constant true
          %select_n3A_582 = arith.select %select_n3A_581, %add3A_580, %while3A_461 : i32
          %eq3A_583 = arith.constant 4 : i32
          %eq3A_584 = arith.cmpi eq, %select_n3A_582, %eq3A_583 : i32
          %select_n3A_585 = arith.constant 0 : i32
          %select_n3A_586 = arith.select %eq3A_584, %select_n3A_585, %select_n3A_582 : i32
          %add3A_587 = arith.constant 1 : i32
          %add3A_588 = arith.addi %while3A_460, %add3A_587 : i32
          %select_n3A_589 = arith.select %eq3A_584, %add3A_588, %while3A_460 : i32
          %select_n3A_590 = arith.constant false
          %select_n3A_591 = arith.constant 0 : i32
          %select_n3A_592 = arith.select %select_n3A_590, %select_n3A_591, %select_n3A_589 : i32
          %while3A_593:5 = scf.while (%while3A_1107 = %while3A_460, %while3A_1108 = %while3A_461, %while3A_1109 = %select_n3A_592, %while3A_1110 = %select_n3A_586, %while3A_1111 = %while3A_458) : (i32, i32, i32, i32, i32) -> (i32, i32, i32, i32, i32) {
            %lt3A_1112 = arith.cmpi ult, %while3A_1111, %add3A_578 : i32
            %lt3A_1113 = arith.cmpi slt, %while3A_1109, %get3A_0 : i32
            %lt3A_1114 = arith.constant 4 : i32
            %lt3A_1115 = arith.cmpi slt, %while3A_1110, %lt3A_1114 : i32
            %and3A_1116 = arith.constant true
            %and3A_1117 = arith.andi %and3A_1116, %lt3A_1113 : i1
            %and3A_1118 = arith.andi %and3A_1117, %lt3A_1115 : i1
            %and3A_1119 = arith.constant true
            %and3A_1120 = arith.andi %and3A_1119, %lt3A_1112 : i1
            %and3A_1121 = arith.andi %and3A_1120, %and3A_1118 : i1
            scf.condition(%and3A_1121) %while3A_1107, %while3A_1108, %while3A_1109, %while3A_1110, %while3A_1111 : i32, i32, i32, i32, i32
          } do {
          ^bb0(%while3A_1107: i32, %while3A_1108: i32, %while3A_1109: i32, %while3A_1110: i32, %while3A_1111: i32):
            %add3A_1112 = arith.constant 0 : i32
            %add3A_1113 = arith.addi %while3A_1107, %add3A_1112 : i32
            %add3A_1114 = arith.constant 0 : i32
            %add3A_1115 = arith.addi %while3A_1108, %add3A_1114 : i32
            %add3A_1116 = arith.constant 0 : i32
            %add3A_1117 = arith.addi %while3A_1109, %add3A_1116 : i32
            %add3A_1118 = arith.constant 0 : i32
            %add3A_1119 = arith.addi %while3A_1110, %add3A_1118 : i32
            %get3A_1120 = arith.index_cast %add3A_1113 : i32 to index
            %get3A_1121 = memref.load %arg0[%get3A_1120] : memref<96xi32, #tpu.memory_space<smem>>
            %get3A_1122 = arith.index_cast %add3A_1117 : i32 to index
            %get3A_1123 = memref.load %arg0[%get3A_1122] : memref<96xi32, #tpu.memory_space<smem>>
            %ne3A_1124 = arith.cmpi ne, %get3A_1121, %get3A_1123 : i32
            %or3A_1125 = arith.constant false
            %or3A_1126 = arith.ori %or3A_1125, %ne3A_1124 : i1
            %or3A_1127 = arith.constant false
            %or3A_1128 = arith.ori %or3A_1126, %or3A_1127 : i1
            %convert_element_type3A_1129 = arith.extui %or3A_1128 : i1 to i32
            %cond3A_1130 = arith.constant 0 : i32
            %cond3A_1131 = arith.cmpi ne, %convert_element_type3A_1129, %cond3A_1130 : i32
            scf.if %cond3A_1131 {
              %rem3A_1148 = arith.constant 3 : i32
              %rem3A_1149 = arith.remui %while3A_1111, %rem3A_1148 : i32
              %get3A_1150 = arith.index_cast %add3A_1117 : i32 to index
              %get3A_1151 = memref.load %arg0[%get3A_1150] : memref<96xi32, #tpu.memory_space<smem>>
              %mul3A_1152 = arith.constant 128 : i32
              %mul3A_1153 = arith.muli %mul3A_1152, %get3A_1151 : i32
              %dma_start3A_1154 = tpu.memref_slice %run_scoped3A_4[%rem3A_1149] : memref<3x!tpu.dma_semaphore, #tpu.memory_space<semaphore_mem>> -> memref<1x!tpu.dma_semaphore, #tpu.memory_space<semaphore_mem>>
              %dma_start3A_1155 = tpu.memref_squeeze %dma_start3A_1154 : memref<1x!tpu.dma_semaphore, #tpu.memory_space<semaphore_mem>> -> memref<!tpu.dma_semaphore, #tpu.memory_space<semaphore_mem>>
              %dma_start3A_1156 = arith.constant 0 : i32
              %dma_start3A_1157 = arith.constant 0 : i32
              %dma_start3A_1158 = tpu.memref_slice %run_scoped3A[%rem3A_1149, %dma_start3A_1156, %dma_start3A_1157] : memref<3x128x1024xf32, #tpu.memory_space<vmem>> -> memref<1x128x1024xf32, #tpu.memory_space<vmem>>
              %dma_start3A_1159 = tpu.memref_squeeze %dma_start3A_1158 : memref<1x128x1024xf32, #tpu.memory_space<vmem>> -> memref<128x1024xf32, #tpu.memory_space<vmem>>
              %dma_start3A_1160 = arith.constant 0 : i32
              %dma_start3A_1161 = tpu.memref_slice %arg3[%mul3A_1153, %dma_start3A_1160] : memref<12288x1024xf32, #tpu.memory_space<any>> -> memref<128x1024xf32, #tpu.memory_space<any>>
              tpu.enqueue_dma source(%dma_start3A_1161 : memref<128x1024xf32, #tpu.memory_space<any>>) target(%dma_start3A_1159 : memref<128x1024xf32, #tpu.memory_space<vmem>>) target_semaphore(%dma_start3A_1155 : memref<!tpu.dma_semaphore, #tpu.memory_space<semaphore_mem>>)
            } else {
            }
            %convert_element_type3A_1132 = arith.extui %or3A_1128 : i1 to i32
            %add3A_1133 = arith.addi %while3A_1111, %convert_element_type3A_1132 : i32
            %add3A_1134 = arith.constant 1 : i32
            %add3A_1135 = arith.addi %while3A_1110, %add3A_1134 : i32
            %select_n3A_1136 = arith.constant true
            %select_n3A_1137 = arith.select %select_n3A_1136, %add3A_1135, %while3A_1110 : i32
            %eq3A_1138 = arith.constant 4 : i32
            %eq3A_1139 = arith.cmpi eq, %select_n3A_1137, %eq3A_1138 : i32
            %select_n3A_1140 = arith.constant 0 : i32
            %select_n3A_1141 = arith.select %eq3A_1139, %select_n3A_1140, %select_n3A_1137 : i32
            %add3A_1142 = arith.constant 1 : i32
            %add3A_1143 = arith.addi %while3A_1109, %add3A_1142 : i32
            %select_n3A_1144 = arith.select %eq3A_1139, %add3A_1143, %while3A_1109 : i32
            %select_n3A_1145 = arith.constant false
            %select_n3A_1146 = arith.constant 0 : i32
            %select_n3A_1147 = arith.select %select_n3A_1145, %select_n3A_1146, %select_n3A_1144 : i32
            scf.yield %while3A_1109, %while3A_1110, %select_n3A_1147, %select_n3A_1141, %add3A_1133 : i32, i32, i32, i32, i32
          }
          %get3A_594 = arith.index_cast %add3A_526 : i32 to index
          %get3A_595 = memref.load %arg1[%get3A_594] : memref<96xi32, #tpu.memory_space<smem>>
          %get3A_596 = arith.index_cast %add3A_544 : i32 to index
          %get3A_597 = memref.load %arg1[%get3A_596] : memref<96xi32, #tpu.memory_space<smem>>
          %ne3A_598 = arith.cmpi ne, %get3A_595, %get3A_597 : i32
          %ne3A_599 = arith.cmpi ne, %add3A_528, %add3A_546 : i32
          %or3A_600 = arith.constant false
          %or3A_601 = arith.ori %or3A_600, %ne3A_598 : i1
          %or3A_602 = arith.ori %or3A_601, %ne3A_599 : i1
          %or3A_603 = arith.constant false
          %or3A_604 = arith.ori %or3A_602, %or3A_603 : i1
          %sub3A_605 = arith.constant 3 : i32
          %sub3A_606 = arith.subi %mul3A_481, %sub3A_605 : i32
          %add3A_607 = arith.constant 1 : i32
          %add3A_608 = arith.addi %sub3A_606, %add3A_607 : i32
          %ge3A_609 = arith.cmpi sge, %while3A_457, %add3A_608 : i32
          %not3A_610 = arith.constant true
          %not3A_611 = arith.xori %ge3A_609, %not3A_610 : i1
          %and3A_612 = arith.andi %or3A_604, %not3A_611 : i1
          %add3A_613 = arith.constant 3 : i32
          %add3A_614 = arith.addi %while3A_463, %add3A_613 : i32
          %add3A_615 = arith.constant 1 : i32
          %add3A_616 = arith.addi %while3A_465, %add3A_615 : i32
          %select_n3A_617 = arith.constant true
          %select_n3A_618 = arith.select %select_n3A_617, %add3A_616, %while3A_465 : i32
          %eq3A_619 = arith.constant 4 : i32
          %eq3A_620 = arith.cmpi eq, %select_n3A_618, %eq3A_619 : i32
          %select_n3A_621 = arith.constant 0 : i32
          %select_n3A_622 = arith.select %eq3A_620, %select_n3A_621, %select_n3A_618 : i32
          %add3A_623 = arith.constant 1 : i32
          %add3A_624 = arith.addi %while3A_464, %add3A_623 : i32
          %select_n3A_625 = arith.select %eq3A_620, %add3A_624, %while3A_464 : i32
          %select_n3A_626 = arith.constant false
          %select_n3A_627 = arith.constant 0 : i32
          %select_n3A_628 = arith.select %select_n3A_626, %select_n3A_627, %select_n3A_625 : i32
          %while3A_629:5 = scf.while (%while3A_1107 = %while3A_464, %while3A_1108 = %while3A_465, %while3A_1109 = %select_n3A_628, %while3A_1110 = %select_n3A_622, %while3A_1111 = %while3A_462) : (i32, i32, i32, i32, i32) -> (i32, i32, i32, i32, i32) {
            %lt3A_1112 = arith.cmpi ult, %while3A_1111, %add3A_614 : i32
            %lt3A_1113 = arith.cmpi slt, %while3A_1109, %get3A_0 : i32
            %lt3A_1114 = arith.constant 4 : i32
            %lt3A_1115 = arith.cmpi slt, %while3A_1110, %lt3A_1114 : i32
            %and3A_1116 = arith.constant true
            %and3A_1117 = arith.andi %and3A_1116, %lt3A_1113 : i1
            %and3A_1118 = arith.andi %and3A_1117, %lt3A_1115 : i1
            %and3A_1119 = arith.constant true
            %and3A_1120 = arith.andi %and3A_1119, %lt3A_1112 : i1
            %and3A_1121 = arith.andi %and3A_1120, %and3A_1118 : i1
            scf.condition(%and3A_1121) %while3A_1107, %while3A_1108, %while3A_1109, %while3A_1110, %while3A_1111 : i32, i32, i32, i32, i32
          } do {
          ^bb0(%while3A_1107: i32, %while3A_1108: i32, %while3A_1109: i32, %while3A_1110: i32, %while3A_1111: i32):
            %add3A_1112 = arith.constant 0 : i32
            %add3A_1113 = arith.addi %while3A_1107, %add3A_1112 : i32
            %add3A_1114 = arith.constant 0 : i32
            %add3A_1115 = arith.addi %while3A_1108, %add3A_1114 : i32
            %add3A_1116 = arith.constant 0 : i32
            %add3A_1117 = arith.addi %while3A_1109, %add3A_1116 : i32
            %add3A_1118 = arith.constant 0 : i32
            %add3A_1119 = arith.addi %while3A_1110, %add3A_1118 : i32
            %get3A_1120 = arith.index_cast %add3A_1113 : i32 to index
            %get3A_1121 = memref.load %arg1[%get3A_1120] : memref<96xi32, #tpu.memory_space<smem>>
            %get3A_1122 = arith.index_cast %add3A_1117 : i32 to index
            %get3A_1123 = memref.load %arg1[%get3A_1122] : memref<96xi32, #tpu.memory_space<smem>>
            %ne3A_1124 = arith.cmpi ne, %get3A_1121, %get3A_1123 : i32
            %ne3A_1125 = arith.cmpi ne, %add3A_1115, %add3A_1119 : i32
            %or3A_1126 = arith.constant false
            %or3A_1127 = arith.ori %or3A_1126, %ne3A_1124 : i1
            %or3A_1128 = arith.ori %or3A_1127, %ne3A_1125 : i1
            %or3A_1129 = arith.constant false
            %or3A_1130 = arith.ori %or3A_1128, %or3A_1129 : i1
            %convert_element_type3A_1131 = arith.extui %or3A_1130 : i1 to i32
            %cond3A_1132 = arith.constant 0 : i32
            %cond3A_1133 = arith.cmpi ne, %convert_element_type3A_1131, %cond3A_1132 : i32
            scf.if %cond3A_1133 {
              %rem3A_1150 = arith.constant 3 : i32
              %rem3A_1151 = arith.remui %while3A_1111, %rem3A_1150 : i32
              %get3A_1152 = arith.index_cast %add3A_1117 : i32 to index
              %get3A_1153 = memref.load %arg1[%get3A_1152] : memref<96xi32, #tpu.memory_space<smem>>
              %mul3A_1154 = arith.constant 1 : i32
              %mul3A_1155 = arith.muli %mul3A_1154, %get3A_1153 : i32
              %mul3A_1156 = arith.constant 512 : i32
              %mul3A_1157 = arith.muli %mul3A_1156, %add3A_1119 : i32
              %dma_start3A_1158 = tpu.memref_slice %run_scoped3A_6[%rem3A_1151] : memref<3x!tpu.dma_semaphore, #tpu.memory_space<semaphore_mem>> -> memref<1x!tpu.dma_semaphore, #tpu.memory_space<semaphore_mem>>
              %dma_start3A_1159 = tpu.memref_squeeze %dma_start3A_1158 : memref<1x!tpu.dma_semaphore, #tpu.memory_space<semaphore_mem>> -> memref<!tpu.dma_semaphore, #tpu.memory_space<semaphore_mem>>
              %dma_start3A_1160 = arith.constant 0 : i32
              %dma_start3A_1161 = arith.constant 0 : i32
              %dma_start3A_1162 = arith.constant 0 : i32
              %dma_start3A_1163 = tpu.memref_slice %run_scoped3A_5[%rem3A_1151, %dma_start3A_1160, %dma_start3A_1161, %dma_start3A_1162] : memref<3x1x512x1024xf32, #tpu.memory_space<vmem>> -> memref<1x1x512x1024xf32, #tpu.memory_space<vmem>>
              %dma_start3A_1164 = tpu.memref_squeeze %dma_start3A_1163 : memref<1x1x512x1024xf32, #tpu.memory_space<vmem>> -> memref<1x512x1024xf32, #tpu.memory_space<vmem>>
              %dma_start3A_1165 = arith.constant 0 : i32
              %dma_start3A_1166 = tpu.memref_slice %arg4[%mul3A_1155, %mul3A_1157, %dma_start3A_1165] : memref<64x2048x1024xf32, #tpu.memory_space<any>> -> memref<1x512x1024xf32, #tpu.memory_space<any>>
              tpu.enqueue_dma source(%dma_start3A_1166 : memref<1x512x1024xf32, #tpu.memory_space<any>>) target(%dma_start3A_1164 : memref<1x512x1024xf32, #tpu.memory_space<vmem>>) target_semaphore(%dma_start3A_1159 : memref<!tpu.dma_semaphore, #tpu.memory_space<semaphore_mem>>)
            } else {
            }
            %convert_element_type3A_1134 = arith.extui %or3A_1130 : i1 to i32
            %add3A_1135 = arith.addi %while3A_1111, %convert_element_type3A_1134 : i32
            %add3A_1136 = arith.constant 1 : i32
            %add3A_1137 = arith.addi %while3A_1110, %add3A_1136 : i32
            %select_n3A_1138 = arith.constant true
            %select_n3A_1139 = arith.select %select_n3A_1138, %add3A_1137, %while3A_1110 : i32
            %eq3A_1140 = arith.constant 4 : i32
            %eq3A_1141 = arith.cmpi eq, %select_n3A_1139, %eq3A_1140 : i32
            %select_n3A_1142 = arith.constant 0 : i32
            %select_n3A_1143 = arith.select %eq3A_1141, %select_n3A_1142, %select_n3A_1139 : i32
            %add3A_1144 = arith.constant 1 : i32
            %add3A_1145 = arith.addi %while3A_1109, %add3A_1144 : i32
            %select_n3A_1146 = arith.select %eq3A_1141, %add3A_1145, %while3A_1109 : i32
            %select_n3A_1147 = arith.constant false
            %select_n3A_1148 = arith.constant 0 : i32
            %select_n3A_1149 = arith.select %select_n3A_1147, %select_n3A_1148, %select_n3A_1146 : i32
            scf.yield %while3A_1109, %while3A_1110, %select_n3A_1149, %select_n3A_1143, %add3A_1135 : i32, i32, i32, i32, i32
          }
          %get3A_630 = arith.index_cast %add3A_526 : i32 to index
          %get3A_631 = memref.load %arg1[%get3A_630] : memref<96xi32, #tpu.memory_space<smem>>
          %get3A_632 = arith.index_cast %add3A_544 : i32 to index
          %get3A_633 = memref.load %arg1[%get3A_632] : memref<96xi32, #tpu.memory_space<smem>>
          %ne3A_634 = arith.cmpi ne, %get3A_631, %get3A_633 : i32
          %ne3A_635 = arith.cmpi ne, %add3A_528, %add3A_546 : i32
          %or3A_636 = arith.constant false
          %or3A_637 = arith.ori %or3A_636, %ne3A_634 : i1
          %or3A_638 = arith.ori %or3A_637, %ne3A_635 : i1
          %or3A_639 = arith.constant false
          %or3A_640 = arith.ori %or3A_638, %or3A_639 : i1
          %sub3A_641 = arith.constant 3 : i32
          %sub3A_642 = arith.subi %mul3A_481, %sub3A_641 : i32
          %add3A_643 = arith.constant 1 : i32
          %add3A_644 = arith.addi %sub3A_642, %add3A_643 : i32
          %ge3A_645 = arith.cmpi sge, %while3A_457, %add3A_644 : i32
          %not3A_646 = arith.constant true
          %not3A_647 = arith.xori %ge3A_645, %not3A_646 : i1
          %and3A_648 = arith.andi %or3A_640, %not3A_647 : i1
          %add3A_649 = arith.constant 3 : i32
          %add3A_650 = arith.addi %while3A_467, %add3A_649 : i32
          %add3A_651 = arith.constant 1 : i32
          %add3A_652 = arith.addi %while3A_469, %add3A_651 : i32
          %select_n3A_653 = arith.constant true
          %select_n3A_654 = arith.select %select_n3A_653, %add3A_652, %while3A_469 : i32
          %eq3A_655 = arith.constant 4 : i32
          %eq3A_656 = arith.cmpi eq, %select_n3A_654, %eq3A_655 : i32
          %select_n3A_657 = arith.constant 0 : i32
          %select_n3A_658 = arith.select %eq3A_656, %select_n3A_657, %select_n3A_654 : i32
          %add3A_659 = arith.constant 1 : i32
          %add3A_660 = arith.addi %while3A_468, %add3A_659 : i32
          %select_n3A_661 = arith.select %eq3A_656, %add3A_660, %while3A_468 : i32
          %select_n3A_662 = arith.constant false
          %select_n3A_663 = arith.constant 0 : i32
          %select_n3A_664 = arith.select %select_n3A_662, %select_n3A_663, %select_n3A_661 : i32
          %while3A_665:5 = scf.while (%while3A_1107 = %while3A_468, %while3A_1108 = %while3A_469, %while3A_1109 = %select_n3A_664, %while3A_1110 = %select_n3A_658, %while3A_1111 = %while3A_466) : (i32, i32, i32, i32, i32) -> (i32, i32, i32, i32, i32) {
            %lt3A_1112 = arith.cmpi ult, %while3A_1111, %add3A_650 : i32
            %lt3A_1113 = arith.cmpi slt, %while3A_1109, %get3A_0 : i32
            %lt3A_1114 = arith.constant 4 : i32
            %lt3A_1115 = arith.cmpi slt, %while3A_1110, %lt3A_1114 : i32
            %and3A_1116 = arith.constant true
            %and3A_1117 = arith.andi %and3A_1116, %lt3A_1113 : i1
            %and3A_1118 = arith.andi %and3A_1117, %lt3A_1115 : i1
            %and3A_1119 = arith.constant true
            %and3A_1120 = arith.andi %and3A_1119, %lt3A_1112 : i1
            %and3A_1121 = arith.andi %and3A_1120, %and3A_1118 : i1
            scf.condition(%and3A_1121) %while3A_1107, %while3A_1108, %while3A_1109, %while3A_1110, %while3A_1111 : i32, i32, i32, i32, i32
          } do {
          ^bb0(%while3A_1107: i32, %while3A_1108: i32, %while3A_1109: i32, %while3A_1110: i32, %while3A_1111: i32):
            %add3A_1112 = arith.constant 0 : i32
            %add3A_1113 = arith.addi %while3A_1107, %add3A_1112 : i32
            %add3A_1114 = arith.constant 0 : i32
            %add3A_1115 = arith.addi %while3A_1108, %add3A_1114 : i32
            %add3A_1116 = arith.constant 0 : i32
            %add3A_1117 = arith.addi %while3A_1109, %add3A_1116 : i32
            %add3A_1118 = arith.constant 0 : i32
            %add3A_1119 = arith.addi %while3A_1110, %add3A_1118 : i32
            %get3A_1120 = arith.index_cast %add3A_1113 : i32 to index
            %get3A_1121 = memref.load %arg1[%get3A_1120] : memref<96xi32, #tpu.memory_space<smem>>
            %get3A_1122 = arith.index_cast %add3A_1117 : i32 to index
            %get3A_1123 = memref.load %arg1[%get3A_1122] : memref<96xi32, #tpu.memory_space<smem>>
            %ne3A_1124 = arith.cmpi ne, %get3A_1121, %get3A_1123 : i32
            %ne3A_1125 = arith.cmpi ne, %add3A_1115, %add3A_1119 : i32
            %or3A_1126 = arith.constant false
            %or3A_1127 = arith.ori %or3A_1126, %ne3A_1124 : i1
            %or3A_1128 = arith.ori %or3A_1127, %ne3A_1125 : i1
            %or3A_1129 = arith.constant false
            %or3A_1130 = arith.ori %or3A_1128, %or3A_1129 : i1
            %convert_element_type3A_1131 = arith.extui %or3A_1130 : i1 to i32
            %cond3A_1132 = arith.constant 0 : i32
            %cond3A_1133 = arith.cmpi ne, %convert_element_type3A_1131, %cond3A_1132 : i32
            scf.if %cond3A_1133 {
              %rem3A_1150 = arith.constant 3 : i32
              %rem3A_1151 = arith.remui %while3A_1111, %rem3A_1150 : i32
              %get3A_1152 = arith.index_cast %add3A_1117 : i32 to index
              %get3A_1153 = memref.load %arg1[%get3A_1152] : memref<96xi32, #tpu.memory_space<smem>>
              %mul3A_1154 = arith.constant 1 : i32
              %mul3A_1155 = arith.muli %mul3A_1154, %get3A_1153 : i32
              %mul3A_1156 = arith.constant 512 : i32
              %mul3A_1157 = arith.muli %mul3A_1156, %add3A_1119 : i32
              %dma_start3A_1158 = tpu.memref_slice %run_scoped3A_8[%rem3A_1151] : memref<3x!tpu.dma_semaphore, #tpu.memory_space<semaphore_mem>> -> memref<1x!tpu.dma_semaphore, #tpu.memory_space<semaphore_mem>>
              %dma_start3A_1159 = tpu.memref_squeeze %dma_start3A_1158 : memref<1x!tpu.dma_semaphore, #tpu.memory_space<semaphore_mem>> -> memref<!tpu.dma_semaphore, #tpu.memory_space<semaphore_mem>>
              %dma_start3A_1160 = arith.constant 0 : i32
              %dma_start3A_1161 = arith.constant 0 : i32
              %dma_start3A_1162 = arith.constant 0 : i32
              %dma_start3A_1163 = tpu.memref_slice %run_scoped3A_7[%rem3A_1151, %dma_start3A_1160, %dma_start3A_1161, %dma_start3A_1162] : memref<3x1x512x1024xf32, #tpu.memory_space<vmem>> -> memref<1x1x512x1024xf32, #tpu.memory_space<vmem>>
              %dma_start3A_1164 = tpu.memref_squeeze %dma_start3A_1163 : memref<1x1x512x1024xf32, #tpu.memory_space<vmem>> -> memref<1x512x1024xf32, #tpu.memory_space<vmem>>
              %dma_start3A_1165 = arith.constant 0 : i32
              %dma_start3A_1166 = tpu.memref_slice %arg6[%mul3A_1155, %mul3A_1157, %dma_start3A_1165] : memref<64x2048x1024xf32, #tpu.memory_space<any>> -> memref<1x512x1024xf32, #tpu.memory_space<any>>
              tpu.enqueue_dma source(%dma_start3A_1166 : memref<1x512x1024xf32, #tpu.memory_space<any>>) target(%dma_start3A_1164 : memref<1x512x1024xf32, #tpu.memory_space<vmem>>) target_semaphore(%dma_start3A_1159 : memref<!tpu.dma_semaphore, #tpu.memory_space<semaphore_mem>>)
            } else {
            }
            %convert_element_type3A_1134 = arith.extui %or3A_1130 : i1 to i32
            %add3A_1135 = arith.addi %while3A_1111, %convert_element_type3A_1134 : i32
            %add3A_1136 = arith.constant 1 : i32
            %add3A_1137 = arith.addi %while3A_1110, %add3A_1136 : i32
            %select_n3A_1138 = arith.constant true
            %select_n3A_1139 = arith.select %select_n3A_1138, %add3A_1137, %while3A_1110 : i32
            %eq3A_1140 = arith.constant 4 : i32
            %eq3A_1141 = arith.cmpi eq, %select_n3A_1139, %eq3A_1140 : i32
            %select_n3A_1142 = arith.constant 0 : i32
            %select_n3A_1143 = arith.select %eq3A_1141, %select_n3A_1142, %select_n3A_1139 : i32
            %add3A_1144 = arith.constant 1 : i32
            %add3A_1145 = arith.addi %while3A_1109, %add3A_1144 : i32
            %select_n3A_1146 = arith.select %eq3A_1141, %add3A_1145, %while3A_1109 : i32
            %select_n3A_1147 = arith.constant false
            %select_n3A_1148 = arith.constant 0 : i32
            %select_n3A_1149 = arith.select %select_n3A_1147, %select_n3A_1148, %select_n3A_1146 : i32
            scf.yield %while3A_1109, %while3A_1110, %select_n3A_1149, %select_n3A_1143, %add3A_1135 : i32, i32, i32, i32, i32
          }
          %get3A_666 = arith.index_cast %add3A_526 : i32 to index
          %get3A_667 = memref.load %arg1[%get3A_666] : memref<96xi32, #tpu.memory_space<smem>>
          %get3A_668 = arith.index_cast %add3A_544 : i32 to index
          %get3A_669 = memref.load %arg1[%get3A_668] : memref<96xi32, #tpu.memory_space<smem>>
          %ne3A_670 = arith.cmpi ne, %get3A_667, %get3A_669 : i32
          %ne3A_671 = arith.cmpi ne, %add3A_528, %add3A_546 : i32
          %or3A_672 = arith.constant false
          %or3A_673 = arith.ori %or3A_672, %ne3A_670 : i1
          %or3A_674 = arith.ori %or3A_673, %ne3A_671 : i1
          %or3A_675 = arith.constant false
          %or3A_676 = arith.ori %or3A_674, %or3A_675 : i1
          %sub3A_677 = arith.constant 3 : i32
          %sub3A_678 = arith.subi %mul3A_481, %sub3A_677 : i32
          %add3A_679 = arith.constant 1 : i32
          %add3A_680 = arith.addi %sub3A_678, %add3A_679 : i32
          %ge3A_681 = arith.cmpi sge, %while3A_457, %add3A_680 : i32
          %not3A_682 = arith.constant true
          %not3A_683 = arith.xori %ge3A_681, %not3A_682 : i1
          %and3A_684 = arith.andi %or3A_676, %not3A_683 : i1
          %add3A_685 = arith.constant 3 : i32
          %add3A_686 = arith.addi %while3A_471, %add3A_685 : i32
          %add3A_687 = arith.constant 1 : i32
          %add3A_688 = arith.addi %while3A_473, %add3A_687 : i32
          %select_n3A_689 = arith.constant true
          %select_n3A_690 = arith.select %select_n3A_689, %add3A_688, %while3A_473 : i32
          %eq3A_691 = arith.constant 4 : i32
          %eq3A_692 = arith.cmpi eq, %select_n3A_690, %eq3A_691 : i32
          %select_n3A_693 = arith.constant 0 : i32
          %select_n3A_694 = arith.select %eq3A_692, %select_n3A_693, %select_n3A_690 : i32
          %add3A_695 = arith.constant 1 : i32
          %add3A_696 = arith.addi %while3A_472, %add3A_695 : i32
          %select_n3A_697 = arith.select %eq3A_692, %add3A_696, %while3A_472 : i32
          %select_n3A_698 = arith.constant false
          %select_n3A_699 = arith.constant 0 : i32
          %select_n3A_700 = arith.select %select_n3A_698, %select_n3A_699, %select_n3A_697 : i32
          %while3A_701:5 = scf.while (%while3A_1107 = %while3A_472, %while3A_1108 = %while3A_473, %while3A_1109 = %select_n3A_700, %while3A_1110 = %select_n3A_694, %while3A_1111 = %while3A_470) : (i32, i32, i32, i32, i32) -> (i32, i32, i32, i32, i32) {
            %lt3A_1112 = arith.cmpi ult, %while3A_1111, %add3A_686 : i32
            %lt3A_1113 = arith.cmpi slt, %while3A_1109, %get3A_0 : i32
            %lt3A_1114 = arith.constant 4 : i32
            %lt3A_1115 = arith.cmpi slt, %while3A_1110, %lt3A_1114 : i32
            %and3A_1116 = arith.constant true
            %and3A_1117 = arith.andi %and3A_1116, %lt3A_1113 : i1
            %and3A_1118 = arith.andi %and3A_1117, %lt3A_1115 : i1
            %and3A_1119 = arith.constant true
            %and3A_1120 = arith.andi %and3A_1119, %lt3A_1112 : i1
            %and3A_1121 = arith.andi %and3A_1120, %and3A_1118 : i1
            scf.condition(%and3A_1121) %while3A_1107, %while3A_1108, %while3A_1109, %while3A_1110, %while3A_1111 : i32, i32, i32, i32, i32
          } do {
          ^bb0(%while3A_1107: i32, %while3A_1108: i32, %while3A_1109: i32, %while3A_1110: i32, %while3A_1111: i32):
            %add3A_1112 = arith.constant 0 : i32
            %add3A_1113 = arith.addi %while3A_1107, %add3A_1112 : i32
            %add3A_1114 = arith.constant 0 : i32
            %add3A_1115 = arith.addi %while3A_1108, %add3A_1114 : i32
            %add3A_1116 = arith.constant 0 : i32
            %add3A_1117 = arith.addi %while3A_1109, %add3A_1116 : i32
            %add3A_1118 = arith.constant 0 : i32
            %add3A_1119 = arith.addi %while3A_1110, %add3A_1118 : i32
            %get3A_1120 = arith.index_cast %add3A_1113 : i32 to index
            %get3A_1121 = memref.load %arg1[%get3A_1120] : memref<96xi32, #tpu.memory_space<smem>>
            %get3A_1122 = arith.index_cast %add3A_1117 : i32 to index
            %get3A_1123 = memref.load %arg1[%get3A_1122] : memref<96xi32, #tpu.memory_space<smem>>
            %ne3A_1124 = arith.cmpi ne, %get3A_1121, %get3A_1123 : i32
            %ne3A_1125 = arith.cmpi ne, %add3A_1115, %add3A_1119 : i32
            %or3A_1126 = arith.constant false
            %or3A_1127 = arith.ori %or3A_1126, %ne3A_1124 : i1
            %or3A_1128 = arith.ori %or3A_1127, %ne3A_1125 : i1
            %or3A_1129 = arith.constant false
            %or3A_1130 = arith.ori %or3A_1128, %or3A_1129 : i1
            %convert_element_type3A_1131 = arith.extui %or3A_1130 : i1 to i32
            %cond3A_1132 = arith.constant 0 : i32
            %cond3A_1133 = arith.cmpi ne, %convert_element_type3A_1131, %cond3A_1132 : i32
            scf.if %cond3A_1133 {
              %rem3A_1150 = arith.constant 3 : i32
              %rem3A_1151 = arith.remui %while3A_1111, %rem3A_1150 : i32
              %get3A_1152 = arith.index_cast %add3A_1117 : i32 to index
              %get3A_1153 = memref.load %arg1[%get3A_1152] : memref<96xi32, #tpu.memory_space<smem>>
              %mul3A_1154 = arith.constant 1 : i32
              %mul3A_1155 = arith.muli %mul3A_1154, %get3A_1153 : i32
              %mul3A_1156 = arith.constant 512 : i32
              %mul3A_1157 = arith.muli %mul3A_1156, %add3A_1119 : i32
              %dma_start3A_1158 = tpu.memref_slice %run_scoped3A_10[%rem3A_1151] : memref<3x!tpu.dma_semaphore, #tpu.memory_space<semaphore_mem>> -> memref<1x!tpu.dma_semaphore, #tpu.memory_space<semaphore_mem>>
              %dma_start3A_1159 = tpu.memref_squeeze %dma_start3A_1158 : memref<1x!tpu.dma_semaphore, #tpu.memory_space<semaphore_mem>> -> memref<!tpu.dma_semaphore, #tpu.memory_space<semaphore_mem>>
              %dma_start3A_1160 = arith.constant 0 : i32
              %dma_start3A_1161 = arith.constant 0 : i32
              %dma_start3A_1162 = arith.constant 0 : i32
              %dma_start3A_1163 = tpu.memref_slice %run_scoped3A_9[%rem3A_1151, %dma_start3A_1160, %dma_start3A_1161, %dma_start3A_1162] : memref<3x1x512x1024xf32, #tpu.memory_space<vmem>> -> memref<1x1x512x1024xf32, #tpu.memory_space<vmem>>
              %dma_start3A_1164 = tpu.memref_squeeze %dma_start3A_1163 : memref<1x1x512x1024xf32, #tpu.memory_space<vmem>> -> memref<1x512x1024xf32, #tpu.memory_space<vmem>>
              %dma_start3A_1165 = arith.constant 0 : i32
              %dma_start3A_1166 = tpu.memref_slice %arg5[%mul3A_1155, %mul3A_1157, %dma_start3A_1165] : memref<64x2048x1024xf32, #tpu.memory_space<any>> -> memref<1x512x1024xf32, #tpu.memory_space<any>>
              tpu.enqueue_dma source(%dma_start3A_1166 : memref<1x512x1024xf32, #tpu.memory_space<any>>) target(%dma_start3A_1164 : memref<1x512x1024xf32, #tpu.memory_space<vmem>>) target_semaphore(%dma_start3A_1159 : memref<!tpu.dma_semaphore, #tpu.memory_space<semaphore_mem>>)
            } else {
            }
            %convert_element_type3A_1134 = arith.extui %or3A_1130 : i1 to i32
            %add3A_1135 = arith.addi %while3A_1111, %convert_element_type3A_1134 : i32
            %add3A_1136 = arith.constant 1 : i32
            %add3A_1137 = arith.addi %while3A_1110, %add3A_1136 : i32
            %select_n3A_1138 = arith.constant true
            %select_n3A_1139 = arith.select %select_n3A_1138, %add3A_1137, %while3A_1110 : i32
            %eq3A_1140 = arith.constant 4 : i32
            %eq3A_1141 = arith.cmpi eq, %select_n3A_1139, %eq3A_1140 : i32
            %select_n3A_1142 = arith.constant 0 : i32
            %select_n3A_1143 = arith.select %eq3A_1141, %select_n3A_1142, %select_n3A_1139 : i32
            %add3A_1144 = arith.constant 1 : i32
            %add3A_1145 = arith.addi %while3A_1109, %add3A_1144 : i32
            %select_n3A_1146 = arith.select %eq3A_1141, %add3A_1145, %while3A_1109 : i32
            %select_n3A_1147 = arith.constant false
            %select_n3A_1148 = arith.constant 0 : i32
            %select_n3A_1149 = arith.select %select_n3A_1147, %select_n3A_1148, %select_n3A_1146 : i32
            scf.yield %while3A_1109, %while3A_1110, %select_n3A_1149, %select_n3A_1143, %add3A_1135 : i32, i32, i32, i32, i32
          }
          %get3A_702 = arith.index_cast %add3A_488 : i32 to index
          %get3A_703 = memref.load %arg0[%get3A_702] : memref<96xi32, #tpu.memory_space<smem>>
          %get3A_704 = arith.index_cast %add3A_526 : i32 to index
          %get3A_705 = memref.load %arg0[%get3A_704] : memref<96xi32, #tpu.memory_space<smem>>
          %ne3A_706 = arith.cmpi ne, %get3A_703, %get3A_705 : i32
          %or3A_707 = arith.constant false
          %or3A_708 = arith.ori %or3A_707, %ne3A_706 : i1
          %or3A_709 = arith.constant false
          %or3A_710 = arith.ori %or3A_708, %or3A_709 : i1
          %sub3A_711 = arith.constant 2 : i32
          %sub3A_712 = arith.subi %mul3A_481, %sub3A_711 : i32
          %add3A_713 = arith.constant 1 : i32
          %add3A_714 = arith.addi %sub3A_712, %add3A_713 : i32
          %ge3A_715 = arith.cmpi sge, %while3A_457, %add3A_714 : i32
          %not3A_716 = arith.constant true
          %not3A_717 = arith.xori %ge3A_715, %not3A_716 : i1
          %and3A_718 = arith.andi %or3A_710, %not3A_717 : i1
          %get3A_719 = arith.index_cast %add3A_488 : i32 to index
          %get3A_720 = memref.load %arg0[%get3A_719] : memref<96xi32, #tpu.memory_space<smem>>
          %get3A_721 = arith.index_cast %add3A_508 : i32 to index
          %get3A_722 = memref.load %arg0[%get3A_721] : memref<96xi32, #tpu.memory_space<smem>>
          %ne3A_723 = arith.cmpi ne, %get3A_720, %get3A_722 : i32
          %or3A_724 = arith.constant false
          %or3A_725 = arith.ori %or3A_724, %ne3A_723 : i1
          %or3A_726 = arith.constant false
          %or3A_727 = arith.ori %or3A_725, %or3A_726 : i1
          %or3A_728 = arith.ori %or3A_727, %eq3A_483 : i1
          %convert_element_type3A_729 = arith.extui %or3A_728 : i1 to i32
          %cond3A_730 = arith.constant 0 : i32
          %cond3A_731 = arith.cmpi ne, %convert_element_type3A_729, %cond3A_730 : i32
          scf.if %cond3A_731 {
            "tpu.trace_start"() <{level = 10 : i32, message = "ep_wait_in"}> : () -> ()
            %get3A_1107 = arith.index_cast %add3A_488 : i32 to index
            %get3A_1108 = memref.load %arg0[%get3A_1107] : memref<96xi32, #tpu.memory_space<smem>>
            %mul3A_1109 = arith.constant 128 : i32
            %mul3A_1110 = arith.muli %mul3A_1109, %get3A_1108 : i32
            %rem3A_1111 = arith.constant 3 : i32
            %rem3A_1112 = arith.remui %while3A_459, %rem3A_1111 : i32
            %dma_wait3A = tpu.memref_slice %run_scoped3A_4[%rem3A_1112] : memref<3x!tpu.dma_semaphore, #tpu.memory_space<semaphore_mem>> -> memref<1x!tpu.dma_semaphore, #tpu.memory_space<semaphore_mem>>
            %dma_wait3A_1113 = tpu.memref_squeeze %dma_wait3A : memref<1x!tpu.dma_semaphore, #tpu.memory_space<semaphore_mem>> -> memref<!tpu.dma_semaphore, #tpu.memory_space<semaphore_mem>>
            %dma_wait3A_1114 = arith.constant 0 : i32
            %dma_wait3A_1115 = arith.constant 0 : i32
            %dma_wait3A_1116 = tpu.memref_slice %run_scoped3A[%rem3A_1112, %dma_wait3A_1114, %dma_wait3A_1115] : memref<3x128x1024xf32, #tpu.memory_space<vmem>> -> memref<1x128x1024xf32, #tpu.memory_space<vmem>>
            %dma_wait3A_1117 = tpu.memref_squeeze %dma_wait3A_1116 : memref<1x128x1024xf32, #tpu.memory_space<vmem>> -> memref<128x1024xf32, #tpu.memory_space<vmem>>
            %dma_wait3A_1118 = arith.constant 0 : i32
            %dma_wait3A_1119 = tpu.memref_slice %arg3[%mul3A_1110, %dma_wait3A_1118] : memref<12288x1024xf32, #tpu.memory_space<any>> -> memref<128x1024xf32, #tpu.memory_space<any>>
            tpu.wait_dma2 semaphore(%dma_wait3A_1113 : memref<!tpu.dma_semaphore, #tpu.memory_space<semaphore_mem>>) src(%dma_wait3A_1119 : memref<128x1024xf32, #tpu.memory_space<any>>) dst(%dma_wait3A_1117 : memref<128x1024xf32, #tpu.memory_space<vmem>>)
            "tpu.trace_stop"() : () -> ()
          } else {
          }
          %get3A_732 = arith.index_cast %add3A_488 : i32 to index
          %get3A_733 = memref.load %arg1[%get3A_732] : memref<96xi32, #tpu.memory_space<smem>>
          %get3A_734 = arith.index_cast %add3A_508 : i32 to index
          %get3A_735 = memref.load %arg1[%get3A_734] : memref<96xi32, #tpu.memory_space<smem>>
          %ne3A_736 = arith.cmpi ne, %get3A_733, %get3A_735 : i32
          %ne3A_737 = arith.cmpi ne, %add3A_490, %add3A_510 : i32
          %or3A_738 = arith.constant false
          %or3A_739 = arith.ori %or3A_738, %ne3A_736 : i1
          %or3A_740 = arith.ori %or3A_739, %ne3A_737 : i1
          %or3A_741 = arith.constant false
          %or3A_742 = arith.ori %or3A_740, %or3A_741 : i1
          %or3A_743 = arith.ori %or3A_742, %eq3A_483 : i1
          %convert_element_type3A_744 = arith.extui %or3A_743 : i1 to i32
          %cond3A_745 = arith.constant 0 : i32
          %cond3A_746 = arith.cmpi ne, %convert_element_type3A_744, %cond3A_745 : i32
          scf.if %cond3A_746 {
            "tpu.trace_start"() <{level = 10 : i32, message = "ep_wait_in"}> : () -> ()
            %get3A_1107 = arith.index_cast %add3A_488 : i32 to index
            %get3A_1108 = memref.load %arg1[%get3A_1107] : memref<96xi32, #tpu.memory_space<smem>>
            %mul3A_1109 = arith.constant 1 : i32
            %mul3A_1110 = arith.muli %mul3A_1109, %get3A_1108 : i32
            %mul3A_1111 = arith.constant 512 : i32
            %mul3A_1112 = arith.muli %mul3A_1111, %add3A_490 : i32
            %rem3A_1113 = arith.constant 3 : i32
            %rem3A_1114 = arith.remui %while3A_463, %rem3A_1113 : i32
            %dma_wait3A = tpu.memref_slice %run_scoped3A_6[%rem3A_1114] : memref<3x!tpu.dma_semaphore, #tpu.memory_space<semaphore_mem>> -> memref<1x!tpu.dma_semaphore, #tpu.memory_space<semaphore_mem>>
            %dma_wait3A_1115 = tpu.memref_squeeze %dma_wait3A : memref<1x!tpu.dma_semaphore, #tpu.memory_space<semaphore_mem>> -> memref<!tpu.dma_semaphore, #tpu.memory_space<semaphore_mem>>
            %dma_wait3A_1116 = arith.constant 0 : i32
            %dma_wait3A_1117 = arith.constant 0 : i32
            %dma_wait3A_1118 = arith.constant 0 : i32
            %dma_wait3A_1119 = tpu.memref_slice %run_scoped3A_5[%rem3A_1114, %dma_wait3A_1116, %dma_wait3A_1117, %dma_wait3A_1118] : memref<3x1x512x1024xf32, #tpu.memory_space<vmem>> -> memref<1x1x512x1024xf32, #tpu.memory_space<vmem>>
            %dma_wait3A_1120 = tpu.memref_squeeze %dma_wait3A_1119 : memref<1x1x512x1024xf32, #tpu.memory_space<vmem>> -> memref<1x512x1024xf32, #tpu.memory_space<vmem>>
            %dma_wait3A_1121 = arith.constant 0 : i32
            %dma_wait3A_1122 = tpu.memref_slice %arg4[%mul3A_1110, %mul3A_1112, %dma_wait3A_1121] : memref<64x2048x1024xf32, #tpu.memory_space<any>> -> memref<1x512x1024xf32, #tpu.memory_space<any>>
            tpu.wait_dma2 semaphore(%dma_wait3A_1115 : memref<!tpu.dma_semaphore, #tpu.memory_space<semaphore_mem>>) src(%dma_wait3A_1122 : memref<1x512x1024xf32, #tpu.memory_space<any>>) dst(%dma_wait3A_1120 : memref<1x512x1024xf32, #tpu.memory_space<vmem>>)
            "tpu.trace_stop"() : () -> ()
          } else {
          }
          %get3A_747 = arith.index_cast %add3A_488 : i32 to index
          %get3A_748 = memref.load %arg1[%get3A_747] : memref<96xi32, #tpu.memory_space<smem>>
          %get3A_749 = arith.index_cast %add3A_508 : i32 to index
          %get3A_750 = memref.load %arg1[%get3A_749] : memref<96xi32, #tpu.memory_space<smem>>
          %ne3A_751 = arith.cmpi ne, %get3A_748, %get3A_750 : i32
          %ne3A_752 = arith.cmpi ne, %add3A_490, %add3A_510 : i32
          %or3A_753 = arith.constant false
          %or3A_754 = arith.ori %or3A_753, %ne3A_751 : i1
          %or3A_755 = arith.ori %or3A_754, %ne3A_752 : i1
          %or3A_756 = arith.constant false
          %or3A_757 = arith.ori %or3A_755, %or3A_756 : i1
          %or3A_758 = arith.ori %or3A_757, %eq3A_483 : i1
          %convert_element_type3A_759 = arith.extui %or3A_758 : i1 to i32
          %cond3A_760 = arith.constant 0 : i32
          %cond3A_761 = arith.cmpi ne, %convert_element_type3A_759, %cond3A_760 : i32
          scf.if %cond3A_761 {
            "tpu.trace_start"() <{level = 10 : i32, message = "ep_wait_in"}> : () -> ()
            %get3A_1107 = arith.index_cast %add3A_488 : i32 to index
            %get3A_1108 = memref.load %arg1[%get3A_1107] : memref<96xi32, #tpu.memory_space<smem>>
            %mul3A_1109 = arith.constant 1 : i32
            %mul3A_1110 = arith.muli %mul3A_1109, %get3A_1108 : i32
            %mul3A_1111 = arith.constant 512 : i32
            %mul3A_1112 = arith.muli %mul3A_1111, %add3A_490 : i32
            %rem3A_1113 = arith.constant 3 : i32
            %rem3A_1114 = arith.remui %while3A_467, %rem3A_1113 : i32
            %dma_wait3A = tpu.memref_slice %run_scoped3A_8[%rem3A_1114] : memref<3x!tpu.dma_semaphore, #tpu.memory_space<semaphore_mem>> -> memref<1x!tpu.dma_semaphore, #tpu.memory_space<semaphore_mem>>
            %dma_wait3A_1115 = tpu.memref_squeeze %dma_wait3A : memref<1x!tpu.dma_semaphore, #tpu.memory_space<semaphore_mem>> -> memref<!tpu.dma_semaphore, #tpu.memory_space<semaphore_mem>>
            %dma_wait3A_1116 = arith.constant 0 : i32
            %dma_wait3A_1117 = arith.constant 0 : i32
            %dma_wait3A_1118 = arith.constant 0 : i32
            %dma_wait3A_1119 = tpu.memref_slice %run_scoped3A_7[%rem3A_1114, %dma_wait3A_1116, %dma_wait3A_1117, %dma_wait3A_1118] : memref<3x1x512x1024xf32, #tpu.memory_space<vmem>> -> memref<1x1x512x1024xf32, #tpu.memory_space<vmem>>
            %dma_wait3A_1120 = tpu.memref_squeeze %dma_wait3A_1119 : memref<1x1x512x1024xf32, #tpu.memory_space<vmem>> -> memref<1x512x1024xf32, #tpu.memory_space<vmem>>
            %dma_wait3A_1121 = arith.constant 0 : i32
            %dma_wait3A_1122 = tpu.memref_slice %arg6[%mul3A_1110, %mul3A_1112, %dma_wait3A_1121] : memref<64x2048x1024xf32, #tpu.memory_space<any>> -> memref<1x512x1024xf32, #tpu.memory_space<any>>
            tpu.wait_dma2 semaphore(%dma_wait3A_1115 : memref<!tpu.dma_semaphore, #tpu.memory_space<semaphore_mem>>) src(%dma_wait3A_1122 : memref<1x512x1024xf32, #tpu.memory_space<any>>) dst(%dma_wait3A_1120 : memref<1x512x1024xf32, #tpu.memory_space<vmem>>)
            "tpu.trace_stop"() : () -> ()
          } else {
          }
          %get3A_762 = arith.index_cast %add3A_488 : i32 to index
          %get3A_763 = memref.load %arg1[%get3A_762] : memref<96xi32, #tpu.memory_space<smem>>
          %get3A_764 = arith.index_cast %add3A_508 : i32 to index
          %get3A_765 = memref.load %arg1[%get3A_764] : memref<96xi32, #tpu.memory_space<smem>>
          %ne3A_766 = arith.cmpi ne, %get3A_763, %get3A_765 : i32
          %ne3A_767 = arith.cmpi ne, %add3A_490, %add3A_510 : i32
          %or3A_768 = arith.constant false
          %or3A_769 = arith.ori %or3A_768, %ne3A_766 : i1
          %or3A_770 = arith.ori %or3A_769, %ne3A_767 : i1
          %or3A_771 = arith.constant false
          %or3A_772 = arith.ori %or3A_770, %or3A_771 : i1
          %or3A_773 = arith.ori %or3A_772, %eq3A_483 : i1
          %convert_element_type3A_774 = arith.extui %or3A_773 : i1 to i32
          %cond3A_775 = arith.constant 0 : i32
          %cond3A_776 = arith.cmpi ne, %convert_element_type3A_774, %cond3A_775 : i32
          scf.if %cond3A_776 {
            "tpu.trace_start"() <{level = 10 : i32, message = "ep_wait_in"}> : () -> ()
            %get3A_1107 = arith.index_cast %add3A_488 : i32 to index
            %get3A_1108 = memref.load %arg1[%get3A_1107] : memref<96xi32, #tpu.memory_space<smem>>
            %mul3A_1109 = arith.constant 1 : i32
            %mul3A_1110 = arith.muli %mul3A_1109, %get3A_1108 : i32
            %mul3A_1111 = arith.constant 512 : i32
            %mul3A_1112 = arith.muli %mul3A_1111, %add3A_490 : i32
            %rem3A_1113 = arith.constant 3 : i32
            %rem3A_1114 = arith.remui %while3A_471, %rem3A_1113 : i32
            %dma_wait3A = tpu.memref_slice %run_scoped3A_10[%rem3A_1114] : memref<3x!tpu.dma_semaphore, #tpu.memory_space<semaphore_mem>> -> memref<1x!tpu.dma_semaphore, #tpu.memory_space<semaphore_mem>>
            %dma_wait3A_1115 = tpu.memref_squeeze %dma_wait3A : memref<1x!tpu.dma_semaphore, #tpu.memory_space<semaphore_mem>> -> memref<!tpu.dma_semaphore, #tpu.memory_space<semaphore_mem>>
            %dma_wait3A_1116 = arith.constant 0 : i32
            %dma_wait3A_1117 = arith.constant 0 : i32
            %dma_wait3A_1118 = arith.constant 0 : i32
            %dma_wait3A_1119 = tpu.memref_slice %run_scoped3A_9[%rem3A_1114, %dma_wait3A_1116, %dma_wait3A_1117, %dma_wait3A_1118] : memref<3x1x512x1024xf32, #tpu.memory_space<vmem>> -> memref<1x1x512x1024xf32, #tpu.memory_space<vmem>>
            %dma_wait3A_1120 = tpu.memref_squeeze %dma_wait3A_1119 : memref<1x1x512x1024xf32, #tpu.memory_space<vmem>> -> memref<1x512x1024xf32, #tpu.memory_space<vmem>>
            %dma_wait3A_1121 = arith.constant 0 : i32
            %dma_wait3A_1122 = tpu.memref_slice %arg5[%mul3A_1110, %mul3A_1112, %dma_wait3A_1121] : memref<64x2048x1024xf32, #tpu.memory_space<any>> -> memref<1x512x1024xf32, #tpu.memory_space<any>>
            tpu.wait_dma2 semaphore(%dma_wait3A_1115 : memref<!tpu.dma_semaphore, #tpu.memory_space<semaphore_mem>>) src(%dma_wait3A_1122 : memref<1x512x1024xf32, #tpu.memory_space<any>>) dst(%dma_wait3A_1120 : memref<1x512x1024xf32, #tpu.memory_space<vmem>>)
            "tpu.trace_stop"() : () -> ()
          } else {
          }
          %get3A_777 = arith.index_cast %add3A_488 : i32 to index
          %get3A_778 = memref.load %arg0[%get3A_777] : memref<96xi32, #tpu.memory_space<smem>>
          %get3A_779 = arith.index_cast %add3A_508 : i32 to index
          %get3A_780 = memref.load %arg0[%get3A_779] : memref<96xi32, #tpu.memory_space<smem>>
          %ne3A_781 = arith.cmpi ne, %get3A_778, %get3A_780 : i32
          %or3A_782 = arith.constant false
          %or3A_783 = arith.ori %or3A_782, %ne3A_781 : i1
          %or3A_784 = arith.constant false
          %or3A_785 = arith.ori %or3A_783, %or3A_784 : i1
          %or3A_786 = arith.ori %or3A_785, %eq3A_483 : i1
          %convert_element_type3A_787 = arith.extui %or3A_786 : i1 to i32
          %cond3A_788 = arith.constant 0 : i32
          %cond3A_789 = arith.cmpi ne, %convert_element_type3A_787, %cond3A_788 : i32
          scf.if %cond3A_789 {
          } else {
          }
          %rem3A_790 = arith.constant 3 : i32
          %rem3A_791 = arith.remui %while3A_459, %rem3A_790 : i32
          %rem3A_792 = arith.constant 3 : i32
          %rem3A_793 = arith.remui %while3A_463, %rem3A_792 : i32
          %rem3A_794 = arith.constant 3 : i32
          %rem3A_795 = arith.remui %while3A_467, %rem3A_794 : i32
          %rem3A_796 = arith.constant 3 : i32
          %rem3A_797 = arith.remui %while3A_471, %rem3A_796 : i32
          %rem3A_798 = arith.constant 2 : i32
          %rem3A_799 = arith.remui %while3A_474, %rem3A_798 : i32
          "tpu.trace_start"() <{level = 10 : i32, message = "ep_run_kernel"}> : () -> ()
          %get3A_800 = arith.index_cast %rem3A_791 : i32 to index
          %get3A_801 = arith.constant 0 : index
          %get3A_802 = arith.constant 0 : index
          %get3A_803 = vector.load %run_scoped3A[%get3A_800, %get3A_801, %get3A_802] : memref<3x128x1024xf32, #tpu.memory_space<vmem>>, vector<1x128x1024xf32>
          %get3A_804 = vector.shape_cast %get3A_803 : vector<1x128x1024xf32> to vector<128x1024xf32>
          %get3A_805 = arith.constant 0 : i32
          %get3A_806 = arith.constant 0 : i32
          %get3A_807 = arith.constant 0 : i32
          %get3A_808 = tpu.memref_slice %run_scoped3A_5[%rem3A_793, %get3A_805, %get3A_806, %get3A_807] : memref<3x1x512x1024xf32, #tpu.memory_space<vmem>> -> memref<1x1x512x1024xf32, #tpu.memory_space<vmem>>
          %get3A_809 = tpu.memref_squeeze %get3A_808 : memref<1x1x512x1024xf32, #tpu.memory_space<vmem>> -> memref<1x512x1024xf32, #tpu.memory_space<vmem>>
          %get3A_810 = arith.constant 0 : index
          %get3A_811 = arith.constant 0 : index
          %get3A_812 = arith.constant 0 : index
          %get3A_813 = vector.load %get3A_809[%get3A_810, %get3A_811, %get3A_812] : memref<1x512x1024xf32, #tpu.memory_space<vmem>>, vector<1x512x1024xf32>
          %get3A_814 = vector.shape_cast %get3A_813 : vector<1x512x1024xf32> to vector<512x1024xf32>
          %get3A_815 = arith.constant 0 : i32
          %get3A_816 = arith.constant 0 : i32
          %get3A_817 = arith.constant 0 : i32
          %get3A_818 = tpu.memref_slice %run_scoped3A_7[%rem3A_795, %get3A_815, %get3A_816, %get3A_817] : memref<3x1x512x1024xf32, #tpu.memory_space<vmem>> -> memref<1x1x512x1024xf32, #tpu.memory_space<vmem>>
          %get3A_819 = tpu.memref_squeeze %get3A_818 : memref<1x1x512x1024xf32, #tpu.memory_space<vmem>> -> memref<1x512x1024xf32, #tpu.memory_space<vmem>>
          %get3A_820 = arith.constant 0 : index
          %get3A_821 = arith.constant 0 : index
          %get3A_822 = arith.constant 0 : index
          %get3A_823 = vector.load %get3A_819[%get3A_820, %get3A_821, %get3A_822] : memref<1x512x1024xf32, #tpu.memory_space<vmem>>, vector<1x512x1024xf32>
          %get3A_824 = vector.shape_cast %get3A_823 : vector<1x512x1024xf32> to vector<512x1024xf32>
          %get3A_825 = arith.constant 0 : i32
          %get3A_826 = arith.constant 0 : i32
          %get3A_827 = arith.constant 0 : i32
          %get3A_828 = tpu.memref_slice %run_scoped3A_9[%rem3A_797, %get3A_825, %get3A_826, %get3A_827] : memref<3x1x512x1024xf32, #tpu.memory_space<vmem>> -> memref<1x1x512x1024xf32, #tpu.memory_space<vmem>>
          %get3A_829 = tpu.memref_squeeze %get3A_828 : memref<1x1x512x1024xf32, #tpu.memory_space<vmem>> -> memref<1x512x1024xf32, #tpu.memory_space<vmem>>
          %get3A_830 = arith.constant 0 : index
          %get3A_831 = arith.constant 0 : index
          %get3A_832 = arith.constant 0 : index
          %get3A_833 = vector.load %get3A_829[%get3A_830, %get3A_831, %get3A_832] : memref<1x512x1024xf32, #tpu.memory_space<vmem>>, vector<1x512x1024xf32>
          %get3A_834 = vector.shape_cast %get3A_833 : vector<1x512x1024xf32> to vector<512x1024xf32>
          %dot_general3A = arith.constant dense<0.000000e+00> : vector<128x512xf32>
          %dot_general3A_835 = tpu.matmul %get3A_804, %get3A_814, %dot_general3A {dimension_numbers = #tpu.dot_dimension_numbers<[1], [1], [0], [0], [0, 0, 1, 0], [], []>, transpose_lhs_hint = false} : vector<128x1024xf32>, vector<512x1024xf32>, vector<128x512xf32> -> vector<128x512xf32>
          %dot_general3A_836 = arith.constant dense<0.000000e+00> : vector<128x512xf32>
          %dot_general3A_837 = tpu.matmul %get3A_804, %get3A_824, %dot_general3A_836 {dimension_numbers = #tpu.dot_dimension_numbers<[1], [1], [0], [0], [0, 0, 1, 0], [], []>, transpose_lhs_hint = false} : vector<128x1024xf32>, vector<512x1024xf32>, vector<128x512xf32> -> vector<128x512xf32>
          %logistic3A = arith.negf %dot_general3A_835 : vector<128x512xf32>
          %logistic3A_838 = math.exp %logistic3A : vector<128x512xf32>
          %logistic3A_839 = arith.constant 1.000000e+00 : f32
          %logistic3A_840 = vector.broadcast %logistic3A_839 : f32 to vector<128x512xf32>
          %logistic3A_841 = arith.addf %logistic3A_840, %logistic3A_838 : vector<128x512xf32>
          %logistic3A_842 = arith.divf %logistic3A_840, %logistic3A_841 : vector<128x512xf32>
          %mul3A_843 = arith.mulf %dot_general3A_835, %logistic3A_842 : vector<128x512xf32>
          %mul3A_844 = arith.mulf %mul3A_843, %dot_general3A_837 : vector<128x512xf32>
          %dot_general3A_845 = arith.constant dense<0.000000e+00> : vector<128x1024xf32>
          %dot_general3A_846 = tpu.matmul %mul3A_844, %get3A_834, %dot_general3A_845 {dimension_numbers = #tpu.dot_dimension_numbers<[1], [0], [0], [1], [0, 0, 1, 1], [], []>, transpose_lhs_hint = false} : vector<128x512xf32>, vector<512x1024xf32>, vector<128x1024xf32> -> vector<128x1024xf32>
          %eq3A_847 = arith.constant 0 : i32
          %eq3A_848 = arith.cmpi eq, %add3A_490, %eq3A_847 : i32
          %convert_element_type3A_849 = arith.extui %eq3A_848 : i1 to i32
          %cond3A_850 = arith.constant 0 : i32
          %cond3A_851 = arith.cmpi ne, %convert_element_type3A_849, %cond3A_850 : i32
          scf.if %cond3A_851 {
            %swap3A = arith.index_cast %rem3A_799 : i32 to index
            %swap3A_1107 = arith.constant 0 : index
            %swap3A_1108 = arith.constant 0 : index
            %swap3A_1109 = vector.load %run_scoped3A_11[%swap3A, %swap3A_1107, %swap3A_1108] : memref<2x128x1024xf32, #tpu.memory_space<vmem>>, vector<1x128x1024xf32>
            %swap3A_1110 = vector.shape_cast %swap3A_1109 : vector<1x128x1024xf32> to vector<128x1024xf32>
            %swap3A_1111 = vector.shape_cast %dot_general3A_846 : vector<128x1024xf32> to vector<1x128x1024xf32>
            tpu.vector_store %run_scoped3A_11[%swap3A, %swap3A_1107, %swap3A_1108], %swap3A_1111 {strides = array<i32>} : memref<2x128x1024xf32, #tpu.memory_space<vmem>>, vector<1x128x1024xf32>,
          } else {
          }
          %ne3A_852 = arith.constant 0 : i32
          %ne3A_853 = arith.cmpi ne, %add3A_490, %ne3A_852 : i32
          %convert_element_type3A_854 = arith.extui %ne3A_853 : i1 to i32
          %cond3A_855 = arith.constant 0 : i32
          %cond3A_856 = arith.cmpi ne, %convert_element_type3A_854, %cond3A_855 : i32
          scf.if %cond3A_856 {
            %get3A_1107 = arith.index_cast %rem3A_799 : i32 to index
            %get3A_1108 = arith.constant 0 : index
            %get3A_1109 = arith.constant 0 : index
            %get3A_1110 = vector.load %run_scoped3A_11[%get3A_1107, %get3A_1108, %get3A_1109] : memref<2x128x1024xf32, #tpu.memory_space<vmem>>, vector<1x128x1024xf32>
            %get3A_1111 = vector.shape_cast %get3A_1110 : vector<1x128x1024xf32> to vector<128x1024xf32>
            %add3A_1112 = arith.addf %get3A_1111, %dot_general3A_846 : vector<128x1024xf32>
            %swap3A = arith.index_cast %rem3A_799 : i32 to index
            %swap3A_1113 = arith.constant 0 : index
            %swap3A_1114 = arith.constant 0 : index
            %swap3A_1115 = vector.load %run_scoped3A_11[%swap3A, %swap3A_1113, %swap3A_1114] : memref<2x128x1024xf32, #tpu.memory_space<vmem>>, vector<1x128x1024xf32>
            %swap3A_1116 = vector.shape_cast %swap3A_1115 : vector<1x128x1024xf32> to vector<128x1024xf32>
            %swap3A_1117 = vector.shape_cast %add3A_1112 : vector<128x1024xf32> to vector<1x128x1024xf32>
            tpu.vector_store %run_scoped3A_11[%swap3A, %swap3A_1113, %swap3A_1114], %swap3A_1117 {strides = array<i32>} : memref<2x128x1024xf32, #tpu.memory_space<vmem>>, vector<1x128x1024xf32>,
          } else {
          }
          "tpu.trace_stop"() : () -> ()
          %get3A_857 = arith.index_cast %add3A_488 : i32 to index
          %get3A_858 = memref.load %arg0[%get3A_857] : memref<96xi32, #tpu.memory_space<smem>>
          %get3A_859 = arith.index_cast %add3A_526 : i32 to index
          %get3A_860 = memref.load %arg0[%get3A_859] : memref<96xi32, #tpu.memory_space<smem>>
          %ne3A_861 = arith.cmpi ne, %get3A_858, %get3A_860 : i32
          %or3A_862 = arith.constant false
          %or3A_863 = arith.ori %or3A_862, %ne3A_861 : i1
          %or3A_864 = arith.constant false
          %or3A_865 = arith.ori %or3A_863, %or3A_864 : i1
          %or3A_866 = arith.ori %or3A_865, %eq3A_486 : i1
          %convert_element_type3A_867 = arith.extui %or3A_866 : i1 to i32
          %cond3A_868 = arith.constant 0 : i32
          %cond3A_869 = arith.cmpi ne, %convert_element_type3A_867, %cond3A_868 : i32
          scf.if %cond3A_869 {
          } else {
          }
          %and3A_870 = arith.constant false
          %and3A_871 = arith.andi %or3A_866, %and3A_870 : i1
          %get3A_872 = arith.index_cast %add3A_488 : i32 to index
          %get3A_873 = memref.load %arg1[%get3A_872] : memref<96xi32, #tpu.memory_space<smem>>
          %get3A_874 = arith.index_cast %add3A_526 : i32 to index
          %get3A_875 = memref.load %arg1[%get3A_874] : memref<96xi32, #tpu.memory_space<smem>>
          %ne3A_876 = arith.cmpi ne, %get3A_873, %get3A_875 : i32
          %ne3A_877 = arith.cmpi ne, %add3A_490, %add3A_528 : i32
          %or3A_878 = arith.constant false
          %or3A_879 = arith.ori %or3A_878, %ne3A_876 : i1
          %or3A_880 = arith.ori %or3A_879, %ne3A_877 : i1
          %or3A_881 = arith.constant false
          %or3A_882 = arith.ori %or3A_880, %or3A_881 : i1
          %or3A_883 = arith.ori %or3A_882, %eq3A_486 : i1
          %convert_element_type3A_884 = arith.extui %or3A_883 : i1 to i32
          %cond3A_885 = arith.constant 0 : i32
          %cond3A_886 = arith.cmpi ne, %convert_element_type3A_884, %cond3A_885 : i32
          scf.if %cond3A_886 {
          } else {
          }
          %and3A_887 = arith.constant false
          %and3A_888 = arith.andi %or3A_883, %and3A_887 : i1
          %get3A_889 = arith.index_cast %add3A_488 : i32 to index
          %get3A_890 = memref.load %arg1[%get3A_889] : memref<96xi32, #tpu.memory_space<smem>>
          %get3A_891 = arith.index_cast %add3A_526 : i32 to index
          %get3A_892 = memref.load %arg1[%get3A_891] : memref<96xi32, #tpu.memory_space<smem>>
          %ne3A_893 = arith.cmpi ne, %get3A_890, %get3A_892 : i32
          %ne3A_894 = arith.cmpi ne, %add3A_490, %add3A_528 : i32
          %or3A_895 = arith.constant false
          %or3A_896 = arith.ori %or3A_895, %ne3A_893 : i1
          %or3A_897 = arith.ori %or3A_896, %ne3A_894 : i1
          %or3A_898 = arith.constant false
          %or3A_899 = arith.ori %or3A_897, %or3A_898 : i1
          %or3A_900 = arith.ori %or3A_899, %eq3A_486 : i1
          %convert_element_type3A_901 = arith.extui %or3A_900 : i1 to i32
          %cond3A_902 = arith.constant 0 : i32
          %cond3A_903 = arith.cmpi ne, %convert_element_type3A_901, %cond3A_902 : i32
          scf.if %cond3A_903 {
          } else {
          }
          %and3A_904 = arith.constant false
          %and3A_905 = arith.andi %or3A_900, %and3A_904 : i1
          %get3A_906 = arith.index_cast %add3A_488 : i32 to index
          %get3A_907 = memref.load %arg1[%get3A_906] : memref<96xi32, #tpu.memory_space<smem>>
          %get3A_908 = arith.index_cast %add3A_526 : i32 to index
          %get3A_909 = memref.load %arg1[%get3A_908] : memref<96xi32, #tpu.memory_space<smem>>
          %ne3A_910 = arith.cmpi ne, %get3A_907, %get3A_909 : i32
          %ne3A_911 = arith.cmpi ne, %add3A_490, %add3A_528 : i32
          %or3A_912 = arith.constant false
          %or3A_913 = arith.ori %or3A_912, %ne3A_910 : i1
          %or3A_914 = arith.ori %or3A_913, %ne3A_911 : i1
          %or3A_915 = arith.constant false
          %or3A_916 = arith.ori %or3A_914, %or3A_915 : i1
          %or3A_917 = arith.ori %or3A_916, %eq3A_486 : i1
          %convert_element_type3A_918 = arith.extui %or3A_917 : i1 to i32
          %cond3A_919 = arith.constant 0 : i32
          %cond3A_920 = arith.cmpi ne, %convert_element_type3A_918, %cond3A_919 : i32
          scf.if %cond3A_920 {
          } else {
          }
          %and3A_921 = arith.constant false
          %and3A_922 = arith.andi %or3A_917, %and3A_921 : i1
          %get3A_923 = arith.index_cast %add3A_488 : i32 to index
          %get3A_924 = memref.load %arg0[%get3A_923] : memref<96xi32, #tpu.memory_space<smem>>
          %get3A_925 = arith.index_cast %add3A_526 : i32 to index
          %get3A_926 = memref.load %arg0[%get3A_925] : memref<96xi32, #tpu.memory_space<smem>>
          %ne3A_927 = arith.cmpi ne, %get3A_924, %get3A_926 : i32
          %or3A_928 = arith.constant false
          %or3A_929 = arith.ori %or3A_928, %ne3A_927 : i1
          %or3A_930 = arith.constant false
          %or3A_931 = arith.ori %or3A_929, %or3A_930 : i1
          %or3A_932 = arith.ori %or3A_931, %eq3A_486 : i1
          %convert_element_type3A_933 = arith.extui %or3A_932 : i1 to i32
          %cond3A_934 = arith.constant 0 : i32
          %cond3A_935 = arith.cmpi ne, %convert_element_type3A_933, %cond3A_934 : i32
          scf.if %cond3A_935 {
            "tpu.trace_start"() <{level = 10 : i32, message = "ep_copy_out"}> : () -> ()
            %rem3A_1107 = arith.constant 2 : i32
            %rem3A_1108 = arith.remui %while3A_474, %rem3A_1107 : i32
            %get3A_1109 = arith.index_cast %add3A_488 : i32 to index
            %get3A_1110 = memref.load %arg0[%get3A_1109] : memref<96xi32, #tpu.memory_space<smem>>
            %mul3A_1111 = arith.constant 128 : i32
            %mul3A_1112 = arith.muli %mul3A_1111, %get3A_1110 : i32
            %dma_start3A_1113 = tpu.memref_slice %run_scoped3A_12[%rem3A_1108] : memref<2x!tpu.dma_semaphore, #tpu.memory_space<semaphore_mem>> -> memref<1x!tpu.dma_semaphore, #tpu.memory_space<semaphore_mem>>
            %dma_start3A_1114 = tpu.memref_squeeze %dma_start3A_1113 : memref<1x!tpu.dma_semaphore, #tpu.memory_space<semaphore_mem>> -> memref<!tpu.dma_semaphore, #tpu.memory_space<semaphore_mem>>
            %dma_start3A_1115 = arith.constant 0 : i32
            %dma_start3A_1116 = tpu.memref_slice %arg7[%mul3A_1112, %dma_start3A_1115] : memref<12288x1024xf32, #tpu.memory_space<any>> -> memref<128x1024xf32, #tpu.memory_space<any>>
            %dma_start3A_1117 = arith.constant 0 : i32
            %dma_start3A_1118 = arith.constant 0 : i32
            %dma_start3A_1119 = tpu.memref_slice %run_scoped3A_11[%rem3A_1108, %dma_start3A_1117, %dma_start3A_1118] : memref<2x128x1024xf32, #tpu.memory_space<vmem>> -> memref<1x128x1024xf32, #tpu.memory_space<vmem>>
            %dma_start3A_1120 = tpu.memref_squeeze %dma_start3A_1119 : memref<1x128x1024xf32, #tpu.memory_space<vmem>> -> memref<128x1024xf32, #tpu.memory_space<vmem>>
            tpu.enqueue_dma source(%dma_start3A_1120 : memref<128x1024xf32, #tpu.memory_space<vmem>>) target(%dma_start3A_1116 : memref<128x1024xf32, #tpu.memory_space<any>>) target_semaphore(%dma_start3A_1114 : memref<!tpu.dma_semaphore, #tpu.memory_space<semaphore_mem>>)
            "tpu.trace_stop"() : () -> ()
          } else {
          }
          %and3A_936 = arith.constant true
          %and3A_937 = arith.andi %or3A_932, %and3A_936 : i1
          %add3A_938 = arith.constant 1 : i32
          %add3A_939 = arith.addi %while3A_474, %add3A_938 : i32
          %select_n3A_940 = arith.select %and3A_937, %add3A_939, %while3A_474 : i32
          %get3A_941 = arith.index_cast %add3A_488 : i32 to index
          %get3A_942 = memref.load %arg0[%get3A_941] : memref<96xi32, #tpu.memory_space<smem>>
          %get3A_943 = arith.index_cast %add3A_508 : i32 to index
          %get3A_944 = memref.load %arg0[%get3A_943] : memref<96xi32, #tpu.memory_space<smem>>
          %ne3A_945 = arith.cmpi ne, %get3A_942, %get3A_944 : i32
          %or3A_946 = arith.constant false
          %or3A_947 = arith.ori %or3A_946, %ne3A_945 : i1
          %or3A_948 = arith.constant false
          %or3A_949 = arith.ori %or3A_947, %or3A_948 : i1
          %not3A_950 = arith.constant true
          %not3A_951 = arith.xori %eq3A_483, %not3A_950 : i1
          %and3A_952 = arith.andi %or3A_949, %not3A_951 : i1
          %convert_element_type3A_953 = arith.extui %and3A_952 : i1 to i32
          %cond3A_954 = arith.constant 0 : i32
          %cond3A_955 = arith.cmpi ne, %convert_element_type3A_953, %cond3A_954 : i32
          scf.if %cond3A_955 {
          } else {
          }
          %and3A_956 = arith.constant false
          %and3A_957 = arith.andi %and3A_952, %and3A_956 : i1
          %get3A_958 = arith.index_cast %add3A_488 : i32 to index
          %get3A_959 = memref.load %arg1[%get3A_958] : memref<96xi32, #tpu.memory_space<smem>>
          %get3A_960 = arith.index_cast %add3A_508 : i32 to index
          %get3A_961 = memref.load %arg1[%get3A_960] : memref<96xi32, #tpu.memory_space<smem>>
          %ne3A_962 = arith.cmpi ne, %get3A_959, %get3A_961 : i32
          %ne3A_963 = arith.cmpi ne, %add3A_490, %add3A_510 : i32
          %or3A_964 = arith.constant false
          %or3A_965 = arith.ori %or3A_964, %ne3A_962 : i1
          %or3A_966 = arith.ori %or3A_965, %ne3A_963 : i1
          %or3A_967 = arith.constant false
          %or3A_968 = arith.ori %or3A_966, %or3A_967 : i1
          %not3A_969 = arith.constant true
          %not3A_970 = arith.xori %eq3A_483, %not3A_969 : i1
          %and3A_971 = arith.andi %or3A_968, %not3A_970 : i1
          %convert_element_type3A_972 = arith.extui %and3A_971 : i1 to i32
          %cond3A_973 = arith.constant 0 : i32
          %cond3A_974 = arith.cmpi ne, %convert_element_type3A_972, %cond3A_973 : i32
          scf.if %cond3A_974 {
          } else {
          }
          %and3A_975 = arith.constant false
          %and3A_976 = arith.andi %and3A_971, %and3A_975 : i1
          %get3A_977 = arith.index_cast %add3A_488 : i32 to index
          %get3A_978 = memref.load %arg1[%get3A_977] : memref<96xi32, #tpu.memory_space<smem>>
          %get3A_979 = arith.index_cast %add3A_508 : i32 to index
          %get3A_980 = memref.load %arg1[%get3A_979] : memref<96xi32, #tpu.memory_space<smem>>
          %ne3A_981 = arith.cmpi ne, %get3A_978, %get3A_980 : i32
          %ne3A_982 = arith.cmpi ne, %add3A_490, %add3A_510 : i32
          %or3A_983 = arith.constant false
          %or3A_984 = arith.ori %or3A_983, %ne3A_981 : i1
          %or3A_985 = arith.ori %or3A_984, %ne3A_982 : i1
          %or3A_986 = arith.constant false
          %or3A_987 = arith.ori %or3A_985, %or3A_986 : i1
          %not3A_988 = arith.constant true
          %not3A_989 = arith.xori %eq3A_483, %not3A_988 : i1
          %and3A_990 = arith.andi %or3A_987, %not3A_989 : i1
          %convert_element_type3A_991 = arith.extui %and3A_990 : i1 to i32
          %cond3A_992 = arith.constant 0 : i32
          %cond3A_993 = arith.cmpi ne, %convert_element_type3A_991, %cond3A_992 : i32
          scf.if %cond3A_993 {
          } else {
          }
          %and3A_994 = arith.constant false
          %and3A_995 = arith.andi %and3A_990, %and3A_994 : i1
          %get3A_996 = arith.index_cast %add3A_488 : i32 to index
          %get3A_997 = memref.load %arg1[%get3A_996] : memref<96xi32, #tpu.memory_space<smem>>
          %get3A_998 = arith.index_cast %add3A_508 : i32 to index
          %get3A_999 = memref.load %arg1[%get3A_998] : memref<96xi32, #tpu.memory_space<smem>>
          %ne3A_1000 = arith.cmpi ne, %get3A_997, %get3A_999 : i32
          %ne3A_1001 = arith.cmpi ne, %add3A_490, %add3A_510 : i32
          %or3A_1002 = arith.constant false
          %or3A_1003 = arith.ori %or3A_1002, %ne3A_1000 : i1
          %or3A_1004 = arith.ori %or3A_1003, %ne3A_1001 : i1
          %or3A_1005 = arith.constant false
          %or3A_1006 = arith.ori %or3A_1004, %or3A_1005 : i1
          %not3A_1007 = arith.constant true
          %not3A_1008 = arith.xori %eq3A_483, %not3A_1007 : i1
          %and3A_1009 = arith.andi %or3A_1006, %not3A_1008 : i1
          %convert_element_type3A_1010 = arith.extui %and3A_1009 : i1 to i32
          %cond3A_1011 = arith.constant 0 : i32
          %cond3A_1012 = arith.cmpi ne, %convert_element_type3A_1010, %cond3A_1011 : i32
          scf.if %cond3A_1012 {
          } else {
          }
          %and3A_1013 = arith.constant false
          %and3A_1014 = arith.andi %and3A_1009, %and3A_1013 : i1
          %get3A_1015 = arith.index_cast %add3A_488 : i32 to index
          %get3A_1016 = memref.load %arg0[%get3A_1015] : memref<96xi32, #tpu.memory_space<smem>>
          %get3A_1017 = arith.index_cast %add3A_508 : i32 to index
          %get3A_1018 = memref.load %arg0[%get3A_1017] : memref<96xi32, #tpu.memory_space<smem>>
          %ne3A_1019 = arith.cmpi ne, %get3A_1016, %get3A_1018 : i32
          %or3A_1020 = arith.constant false
          %or3A_1021 = arith.ori %or3A_1020, %ne3A_1019 : i1
          %or3A_1022 = arith.constant false
          %or3A_1023 = arith.ori %or3A_1021, %or3A_1022 : i1
          %not3A_1024 = arith.constant true
          %not3A_1025 = arith.xori %eq3A_483, %not3A_1024 : i1
          %and3A_1026 = arith.andi %or3A_1023, %not3A_1025 : i1
          %convert_element_type3A_1027 = arith.extui %and3A_1026 : i1 to i32
          %cond3A_1028 = arith.constant 0 : i32
          %cond3A_1029 = arith.cmpi ne, %convert_element_type3A_1027, %cond3A_1028 : i32
          scf.if %cond3A_1029 {
            "tpu.trace_start"() <{level = 10 : i32, message = "ep_wait_out"}> : () -> ()
            %rem3A_1107 = arith.constant 2 : i32
            %rem3A_1108 = arith.remui %while3A_475, %rem3A_1107 : i32
            %get3A_1109 = arith.index_cast %add3A_508 : i32 to index
            %get3A_1110 = memref.load %arg0[%get3A_1109] : memref<96xi32, #tpu.memory_space<smem>>
            %mul3A_1111 = arith.constant 128 : i32
            %mul3A_1112 = arith.muli %mul3A_1111, %get3A_1110 : i32
            %dma_wait3A = tpu.memref_slice %run_scoped3A_12[%rem3A_1108] : memref<2x!tpu.dma_semaphore, #tpu.memory_space<semaphore_mem>> -> memref<1x!tpu.dma_semaphore, #tpu.memory_space<semaphore_mem>>
            %dma_wait3A_1113 = tpu.memref_squeeze %dma_wait3A : memref<1x!tpu.dma_semaphore, #tpu.memory_space<semaphore_mem>> -> memref<!tpu.dma_semaphore, #tpu.memory_space<semaphore_mem>>
            %dma_wait3A_1114 = arith.constant 0 : i32
            %dma_wait3A_1115 = tpu.memref_slice %arg7[%mul3A_1112, %dma_wait3A_1114] : memref<12288x1024xf32, #tpu.memory_space<any>> -> memref<128x1024xf32, #tpu.memory_space<any>>
            %dma_wait3A_1116 = arith.constant 0 : i32
            %dma_wait3A_1117 = arith.constant 0 : i32
            %dma_wait3A_1118 = tpu.memref_slice %run_scoped3A_11[%rem3A_1108, %dma_wait3A_1116, %dma_wait3A_1117] : memref<2x128x1024xf32, #tpu.memory_space<vmem>> -> memref<1x128x1024xf32, #tpu.memory_space<vmem>>
            %dma_wait3A_1119 = tpu.memref_squeeze %dma_wait3A_1118 : memref<1x128x1024xf32, #tpu.memory_space<vmem>> -> memref<128x1024xf32, #tpu.memory_space<vmem>>
            tpu.wait_dma2 semaphore(%dma_wait3A_1113 : memref<!tpu.dma_semaphore, #tpu.memory_space<semaphore_mem>>) src(%dma_wait3A_1119 : memref<128x1024xf32, #tpu.memory_space<vmem>>) dst(%dma_wait3A_1115 : memref<128x1024xf32, #tpu.memory_space<any>>)
            "tpu.trace_stop"() : () -> ()
          } else {
          }
          %and3A_1030 = arith.constant true
          %and3A_1031 = arith.andi %and3A_1026, %and3A_1030 : i1
          %add3A_1032 = arith.constant 1 : i32
          %add3A_1033 = arith.addi %while3A_475, %add3A_1032 : i32
          %select_n3A_1034 = arith.select %and3A_1031, %add3A_1033, %while3A_475 : i32
          %get3A_1035 = arith.index_cast %add3A_488 : i32 to index
          %get3A_1036 = memref.load %arg0[%get3A_1035] : memref<96xi32, #tpu.memory_space<smem>>
          %get3A_1037 = arith.index_cast %add3A_526 : i32 to index
          %get3A_1038 = memref.load %arg0[%get3A_1037] : memref<96xi32, #tpu.memory_space<smem>>
          %ne3A_1039 = arith.cmpi ne, %get3A_1036, %get3A_1038 : i32
          %or3A_1040 = arith.constant false
          %or3A_1041 = arith.ori %or3A_1040, %ne3A_1039 : i1
          %or3A_1042 = arith.constant false
          %or3A_1043 = arith.ori %or3A_1041, %or3A_1042 : i1
          %or3A_1044 = arith.ori %or3A_1043, %eq3A_486 : i1
          %add3A_1045 = arith.constant 1 : i32
          %add3A_1046 = arith.addi %while3A_459, %add3A_1045 : i32
          %select_n3A_1047 = arith.select %or3A_1044, %add3A_1046, %while3A_459 : i32
          %get3A_1048 = arith.index_cast %add3A_488 : i32 to index
          %get3A_1049 = memref.load %arg1[%get3A_1048] : memref<96xi32, #tpu.memory_space<smem>>
          %get3A_1050 = arith.index_cast %add3A_526 : i32 to index
          %get3A_1051 = memref.load %arg1[%get3A_1050] : memref<96xi32, #tpu.memory_space<smem>>
          %ne3A_1052 = arith.cmpi ne, %get3A_1049, %get3A_1051 : i32
          %ne3A_1053 = arith.cmpi ne, %add3A_490, %add3A_528 : i32
          %or3A_1054 = arith.constant false
          %or3A_1055 = arith.ori %or3A_1054, %ne3A_1052 : i1
          %or3A_1056 = arith.ori %or3A_1055, %ne3A_1053 : i1
          %or3A_1057 = arith.constant false
          %or3A_1058 = arith.ori %or3A_1056, %or3A_1057 : i1
          %or3A_1059 = arith.ori %or3A_1058, %eq3A_486 : i1
          %add3A_1060 = arith.constant 1 : i32
          %add3A_1061 = arith.addi %while3A_463, %add3A_1060 : i32
          %select_n3A_1062 = arith.select %or3A_1059, %add3A_1061, %while3A_463 : i32
          %get3A_1063 = arith.index_cast %add3A_488 : i32 to index
          %get3A_1064 = memref.load %arg1[%get3A_1063] : memref<96xi32, #tpu.memory_space<smem>>
          %get3A_1065 = arith.index_cast %add3A_526 : i32 to index
          %get3A_1066 = memref.load %arg1[%get3A_1065] : memref<96xi32, #tpu.memory_space<smem>>
          %ne3A_1067 = arith.cmpi ne, %get3A_1064, %get3A_1066 : i32
          %ne3A_1068 = arith.cmpi ne, %add3A_490, %add3A_528 : i32
          %or3A_1069 = arith.constant false
          %or3A_1070 = arith.ori %or3A_1069, %ne3A_1067 : i1
          %or3A_1071 = arith.ori %or3A_1070, %ne3A_1068 : i1
          %or3A_1072 = arith.constant false
          %or3A_1073 = arith.ori %or3A_1071, %or3A_1072 : i1
          %or3A_1074 = arith.ori %or3A_1073, %eq3A_486 : i1
          %add3A_1075 = arith.constant 1 : i32
          %add3A_1076 = arith.addi %while3A_467, %add3A_1075 : i32
          %select_n3A_1077 = arith.select %or3A_1074, %add3A_1076, %while3A_467 : i32
          %get3A_1078 = arith.index_cast %add3A_488 : i32 to index
          %get3A_1079 = memref.load %arg1[%get3A_1078] : memref<96xi32, #tpu.memory_space<smem>>
          %get3A_1080 = arith.index_cast %add3A_526 : i32 to index
          %get3A_1081 = memref.load %arg1[%get3A_1080] : memref<96xi32, #tpu.memory_space<smem>>
          %ne3A_1082 = arith.cmpi ne, %get3A_1079, %get3A_1081 : i32
          %ne3A_1083 = arith.cmpi ne, %add3A_490, %add3A_528 : i32
          %or3A_1084 = arith.constant false
          %or3A_1085 = arith.ori %or3A_1084, %ne3A_1082 : i1
          %or3A_1086 = arith.ori %or3A_1085, %ne3A_1083 : i1
          %or3A_1087 = arith.constant false
          %or3A_1088 = arith.ori %or3A_1086, %or3A_1087 : i1
          %or3A_1089 = arith.ori %or3A_1088, %eq3A_486 : i1
          %add3A_1090 = arith.constant 1 : i32
          %add3A_1091 = arith.addi %while3A_471, %add3A_1090 : i32
          %select_n3A_1092 = arith.select %or3A_1089, %add3A_1091, %while3A_471 : i32
          %add3A_1093 = arith.constant 1 : i32
          %add3A_1094 = arith.addi %while3A_477, %add3A_1093 : i32
          %select_n3A_1095 = arith.constant true
          %select_n3A_1096 = arith.select %select_n3A_1095, %add3A_1094, %while3A_477 : i32
          %eq3A_1097 = arith.constant 4 : i32
          %eq3A_1098 = arith.cmpi eq, %select_n3A_1096, %eq3A_1097 : i32
          %select_n3A_1099 = arith.constant 0 : i32
          %select_n3A_1100 = arith.select %eq3A_1098, %select_n3A_1099, %select_n3A_1096 : i32
          %add3A_1101 = arith.constant 1 : i32
          %add3A_1102 = arith.addi %while3A_476, %add3A_1101 : i32
          %select_n3A_1103 = arith.select %eq3A_1098, %add3A_1102, %while3A_476 : i32
          %eq3A_1104 = arith.cmpi eq, %select_n3A_1103, %get3A_0 : i32
          %select_n3A_1105 = arith.constant 0 : i32
          %select_n3A_1106 = arith.select %eq3A_1104, %select_n3A_1105, %select_n3A_1103 : i32
          scf.yield %while3A_593#4, %select_n3A_1047, %while3A_593#0, %while3A_593#1, %while3A_629#4, %select_n3A_1062, %while3A_629#0, %while3A_629#1, %while3A_665#4, %select_n3A_1077, %while3A_665#0, %while3A_665#1, %while3A_701#4, %select_n3A_1092, %while3A_701#0, %while3A_701#1, %select_n3A_940, %select_n3A_1034, %select_n3A_1106, %select_n3A_1100 : i32, i32, i32, i32, i32, i32, i32, i32, i32, i32, i32, i32, i32, i32, i32, i32, i32, i32, i32, i32
        }
        %while3A_335 = arith.constant 1 : i32
        %while3A_336:20 = scf.for %while3A_457 = %while3A_332 to %while3A_328 step %while3A_335 iter_args(%while3A_458 = %while3A_334#0, %while3A_459 = %while3A_334#1, %while3A_460 = %while3A_334#2, %while3A_461 = %while3A_334#3, %while3A_462 = %while3A_334#4, %while3A_463 = %while3A_334#5, %while3A_464 = %while3A_334#6, %while3A_465 = %while3A_334#7, %while3A_466 = %while3A_334#8, %while3A_467 = %while3A_334#9, %while3A_468 = %while3A_334#10, %while3A_469 = %while3A_334#11, %while3A_470 = %while3A_334#12, %while3A_471 = %while3A_334#13, %while3A_472 = %while3A_334#14, %while3A_473 = %while3A_334#15, %while3A_474 = %while3A_334#16, %while3A_475 = %while3A_334#17, %while3A_476 = %while3A_334#18, %while3A_477 = %while3A_334#19) -> (i32, i32, i32, i32, i32, i32, i32, i32, i32, i32, i32, i32, i32, i32, i32, i32, i32, i32, i32, i32)  : i32 {
          %mul3A_478 = arith.constant 1 : i32
          %mul3A_479 = arith.muli %mul3A_478, %get3A_0 : i32
          %mul3A_480 = arith.constant 4 : i32
          %mul3A_481 = arith.muli %mul3A_479, %mul3A_480 : i32
          %eq3A_482 = arith.constant 0 : i32
          %eq3A_483 = arith.cmpi eq, %while3A_457, %eq3A_482 : i32
          %sub3A_484 = arith.constant 1 : i32
          %sub3A_485 = arith.subi %mul3A_481, %sub3A_484 : i32
          %eq3A_486 = arith.cmpi eq, %while3A_457, %sub3A_485 : i32
          %add3A_487 = arith.constant 0 : i32
          %add3A_488 = arith.addi %while3A_476, %add3A_487 : i32
          %add3A_489 = arith.constant 0 : i32
          %add3A_490 = arith.addi %while3A_477, %add3A_489 : i32
          %sub3A_491 = arith.constant 1 : i32
          %sub3A_492 = arith.subi %while3A_477, %sub3A_491 : i32
          %select_n3A_493 = arith.constant true
          %select_n3A_494 = arith.select %select_n3A_493, %sub3A_492, %while3A_477 : i32
          %eq3A_495 = arith.constant -1 : i32
          %eq3A_496 = arith.cmpi eq, %select_n3A_494, %eq3A_495 : i32
          %select_n3A_497 = arith.constant 3 : i32
          %select_n3A_498 = arith.select %eq3A_496, %select_n3A_497, %select_n3A_494 : i32
          %sub3A_499 = arith.constant 1 : i32
          %sub3A_500 = arith.subi %while3A_476, %sub3A_499 : i32
          %select_n3A_501 = arith.select %eq3A_496, %sub3A_500, %while3A_476 : i32
          %eq3A_502 = arith.constant -1 : i32
          %eq3A_503 = arith.cmpi eq, %select_n3A_501, %eq3A_502 : i32
          %sub3A_504 = arith.constant 1 : i32
          %sub3A_505 = arith.subi %get3A_0, %sub3A_504 : i32
          %select_n3A_506 = arith.select %eq3A_503, %sub3A_505, %select_n3A_501 : i32
          %add3A_507 = arith.constant 0 : i32
          %add3A_508 = arith.addi %select_n3A_506, %add3A_507 : i32
          %add3A_509 = arith.constant 0 : i32
          %add3A_510 = arith.addi %select_n3A_498, %add3A_509 : i32
          %add3A_511 = arith.constant 1 : i32
          %add3A_512 = arith.addi %while3A_477, %add3A_511 : i32
          %select_n3A_513 = arith.constant true
          %select_n3A_514 = arith.select %select_n3A_513, %add3A_512, %while3A_477 : i32
          %eq3A_515 = arith.constant 4 : i32
          %eq3A_516 = arith.cmpi eq, %select_n3A_514, %eq3A_515 : i32
          %select_n3A_517 = arith.constant 0 : i32
          %select_n3A_518 = arith.select %eq3A_516, %select_n3A_517, %select_n3A_514 : i32
          %add3A_519 = arith.constant 1 : i32
          %add3A_520 = arith.addi %while3A_476, %add3A_519 : i32
          %select_n3A_521 = arith.select %eq3A_516, %add3A_520, %while3A_476 : i32
          %eq3A_522 = arith.cmpi eq, %select_n3A_521, %get3A_0 : i32
          %select_n3A_523 = arith.constant 0 : i32
          %select_n3A_524 = arith.select %eq3A_522, %select_n3A_523, %select_n3A_521 : i32
          %add3A_525 = arith.constant 0 : i32
          %add3A_526 = arith.addi %select_n3A_524, %add3A_525 : i32
          %add3A_527 = arith.constant 0 : i32
          %add3A_528 = arith.addi %select_n3A_518, %add3A_527 : i32
          %add3A_529 = arith.constant 1 : i32
          %add3A_530 = arith.addi %select_n3A_518, %add3A_529 : i32
          %select_n3A_531 = arith.constant true
          %select_n3A_532 = arith.select %select_n3A_531, %add3A_530, %select_n3A_518 : i32
          %eq3A_533 = arith.constant 4 : i32
          %eq3A_534 = arith.cmpi eq, %select_n3A_532, %eq3A_533 : i32
          %select_n3A_535 = arith.constant 0 : i32
          %select_n3A_536 = arith.select %eq3A_534, %select_n3A_535, %select_n3A_532 : i32
          %add3A_537 = arith.constant 1 : i32
          %add3A_538 = arith.addi %select_n3A_524, %add3A_537 : i32
          %select_n3A_539 = arith.select %eq3A_534, %add3A_538, %select_n3A_524 : i32
          %eq3A_540 = arith.cmpi eq, %select_n3A_539, %get3A_0 : i32
          %select_n3A_541 = arith.constant 0 : i32
          %select_n3A_542 = arith.select %eq3A_540, %select_n3A_541, %select_n3A_539 : i32
          %add3A_543 = arith.constant 0 : i32
          %add3A_544 = arith.addi %select_n3A_542, %add3A_543 : i32
          %add3A_545 = arith.constant 0 : i32
          %add3A_546 = arith.addi %select_n3A_536, %add3A_545 : i32
          %add3A_547 = arith.constant 1 : i32
          %add3A_548 = arith.addi %select_n3A_536, %add3A_547 : i32
          %select_n3A_549 = arith.constant true
          %select_n3A_550 = arith.select %select_n3A_549, %add3A_548, %select_n3A_536 : i32
          %eq3A_551 = arith.constant 4 : i32
          %eq3A_552 = arith.cmpi eq, %select_n3A_550, %eq3A_551 : i32
          %select_n3A_553 = arith.constant 0 : i32
          %select_n3A_554 = arith.select %eq3A_552, %select_n3A_553, %select_n3A_550 : i32
          %add3A_555 = arith.constant 1 : i32
          %add3A_556 = arith.addi %select_n3A_542, %add3A_555 : i32
          %select_n3A_557 = arith.select %eq3A_552, %add3A_556, %select_n3A_542 : i32
          %eq3A_558 = arith.cmpi eq, %select_n3A_557, %get3A_0 : i32
          %select_n3A_559 = arith.constant 0 : i32
          %select_n3A_560 = arith.select %eq3A_558, %select_n3A_559, %select_n3A_557 : i32
          %add3A_561 = arith.constant 0 : i32
          %add3A_562 = arith.addi %select_n3A_560, %add3A_561 : i32
          %add3A_563 = arith.constant 0 : i32
          %add3A_564 = arith.addi %select_n3A_554, %add3A_563 : i32
          %get3A_565 = arith.index_cast %add3A_526 : i32 to index
          %get3A_566 = memref.load %arg0[%get3A_565] : memref<96xi32, #tpu.memory_space<smem>>
          %get3A_567 = arith.index_cast %add3A_544 : i32 to index
          %get3A_568 = memref.load %arg0[%get3A_567] : memref<96xi32, #tpu.memory_space<smem>>
          %ne3A = arith.cmpi ne, %get3A_566, %get3A_568 : i32
          %or3A = arith.constant false
          %or3A_569 = arith.ori %or3A, %ne3A : i1
          %or3A_570 = arith.constant false
          %or3A_571 = arith.ori %or3A_569, %or3A_570 : i1
          %sub3A_572 = arith.constant 3 : i32
          %sub3A_573 = arith.subi %mul3A_481, %sub3A_572 : i32
          %add3A_574 = arith.constant 1 : i32
          %add3A_575 = arith.addi %sub3A_573, %add3A_574 : i32
          %ge3A = arith.cmpi sge, %while3A_457, %add3A_575 : i32
          %not3A = arith.constant true
          %not3A_576 = arith.xori %ge3A, %not3A : i1
          %and3A = arith.andi %or3A_571, %not3A_576 : i1
          %add3A_577 = arith.constant 3 : i32
          %add3A_578 = arith.addi %while3A_459, %add3A_577 : i32
          %add3A_579 = arith.constant 1 : i32
          %add3A_580 = arith.addi %while3A_461, %add3A_579 : i32
          %select_n3A_581 = arith.constant true
          %select_n3A_582 = arith.select %select_n3A_581, %add3A_580, %while3A_461 : i32
          %eq3A_583 = arith.constant 4 : i32
          %eq3A_584 = arith.cmpi eq, %select_n3A_582, %eq3A_583 : i32
          %select_n3A_585 = arith.constant 0 : i32
          %select_n3A_586 = arith.select %eq3A_584, %select_n3A_585, %select_n3A_582 : i32
          %add3A_587 = arith.constant 1 : i32
          %add3A_588 = arith.addi %while3A_460, %add3A_587 : i32
          %select_n3A_589 = arith.select %eq3A_584, %add3A_588, %while3A_460 : i32
          %select_n3A_590 = arith.constant false
          %select_n3A_591 = arith.constant 0 : i32
          %select_n3A_592 = arith.select %select_n3A_590, %select_n3A_591, %select_n3A_589 : i32
          %while3A_593:5 = scf.while (%while3A_1107 = %while3A_460, %while3A_1108 = %while3A_461, %while3A_1109 = %select_n3A_592, %while3A_1110 = %select_n3A_586, %while3A_1111 = %while3A_458) : (i32, i32, i32, i32, i32) -> (i32, i32, i32, i32, i32) {
            %lt3A_1112 = arith.cmpi ult, %while3A_1111, %add3A_578 : i32
            %lt3A_1113 = arith.cmpi slt, %while3A_1109, %get3A_0 : i32
            %lt3A_1114 = arith.constant 4 : i32
            %lt3A_1115 = arith.cmpi slt, %while3A_1110, %lt3A_1114 : i32
            %and3A_1116 = arith.constant true
            %and3A_1117 = arith.andi %and3A_1116, %lt3A_1113 : i1
            %and3A_1118 = arith.andi %and3A_1117, %lt3A_1115 : i1
            %and3A_1119 = arith.constant true
            %and3A_1120 = arith.andi %and3A_1119, %lt3A_1112 : i1
            %and3A_1121 = arith.andi %and3A_1120, %and3A_1118 : i1
            scf.condition(%and3A_1121) %while3A_1107, %while3A_1108, %while3A_1109, %while3A_1110, %while3A_1111 : i32, i32, i32, i32, i32
          } do {
          ^bb0(%while3A_1107: i32, %while3A_1108: i32, %while3A_1109: i32, %while3A_1110: i32, %while3A_1111: i32):
            %add3A_1112 = arith.constant 0 : i32
            %add3A_1113 = arith.addi %while3A_1107, %add3A_1112 : i32
            %add3A_1114 = arith.constant 0 : i32
            %add3A_1115 = arith.addi %while3A_1108, %add3A_1114 : i32
            %add3A_1116 = arith.constant 0 : i32
            %add3A_1117 = arith.addi %while3A_1109, %add3A_1116 : i32
            %add3A_1118 = arith.constant 0 : i32
            %add3A_1119 = arith.addi %while3A_1110, %add3A_1118 : i32
            %get3A_1120 = arith.index_cast %add3A_1113 : i32 to index
            %get3A_1121 = memref.load %arg0[%get3A_1120] : memref<96xi32, #tpu.memory_space<smem>>
            %get3A_1122 = arith.index_cast %add3A_1117 : i32 to index
            %get3A_1123 = memref.load %arg0[%get3A_1122] : memref<96xi32, #tpu.memory_space<smem>>
            %ne3A_1124 = arith.cmpi ne, %get3A_1121, %get3A_1123 : i32
            %or3A_1125 = arith.constant false
            %or3A_1126 = arith.ori %or3A_1125, %ne3A_1124 : i1
            %or3A_1127 = arith.constant false
            %or3A_1128 = arith.ori %or3A_1126, %or3A_1127 : i1
            %convert_element_type3A_1129 = arith.extui %or3A_1128 : i1 to i32
            %cond3A_1130 = arith.constant 0 : i32
            %cond3A_1131 = arith.cmpi ne, %convert_element_type3A_1129, %cond3A_1130 : i32
            scf.if %cond3A_1131 {
              %rem3A_1148 = arith.constant 3 : i32
              %rem3A_1149 = arith.remui %while3A_1111, %rem3A_1148 : i32
              %get3A_1150 = arith.index_cast %add3A_1117 : i32 to index
              %get3A_1151 = memref.load %arg0[%get3A_1150] : memref<96xi32, #tpu.memory_space<smem>>
              %mul3A_1152 = arith.constant 128 : i32
              %mul3A_1153 = arith.muli %mul3A_1152, %get3A_1151 : i32
              %dma_start3A_1154 = tpu.memref_slice %run_scoped3A_4[%rem3A_1149] : memref<3x!tpu.dma_semaphore, #tpu.memory_space<semaphore_mem>> -> memref<1x!tpu.dma_semaphore, #tpu.memory_space<semaphore_mem>>
              %dma_start3A_1155 = tpu.memref_squeeze %dma_start3A_1154 : memref<1x!tpu.dma_semaphore, #tpu.memory_space<semaphore_mem>> -> memref<!tpu.dma_semaphore, #tpu.memory_space<semaphore_mem>>
              %dma_start3A_1156 = arith.constant 0 : i32
              %dma_start3A_1157 = arith.constant 0 : i32
              %dma_start3A_1158 = tpu.memref_slice %run_scoped3A[%rem3A_1149, %dma_start3A_1156, %dma_start3A_1157] : memref<3x128x1024xf32, #tpu.memory_space<vmem>> -> memref<1x128x1024xf32, #tpu.memory_space<vmem>>
              %dma_start3A_1159 = tpu.memref_squeeze %dma_start3A_1158 : memref<1x128x1024xf32, #tpu.memory_space<vmem>> -> memref<128x1024xf32, #tpu.memory_space<vmem>>
              %dma_start3A_1160 = arith.constant 0 : i32
              %dma_start3A_1161 = tpu.memref_slice %arg3[%mul3A_1153, %dma_start3A_1160] : memref<12288x1024xf32, #tpu.memory_space<any>> -> memref<128x1024xf32, #tpu.memory_space<any>>
              tpu.enqueue_dma source(%dma_start3A_1161 : memref<128x1024xf32, #tpu.memory_space<any>>) target(%dma_start3A_1159 : memref<128x1024xf32, #tpu.memory_space<vmem>>) target_semaphore(%dma_start3A_1155 : memref<!tpu.dma_semaphore, #tpu.memory_space<semaphore_mem>>)
            } else {
            }
            %convert_element_type3A_1132 = arith.extui %or3A_1128 : i1 to i32
            %add3A_1133 = arith.addi %while3A_1111, %convert_element_type3A_1132 : i32
            %add3A_1134 = arith.constant 1 : i32
            %add3A_1135 = arith.addi %while3A_1110, %add3A_1134 : i32
            %select_n3A_1136 = arith.constant true
            %select_n3A_1137 = arith.select %select_n3A_1136, %add3A_1135, %while3A_1110 : i32
            %eq3A_1138 = arith.constant 4 : i32
            %eq3A_1139 = arith.cmpi eq, %select_n3A_1137, %eq3A_1138 : i32
            %select_n3A_1140 = arith.constant 0 : i32
            %select_n3A_1141 = arith.select %eq3A_1139, %select_n3A_1140, %select_n3A_1137 : i32
            %add3A_1142 = arith.constant 1 : i32
            %add3A_1143 = arith.addi %while3A_1109, %add3A_1142 : i32
            %select_n3A_1144 = arith.select %eq3A_1139, %add3A_1143, %while3A_1109 : i32
            %select_n3A_1145 = arith.constant false
            %select_n3A_1146 = arith.constant 0 : i32
            %select_n3A_1147 = arith.select %select_n3A_1145, %select_n3A_1146, %select_n3A_1144 : i32
            scf.yield %while3A_1109, %while3A_1110, %select_n3A_1147, %select_n3A_1141, %add3A_1133 : i32, i32, i32, i32, i32
          }
          %get3A_594 = arith.index_cast %add3A_526 : i32 to index
          %get3A_595 = memref.load %arg1[%get3A_594] : memref<96xi32, #tpu.memory_space<smem>>
          %get3A_596 = arith.index_cast %add3A_544 : i32 to index
          %get3A_597 = memref.load %arg1[%get3A_596] : memref<96xi32, #tpu.memory_space<smem>>
          %ne3A_598 = arith.cmpi ne, %get3A_595, %get3A_597 : i32
          %ne3A_599 = arith.cmpi ne, %add3A_528, %add3A_546 : i32
          %or3A_600 = arith.constant false
          %or3A_601 = arith.ori %or3A_600, %ne3A_598 : i1
          %or3A_602 = arith.ori %or3A_601, %ne3A_599 : i1
          %or3A_603 = arith.constant false
          %or3A_604 = arith.ori %or3A_602, %or3A_603 : i1
          %sub3A_605 = arith.constant 3 : i32
          %sub3A_606 = arith.subi %mul3A_481, %sub3A_605 : i32
          %add3A_607 = arith.constant 1 : i32
          %add3A_608 = arith.addi %sub3A_606, %add3A_607 : i32
          %ge3A_609 = arith.cmpi sge, %while3A_457, %add3A_608 : i32
          %not3A_610 = arith.constant true
          %not3A_611 = arith.xori %ge3A_609, %not3A_610 : i1
          %and3A_612 = arith.andi %or3A_604, %not3A_611 : i1
          %add3A_613 = arith.constant 3 : i32
          %add3A_614 = arith.addi %while3A_463, %add3A_613 : i32
          %add3A_615 = arith.constant 1 : i32
          %add3A_616 = arith.addi %while3A_465, %add3A_615 : i32
          %select_n3A_617 = arith.constant true
          %select_n3A_618 = arith.select %select_n3A_617, %add3A_616, %while3A_465 : i32
          %eq3A_619 = arith.constant 4 : i32
          %eq3A_620 = arith.cmpi eq, %select_n3A_618, %eq3A_619 : i32
          %select_n3A_621 = arith.constant 0 : i32
          %select_n3A_622 = arith.select %eq3A_620, %select_n3A_621, %select_n3A_618 : i32
          %add3A_623 = arith.constant 1 : i32
          %add3A_624 = arith.addi %while3A_464, %add3A_623 : i32
          %select_n3A_625 = arith.select %eq3A_620, %add3A_624, %while3A_464 : i32
          %select_n3A_626 = arith.constant false
          %select_n3A_627 = arith.constant 0 : i32
          %select_n3A_628 = arith.select %select_n3A_626, %select_n3A_627, %select_n3A_625 : i32
          %while3A_629:5 = scf.while (%while3A_1107 = %while3A_464, %while3A_1108 = %while3A_465, %while3A_1109 = %select_n3A_628, %while3A_1110 = %select_n3A_622, %while3A_1111 = %while3A_462) : (i32, i32, i32, i32, i32) -> (i32, i32, i32, i32, i32) {
            %lt3A_1112 = arith.cmpi ult, %while3A_1111, %add3A_614 : i32
            %lt3A_1113 = arith.cmpi slt, %while3A_1109, %get3A_0 : i32
            %lt3A_1114 = arith.constant 4 : i32
            %lt3A_1115 = arith.cmpi slt, %while3A_1110, %lt3A_1114 : i32
            %and3A_1116 = arith.constant true
            %and3A_1117 = arith.andi %and3A_1116, %lt3A_1113 : i1
            %and3A_1118 = arith.andi %and3A_1117, %lt3A_1115 : i1
            %and3A_1119 = arith.constant true
            %and3A_1120 = arith.andi %and3A_1119, %lt3A_1112 : i1
            %and3A_1121 = arith.andi %and3A_1120, %and3A_1118 : i1
            scf.condition(%and3A_1121) %while3A_1107, %while3A_1108, %while3A_1109, %while3A_1110, %while3A_1111 : i32, i32, i32, i32, i32
          } do {
          ^bb0(%while3A_1107: i32, %while3A_1108: i32, %while3A_1109: i32, %while3A_1110: i32, %while3A_1111: i32):
            %add3A_1112 = arith.constant 0 : i32
            %add3A_1113 = arith.addi %while3A_1107, %add3A_1112 : i32
            %add3A_1114 = arith.constant 0 : i32
            %add3A_1115 = arith.addi %while3A_1108, %add3A_1114 : i32
            %add3A_1116 = arith.constant 0 : i32
            %add3A_1117 = arith.addi %while3A_1109, %add3A_1116 : i32
            %add3A_1118 = arith.constant 0 : i32
            %add3A_1119 = arith.addi %while3A_1110, %add3A_1118 : i32
            %get3A_1120 = arith.index_cast %add3A_1113 : i32 to index
            %get3A_1121 = memref.load %arg1[%get3A_1120] : memref<96xi32, #tpu.memory_space<smem>>
            %get3A_1122 = arith.index_cast %add3A_1117 : i32 to index
            %get3A_1123 = memref.load %arg1[%get3A_1122] : memref<96xi32, #tpu.memory_space<smem>>
            %ne3A_1124 = arith.cmpi ne, %get3A_1121, %get3A_1123 : i32
            %ne3A_1125 = arith.cmpi ne, %add3A_1115, %add3A_1119 : i32
            %or3A_1126 = arith.constant false
            %or3A_1127 = arith.ori %or3A_1126, %ne3A_1124 : i1
            %or3A_1128 = arith.ori %or3A_1127, %ne3A_1125 : i1
            %or3A_1129 = arith.constant false
            %or3A_1130 = arith.ori %or3A_1128, %or3A_1129 : i1
            %convert_element_type3A_1131 = arith.extui %or3A_1130 : i1 to i32
            %cond3A_1132 = arith.constant 0 : i32
            %cond3A_1133 = arith.cmpi ne, %convert_element_type3A_1131, %cond3A_1132 : i32
            scf.if %cond3A_1133 {
              %rem3A_1150 = arith.constant 3 : i32
              %rem3A_1151 = arith.remui %while3A_1111, %rem3A_1150 : i32
              %get3A_1152 = arith.index_cast %add3A_1117 : i32 to index
              %get3A_1153 = memref.load %arg1[%get3A_1152] : memref<96xi32, #tpu.memory_space<smem>>
              %mul3A_1154 = arith.constant 1 : i32
              %mul3A_1155 = arith.muli %mul3A_1154, %get3A_1153 : i32
              %mul3A_1156 = arith.constant 512 : i32
              %mul3A_1157 = arith.muli %mul3A_1156, %add3A_1119 : i32
              %dma_start3A_1158 = tpu.memref_slice %run_scoped3A_6[%rem3A_1151] : memref<3x!tpu.dma_semaphore, #tpu.memory_space<semaphore_mem>> -> memref<1x!tpu.dma_semaphore, #tpu.memory_space<semaphore_mem>>
              %dma_start3A_1159 = tpu.memref_squeeze %dma_start3A_1158 : memref<1x!tpu.dma_semaphore, #tpu.memory_space<semaphore_mem>> -> memref<!tpu.dma_semaphore, #tpu.memory_space<semaphore_mem>>
              %dma_start3A_1160 = arith.constant 0 : i32
              %dma_start3A_1161 = arith.constant 0 : i32
              %dma_start3A_1162 = arith.constant 0 : i32
              %dma_start3A_1163 = tpu.memref_slice %run_scoped3A_5[%rem3A_1151, %dma_start3A_1160, %dma_start3A_1161, %dma_start3A_1162] : memref<3x1x512x1024xf32, #tpu.memory_space<vmem>> -> memref<1x1x512x1024xf32, #tpu.memory_space<vmem>>
              %dma_start3A_1164 = tpu.memref_squeeze %dma_start3A_1163 : memref<1x1x512x1024xf32, #tpu.memory_space<vmem>> -> memref<1x512x1024xf32, #tpu.memory_space<vmem>>
              %dma_start3A_1165 = arith.constant 0 : i32
              %dma_start3A_1166 = tpu.memref_slice %arg4[%mul3A_1155, %mul3A_1157, %dma_start3A_1165] : memref<64x2048x1024xf32, #tpu.memory_space<any>> -> memref<1x512x1024xf32, #tpu.memory_space<any>>
              tpu.enqueue_dma source(%dma_start3A_1166 : memref<1x512x1024xf32, #tpu.memory_space<any>>) target(%dma_start3A_1164 : memref<1x512x1024xf32, #tpu.memory_space<vmem>>) target_semaphore(%dma_start3A_1159 : memref<!tpu.dma_semaphore, #tpu.memory_space<semaphore_mem>>)
            } else {
            }
            %convert_element_type3A_1134 = arith.extui %or3A_1130 : i1 to i32
            %add3A_1135 = arith.addi %while3A_1111, %convert_element_type3A_1134 : i32
            %add3A_1136 = arith.constant 1 : i32
            %add3A_1137 = arith.addi %while3A_1110, %add3A_1136 : i32
            %select_n3A_1138 = arith.constant true
            %select_n3A_1139 = arith.select %select_n3A_1138, %add3A_1137, %while3A_1110 : i32
            %eq3A_1140 = arith.constant 4 : i32
            %eq3A_1141 = arith.cmpi eq, %select_n3A_1139, %eq3A_1140 : i32
            %select_n3A_1142 = arith.constant 0 : i32
            %select_n3A_1143 = arith.select %eq3A_1141, %select_n3A_1142, %select_n3A_1139 : i32
            %add3A_1144 = arith.constant 1 : i32
            %add3A_1145 = arith.addi %while3A_1109, %add3A_1144 : i32
            %select_n3A_1146 = arith.select %eq3A_1141, %add3A_1145, %while3A_1109 : i32
            %select_n3A_1147 = arith.constant false
            %select_n3A_1148 = arith.constant 0 : i32
            %select_n3A_1149 = arith.select %select_n3A_1147, %select_n3A_1148, %select_n3A_1146 : i32
            scf.yield %while3A_1109, %while3A_1110, %select_n3A_1149, %select_n3A_1143, %add3A_1135 : i32, i32, i32, i32, i32
          }
          %get3A_630 = arith.index_cast %add3A_526 : i32 to index
          %get3A_631 = memref.load %arg1[%get3A_630] : memref<96xi32, #tpu.memory_space<smem>>
          %get3A_632 = arith.index_cast %add3A_544 : i32 to index
          %get3A_633 = memref.load %arg1[%get3A_632] : memref<96xi32, #tpu.memory_space<smem>>
          %ne3A_634 = arith.cmpi ne, %get3A_631, %get3A_633 : i32
          %ne3A_635 = arith.cmpi ne, %add3A_528, %add3A_546 : i32
          %or3A_636 = arith.constant false
          %or3A_637 = arith.ori %or3A_636, %ne3A_634 : i1
          %or3A_638 = arith.ori %or3A_637, %ne3A_635 : i1
          %or3A_639 = arith.constant false
          %or3A_640 = arith.ori %or3A_638, %or3A_639 : i1
          %sub3A_641 = arith.constant 3 : i32
          %sub3A_642 = arith.subi %mul3A_481, %sub3A_641 : i32
          %add3A_643 = arith.constant 1 : i32
          %add3A_644 = arith.addi %sub3A_642, %add3A_643 : i32
          %ge3A_645 = arith.cmpi sge, %while3A_457, %add3A_644 : i32
          %not3A_646 = arith.constant true
          %not3A_647 = arith.xori %ge3A_645, %not3A_646 : i1
          %and3A_648 = arith.andi %or3A_640, %not3A_647 : i1
          %add3A_649 = arith.constant 3 : i32
          %add3A_650 = arith.addi %while3A_467, %add3A_649 : i32
          %add3A_651 = arith.constant 1 : i32
          %add3A_652 = arith.addi %while3A_469, %add3A_651 : i32
          %select_n3A_653 = arith.constant true
          %select_n3A_654 = arith.select %select_n3A_653, %add3A_652, %while3A_469 : i32
          %eq3A_655 = arith.constant 4 : i32
          %eq3A_656 = arith.cmpi eq, %select_n3A_654, %eq3A_655 : i32
          %select_n3A_657 = arith.constant 0 : i32
          %select_n3A_658 = arith.select %eq3A_656, %select_n3A_657, %select_n3A_654 : i32
          %add3A_659 = arith.constant 1 : i32
          %add3A_660 = arith.addi %while3A_468, %add3A_659 : i32
          %select_n3A_661 = arith.select %eq3A_656, %add3A_660, %while3A_468 : i32
          %select_n3A_662 = arith.constant false
          %select_n3A_663 = arith.constant 0 : i32
          %select_n3A_664 = arith.select %select_n3A_662, %select_n3A_663, %select_n3A_661 : i32
          %while3A_665:5 = scf.while (%while3A_1107 = %while3A_468, %while3A_1108 = %while3A_469, %while3A_1109 = %select_n3A_664, %while3A_1110 = %select_n3A_658, %while3A_1111 = %while3A_466) : (i32, i32, i32, i32, i32) -> (i32, i32, i32, i32, i32) {
            %lt3A_1112 = arith.cmpi ult, %while3A_1111, %add3A_650 : i32
            %lt3A_1113 = arith.cmpi slt, %while3A_1109, %get3A_0 : i32
            %lt3A_1114 = arith.constant 4 : i32
            %lt3A_1115 = arith.cmpi slt, %while3A_1110, %lt3A_1114 : i32
            %and3A_1116 = arith.constant true
            %and3A_1117 = arith.andi %and3A_1116, %lt3A_1113 : i1
            %and3A_1118 = arith.andi %and3A_1117, %lt3A_1115 : i1
            %and3A_1119 = arith.constant true
            %and3A_1120 = arith.andi %and3A_1119, %lt3A_1112 : i1
            %and3A_1121 = arith.andi %and3A_1120, %and3A_1118 : i1
            scf.condition(%and3A_1121) %while3A_1107, %while3A_1108, %while3A_1109, %while3A_1110, %while3A_1111 : i32, i32, i32, i32, i32
          } do {
          ^bb0(%while3A_1107: i32, %while3A_1108: i32, %while3A_1109: i32, %while3A_1110: i32, %while3A_1111: i32):
            %add3A_1112 = arith.constant 0 : i32
            %add3A_1113 = arith.addi %while3A_1107, %add3A_1112 : i32
            %add3A_1114 = arith.constant 0 : i32
            %add3A_1115 = arith.addi %while3A_1108, %add3A_1114 : i32
            %add3A_1116 = arith.constant 0 : i32
            %add3A_1117 = arith.addi %while3A_1109, %add3A_1116 : i32
            %add3A_1118 = arith.constant 0 : i32
            %add3A_1119 = arith.addi %while3A_1110, %add3A_1118 : i32
            %get3A_1120 = arith.index_cast %add3A_1113 : i32 to index
            %get3A_1121 = memref.load %arg1[%get3A_1120] : memref<96xi32, #tpu.memory_space<smem>>
            %get3A_1122 = arith.index_cast %add3A_1117 : i32 to index
            %get3A_1123 = memref.load %arg1[%get3A_1122] : memref<96xi32, #tpu.memory_space<smem>>
            %ne3A_1124 = arith.cmpi ne, %get3A_1121, %get3A_1123 : i32
            %ne3A_1125 = arith.cmpi ne, %add3A_1115, %add3A_1119 : i32
            %or3A_1126 = arith.constant false
            %or3A_1127 = arith.ori %or3A_1126, %ne3A_1124 : i1
            %or3A_1128 = arith.ori %or3A_1127, %ne3A_1125 : i1
            %or3A_1129 = arith.constant false
            %or3A_1130 = arith.ori %or3A_1128, %or3A_1129 : i1
            %convert_element_type3A_1131 = arith.extui %or3A_1130 : i1 to i32
            %cond3A_1132 = arith.constant 0 : i32
            %cond3A_1133 = arith.cmpi ne, %convert_element_type3A_1131, %cond3A_1132 : i32
            scf.if %cond3A_1133 {
              %rem3A_1150 = arith.constant 3 : i32
              %rem3A_1151 = arith.remui %while3A_1111, %rem3A_1150 : i32
              %get3A_1152 = arith.index_cast %add3A_1117 : i32 to index
              %get3A_1153 = memref.load %arg1[%get3A_1152] : memref<96xi32, #tpu.memory_space<smem>>
              %mul3A_1154 = arith.constant 1 : i32
              %mul3A_1155 = arith.muli %mul3A_1154, %get3A_1153 : i32
              %mul3A_1156 = arith.constant 512 : i32
              %mul3A_1157 = arith.muli %mul3A_1156, %add3A_1119 : i32
              %dma_start3A_1158 = tpu.memref_slice %run_scoped3A_8[%rem3A_1151] : memref<3x!tpu.dma_semaphore, #tpu.memory_space<semaphore_mem>> -> memref<1x!tpu.dma_semaphore, #tpu.memory_space<semaphore_mem>>
              %dma_start3A_1159 = tpu.memref_squeeze %dma_start3A_1158 : memref<1x!tpu.dma_semaphore, #tpu.memory_space<semaphore_mem>> -> memref<!tpu.dma_semaphore, #tpu.memory_space<semaphore_mem>>
              %dma_start3A_1160 = arith.constant 0 : i32
              %dma_start3A_1161 = arith.constant 0 : i32
              %dma_start3A_1162 = arith.constant 0 : i32
              %dma_start3A_1163 = tpu.memref_slice %run_scoped3A_7[%rem3A_1151, %dma_start3A_1160, %dma_start3A_1161, %dma_start3A_1162] : memref<3x1x512x1024xf32, #tpu.memory_space<vmem>> -> memref<1x1x512x1024xf32, #tpu.memory_space<vmem>>
              %dma_start3A_1164 = tpu.memref_squeeze %dma_start3A_1163 : memref<1x1x512x1024xf32, #tpu.memory_space<vmem>> -> memref<1x512x1024xf32, #tpu.memory_space<vmem>>
              %dma_start3A_1165 = arith.constant 0 : i32
              %dma_start3A_1166 = tpu.memref_slice %arg6[%mul3A_1155, %mul3A_1157, %dma_start3A_1165] : memref<64x2048x1024xf32, #tpu.memory_space<any>> -> memref<1x512x1024xf32, #tpu.memory_space<any>>
              tpu.enqueue_dma source(%dma_start3A_1166 : memref<1x512x1024xf32, #tpu.memory_space<any>>) target(%dma_start3A_1164 : memref<1x512x1024xf32, #tpu.memory_space<vmem>>) target_semaphore(%dma_start3A_1159 : memref<!tpu.dma_semaphore, #tpu.memory_space<semaphore_mem>>)
            } else {
            }
            %convert_element_type3A_1134 = arith.extui %or3A_1130 : i1 to i32
            %add3A_1135 = arith.addi %while3A_1111, %convert_element_type3A_1134 : i32
            %add3A_1136 = arith.constant 1 : i32
            %add3A_1137 = arith.addi %while3A_1110, %add3A_1136 : i32
            %select_n3A_1138 = arith.constant true
            %select_n3A_1139 = arith.select %select_n3A_1138, %add3A_1137, %while3A_1110 : i32
            %eq3A_1140 = arith.constant 4 : i32
            %eq3A_1141 = arith.cmpi eq, %select_n3A_1139, %eq3A_1140 : i32
            %select_n3A_1142 = arith.constant 0 : i32
            %select_n3A_1143 = arith.select %eq3A_1141, %select_n3A_1142, %select_n3A_1139 : i32
            %add3A_1144 = arith.constant 1 : i32
            %add3A_1145 = arith.addi %while3A_1109, %add3A_1144 : i32
            %select_n3A_1146 = arith.select %eq3A_1141, %add3A_1145, %while3A_1109 : i32
            %select_n3A_1147 = arith.constant false
            %select_n3A_1148 = arith.constant 0 : i32
            %select_n3A_1149 = arith.select %select_n3A_1147, %select_n3A_1148, %select_n3A_1146 : i32
            scf.yield %while3A_1109, %while3A_1110, %select_n3A_1149, %select_n3A_1143, %add3A_1135 : i32, i32, i32, i32, i32
          }
          %get3A_666 = arith.index_cast %add3A_526 : i32 to index
          %get3A_667 = memref.load %arg1[%get3A_666] : memref<96xi32, #tpu.memory_space<smem>>
          %get3A_668 = arith.index_cast %add3A_544 : i32 to index
          %get3A_669 = memref.load %arg1[%get3A_668] : memref<96xi32, #tpu.memory_space<smem>>
          %ne3A_670 = arith.cmpi ne, %get3A_667, %get3A_669 : i32
          %ne3A_671 = arith.cmpi ne, %add3A_528, %add3A_546 : i32
          %or3A_672 = arith.constant false
          %or3A_673 = arith.ori %or3A_672, %ne3A_670 : i1
          %or3A_674 = arith.ori %or3A_673, %ne3A_671 : i1
          %or3A_675 = arith.constant false
          %or3A_676 = arith.ori %or3A_674, %or3A_675 : i1
          %sub3A_677 = arith.constant 3 : i32
          %sub3A_678 = arith.subi %mul3A_481, %sub3A_677 : i32
          %add3A_679 = arith.constant 1 : i32
          %add3A_680 = arith.addi %sub3A_678, %add3A_679 : i32
          %ge3A_681 = arith.cmpi sge, %while3A_457, %add3A_680 : i32
          %not3A_682 = arith.constant true
          %not3A_683 = arith.xori %ge3A_681, %not3A_682 : i1
          %and3A_684 = arith.andi %or3A_676, %not3A_683 : i1
          %add3A_685 = arith.constant 3 : i32
          %add3A_686 = arith.addi %while3A_471, %add3A_685 : i32
          %add3A_687 = arith.constant 1 : i32
          %add3A_688 = arith.addi %while3A_473, %add3A_687 : i32
          %select_n3A_689 = arith.constant true
          %select_n3A_690 = arith.select %select_n3A_689, %add3A_688, %while3A_473 : i32
          %eq3A_691 = arith.constant 4 : i32
          %eq3A_692 = arith.cmpi eq, %select_n3A_690, %eq3A_691 : i32
          %select_n3A_693 = arith.constant 0 : i32
          %select_n3A_694 = arith.select %eq3A_692, %select_n3A_693, %select_n3A_690 : i32
          %add3A_695 = arith.constant 1 : i32
          %add3A_696 = arith.addi %while3A_472, %add3A_695 : i32
          %select_n3A_697 = arith.select %eq3A_692, %add3A_696, %while3A_472 : i32
          %select_n3A_698 = arith.constant false
          %select_n3A_699 = arith.constant 0 : i32
          %select_n3A_700 = arith.select %select_n3A_698, %select_n3A_699, %select_n3A_697 : i32
          %while3A_701:5 = scf.while (%while3A_1107 = %while3A_472, %while3A_1108 = %while3A_473, %while3A_1109 = %select_n3A_700, %while3A_1110 = %select_n3A_694, %while3A_1111 = %while3A_470) : (i32, i32, i32, i32, i32) -> (i32, i32, i32, i32, i32) {
            %lt3A_1112 = arith.cmpi ult, %while3A_1111, %add3A_686 : i32
            %lt3A_1113 = arith.cmpi slt, %while3A_1109, %get3A_0 : i32
            %lt3A_1114 = arith.constant 4 : i32
            %lt3A_1115 = arith.cmpi slt, %while3A_1110, %lt3A_1114 : i32
            %and3A_1116 = arith.constant true
            %and3A_1117 = arith.andi %and3A_1116, %lt3A_1113 : i1
            %and3A_1118 = arith.andi %and3A_1117, %lt3A_1115 : i1
            %and3A_1119 = arith.constant true
            %and3A_1120 = arith.andi %and3A_1119, %lt3A_1112 : i1
            %and3A_1121 = arith.andi %and3A_1120, %and3A_1118 : i1
            scf.condition(%and3A_1121) %while3A_1107, %while3A_1108, %while3A_1109, %while3A_1110, %while3A_1111 : i32, i32, i32, i32, i32
          } do {
          ^bb0(%while3A_1107: i32, %while3A_1108: i32, %while3A_1109: i32, %while3A_1110: i32, %while3A_1111: i32):
            %add3A_1112 = arith.constant 0 : i32
            %add3A_1113 = arith.addi %while3A_1107, %add3A_1112 : i32
            %add3A_1114 = arith.constant 0 : i32
            %add3A_1115 = arith.addi %while3A_1108, %add3A_1114 : i32
            %add3A_1116 = arith.constant 0 : i32
            %add3A_1117 = arith.addi %while3A_1109, %add3A_1116 : i32
            %add3A_1118 = arith.constant 0 : i32
            %add3A_1119 = arith.addi %while3A_1110, %add3A_1118 : i32
            %get3A_1120 = arith.index_cast %add3A_1113 : i32 to index
            %get3A_1121 = memref.load %arg1[%get3A_1120] : memref<96xi32, #tpu.memory_space<smem>>
            %get3A_1122 = arith.index_cast %add3A_1117 : i32 to index
            %get3A_1123 = memref.load %arg1[%get3A_1122] : memref<96xi32, #tpu.memory_space<smem>>
            %ne3A_1124 = arith.cmpi ne, %get3A_1121, %get3A_1123 : i32
            %ne3A_1125 = arith.cmpi ne, %add3A_1115, %add3A_1119 : i32
            %or3A_1126 = arith.constant false
            %or3A_1127 = arith.ori %or3A_1126, %ne3A_1124 : i1
            %or3A_1128 = arith.ori %or3A_1127, %ne3A_1125 : i1
            %or3A_1129 = arith.constant false
            %or3A_1130 = arith.ori %or3A_1128, %or3A_1129 : i1
            %convert_element_type3A_1131 = arith.extui %or3A_1130 : i1 to i32
            %cond3A_1132 = arith.constant 0 : i32
            %cond3A_1133 = arith.cmpi ne, %convert_element_type3A_1131, %cond3A_1132 : i32
            scf.if %cond3A_1133 {
              %rem3A_1150 = arith.constant 3 : i32
              %rem3A_1151 = arith.remui %while3A_1111, %rem3A_1150 : i32
              %get3A_1152 = arith.index_cast %add3A_1117 : i32 to index
              %get3A_1153 = memref.load %arg1[%get3A_1152] : memref<96xi32, #tpu.memory_space<smem>>
              %mul3A_1154 = arith.constant 1 : i32
              %mul3A_1155 = arith.muli %mul3A_1154, %get3A_1153 : i32
              %mul3A_1156 = arith.constant 512 : i32
              %mul3A_1157 = arith.muli %mul3A_1156, %add3A_1119 : i32
              %dma_start3A_1158 = tpu.memref_slice %run_scoped3A_10[%rem3A_1151] : memref<3x!tpu.dma_semaphore, #tpu.memory_space<semaphore_mem>> -> memref<1x!tpu.dma_semaphore, #tpu.memory_space<semaphore_mem>>
              %dma_start3A_1159 = tpu.memref_squeeze %dma_start3A_1158 : memref<1x!tpu.dma_semaphore, #tpu.memory_space<semaphore_mem>> -> memref<!tpu.dma_semaphore, #tpu.memory_space<semaphore_mem>>
              %dma_start3A_1160 = arith.constant 0 : i32
              %dma_start3A_1161 = arith.constant 0 : i32
              %dma_start3A_1162 = arith.constant 0 : i32
              %dma_start3A_1163 = tpu.memref_slice %run_scoped3A_9[%rem3A_1151, %dma_start3A_1160, %dma_start3A_1161, %dma_start3A_1162] : memref<3x1x512x1024xf32, #tpu.memory_space<vmem>> -> memref<1x1x512x1024xf32, #tpu.memory_space<vmem>>
              %dma_start3A_1164 = tpu.memref_squeeze %dma_start3A_1163 : memref<1x1x512x1024xf32, #tpu.memory_space<vmem>> -> memref<1x512x1024xf32, #tpu.memory_space<vmem>>
              %dma_start3A_1165 = arith.constant 0 : i32
              %dma_start3A_1166 = tpu.memref_slice %arg5[%mul3A_1155, %mul3A_1157, %dma_start3A_1165] : memref<64x2048x1024xf32, #tpu.memory_space<any>> -> memref<1x512x1024xf32, #tpu.memory_space<any>>
              tpu.enqueue_dma source(%dma_start3A_1166 : memref<1x512x1024xf32, #tpu.memory_space<any>>) target(%dma_start3A_1164 : memref<1x512x1024xf32, #tpu.memory_space<vmem>>) target_semaphore(%dma_start3A_1159 : memref<!tpu.dma_semaphore, #tpu.memory_space<semaphore_mem>>)
            } else {
            }
            %convert_element_type3A_1134 = arith.extui %or3A_1130 : i1 to i32
            %add3A_1135 = arith.addi %while3A_1111, %convert_element_type3A_1134 : i32
            %add3A_1136 = arith.constant 1 : i32
            %add3A_1137 = arith.addi %while3A_1110, %add3A_1136 : i32
            %select_n3A_1138 = arith.constant true
            %select_n3A_1139 = arith.select %select_n3A_1138, %add3A_1137, %while3A_1110 : i32
            %eq3A_1140 = arith.constant 4 : i32
            %eq3A_1141 = arith.cmpi eq, %select_n3A_1139, %eq3A_1140 : i32
            %select_n3A_1142 = arith.constant 0 : i32
            %select_n3A_1143 = arith.select %eq3A_1141, %select_n3A_1142, %select_n3A_1139 : i32
            %add3A_1144 = arith.constant 1 : i32
            %add3A_1145 = arith.addi %while3A_1109, %add3A_1144 : i32
            %select_n3A_1146 = arith.select %eq3A_1141, %add3A_1145, %while3A_1109 : i32
            %select_n3A_1147 = arith.constant false
            %select_n3A_1148 = arith.constant 0 : i32
            %select_n3A_1149 = arith.select %select_n3A_1147, %select_n3A_1148, %select_n3A_1146 : i32
            scf.yield %while3A_1109, %while3A_1110, %select_n3A_1149, %select_n3A_1143, %add3A_1135 : i32, i32, i32, i32, i32
          }
          %get3A_702 = arith.index_cast %add3A_488 : i32 to index
          %get3A_703 = memref.load %arg0[%get3A_702] : memref<96xi32, #tpu.memory_space<smem>>
          %get3A_704 = arith.index_cast %add3A_526 : i32 to index
          %get3A_705 = memref.load %arg0[%get3A_704] : memref<96xi32, #tpu.memory_space<smem>>
          %ne3A_706 = arith.cmpi ne, %get3A_703, %get3A_705 : i32
          %or3A_707 = arith.constant false
          %or3A_708 = arith.ori %or3A_707, %ne3A_706 : i1
          %or3A_709 = arith.constant false
          %or3A_710 = arith.ori %or3A_708, %or3A_709 : i1
          %sub3A_711 = arith.constant 2 : i32
          %sub3A_712 = arith.subi %mul3A_481, %sub3A_711 : i32
          %add3A_713 = arith.constant 1 : i32
          %add3A_714 = arith.addi %sub3A_712, %add3A_713 : i32
          %ge3A_715 = arith.cmpi sge, %while3A_457, %add3A_714 : i32
          %not3A_716 = arith.constant true
          %not3A_717 = arith.xori %ge3A_715, %not3A_716 : i1
          %and3A_718 = arith.andi %or3A_710, %not3A_717 : i1
          %get3A_719 = arith.index_cast %add3A_488 : i32 to index
          %get3A_720 = memref.load %arg0[%get3A_719] : memref<96xi32, #tpu.memory_space<smem>>
          %get3A_721 = arith.index_cast %add3A_508 : i32 to index
          %get3A_722 = memref.load %arg0[%get3A_721] : memref<96xi32, #tpu.memory_space<smem>>
          %ne3A_723 = arith.cmpi ne, %get3A_720, %get3A_722 : i32
          %or3A_724 = arith.constant false
          %or3A_725 = arith.ori %or3A_724, %ne3A_723 : i1
          %or3A_726 = arith.constant false
          %or3A_727 = arith.ori %or3A_725, %or3A_726 : i1
          %or3A_728 = arith.ori %or3A_727, %eq3A_483 : i1
          %convert_element_type3A_729 = arith.extui %or3A_728 : i1 to i32
          %cond3A_730 = arith.constant 0 : i32
          %cond3A_731 = arith.cmpi ne, %convert_element_type3A_729, %cond3A_730 : i32
          scf.if %cond3A_731 {
            "tpu.trace_start"() <{level = 10 : i32, message = "ep_wait_in"}> : () -> ()
            %get3A_1107 = arith.index_cast %add3A_488 : i32 to index
            %get3A_1108 = memref.load %arg0[%get3A_1107] : memref<96xi32, #tpu.memory_space<smem>>
            %mul3A_1109 = arith.constant 128 : i32
            %mul3A_1110 = arith.muli %mul3A_1109, %get3A_1108 : i32
            %rem3A_1111 = arith.constant 3 : i32
            %rem3A_1112 = arith.remui %while3A_459, %rem3A_1111 : i32
            %dma_wait3A = tpu.memref_slice %run_scoped3A_4[%rem3A_1112] : memref<3x!tpu.dma_semaphore, #tpu.memory_space<semaphore_mem>> -> memref<1x!tpu.dma_semaphore, #tpu.memory_space<semaphore_mem>>
            %dma_wait3A_1113 = tpu.memref_squeeze %dma_wait3A : memref<1x!tpu.dma_semaphore, #tpu.memory_space<semaphore_mem>> -> memref<!tpu.dma_semaphore, #tpu.memory_space<semaphore_mem>>
            %dma_wait3A_1114 = arith.constant 0 : i32
            %dma_wait3A_1115 = arith.constant 0 : i32
            %dma_wait3A_1116 = tpu.memref_slice %run_scoped3A[%rem3A_1112, %dma_wait3A_1114, %dma_wait3A_1115] : memref<3x128x1024xf32, #tpu.memory_space<vmem>> -> memref<1x128x1024xf32, #tpu.memory_space<vmem>>
            %dma_wait3A_1117 = tpu.memref_squeeze %dma_wait3A_1116 : memref<1x128x1024xf32, #tpu.memory_space<vmem>> -> memref<128x1024xf32, #tpu.memory_space<vmem>>
            %dma_wait3A_1118 = arith.constant 0 : i32
            %dma_wait3A_1119 = tpu.memref_slice %arg3[%mul3A_1110, %dma_wait3A_1118] : memref<12288x1024xf32, #tpu.memory_space<any>> -> memref<128x1024xf32, #tpu.memory_space<any>>
            tpu.wait_dma2 semaphore(%dma_wait3A_1113 : memref<!tpu.dma_semaphore, #tpu.memory_space<semaphore_mem>>) src(%dma_wait3A_1119 : memref<128x1024xf32, #tpu.memory_space<any>>) dst(%dma_wait3A_1117 : memref<128x1024xf32, #tpu.memory_space<vmem>>)
            "tpu.trace_stop"() : () -> ()
          } else {
          }
          %get3A_732 = arith.index_cast %add3A_488 : i32 to index
          %get3A_733 = memref.load %arg1[%get3A_732] : memref<96xi32, #tpu.memory_space<smem>>
          %get3A_734 = arith.index_cast %add3A_508 : i32 to index
          %get3A_735 = memref.load %arg1[%get3A_734] : memref<96xi32, #tpu.memory_space<smem>>
          %ne3A_736 = arith.cmpi ne, %get3A_733, %get3A_735 : i32
          %ne3A_737 = arith.cmpi ne, %add3A_490, %add3A_510 : i32
          %or3A_738 = arith.constant false
          %or3A_739 = arith.ori %or3A_738, %ne3A_736 : i1
          %or3A_740 = arith.ori %or3A_739, %ne3A_737 : i1
          %or3A_741 = arith.constant false
          %or3A_742 = arith.ori %or3A_740, %or3A_741 : i1
          %or3A_743 = arith.ori %or3A_742, %eq3A_483 : i1
          %convert_element_type3A_744 = arith.extui %or3A_743 : i1 to i32
          %cond3A_745 = arith.constant 0 : i32
          %cond3A_746 = arith.cmpi ne, %convert_element_type3A_744, %cond3A_745 : i32
          scf.if %cond3A_746 {
            "tpu.trace_start"() <{level = 10 : i32, message = "ep_wait_in"}> : () -> ()
            %get3A_1107 = arith.index_cast %add3A_488 : i32 to index
            %get3A_1108 = memref.load %arg1[%get3A_1107] : memref<96xi32, #tpu.memory_space<smem>>
            %mul3A_1109 = arith.constant 1 : i32
            %mul3A_1110 = arith.muli %mul3A_1109, %get3A_1108 : i32
            %mul3A_1111 = arith.constant 512 : i32
            %mul3A_1112 = arith.muli %mul3A_1111, %add3A_490 : i32
            %rem3A_1113 = arith.constant 3 : i32
            %rem3A_1114 = arith.remui %while3A_463, %rem3A_1113 : i32
            %dma_wait3A = tpu.memref_slice %run_scoped3A_6[%rem3A_1114] : memref<3x!tpu.dma_semaphore, #tpu.memory_space<semaphore_mem>> -> memref<1x!tpu.dma_semaphore, #tpu.memory_space<semaphore_mem>>
            %dma_wait3A_1115 = tpu.memref_squeeze %dma_wait3A : memref<1x!tpu.dma_semaphore, #tpu.memory_space<semaphore_mem>> -> memref<!tpu.dma_semaphore, #tpu.memory_space<semaphore_mem>>
            %dma_wait3A_1116 = arith.constant 0 : i32
            %dma_wait3A_1117 = arith.constant 0 : i32
            %dma_wait3A_1118 = arith.constant 0 : i32
            %dma_wait3A_1119 = tpu.memref_slice %run_scoped3A_5[%rem3A_1114, %dma_wait3A_1116, %dma_wait3A_1117, %dma_wait3A_1118] : memref<3x1x512x1024xf32, #tpu.memory_space<vmem>> -> memref<1x1x512x1024xf32, #tpu.memory_space<vmem>>
            %dma_wait3A_1120 = tpu.memref_squeeze %dma_wait3A_1119 : memref<1x1x512x1024xf32, #tpu.memory_space<vmem>> -> memref<1x512x1024xf32, #tpu.memory_space<vmem>>
            %dma_wait3A_1121 = arith.constant 0 : i32
            %dma_wait3A_1122 = tpu.memref_slice %arg4[%mul3A_1110, %mul3A_1112, %dma_wait3A_1121] : memref<64x2048x1024xf32, #tpu.memory_space<any>> -> memref<1x512x1024xf32, #tpu.memory_space<any>>
            tpu.wait_dma2 semaphore(%dma_wait3A_1115 : memref<!tpu.dma_semaphore, #tpu.memory_space<semaphore_mem>>) src(%dma_wait3A_1122 : memref<1x512x1024xf32, #tpu.memory_space<any>>) dst(%dma_wait3A_1120 : memref<1x512x1024xf32, #tpu.memory_space<vmem>>)
            "tpu.trace_stop"() : () -> ()
          } else {
          }
          %get3A_747 = arith.index_cast %add3A_488 : i32 to index
          %get3A_748 = memref.load %arg1[%get3A_747] : memref<96xi32, #tpu.memory_space<smem>>
          %get3A_749 = arith.index_cast %add3A_508 : i32 to index
          %get3A_750 = memref.load %arg1[%get3A_749] : memref<96xi32, #tpu.memory_space<smem>>
          %ne3A_751 = arith.cmpi ne, %get3A_748, %get3A_750 : i32
          %ne3A_752 = arith.cmpi ne, %add3A_490, %add3A_510 : i32
          %or3A_753 = arith.constant false
          %or3A_754 = arith.ori %or3A_753, %ne3A_751 : i1
          %or3A_755 = arith.ori %or3A_754, %ne3A_752 : i1
          %or3A_756 = arith.constant false
          %or3A_757 = arith.ori %or3A_755, %or3A_756 : i1
          %or3A_758 = arith.ori %or3A_757, %eq3A_483 : i1
          %convert_element_type3A_759 = arith.extui %or3A_758 : i1 to i32
          %cond3A_760 = arith.constant 0 : i32
          %cond3A_761 = arith.cmpi ne, %convert_element_type3A_759, %cond3A_760 : i32
          scf.if %cond3A_761 {
            "tpu.trace_start"() <{level = 10 : i32, message = "ep_wait_in"}> : () -> ()
            %get3A_1107 = arith.index_cast %add3A_488 : i32 to index
            %get3A_1108 = memref.load %arg1[%get3A_1107] : memref<96xi32, #tpu.memory_space<smem>>
            %mul3A_1109 = arith.constant 1 : i32
            %mul3A_1110 = arith.muli %mul3A_1109, %get3A_1108 : i32
            %mul3A_1111 = arith.constant 512 : i32
            %mul3A_1112 = arith.muli %mul3A_1111, %add3A_490 : i32
            %rem3A_1113 = arith.constant 3 : i32
            %rem3A_1114 = arith.remui %while3A_467, %rem3A_1113 : i32
            %dma_wait3A = tpu.memref_slice %run_scoped3A_8[%rem3A_1114] : memref<3x!tpu.dma_semaphore, #tpu.memory_space<semaphore_mem>> -> memref<1x!tpu.dma_semaphore, #tpu.memory_space<semaphore_mem>>
            %dma_wait3A_1115 = tpu.memref_squeeze %dma_wait3A : memref<1x!tpu.dma_semaphore, #tpu.memory_space<semaphore_mem>> -> memref<!tpu.dma_semaphore, #tpu.memory_space<semaphore_mem>>
            %dma_wait3A_1116 = arith.constant 0 : i32
            %dma_wait3A_1117 = arith.constant 0 : i32
            %dma_wait3A_1118 = arith.constant 0 : i32
            %dma_wait3A_1119 = tpu.memref_slice %run_scoped3A_7[%rem3A_1114, %dma_wait3A_1116, %dma_wait3A_1117, %dma_wait3A_1118] : memref<3x1x512x1024xf32, #tpu.memory_space<vmem>> -> memref<1x1x512x1024xf32, #tpu.memory_space<vmem>>
            %dma_wait3A_1120 = tpu.memref_squeeze %dma_wait3A_1119 : memref<1x1x512x1024xf32, #tpu.memory_space<vmem>> -> memref<1x512x1024xf32, #tpu.memory_space<vmem>>
            %dma_wait3A_1121 = arith.constant 0 : i32
            %dma_wait3A_1122 = tpu.memref_slice %arg6[%mul3A_1110, %mul3A_1112, %dma_wait3A_1121] : memref<64x2048x1024xf32, #tpu.memory_space<any>> -> memref<1x512x1024xf32, #tpu.memory_space<any>>
            tpu.wait_dma2 semaphore(%dma_wait3A_1115 : memref<!tpu.dma_semaphore, #tpu.memory_space<semaphore_mem>>) src(%dma_wait3A_1122 : memref<1x512x1024xf32, #tpu.memory_space<any>>) dst(%dma_wait3A_1120 : memref<1x512x1024xf32, #tpu.memory_space<vmem>>)
            "tpu.trace_stop"() : () -> ()
          } else {
          }
          %get3A_762 = arith.index_cast %add3A_488 : i32 to index
          %get3A_763 = memref.load %arg1[%get3A_762] : memref<96xi32, #tpu.memory_space<smem>>
          %get3A_764 = arith.index_cast %add3A_508 : i32 to index
          %get3A_765 = memref.load %arg1[%get3A_764] : memref<96xi32, #tpu.memory_space<smem>>
          %ne3A_766 = arith.cmpi ne, %get3A_763, %get3A_765 : i32
          %ne3A_767 = arith.cmpi ne, %add3A_490, %add3A_510 : i32
          %or3A_768 = arith.constant false
          %or3A_769 = arith.ori %or3A_768, %ne3A_766 : i1
          %or3A_770 = arith.ori %or3A_769, %ne3A_767 : i1
          %or3A_771 = arith.constant false
          %or3A_772 = arith.ori %or3A_770, %or3A_771 : i1
          %or3A_773 = arith.ori %or3A_772, %eq3A_483 : i1
          %convert_element_type3A_774 = arith.extui %or3A_773 : i1 to i32
          %cond3A_775 = arith.constant 0 : i32
          %cond3A_776 = arith.cmpi ne, %convert_element_type3A_774, %cond3A_775 : i32
          scf.if %cond3A_776 {
            "tpu.trace_start"() <{level = 10 : i32, message = "ep_wait_in"}> : () -> ()
            %get3A_1107 = arith.index_cast %add3A_488 : i32 to index
            %get3A_1108 = memref.load %arg1[%get3A_1107] : memref<96xi32, #tpu.memory_space<smem>>
            %mul3A_1109 = arith.constant 1 : i32
            %mul3A_1110 = arith.muli %mul3A_1109, %get3A_1108 : i32
            %mul3A_1111 = arith.constant 512 : i32
            %mul3A_1112 = arith.muli %mul3A_1111, %add3A_490 : i32
            %rem3A_1113 = arith.constant 3 : i32
            %rem3A_1114 = arith.remui %while3A_471, %rem3A_1113 : i32
            %dma_wait3A = tpu.memref_slice %run_scoped3A_10[%rem3A_1114] : memref<3x!tpu.dma_semaphore, #tpu.memory_space<semaphore_mem>> -> memref<1x!tpu.dma_semaphore, #tpu.memory_space<semaphore_mem>>
            %dma_wait3A_1115 = tpu.memref_squeeze %dma_wait3A : memref<1x!tpu.dma_semaphore, #tpu.memory_space<semaphore_mem>> -> memref<!tpu.dma_semaphore, #tpu.memory_space<semaphore_mem>>
            %dma_wait3A_1116 = arith.constant 0 : i32
            %dma_wait3A_1117 = arith.constant 0 : i32
            %dma_wait3A_1118 = arith.constant 0 : i32
            %dma_wait3A_1119 = tpu.memref_slice %run_scoped3A_9[%rem3A_1114, %dma_wait3A_1116, %dma_wait3A_1117, %dma_wait3A_1118] : memref<3x1x512x1024xf32, #tpu.memory_space<vmem>> -> memref<1x1x512x1024xf32, #tpu.memory_space<vmem>>
            %dma_wait3A_1120 = tpu.memref_squeeze %dma_wait3A_1119 : memref<1x1x512x1024xf32, #tpu.memory_space<vmem>> -> memref<1x512x1024xf32, #tpu.memory_space<vmem>>
            %dma_wait3A_1121 = arith.constant 0 : i32
            %dma_wait3A_1122 = tpu.memref_slice %arg5[%mul3A_1110, %mul3A_1112, %dma_wait3A_1121] : memref<64x2048x1024xf32, #tpu.memory_space<any>> -> memref<1x512x1024xf32, #tpu.memory_space<any>>
            tpu.wait_dma2 semaphore(%dma_wait3A_1115 : memref<!tpu.dma_semaphore, #tpu.memory_space<semaphore_mem>>) src(%dma_wait3A_1122 : memref<1x512x1024xf32, #tpu.memory_space<any>>) dst(%dma_wait3A_1120 : memref<1x512x1024xf32, #tpu.memory_space<vmem>>)
            "tpu.trace_stop"() : () -> ()
          } else {
          }
          %get3A_777 = arith.index_cast %add3A_488 : i32 to index
          %get3A_778 = memref.load %arg0[%get3A_777] : memref<96xi32, #tpu.memory_space<smem>>
          %get3A_779 = arith.index_cast %add3A_508 : i32 to index
          %get3A_780 = memref.load %arg0[%get3A_779] : memref<96xi32, #tpu.memory_space<smem>>
          %ne3A_781 = arith.cmpi ne, %get3A_778, %get3A_780 : i32
          %or3A_782 = arith.constant false
          %or3A_783 = arith.ori %or3A_782, %ne3A_781 : i1
          %or3A_784 = arith.constant false
          %or3A_785 = arith.ori %or3A_783, %or3A_784 : i1
          %or3A_786 = arith.ori %or3A_785, %eq3A_483 : i1
          %convert_element_type3A_787 = arith.extui %or3A_786 : i1 to i32
          %cond3A_788 = arith.constant 0 : i32
          %cond3A_789 = arith.cmpi ne, %convert_element_type3A_787, %cond3A_788 : i32
          scf.if %cond3A_789 {
          } else {
          }
          %rem3A_790 = arith.constant 3 : i32
          %rem3A_791 = arith.remui %while3A_459, %rem3A_790 : i32
          %rem3A_792 = arith.constant 3 : i32
          %rem3A_793 = arith.remui %while3A_463, %rem3A_792 : i32
          %rem3A_794 = arith.constant 3 : i32
          %rem3A_795 = arith.remui %while3A_467, %rem3A_794 : i32
          %rem3A_796 = arith.constant 3 : i32
          %rem3A_797 = arith.remui %while3A_471, %rem3A_796 : i32
          %rem3A_798 = arith.constant 2 : i32
          %rem3A_799 = arith.remui %while3A_474, %rem3A_798 : i32
          "tpu.trace_start"() <{level = 10 : i32, message = "ep_run_kernel"}> : () -> ()
          %get3A_800 = arith.index_cast %rem3A_791 : i32 to index
          %get3A_801 = arith.constant 0 : index
          %get3A_802 = arith.constant 0 : index
          %get3A_803 = vector.load %run_scoped3A[%get3A_800, %get3A_801, %get3A_802] : memref<3x128x1024xf32, #tpu.memory_space<vmem>>, vector<1x128x1024xf32>
          %get3A_804 = vector.shape_cast %get3A_803 : vector<1x128x1024xf32> to vector<128x1024xf32>
          %get3A_805 = arith.constant 0 : i32
          %get3A_806 = arith.constant 0 : i32
          %get3A_807 = arith.constant 0 : i32
          %get3A_808 = tpu.memref_slice %run_scoped3A_5[%rem3A_793, %get3A_805, %get3A_806, %get3A_807] : memref<3x1x512x1024xf32, #tpu.memory_space<vmem>> -> memref<1x1x512x1024xf32, #tpu.memory_space<vmem>>
          %get3A_809 = tpu.memref_squeeze %get3A_808 : memref<1x1x512x1024xf32, #tpu.memory_space<vmem>> -> memref<1x512x1024xf32, #tpu.memory_space<vmem>>
          %get3A_810 = arith.constant 0 : index
          %get3A_811 = arith.constant 0 : index
          %get3A_812 = arith.constant 0 : index
          %get3A_813 = vector.load %get3A_809[%get3A_810, %get3A_811, %get3A_812] : memref<1x512x1024xf32, #tpu.memory_space<vmem>>, vector<1x512x1024xf32>
          %get3A_814 = vector.shape_cast %get3A_813 : vector<1x512x1024xf32> to vector<512x1024xf32>
          %get3A_815 = arith.constant 0 : i32
          %get3A_816 = arith.constant 0 : i32
          %get3A_817 = arith.constant 0 : i32
          %get3A_818 = tpu.memref_slice %run_scoped3A_7[%rem3A_795, %get3A_815, %get3A_816, %get3A_817] : memref<3x1x512x1024xf32, #tpu.memory_space<vmem>> -> memref<1x1x512x1024xf32, #tpu.memory_space<vmem>>
          %get3A_819 = tpu.memref_squeeze %get3A_818 : memref<1x1x512x1024xf32, #tpu.memory_space<vmem>> -> memref<1x512x1024xf32, #tpu.memory_space<vmem>>
          %get3A_820 = arith.constant 0 : index
          %get3A_821 = arith.constant 0 : index
          %get3A_822 = arith.constant 0 : index
          %get3A_823 = vector.load %get3A_819[%get3A_820, %get3A_821, %get3A_822] : memref<1x512x1024xf32, #tpu.memory_space<vmem>>, vector<1x512x1024xf32>
          %get3A_824 = vector.shape_cast %get3A_823 : vector<1x512x1024xf32> to vector<512x1024xf32>
          %get3A_825 = arith.constant 0 : i32
          %get3A_826 = arith.constant 0 : i32
          %get3A_827 = arith.constant 0 : i32
          %get3A_828 = tpu.memref_slice %run_scoped3A_9[%rem3A_797, %get3A_825, %get3A_826, %get3A_827] : memref<3x1x512x1024xf32, #tpu.memory_space<vmem>> -> memref<1x1x512x1024xf32, #tpu.memory_space<vmem>>
          %get3A_829 = tpu.memref_squeeze %get3A_828 : memref<1x1x512x1024xf32, #tpu.memory_space<vmem>> -> memref<1x512x1024xf32, #tpu.memory_space<vmem>>
          %get3A_830 = arith.constant 0 : index
          %get3A_831 = arith.constant 0 : index
          %get3A_832 = arith.constant 0 : index
          %get3A_833 = vector.load %get3A_829[%get3A_830, %get3A_831, %get3A_832] : memref<1x512x1024xf32, #tpu.memory_space<vmem>>, vector<1x512x1024xf32>
          %get3A_834 = vector.shape_cast %get3A_833 : vector<1x512x1024xf32> to vector<512x1024xf32>
          %dot_general3A = arith.constant dense<0.000000e+00> : vector<128x512xf32>
          %dot_general3A_835 = tpu.matmul %get3A_804, %get3A_814, %dot_general3A {dimension_numbers = #tpu.dot_dimension_numbers<[1], [1], [0], [0], [0, 0, 1, 0], [], []>, transpose_lhs_hint = false} : vector<128x1024xf32>, vector<512x1024xf32>, vector<128x512xf32> -> vector<128x512xf32>
          %dot_general3A_836 = arith.constant dense<0.000000e+00> : vector<128x512xf32>
          %dot_general3A_837 = tpu.matmul %get3A_804, %get3A_824, %dot_general3A_836 {dimension_numbers = #tpu.dot_dimension_numbers<[1], [1], [0], [0], [0, 0, 1, 0], [], []>, transpose_lhs_hint = false} : vector<128x1024xf32>, vector<512x1024xf32>, vector<128x512xf32> -> vector<128x512xf32>
          %logistic3A = arith.negf %dot_general3A_835 : vector<128x512xf32>
          %logistic3A_838 = math.exp %logistic3A : vector<128x512xf32>
          %logistic3A_839 = arith.constant 1.000000e+00 : f32
          %logistic3A_840 = vector.broadcast %logistic3A_839 : f32 to vector<128x512xf32>
          %logistic3A_841 = arith.addf %logistic3A_840, %logistic3A_838 : vector<128x512xf32>
          %logistic3A_842 = arith.divf %logistic3A_840, %logistic3A_841 : vector<128x512xf32>
          %mul3A_843 = arith.mulf %dot_general3A_835, %logistic3A_842 : vector<128x512xf32>
          %mul3A_844 = arith.mulf %mul3A_843, %dot_general3A_837 : vector<128x512xf32>
          %dot_general3A_845 = arith.constant dense<0.000000e+00> : vector<128x1024xf32>
          %dot_general3A_846 = tpu.matmul %mul3A_844, %get3A_834, %dot_general3A_845 {dimension_numbers = #tpu.dot_dimension_numbers<[1], [0], [0], [1], [0, 0, 1, 1], [], []>, transpose_lhs_hint = false} : vector<128x512xf32>, vector<512x1024xf32>, vector<128x1024xf32> -> vector<128x1024xf32>
          %eq3A_847 = arith.constant 0 : i32
          %eq3A_848 = arith.cmpi eq, %add3A_490, %eq3A_847 : i32
          %convert_element_type3A_849 = arith.extui %eq3A_848 : i1 to i32
          %cond3A_850 = arith.constant 0 : i32
          %cond3A_851 = arith.cmpi ne, %convert_element_type3A_849, %cond3A_850 : i32
          scf.if %cond3A_851 {
            %swap3A = arith.index_cast %rem3A_799 : i32 to index
            %swap3A_1107 = arith.constant 0 : index
            %swap3A_1108 = arith.constant 0 : index
            %swap3A_1109 = vector.load %run_scoped3A_11[%swap3A, %swap3A_1107, %swap3A_1108] : memref<2x128x1024xf32, #tpu.memory_space<vmem>>, vector<1x128x1024xf32>
            %swap3A_1110 = vector.shape_cast %swap3A_1109 : vector<1x128x1024xf32> to vector<128x1024xf32>
            %swap3A_1111 = vector.shape_cast %dot_general3A_846 : vector<128x1024xf32> to vector<1x128x1024xf32>
            tpu.vector_store %run_scoped3A_11[%swap3A, %swap3A_1107, %swap3A_1108], %swap3A_1111 {strides = array<i32>} : memref<2x128x1024xf32, #tpu.memory_space<vmem>>, vector<1x128x1024xf32>,
          } else {
          }
          %ne3A_852 = arith.constant 0 : i32
          %ne3A_853 = arith.cmpi ne, %add3A_490, %ne3A_852 : i32
          %convert_element_type3A_854 = arith.extui %ne3A_853 : i1 to i32
          %cond3A_855 = arith.constant 0 : i32
          %cond3A_856 = arith.cmpi ne, %convert_element_type3A_854, %cond3A_855 : i32
          scf.if %cond3A_856 {
            %get3A_1107 = arith.index_cast %rem3A_799 : i32 to index
            %get3A_1108 = arith.constant 0 : index
            %get3A_1109 = arith.constant 0 : index
            %get3A_1110 = vector.load %run_scoped3A_11[%get3A_1107, %get3A_1108, %get3A_1109] : memref<2x128x1024xf32, #tpu.memory_space<vmem>>, vector<1x128x1024xf32>
            %get3A_1111 = vector.shape_cast %get3A_1110 : vector<1x128x1024xf32> to vector<128x1024xf32>
            %add3A_1112 = arith.addf %get3A_1111, %dot_general3A_846 : vector<128x1024xf32>
            %swap3A = arith.index_cast %rem3A_799 : i32 to index
            %swap3A_1113 = arith.constant 0 : index
            %swap3A_1114 = arith.constant 0 : index
            %swap3A_1115 = vector.load %run_scoped3A_11[%swap3A, %swap3A_1113, %swap3A_1114] : memref<2x128x1024xf32, #tpu.memory_space<vmem>>, vector<1x128x1024xf32>
            %swap3A_1116 = vector.shape_cast %swap3A_1115 : vector<1x128x1024xf32> to vector<128x1024xf32>
            %swap3A_1117 = vector.shape_cast %add3A_1112 : vector<128x1024xf32> to vector<1x128x1024xf32>
            tpu.vector_store %run_scoped3A_11[%swap3A, %swap3A_1113, %swap3A_1114], %swap3A_1117 {strides = array<i32>} : memref<2x128x1024xf32, #tpu.memory_space<vmem>>, vector<1x128x1024xf32>,
          } else {
          }
          "tpu.trace_stop"() : () -> ()
          %get3A_857 = arith.index_cast %add3A_488 : i32 to index
          %get3A_858 = memref.load %arg0[%get3A_857] : memref<96xi32, #tpu.memory_space<smem>>
          %get3A_859 = arith.index_cast %add3A_526 : i32 to index
          %get3A_860 = memref.load %arg0[%get3A_859] : memref<96xi32, #tpu.memory_space<smem>>
          %ne3A_861 = arith.cmpi ne, %get3A_858, %get3A_860 : i32
          %or3A_862 = arith.constant false
          %or3A_863 = arith.ori %or3A_862, %ne3A_861 : i1
          %or3A_864 = arith.constant false
          %or3A_865 = arith.ori %or3A_863, %or3A_864 : i1
          %or3A_866 = arith.ori %or3A_865, %eq3A_486 : i1
          %convert_element_type3A_867 = arith.extui %or3A_866 : i1 to i32
          %cond3A_868 = arith.constant 0 : i32
          %cond3A_869 = arith.cmpi ne, %convert_element_type3A_867, %cond3A_868 : i32
          scf.if %cond3A_869 {
          } else {
          }
          %and3A_870 = arith.constant false
          %and3A_871 = arith.andi %or3A_866, %and3A_870 : i1
          %get3A_872 = arith.index_cast %add3A_488 : i32 to index
          %get3A_873 = memref.load %arg1[%get3A_872] : memref<96xi32, #tpu.memory_space<smem>>
          %get3A_874 = arith.index_cast %add3A_526 : i32 to index
          %get3A_875 = memref.load %arg1[%get3A_874] : memref<96xi32, #tpu.memory_space<smem>>
          %ne3A_876 = arith.cmpi ne, %get3A_873, %get3A_875 : i32
          %ne3A_877 = arith.cmpi ne, %add3A_490, %add3A_528 : i32
          %or3A_878 = arith.constant false
          %or3A_879 = arith.ori %or3A_878, %ne3A_876 : i1
          %or3A_880 = arith.ori %or3A_879, %ne3A_877 : i1
          %or3A_881 = arith.constant false
          %or3A_882 = arith.ori %or3A_880, %or3A_881 : i1
          %or3A_883 = arith.ori %or3A_882, %eq3A_486 : i1
          %convert_element_type3A_884 = arith.extui %or3A_883 : i1 to i32
          %cond3A_885 = arith.constant 0 : i32
          %cond3A_886 = arith.cmpi ne, %convert_element_type3A_884, %cond3A_885 : i32
          scf.if %cond3A_886 {
          } else {
          }
          %and3A_887 = arith.constant false
          %and3A_888 = arith.andi %or3A_883, %and3A_887 : i1
          %get3A_889 = arith.index_cast %add3A_488 : i32 to index
          %get3A_890 = memref.load %arg1[%get3A_889] : memref<96xi32, #tpu.memory_space<smem>>
          %get3A_891 = arith.index_cast %add3A_526 : i32 to index
          %get3A_892 = memref.load %arg1[%get3A_891] : memref<96xi32, #tpu.memory_space<smem>>
          %ne3A_893 = arith.cmpi ne, %get3A_890, %get3A_892 : i32
          %ne3A_894 = arith.cmpi ne, %add3A_490, %add3A_528 : i32
          %or3A_895 = arith.constant false
          %or3A_896 = arith.ori %or3A_895, %ne3A_893 : i1
          %or3A_897 = arith.ori %or3A_896, %ne3A_894 : i1
          %or3A_898 = arith.constant false
          %or3A_899 = arith.ori %or3A_897, %or3A_898 : i1
          %or3A_900 = arith.ori %or3A_899, %eq3A_486 : i1
          %convert_element_type3A_901 = arith.extui %or3A_900 : i1 to i32
          %cond3A_902 = arith.constant 0 : i32
          %cond3A_903 = arith.cmpi ne, %convert_element_type3A_901, %cond3A_902 : i32
          scf.if %cond3A_903 {
          } else {
          }
          %and3A_904 = arith.constant false
          %and3A_905 = arith.andi %or3A_900, %and3A_904 : i1
          %get3A_906 = arith.index_cast %add3A_488 : i32 to index
          %get3A_907 = memref.load %arg1[%get3A_906] : memref<96xi32, #tpu.memory_space<smem>>
          %get3A_908 = arith.index_cast %add3A_526 : i32 to index
          %get3A_909 = memref.load %arg1[%get3A_908] : memref<96xi32, #tpu.memory_space<smem>>
          %ne3A_910 = arith.cmpi ne, %get3A_907, %get3A_909 : i32
          %ne3A_911 = arith.cmpi ne, %add3A_490, %add3A_528 : i32
          %or3A_912 = arith.constant false
          %or3A_913 = arith.ori %or3A_912, %ne3A_910 : i1
          %or3A_914 = arith.ori %or3A_913, %ne3A_911 : i1
          %or3A_915 = arith.constant false
          %or3A_916 = arith.ori %or3A_914, %or3A_915 : i1
          %or3A_917 = arith.ori %or3A_916, %eq3A_486 : i1
          %convert_element_type3A_918 = arith.extui %or3A_917 : i1 to i32
          %cond3A_919 = arith.constant 0 : i32
          %cond3A_920 = arith.cmpi ne, %convert_element_type3A_918, %cond3A_919 : i32
          scf.if %cond3A_920 {
          } else {
          }
          %and3A_921 = arith.constant false
          %and3A_922 = arith.andi %or3A_917, %and3A_921 : i1
          %get3A_923 = arith.index_cast %add3A_488 : i32 to index
          %get3A_924 = memref.load %arg0[%get3A_923] : memref<96xi32, #tpu.memory_space<smem>>
          %get3A_925 = arith.index_cast %add3A_526 : i32 to index
          %get3A_926 = memref.load %arg0[%get3A_925] : memref<96xi32, #tpu.memory_space<smem>>
          %ne3A_927 = arith.cmpi ne, %get3A_924, %get3A_926 : i32
          %or3A_928 = arith.constant false
          %or3A_929 = arith.ori %or3A_928, %ne3A_927 : i1
          %or3A_930 = arith.constant false
          %or3A_931 = arith.ori %or3A_929, %or3A_930 : i1
          %or3A_932 = arith.ori %or3A_931, %eq3A_486 : i1
          %convert_element_type3A_933 = arith.extui %or3A_932 : i1 to i32
          %cond3A_934 = arith.constant 0 : i32
          %cond3A_935 = arith.cmpi ne, %convert_element_type3A_933, %cond3A_934 : i32
          scf.if %cond3A_935 {
            "tpu.trace_start"() <{level = 10 : i32, message = "ep_copy_out"}> : () -> ()
            %rem3A_1107 = arith.constant 2 : i32
            %rem3A_1108 = arith.remui %while3A_474, %rem3A_1107 : i32
            %get3A_1109 = arith.index_cast %add3A_488 : i32 to index
            %get3A_1110 = memref.load %arg0[%get3A_1109] : memref<96xi32, #tpu.memory_space<smem>>
            %mul3A_1111 = arith.constant 128 : i32
            %mul3A_1112 = arith.muli %mul3A_1111, %get3A_1110 : i32
            %dma_start3A_1113 = tpu.memref_slice %run_scoped3A_12[%rem3A_1108] : memref<2x!tpu.dma_semaphore, #tpu.memory_space<semaphore_mem>> -> memref<1x!tpu.dma_semaphore, #tpu.memory_space<semaphore_mem>>
            %dma_start3A_1114 = tpu.memref_squeeze %dma_start3A_1113 : memref<1x!tpu.dma_semaphore, #tpu.memory_space<semaphore_mem>> -> memref<!tpu.dma_semaphore, #tpu.memory_space<semaphore_mem>>
            %dma_start3A_1115 = arith.constant 0 : i32
            %dma_start3A_1116 = tpu.memref_slice %arg7[%mul3A_1112, %dma_start3A_1115] : memref<12288x1024xf32, #tpu.memory_space<any>> -> memref<128x1024xf32, #tpu.memory_space<any>>
            %dma_start3A_1117 = arith.constant 0 : i32
            %dma_start3A_1118 = arith.constant 0 : i32
            %dma_start3A_1119 = tpu.memref_slice %run_scoped3A_11[%rem3A_1108, %dma_start3A_1117, %dma_start3A_1118] : memref<2x128x1024xf32, #tpu.memory_space<vmem>> -> memref<1x128x1024xf32, #tpu.memory_space<vmem>>
            %dma_start3A_1120 = tpu.memref_squeeze %dma_start3A_1119 : memref<1x128x1024xf32, #tpu.memory_space<vmem>> -> memref<128x1024xf32, #tpu.memory_space<vmem>>
            tpu.enqueue_dma source(%dma_start3A_1120 : memref<128x1024xf32, #tpu.memory_space<vmem>>) target(%dma_start3A_1116 : memref<128x1024xf32, #tpu.memory_space<any>>) target_semaphore(%dma_start3A_1114 : memref<!tpu.dma_semaphore, #tpu.memory_space<semaphore_mem>>)
            "tpu.trace_stop"() : () -> ()
          } else {
          }
          %and3A_936 = arith.constant true
          %and3A_937 = arith.andi %or3A_932, %and3A_936 : i1
          %add3A_938 = arith.constant 1 : i32
          %add3A_939 = arith.addi %while3A_474, %add3A_938 : i32
          %select_n3A_940 = arith.select %and3A_937, %add3A_939, %while3A_474 : i32
          %get3A_941 = arith.index_cast %add3A_488 : i32 to index
          %get3A_942 = memref.load %arg0[%get3A_941] : memref<96xi32, #tpu.memory_space<smem>>
          %get3A_943 = arith.index_cast %add3A_508 : i32 to index
          %get3A_944 = memref.load %arg0[%get3A_943] : memref<96xi32, #tpu.memory_space<smem>>
          %ne3A_945 = arith.cmpi ne, %get3A_942, %get3A_944 : i32
          %or3A_946 = arith.constant false
          %or3A_947 = arith.ori %or3A_946, %ne3A_945 : i1
          %or3A_948 = arith.constant false
          %or3A_949 = arith.ori %or3A_947, %or3A_948 : i1
          %not3A_950 = arith.constant true
          %not3A_951 = arith.xori %eq3A_483, %not3A_950 : i1
          %and3A_952 = arith.andi %or3A_949, %not3A_951 : i1
          %convert_element_type3A_953 = arith.extui %and3A_952 : i1 to i32
          %cond3A_954 = arith.constant 0 : i32
          %cond3A_955 = arith.cmpi ne, %convert_element_type3A_953, %cond3A_954 : i32
          scf.if %cond3A_955 {
          } else {
          }
          %and3A_956 = arith.constant false
          %and3A_957 = arith.andi %and3A_952, %and3A_956 : i1
          %get3A_958 = arith.index_cast %add3A_488 : i32 to index
          %get3A_959 = memref.load %arg1[%get3A_958] : memref<96xi32, #tpu.memory_space<smem>>
          %get3A_960 = arith.index_cast %add3A_508 : i32 to index
          %get3A_961 = memref.load %arg1[%get3A_960] : memref<96xi32, #tpu.memory_space<smem>>
          %ne3A_962 = arith.cmpi ne, %get3A_959, %get3A_961 : i32
          %ne3A_963 = arith.cmpi ne, %add3A_490, %add3A_510 : i32
          %or3A_964 = arith.constant false
          %or3A_965 = arith.ori %or3A_964, %ne3A_962 : i1
          %or3A_966 = arith.ori %or3A_965, %ne3A_963 : i1
          %or3A_967 = arith.constant false
          %or3A_968 = arith.ori %or3A_966, %or3A_967 : i1
          %not3A_969 = arith.constant true
          %not3A_970 = arith.xori %eq3A_483, %not3A_969 : i1
          %and3A_971 = arith.andi %or3A_968, %not3A_970 : i1
          %convert_element_type3A_972 = arith.extui %and3A_971 : i1 to i32
          %cond3A_973 = arith.constant 0 : i32
          %cond3A_974 = arith.cmpi ne, %convert_element_type3A_972, %cond3A_973 : i32
          scf.if %cond3A_974 {
          } else {
          }
          %and3A_975 = arith.constant false
          %and3A_976 = arith.andi %and3A_971, %and3A_975 : i1
          %get3A_977 = arith.index_cast %add3A_488 : i32 to index
          %get3A_978 = memref.load %arg1[%get3A_977] : memref<96xi32, #tpu.memory_space<smem>>
          %get3A_979 = arith.index_cast %add3A_508 : i32 to index
          %get3A_980 = memref.load %arg1[%get3A_979] : memref<96xi32, #tpu.memory_space<smem>>
          %ne3A_981 = arith.cmpi ne, %get3A_978, %get3A_980 : i32
          %ne3A_982 = arith.cmpi ne, %add3A_490, %add3A_510 : i32
          %or3A_983 = arith.constant false
          %or3A_984 = arith.ori %or3A_983, %ne3A_981 : i1
          %or3A_985 = arith.ori %or3A_984, %ne3A_982 : i1
          %or3A_986 = arith.constant false
          %or3A_987 = arith.ori %or3A_985, %or3A_986 : i1
          %not3A_988 = arith.constant true
          %not3A_989 = arith.xori %eq3A_483, %not3A_988 : i1
          %and3A_990 = arith.andi %or3A_987, %not3A_989 : i1
          %convert_element_type3A_991 = arith.extui %and3A_990 : i1 to i32
          %cond3A_992 = arith.constant 0 : i32
          %cond3A_993 = arith.cmpi ne, %convert_element_type3A_991, %cond3A_992 : i32
          scf.if %cond3A_993 {
          } else {
          }
          %and3A_994 = arith.constant false
          %and3A_995 = arith.andi %and3A_990, %and3A_994 : i1
          %get3A_996 = arith.index_cast %add3A_488 : i32 to index
          %get3A_997 = memref.load %arg1[%get3A_996] : memref<96xi32, #tpu.memory_space<smem>>
          %get3A_998 = arith.index_cast %add3A_508 : i32 to index
          %get3A_999 = memref.load %arg1[%get3A_998] : memref<96xi32, #tpu.memory_space<smem>>
          %ne3A_1000 = arith.cmpi ne, %get3A_997, %get3A_999 : i32
          %ne3A_1001 = arith.cmpi ne, %add3A_490, %add3A_510 : i32
          %or3A_1002 = arith.constant false
          %or3A_1003 = arith.ori %or3A_1002, %ne3A_1000 : i1
          %or3A_1004 = arith.ori %or3A_1003, %ne3A_1001 : i1
          %or3A_1005 = arith.constant false
          %or3A_1006 = arith.ori %or3A_1004, %or3A_1005 : i1
          %not3A_1007 = arith.constant true
          %not3A_1008 = arith.xori %eq3A_483, %not3A_1007 : i1
          %and3A_1009 = arith.andi %or3A_1006, %not3A_1008 : i1
          %convert_element_type3A_1010 = arith.extui %and3A_1009 : i1 to i32
          %cond3A_1011 = arith.constant 0 : i32
          %cond3A_1012 = arith.cmpi ne, %convert_element_type3A_1010, %cond3A_1011 : i32
          scf.if %cond3A_1012 {
          } else {
          }
          %and3A_1013 = arith.constant false
          %and3A_1014 = arith.andi %and3A_1009, %and3A_1013 : i1
          %get3A_1015 = arith.index_cast %add3A_488 : i32 to index
          %get3A_1016 = memref.load %arg0[%get3A_1015] : memref<96xi32, #tpu.memory_space<smem>>
          %get3A_1017 = arith.index_cast %add3A_508 : i32 to index
          %get3A_1018 = memref.load %arg0[%get3A_1017] : memref<96xi32, #tpu.memory_space<smem>>
          %ne3A_1019 = arith.cmpi ne, %get3A_1016, %get3A_1018 : i32
          %or3A_1020 = arith.constant false
          %or3A_1021 = arith.ori %or3A_1020, %ne3A_1019 : i1
          %or3A_1022 = arith.constant false
          %or3A_1023 = arith.ori %or3A_1021, %or3A_1022 : i1
          %not3A_1024 = arith.constant true
          %not3A_1025 = arith.xori %eq3A_483, %not3A_1024 : i1
          %and3A_1026 = arith.andi %or3A_1023, %not3A_1025 : i1
          %convert_element_type3A_1027 = arith.extui %and3A_1026 : i1 to i32
          %cond3A_1028 = arith.constant 0 : i32
          %cond3A_1029 = arith.cmpi ne, %convert_element_type3A_1027, %cond3A_1028 : i32
          scf.if %cond3A_1029 {
            "tpu.trace_start"() <{level = 10 : i32, message = "ep_wait_out"}> : () -> ()
            %rem3A_1107 = arith.constant 2 : i32
            %rem3A_1108 = arith.remui %while3A_475, %rem3A_1107 : i32
            %get3A_1109 = arith.index_cast %add3A_508 : i32 to index
            %get3A_1110 = memref.load %arg0[%get3A_1109] : memref<96xi32, #tpu.memory_space<smem>>
            %mul3A_1111 = arith.constant 128 : i32
            %mul3A_1112 = arith.muli %mul3A_1111, %get3A_1110 : i32
            %dma_wait3A = tpu.memref_slice %run_scoped3A_12[%rem3A_1108] : memref<2x!tpu.dma_semaphore, #tpu.memory_space<semaphore_mem>> -> memref<1x!tpu.dma_semaphore, #tpu.memory_space<semaphore_mem>>
            %dma_wait3A_1113 = tpu.memref_squeeze %dma_wait3A : memref<1x!tpu.dma_semaphore, #tpu.memory_space<semaphore_mem>> -> memref<!tpu.dma_semaphore, #tpu.memory_space<semaphore_mem>>
            %dma_wait3A_1114 = arith.constant 0 : i32
            %dma_wait3A_1115 = tpu.memref_slice %arg7[%mul3A_1112, %dma_wait3A_1114] : memref<12288x1024xf32, #tpu.memory_space<any>> -> memref<128x1024xf32, #tpu.memory_space<any>>
            %dma_wait3A_1116 = arith.constant 0 : i32
            %dma_wait3A_1117 = arith.constant 0 : i32
            %dma_wait3A_1118 = tpu.memref_slice %run_scoped3A_11[%rem3A_1108, %dma_wait3A_1116, %dma_wait3A_1117] : memref<2x128x1024xf32, #tpu.memory_space<vmem>> -> memref<1x128x1024xf32, #tpu.memory_space<vmem>>
            %dma_wait3A_1119 = tpu.memref_squeeze %dma_wait3A_1118 : memref<1x128x1024xf32, #tpu.memory_space<vmem>> -> memref<128x1024xf32, #tpu.memory_space<vmem>>
            tpu.wait_dma2 semaphore(%dma_wait3A_1113 : memref<!tpu.dma_semaphore, #tpu.memory_space<semaphore_mem>>) src(%dma_wait3A_1119 : memref<128x1024xf32, #tpu.memory_space<vmem>>) dst(%dma_wait3A_1115 : memref<128x1024xf32, #tpu.memory_space<any>>)
            "tpu.trace_stop"() : () -> ()
          } else {
          }
          %and3A_1030 = arith.constant true
          %and3A_1031 = arith.andi %and3A_1026, %and3A_1030 : i1
          %add3A_1032 = arith.constant 1 : i32
          %add3A_1033 = arith.addi %while3A_475, %add3A_1032 : i32
          %select_n3A_1034 = arith.select %and3A_1031, %add3A_1033, %while3A_475 : i32
          %get3A_1035 = arith.index_cast %add3A_488 : i32 to index
          %get3A_1036 = memref.load %arg0[%get3A_1035] : memref<96xi32, #tpu.memory_space<smem>>
          %get3A_1037 = arith.index_cast %add3A_526 : i32 to index
          %get3A_1038 = memref.load %arg0[%get3A_1037] : memref<96xi32, #tpu.memory_space<smem>>
          %ne3A_1039 = arith.cmpi ne, %get3A_1036, %get3A_1038 : i32
          %or3A_1040 = arith.constant false
          %or3A_1041 = arith.ori %or3A_1040, %ne3A_1039 : i1
          %or3A_1042 = arith.constant false
          %or3A_1043 = arith.ori %or3A_1041, %or3A_1042 : i1
          %or3A_1044 = arith.ori %or3A_1043, %eq3A_486 : i1
          %add3A_1045 = arith.constant 1 : i32
          %add3A_1046 = arith.addi %while3A_459, %add3A_1045 : i32
          %select_n3A_1047 = arith.select %or3A_1044, %add3A_1046, %while3A_459 : i32
          %get3A_1048 = arith.index_cast %add3A_488 : i32 to index
          %get3A_1049 = memref.load %arg1[%get3A_1048] : memref<96xi32, #tpu.memory_space<smem>>
          %get3A_1050 = arith.index_cast %add3A_526 : i32 to index
          %get3A_1051 = memref.load %arg1[%get3A_1050] : memref<96xi32, #tpu.memory_space<smem>>
          %ne3A_1052 = arith.cmpi ne, %get3A_1049, %get3A_1051 : i32
          %ne3A_1053 = arith.cmpi ne, %add3A_490, %add3A_528 : i32
          %or3A_1054 = arith.constant false
          %or3A_1055 = arith.ori %or3A_1054, %ne3A_1052 : i1
          %or3A_1056 = arith.ori %or3A_1055, %ne3A_1053 : i1
          %or3A_1057 = arith.constant false
          %or3A_1058 = arith.ori %or3A_1056, %or3A_1057 : i1
          %or3A_1059 = arith.ori %or3A_1058, %eq3A_486 : i1
          %add3A_1060 = arith.constant 1 : i32
          %add3A_1061 = arith.addi %while3A_463, %add3A_1060 : i32
          %select_n3A_1062 = arith.select %or3A_1059, %add3A_1061, %while3A_463 : i32
          %get3A_1063 = arith.index_cast %add3A_488 : i32 to index
          %get3A_1064 = memref.load %arg1[%get3A_1063] : memref<96xi32, #tpu.memory_space<smem>>
          %get3A_1065 = arith.index_cast %add3A_526 : i32 to index
          %get3A_1066 = memref.load %arg1[%get3A_1065] : memref<96xi32, #tpu.memory_space<smem>>
          %ne3A_1067 = arith.cmpi ne, %get3A_1064, %get3A_1066 : i32
          %ne3A_1068 = arith.cmpi ne, %add3A_490, %add3A_528 : i32
          %or3A_1069 = arith.constant false
          %or3A_1070 = arith.ori %or3A_1069, %ne3A_1067 : i1
          %or3A_1071 = arith.ori %or3A_1070, %ne3A_1068 : i1
          %or3A_1072 = arith.constant false
          %or3A_1073 = arith.ori %or3A_1071, %or3A_1072 : i1
          %or3A_1074 = arith.ori %or3A_1073, %eq3A_486 : i1
          %add3A_1075 = arith.constant 1 : i32
          %add3A_1076 = arith.addi %while3A_467, %add3A_1075 : i32
          %select_n3A_1077 = arith.select %or3A_1074, %add3A_1076, %while3A_467 : i32
          %get3A_1078 = arith.index_cast %add3A_488 : i32 to index
          %get3A_1079 = memref.load %arg1[%get3A_1078] : memref<96xi32, #tpu.memory_space<smem>>
          %get3A_1080 = arith.index_cast %add3A_526 : i32 to index
          %get3A_1081 = memref.load %arg1[%get3A_1080] : memref<96xi32, #tpu.memory_space<smem>>
          %ne3A_1082 = arith.cmpi ne, %get3A_1079, %get3A_1081 : i32
          %ne3A_1083 = arith.cmpi ne, %add3A_490, %add3A_528 : i32
          %or3A_1084 = arith.constant false
          %or3A_1085 = arith.ori %or3A_1084, %ne3A_1082 : i1
          %or3A_1086 = arith.ori %or3A_1085, %ne3A_1083 : i1
          %or3A_1087 = arith.constant false
          %or3A_1088 = arith.ori %or3A_1086, %or3A_1087 : i1
          %or3A_1089 = arith.ori %or3A_1088, %eq3A_486 : i1
          %add3A_1090 = arith.constant 1 : i32
          %add3A_1091 = arith.addi %while3A_471, %add3A_1090 : i32
          %select_n3A_1092 = arith.select %or3A_1089, %add3A_1091, %while3A_471 : i32
          %add3A_1093 = arith.constant 1 : i32
          %add3A_1094 = arith.addi %while3A_477, %add3A_1093 : i32
          %select_n3A_1095 = arith.constant true
          %select_n3A_1096 = arith.select %select_n3A_1095, %add3A_1094, %while3A_477 : i32
          %eq3A_1097 = arith.constant 4 : i32
          %eq3A_1098 = arith.cmpi eq, %select_n3A_1096, %eq3A_1097 : i32
          %select_n3A_1099 = arith.constant 0 : i32
          %select_n3A_1100 = arith.select %eq3A_1098, %select_n3A_1099, %select_n3A_1096 : i32
          %add3A_1101 = arith.constant 1 : i32
          %add3A_1102 = arith.addi %while3A_476, %add3A_1101 : i32
          %select_n3A_1103 = arith.select %eq3A_1098, %add3A_1102, %while3A_476 : i32
          %eq3A_1104 = arith.cmpi eq, %select_n3A_1103, %get3A_0 : i32
          %select_n3A_1105 = arith.constant 0 : i32
          %select_n3A_1106 = arith.select %eq3A_1104, %select_n3A_1105, %select_n3A_1103 : i32
          scf.yield %while3A_593#4, %select_n3A_1047, %while3A_593#0, %while3A_593#1, %while3A_629#4, %select_n3A_1062, %while3A_629#0, %while3A_629#1, %while3A_665#4, %select_n3A_1077, %while3A_665#0, %while3A_665#1, %while3A_701#4, %select_n3A_1092, %while3A_701#0, %while3A_701#1, %select_n3A_940, %select_n3A_1034, %select_n3A_1106, %select_n3A_1100 : i32, i32, i32, i32, i32, i32, i32, i32, i32, i32, i32, i32, i32, i32, i32, i32, i32, i32, i32, i32
        }
        %sub3A_337 = arith.constant 1 : i32
        %sub3A_338 = arith.subi %while3A_336#19, %sub3A_337 : i32
        %select_n3A_339 = arith.constant true
        %select_n3A_340 = arith.select %select_n3A_339, %sub3A_338, %while3A_336#19 : i32
        %eq3A_341 = arith.constant -1 : i32
        %eq3A_342 = arith.cmpi eq, %select_n3A_340, %eq3A_341 : i32
        %select_n3A_343 = arith.constant 3 : i32
        %select_n3A_344 = arith.select %eq3A_342, %select_n3A_343, %select_n3A_340 : i32
        %sub3A_345 = arith.constant 1 : i32
        %sub3A_346 = arith.subi %while3A_336#18, %sub3A_345 : i32
        %select_n3A_347 = arith.select %eq3A_342, %sub3A_346, %while3A_336#18 : i32
        %eq3A_348 = arith.constant -1 : i32
        %eq3A_349 = arith.cmpi eq, %select_n3A_347, %eq3A_348 : i32
        %sub3A_350 = arith.constant 1 : i32
        %sub3A_351 = arith.subi %get3A_0, %sub3A_350 : i32
        %select_n3A_352 = arith.select %eq3A_349, %sub3A_351, %select_n3A_347 : i32
        %sub3A_353 = arith.constant 1 : i32
        %sub3A_354 = arith.subi %mul3A_3, %sub3A_353 : i32
        %mul3A_355 = arith.constant 1 : i32
        %mul3A_356 = arith.muli %mul3A_355, %get3A_0 : i32
        %mul3A_357 = arith.constant 4 : i32
        %mul3A_358 = arith.muli %mul3A_356, %mul3A_357 : i32
        %eq3A_359 = arith.constant 0 : i32
        %eq3A_360 = arith.cmpi eq, %sub3A_354, %eq3A_359 : i32
        %sub3A_361 = arith.constant 1 : i32
        %sub3A_362 = arith.subi %mul3A_358, %sub3A_361 : i32
        %eq3A_363 = arith.cmpi eq, %sub3A_354, %sub3A_362 : i32
        %add3A_364 = arith.constant 0 : i32
        %add3A_365 = arith.addi %select_n3A_352, %add3A_364 : i32
        %add3A_366 = arith.constant 0 : i32
        %add3A_367 = arith.addi %select_n3A_344, %add3A_366 : i32
        %sub3A_368 = arith.constant 1 : i32
        %sub3A_369 = arith.subi %select_n3A_344, %sub3A_368 : i32
        %select_n3A_370 = arith.constant true
        %select_n3A_371 = arith.select %select_n3A_370, %sub3A_369, %select_n3A_344 : i32
        %eq3A_372 = arith.constant -1 : i32
        %eq3A_373 = arith.cmpi eq, %select_n3A_371, %eq3A_372 : i32
        %select_n3A_374 = arith.constant 3 : i32
        %select_n3A_375 = arith.select %eq3A_373, %select_n3A_374, %select_n3A_371 : i32
        %sub3A_376 = arith.constant 1 : i32
        %sub3A_377 = arith.subi %select_n3A_352, %sub3A_376 : i32
        %select_n3A_378 = arith.select %eq3A_373, %sub3A_377, %select_n3A_352 : i32
        %eq3A_379 = arith.constant -1 : i32
        %eq3A_380 = arith.cmpi eq, %select_n3A_378, %eq3A_379 : i32
        %sub3A_381 = arith.constant 1 : i32
        %sub3A_382 = arith.subi %get3A_0, %sub3A_381 : i32
        %select_n3A_383 = arith.select %eq3A_380, %sub3A_382, %select_n3A_378 : i32
        %add3A_384 = arith.constant 0 : i32
        %add3A_385 = arith.addi %select_n3A_383, %add3A_384 : i32
        %add3A_386 = arith.constant 0 : i32
        %add3A_387 = arith.addi %select_n3A_375, %add3A_386 : i32
        %add3A_388 = arith.constant 1 : i32
        %add3A_389 = arith.addi %select_n3A_344, %add3A_388 : i32
        %select_n3A_390 = arith.constant true
        %select_n3A_391 = arith.select %select_n3A_390, %add3A_389, %select_n3A_344 : i32
        %eq3A_392 = arith.constant 4 : i32
        %eq3A_393 = arith.cmpi eq, %select_n3A_391, %eq3A_392 : i32
        %select_n3A_394 = arith.constant 0 : i32
        %select_n3A_395 = arith.select %eq3A_393, %select_n3A_394, %select_n3A_391 : i32
        %add3A_396 = arith.constant 1 : i32
        %add3A_397 = arith.addi %select_n3A_352, %add3A_396 : i32
        %select_n3A_398 = arith.select %eq3A_393, %add3A_397, %select_n3A_352 : i32
        %eq3A_399 = arith.cmpi eq, %select_n3A_398, %get3A_0 : i32
        %select_n3A_400 = arith.constant 0 : i32
        %select_n3A_401 = arith.select %eq3A_399, %select_n3A_400, %select_n3A_398 : i32
        %add3A_402 = arith.constant 0 : i32
        %add3A_403 = arith.addi %select_n3A_401, %add3A_402 : i32
        %add3A_404 = arith.constant 0 : i32
        %add3A_405 = arith.addi %select_n3A_395, %add3A_404 : i32
        %add3A_406 = arith.constant 1 : i32
        %add3A_407 = arith.addi %select_n3A_395, %add3A_406 : i32
        %select_n3A_408 = arith.constant true
        %select_n3A_409 = arith.select %select_n3A_408, %add3A_407, %select_n3A_395 : i32
        %eq3A_410 = arith.constant 4 : i32
        %eq3A_411 = arith.cmpi eq, %select_n3A_409, %eq3A_410 : i32
        %select_n3A_412 = arith.constant 0 : i32
        %select_n3A_413 = arith.select %eq3A_411, %select_n3A_412, %select_n3A_409 : i32
        %add3A_414 = arith.constant 1 : i32
        %add3A_415 = arith.addi %select_n3A_401, %add3A_414 : i32
        %select_n3A_416 = arith.select %eq3A_411, %add3A_415, %select_n3A_401 : i32
        %eq3A_417 = arith.cmpi eq, %select_n3A_416, %get3A_0 : i32
        %select_n3A_418 = arith.constant 0 : i32
        %select_n3A_419 = arith.select %eq3A_417, %select_n3A_418, %select_n3A_416 : i32
        %add3A_420 = arith.constant 0 : i32
        %add3A_421 = arith.addi %select_n3A_419, %add3A_420 : i32
        %add3A_422 = arith.constant 0 : i32
        %add3A_423 = arith.addi %select_n3A_413, %add3A_422 : i32
        %add3A_424 = arith.constant 1 : i32
        %add3A_425 = arith.addi %select_n3A_413, %add3A_424 : i32
        %select_n3A_426 = arith.constant true
        %select_n3A_427 = arith.select %select_n3A_426, %add3A_425, %select_n3A_413 : i32
        %eq3A_428 = arith.constant 4 : i32
        %eq3A_429 = arith.cmpi eq, %select_n3A_427, %eq3A_428 : i32
        %select_n3A_430 = arith.constant 0 : i32
        %select_n3A_431 = arith.select %eq3A_429, %select_n3A_430, %select_n3A_427 : i32
        %add3A_432 = arith.constant 1 : i32
        %add3A_433 = arith.addi %select_n3A_419, %add3A_432 : i32
        %select_n3A_434 = arith.select %eq3A_429, %add3A_433, %select_n3A_419 : i32
        %eq3A_435 = arith.cmpi eq, %select_n3A_434, %get3A_0 : i32
        %select_n3A_436 = arith.constant 0 : i32
        %select_n3A_437 = arith.select %eq3A_435, %select_n3A_436, %select_n3A_434 : i32
        %add3A_438 = arith.constant 0 : i32
        %add3A_439 = arith.addi %select_n3A_437, %add3A_438 : i32
        %add3A_440 = arith.constant 0 : i32
        %add3A_441 = arith.addi %select_n3A_431, %add3A_440 : i32
        %convert_element_type3A_442 = arith.extui %eq3A_363 : i1 to i32
        %cond3A_443 = arith.constant 0 : i32
        %cond3A_444 = arith.cmpi ne, %convert_element_type3A_442, %cond3A_443 : i32
        scf.if %cond3A_444 {
        } else {
        }
        %convert_element_type3A_445 = arith.extui %eq3A_363 : i1 to i32
        %cond3A_446 = arith.constant 0 : i32
        %cond3A_447 = arith.cmpi ne, %convert_element_type3A_445, %cond3A_446 : i32
        scf.if %cond3A_447 {
        } else {
        }
        %convert_element_type3A_448 = arith.extui %eq3A_363 : i1 to i32
        %cond3A_449 = arith.constant 0 : i32
        %cond3A_450 = arith.cmpi ne, %convert_element_type3A_448, %cond3A_449 : i32
        scf.if %cond3A_450 {
        } else {
        }
        %convert_element_type3A_451 = arith.extui %eq3A_363 : i1 to i32
        %cond3A_452 = arith.constant 0 : i32
        %cond3A_453 = arith.cmpi ne, %convert_element_type3A_451, %cond3A_452 : i32
        scf.if %cond3A_453 {
        } else {
        }
        %convert_element_type3A_454 = arith.extui %eq3A_363 : i1 to i32
        %cond3A_455 = arith.constant 0 : i32
        %cond3A_456 = arith.cmpi ne, %convert_element_type3A_454, %cond3A_455 : i32
        scf.if %cond3A_456 {
          "tpu.trace_start"() <{level = 10 : i32, message = "ep_finalize"}> : () -> ()
          %rem3A_457 = arith.constant 2 : i32
          %rem3A_458 = arith.remui %while3A_336#17, %rem3A_457 : i32
          %get3A_459 = arith.index_cast %add3A_365 : i32 to index
          %get3A_460 = memref.load %arg0[%get3A_459] : memref<96xi32, #tpu.memory_space<smem>>
          %mul3A_461 = arith.constant 128 : i32
          %mul3A_462 = arith.muli %mul3A_461, %get3A_460 : i32
          %dma_wait3A = tpu.memref_slice %run_scoped3A_12[%rem3A_458] : memref<2x!tpu.dma_semaphore, #tpu.memory_space<semaphore_mem>> -> memref<1x!tpu.dma_semaphore, #tpu.memory_space<semaphore_mem>>
          %dma_wait3A_463 = tpu.memref_squeeze %dma_wait3A : memref<1x!tpu.dma_semaphore, #tpu.memory_space<semaphore_mem>> -> memref<!tpu.dma_semaphore, #tpu.memory_space<semaphore_mem>>
          %dma_wait3A_464 = arith.constant 0 : i32
          %dma_wait3A_465 = tpu.memref_slice %arg7[%mul3A_462, %dma_wait3A_464] : memref<12288x1024xf32, #tpu.memory_space<any>> -> memref<128x1024xf32, #tpu.memory_space<any>>
          %dma_wait3A_466 = arith.constant 0 : i32
          %dma_wait3A_467 = arith.constant 0 : i32
          %dma_wait3A_468 = tpu.memref_slice %run_scoped3A_11[%rem3A_458, %dma_wait3A_466, %dma_wait3A_467] : memref<2x128x1024xf32, #tpu.memory_space<vmem>> -> memref<1x128x1024xf32, #tpu.memory_space<vmem>>
          %dma_wait3A_469 = tpu.memref_squeeze %dma_wait3A_468 : memref<1x128x1024xf32, #tpu.memory_space<vmem>> -> memref<128x1024xf32, #tpu.memory_space<vmem>>
          tpu.wait_dma2 semaphore(%dma_wait3A_463 : memref<!tpu.dma_semaphore, #tpu.memory_space<semaphore_mem>>) src(%dma_wait3A_469 : memref<128x1024xf32, #tpu.memory_space<vmem>>) dst(%dma_wait3A_465 : memref<128x1024xf32, #tpu.memory_space<any>>)
          "tpu.trace_stop"() : () -> ()
        } else {
        }
      } else {
      }
      tpu.yield
    }) : () -> ()
    return
  }
}

</mosaic_0001>

<sc_bundles>
// kernel: kernel.10.cloned.1.call-start
scs
__scs_entry_jumppad:
0x0: {  	(pc) =	sbr.rel $0x88, $3  }
0x1: {  	(tag) =	ssettag $0x0;
	lr =	simm.s32 $0x1  }
0x2: {  	[smem:$0x3F9C] =	sst lr;
	_ =	strace $0xD0000000  }
0x3: {  	_ = 	snop  }
0x4: {  	_ = 	snop  }
0x5: {  	_ = 	snop  }
0x6: {  	_ = 	snop  }
0x7: {  	_ = 	snop  }
__scs_overlays_trampoline_lowered:
0x8: {  	[smem:$0x3FAB] =	sst s0  }
0x9: {  	[smem:$0x3FAC] =	sst s1  }
0xa: {  	[smem:$0x3FAD] =	sst s2  }
0xb: {  	[smem:$0x3FAE] =	sst s3  }
0xc: {  	[smem:$0x3FAF] =	sst s4  }
0xd: {  	[smem:$0x3FB0] =	sst s5  }
0xe: {  	[smem:$0x3FB1] =	sst s6  }
0xf: {  	[smem:$0x3FB2] =	sst s7  }
0x10: {  	[smem:$0x3FB3] =	sst s8  }
0x11: {  	[smem:$0x3FB4] =	sst s9;
	s0 =	simm.s32 @!p0 $0x0  }
0x12: {  	s1 =	sld [smem:$0x3F9A];
	s0 =	simm.s32 @p0 $0x1  }
0x13: {  	[smem:$0x3FB5] =	sst s0;
	s0 =	simm.s32 @!p1 $0x0  }
0x14: {  	s2 =	sld [smem:$0x3F99];
	s0 =	simm.s32 @p1 $0x1  }
0x15: {  	[smem:$0x3FB6] =	sst s0;
	s0 =	simm.s32 @!p2 $0x0  }
0x16: {  	s3 =	sld [smem:$0x3FDB];
	s0 =	simm.s32 @p2 $0x1  }
0x17: {  	s4 =	simm.s32 $0x1BF5;
	[smem:$0x3FB8] =	sst s0  }
0x18: {  	s0 =	sld [smem:$0x3F9B];
	_ =	swait.ge [sflag:s4], $0x0  }
0x19: {  	s7 =	sld [smem:$0x3F9C]  }
0x1a: {  	s8 =	sadd.s32 $0xFFFFE003, lr  }
0x1b: {  	s9 =	sadd.s32 $0xFFFFFEF7, lr;
	s5 =	simm.s32 $0xFFFFFFFF;
	p2 =	slt.u32 s8, $0xFFFFF086  }
0x1c: {  	p1 =	slt.u32 s9, $0xF7A;
	s5 =	simm.s32 @!p2 $0x0  }
0x1d: {  	s5 =	simm.s32 @p1 $0x1;
	p0 =	seq.s32 s7, s2  }
0x1e: {  	s7 =	smul.u32 @!p0 $0xF7A, s2;
	p2 =	seq.s32 @!p0 s5, $0x0  }
0x1f: {  	s9 =	smul.u32 $0xF7A, s1;
	s8 =	simm.s32 @!p0 $0x1BF5;
	p2 =	por !p2, p0  }
0x20: {  	[sflag:s8] =	ssyncset.s32 @!p0 $0xFFFFF086;
	s6 =	sadd.s32 @!p0 s3, s7;
	s7 =	simm.s32 @!p0 $0x108  }
0x21: {  	s3 =	sadd.s32 s3, s9;
	s6 =	sadd.s32 @!p0 $0x88, s6;
	s7 =	simm.s32 @p2 $0x1082  }
0x22: {  	[simem:s7], [sflag:s8] =	dma.local @!p0 [hbm:s6], $0xF7A  }
0x23: {  	s9 =	sor.u32 $0xD0000000, s2;
	s6 =	simm.s32 $0x108;
	_ =	swait.ge @!p0 [sflag:s8], $0x0  }
0x24: {  	s3 =	sadd.s32 $0x88, s3;
	s6 =	simm.s32 @!p1 $0x1082;
	[sflag:s4] =	ssyncset.s32 $0xFFFFF086  }
0x25: {  	[simem:s6], [sflag:s4] =	dma.local [hbm:s3], $0xF7A  }
0x26: {  	[smem:$0x3F9C] =	sst s1;
	(tag) =	ssettag s2;
	_ =	strace s9  }
0x27: {  	s1 =	sld [smem:$0x3FAC]  }
0x28: {  	s2 =	sld [smem:$0x3FAD]  }
0x29: {  	s4 =	sld [smem:$0x3FAF]  }
0x2a: {  	p0 =	seq.s32 s5, $0x0;
	s5 =	sld [smem:$0x3FB0]  }
0x2b: {  	s6 =	sld [smem:$0x3FB1]  }
0x2c: {  	s7 =	sld [smem:$0x3FB2]  }
0x2d: {  	s3 =	simm.s32 $0x108;
	s8 =	sld [smem:$0x3FB3]  }
0x2e: {  	s3 =	simm.s32 @!p0 $0x1082;
	s9 =	sld [smem:$0x3FB4]  }
0x2f: {  	lr =	sadd.s32 s0, s3;
	s0 =	sld [smem:$0x3FAB]  }
0x30: {  	s3 =	sld [smem:$0x3FAE]  }
0x31: {  	[smem:$0x3FB7] =	sst s10  }
0x32: {  	s10 =	sld [smem:$0x3FB5];
	_ =	sdelay $0x3  }
0x33: {  	p0 =	seq.s32 s10, $0x1;
	s10 =	sld [smem:$0x3FB7];
	_ =	sdelay $0x3  }
0x34: {  	[smem:$0x3FB7] =	sst s10  }
0x35: {  	s10 =	sld [smem:$0x3FB6];
	_ =	sdelay $0x3  }
0x36: {  	p1 =	seq.s32 s10, $0x1;
	s10 =	sld [smem:$0x3FB7];
	_ =	sdelay $0x3  }
0x37: {  	[smem:$0x3FB7] =	sst s10  }
0x38: {  	s10 =	sld [smem:$0x3FB8]  }
0x39: {  	_ = 	snop;
	(pc) =	sbr.ind lr, $3  }
0x3a: {  	_ = 	snop  }
0x3b: {  	_ = 	snop  }
0x3c: {  	p2 =	seq.s32 s10, $0x1;
	s10 =	sld [smem:$0x3FB7]  }
0x3d: {  	_ =	shalt  }
0x3e: {  	_ =	shalt  }
0x3f: {  	_ =	shalt  }
0x40: {  	_ =	shalt  }
0x41: {  	_ =	shalt  }
0x42: {  	_ =	shalt  }
0x43: {  	_ =	shalt  }
0x44: {  	_ =	shalt  }
0x45: {  	_ =	shalt  }
0x46: {  	_ =	shalt  }
0x47: {  	_ =	shalt  }
0x48: {  	_ =	shalt  }
0x49: {  	_ =	shalt  }
0x4a: {  	_ =	shalt  }
0x4b: {  	_ =	shalt  }
0x4c: {  	_ =	shalt  }
0x4d: {  	_ =	shalt  }
0x4e: {  	_ =	shalt  }
0x4f: {  	_ =	shalt  }
0x50: {  	_ =	shalt  }
0x51: {  	_ =	shalt  }
0x52: {  	_ =	shalt  }
0x53: {  	_ =	shalt  }
0x54: {  	_ =	shalt  }
0x55: {  	_ =	shalt  }
0x56: {  	_ =	shalt  }
0x57: {  	_ =	shalt  }
0x58: {  	_ =	shalt  }
0x59: {  	_ =	shalt  }
0x5a: {  	_ =	shalt  }
0x5b: {  	_ =	shalt  }
0x5c: {  	_ =	shalt  }
0x5d: {  	_ =	shalt  }
0x5e: {  	_ =	shalt  }
0x5f: {  	_ =	shalt  }
0x60: {  	_ =	shalt  }
0x61: {  	_ =	shalt  }
0x62: {  	_ =	shalt  }
0x63: {  	_ =	shalt  }
0x64: {  	_ =	shalt  }
0x65: {  	_ =	shalt  }
0x66: {  	_ =	shalt  }
0x67: {  	_ =	shalt  }
0x68: {  	_ =	shalt  }
0x69: {  	_ =	shalt  }
0x6a: {  	_ =	shalt  }
0x6b: {  	_ =	shalt  }
0x6c: {  	_ =	shalt  }
0x6d: {  	_ =	shalt  }
0x6e: {  	_ =	shalt  }
0x6f: {  	_ =	shalt  }
0x70: {  	_ =	shalt  }
0x71: {  	_ =	shalt  }
0x72: {  	_ =	shalt  }
0x73: {  	_ =	shalt  }
0x74: {  	_ =	shalt  }
0x75: {  	_ =	shalt  }
0x76: {  	_ =	shalt  }
0x77: {  	_ =	shalt  }
0x78: {  	_ =	shalt  }
0x79: {  	_ =	shalt  }
0x7a: {  	_ =	shalt  }
0x7b: {  	_ =	shalt  }
0x7c: {  	_ =	shalt  }
0x7d: {  	_ =	shalt  }
0x7e: {  	_ =	shalt  }
0x7f: {  	_ =	shalt  }
0x80: {  	_ =	shalt  }
0x81: {  	_ =	shalt  }
0x82: {  	_ =	shalt  }
0x83: {  	_ =	shalt  }
0x84: {  	_ =	shalt  }
0x85: {  	_ =	shalt  }
0x86: {  	_ =	shalt  }
0x87: {  	_ =	shalt  }
.Lfunc_end0:
.L_simem_size_0:
called_computation.1_lowered:
.L_overlay_start_0:
0x88: {  	s2 =	sld [smem:$0x3FD9]  }
0x89: {  	s3 =	sld [smem:$0x3FFE];
	_ =	sdelay $0x1  }
0x8a: {  	s1 =	srdreg.scid  }
0x8b: {  	s0 =	sand.u32 $0x1, s1  }
0x8c: {  	s17 =	sshll.u32 s0, $0xA;
	s2 =	sadd.s32 s3, s2  }
0x8d: {  	s2 =	sadd.s32 s2, s17  }
0x8e: {  	[smem:$0x3FC3] =	sst s2  }
0x8f: {  	_ = 	snop  }
0x90: {  	s2 =	sld [smem:$0x3FD0];
	(tm) =	ssettm $0x1  }
0x91: {  	s18 =	sld [smem:$0x3FFB];
	_ =	sdelay $0x3  }
0x92: {  	_ =	strace s18  }
0x93: {  	s3 =	sld [smem:$0x3FFC];
	_ =	sdelay $0x3  }
0x94: {  	_ =	strace s3  }
0x95: {  	s3 =	sld [smem:$0x3FFD];
	_ =	sdelay $0x3  }
0x96: {  	_ =	strace s3  }
0x97: {  	_ =	strace $0x8FFFFFFF  }
0x98: {  	s19 =	sld [smem:$0x3FDB];
	_ =	sdelay $0x1  }
0x99: {  	s4 =	simm.s32 $_scs_section_size  }
0x9a: {  	s5 =	simm.s32 $_size__tile_overlayer_lowered;
	s6 =	simm.s32 $_tile_overlayer_lowered  }
0x9b: {  	s22 =	simm.s32 $0x1BFF;
	s21 =	sshll.u32 s6, $0x1;
	s3 =	sadd.s32 s4, s19  }
0x9c: {  	s7 =	simm.s32 $0x0;
	s20 =	sshll.u32 s5, $0x1;
	s5 =	sadd.s32 s21, s3  }
0x9d: {  	[timem:s7], [sflag:s22] =	dma.local [hbm:s5], s20  }
0x9e: {  	_ =	swait.ge [sflag:s22], s20  }
0x9f: {  	s4 =	ssub.s32 $0x0, s20;
	[sflag:s22] =	ssyncset.done $0x0  }
0xa0: {  	[sflag:s22] =	ssyncadd.s32 s4;
	_ =	sdelay $0x1  }
0xa1: {  	s23 =	simm.s32 $0x1B8B  }
0xa2: {  	_ =	swait.ge [sflag:s23], $0x1  }
0xa3: {  	[sflag:s23] =	ssyncset.done $0x0  }
0xa4: {  	s25 =	simm.s32 $0x1B8E;
	s24 =	sld [smem:$0x3FFE];
	[sflag:s23] =	ssyncadd.s32 $0xFFFFFFFF  }
0xa5: {  	s26 =	simm.s32 $execute0_lowered;
	[smem:$0x3FD2] =	sst s25  }
0xa6: {  	s5 =	sshll.u32 s26, $0x1;
	_ =	strace $0x80000049;
	[dreg:$0x1] =	wrdreg $0xFFFFFFFF  }
0xa7: {  	s28 =	simm.s32 $_size_execute0_lowered;
	s3 =	sadd.s32 s3, s5;
	[dreg:$0x0] =	wrdreg $0x0  }
0xa8: {  	s5 =	sshll.u32 s28, $0x1;
	[dreg:$0x2] =	wrdreg s3  }
0xa9: {  	[dreg:$0x3] =	wrdreg s5  }
0xaa: {  	[dreg:$0x4] =	wrdreg $0xC0  }
0xab: {  	_ =	task [dreg:s7], $0x5FFFF  }
0xac: {  	[dreg:$0x1] =	wrdreg $0xFFFFFFFF  }
0xad: {  	[dreg:$0x0] =	wrdreg $0x60  }
0xae: {  	[dreg:$0x2] =	wrdreg s24  }
0xaf: {  	[dreg:$0x3] =	wrdreg s2  }
0xb0: {  	[dreg:$0x4] =	wrdreg $0x9  }
0xb1: {  	_ =	task.clear_ibuf [dreg:s7], $0x5FFFF;
	_ =	strace $0x90000049  }
0xb2: {  	s29 =	simm.s32 $0x9;
	_ =	strace $0x8000004B  }
0xb3: {  	_ =	swait.ge [sflag:s29], $0x1  }
0xb4: {  	[sflag:s29] =	ssyncadd.s32 $0xFFFFFFFF  }
0xb5: {  	_ =	strace $0x9000004B  }
0xb6: {  	_ =	sfence  }
0xb7: {  	s30 =	sld [smem:$0x0];
	_ =	sdelay $0x2  }
0xb8: {  	s31 =	sshll.u32 s1, $0xD;
	s1 =	sshrl.u32 s1, $0x2  }
0xb9: {  	s3 =	sand.u32 $0x4000, s31;
	s1 =	sadd.s32 s1, s30  }
0xba: {  	s0 =	sor.u32 s3, s0;
	s1 =	sshll.u32 s1, $0x11  }
0xbb: {  	s0 =	sor.u32 s1, s0  }
0xbc: {  	s0 =	sadd.s32 $0x8F2B, s0  }
0xbd: {  	[sflag:s0] =	ssyncadd.remote.s32 $0x1  }
0xbe: {  	_ =	sfence.sel $0xFFFF  }
0xbf: {  	[dreg:$0x0] =	wrdreg $0xFFFFFFFF;
	(pc) =	sbr.abs _section_cstart, $3  }
0xc0: {  	[dreg:$0x1] =	wrdreg $0xFFFFFFFF  }
0xc1: {  	_ =	task.clear_ibuf [dreg:s7], $0x2FFFF;
	_ =	strace $0x9FFFFFFF  }
0xc2: {  	(tm) =	ssettm $0x7FFFFFFF  }
0xc3: {  	_ =	shalt  }
tec
execute0_lowered:
.L_overlay_start_1:
0x0: {  	(tag) =	ssettag $0x1  }
0x1: {  	s0 =	rddreg [dreg:$0x0]  }
0x2: {  	s1 =	rddreg [dreg:$0x1];
	s3 =	srdreg.scid  }
0x3: {  	s2 =	simm.s32 $0x0;
	s5 =	stileid.u32;
	s18 =	simm.s32 $0x1  }
0x4: {  	s20 =	simm.s32 $0x880;
	s21 =	simm.s32 $0x1080;
	s28 =	simm.s32 $0x4080  }
0x5: {  	s29 =	simm.s32 $0x4880;
	s30 =	simm.s32 $0x5080;
	s31 =	simm.s32 $0x5880  }
0x6: {  	s10 =	simm.s32 $0x7080;
	s11 =	simm.s32 $0x7880;
	s12 =	simm.s32 $0x8080  }
0x7: {  	s13 =	simm.s32 $0x8880;
	s14 =	simm.s32 $0x9080;
	s15 =	simm.s32 $0x9880  }
0x8: {  	s16 =	simm.s32 $0xA080;
	s17 =	simm.s32 $0xA880;
	s9 =	simm.s32 $0xB080  }
0x9: {  	s4 =	sand.u32 $0x1, s3;
	[smem:$0x7FF] =	sst s2;
	s22 =	sshll.u32 s5, $0x7  }
0xa: {  	s3 =	sadd.s32 $0x190C00, s0;
	s23 =	sshll.u32 s4, $0x6;
	s4 =	ssub.s32 $0x2, s4  }
0xb: {  	_ =	strace $0x8000004A;
	s5 =	sor.u32 s23, s22;
	s7 =	sshrl.u32 s4, $0x1  }
0xc: {  	s22 =	simm.s32 $0x1880;
	s23 =	simm.s32 $0x2080;
	s6 =	sshrl.u32 s5, $0x3  }
0xd: {  	s5 =	sshll.u32 s5, $0x7;
	s7 =	ssub.s32 s4, s7;
	s4 =	sadd.s32 $0x190D00, s0  }
0xe: {  	s6 =	sadd.s32 s6, s0;
	s8 =	sadd.s32 s5, s0;
	s1 =	sadd.s32 s1, s5  }
0xf: {  	s5 =	sadd.s32 $0x190E00, s0;
	s24 =	sadd.s32 $0x10800, s6;
	[dreg:$0x4] =	wrdreg s1  }
0x10: {  	s7 =	smax.u32 s7, $0x1;
	s25 =	sadd.s32 $0x10A00, s6;
	[dreg:$0x3] =	wrdreg s24  }
0x11: {  	v2 =	vlaneseq.u32;
	s6 =	sadd.s32 $0x190F00, s0;
	s26 =	sadd.s32 $0x10C00, s8;
	[dreg:$0x5] =	wrdreg s25  }
0x12: {  	vm0 =	vmmov $0xffff;
	v1 =	vshrl.u32 v2, $0x3;
	s8 =	simm.s32 $0x2;
	s0 =	simm.s32 $0x80;
	[dreg:$0x6] =	wrdreg s26  }
0x13: {  	v0 =	vand.u32 $0x7, v2;
	v2 =	vor.u32 $0x8, v2;
	v1 =	vmul.u32 $0x8, v1;
	s24 =	simm.s32 $0x2880;
	s25 =	simm.s32 $0x3080;
	s26 =	simm.s32 $0x3880  }
.LBB2_1:
0x14: {  	s19 =	rddreg [dreg:$0x3]  }
0x15: {  	[tilespmem:s2], [sflag:$0x2] =	stream.linear.gather [hbm4b:s19+s2], $0x40, $0x38;
	[tilespmem:$0x10080] =	vst v63  }
0x16: {  	_ =	swait.ge [sflag:s8], $0x40  }
0x17: {  	[sflag:s8] =	ssyncset.done $0x0  }
0x18: {  	[sflag:s8] =	ssyncadd.s32 $0xFFFFFFC0  }
0x19: {  	v3 =	vld [tilespmem:$0x0];
	_ =	sdelay $0x4  }
0x1a: {  	v4 =	vshll.u32 v3, $0x3  }
0x1b: {  	v3 =	vand.u32 $0x7, v3;
	v4 =	vand.u32 $0xFFFFFFC0, v4  }
0x1c: {  	v3 =	vor.u32 v3, v4  }
0x1d: {  	v4 =	vperm.xlane v3, v0;
	_ =	sdelay $0x1  }
0x1e: {  	v4 =	vadd.s32 v1, v4;
	_ =	sdelay $0x4  }
0x1f: {  	[tilespmem:s0], [sflag:$0x1] =	stream.indirect_vreg.gather [hbm4b:s3+s2], $0x80, v4, vm0, $0xb8;
	[tilespmem:$0x10080] =	vst v63  }
0x20: {  	v3 =	vperm.xlane v3, v2  }
0x21: {  	[tilespmem:s20], [sflag:$0x1] =	stream.indirect_vreg.gather [hbm4b:s4+s2], $0x80, v4, vm0, $0xb8;
	[tilespmem:$0x10080] =	vst v63  }
0x22: {  	v3 =	vadd.s32 v1, v3  }
0x23: {  	[tilespmem:s21], [sflag:$0x1] =	stream.indirect_vreg.gather [hbm4b:s5+s2], $0x80, v4, vm0, $0xb8;
	[tilespmem:$0x10080] =	vst v63  }
0x24: {  	_ = 	snop  }
0x25: {  	[tilespmem:s22], [sflag:$0x1] =	stream.indirect_vreg.gather [hbm4b:s6+s2], $0x80, v4, vm0, $0xb8;
	[tilespmem:$0x10080] =	vst v63  }
0x26: {  	_ = 	snop  }
0x27: {  	[tilespmem:s23], [sflag:$0x1] =	stream.indirect_vreg.gather [hbm4b:s3+s2], $0x80, v3, vm0, $0xb8;
	[tilespmem:$0x10080] =	vst v63  }
0x28: {  	_ = 	snop  }
0x29: {  	[tilespmem:s24], [sflag:$0x1] =	stream.indirect_vreg.gather [hbm4b:s4+s2], $0x80, v3, vm0, $0xb8;
	[tilespmem:$0x10080] =	vst v63  }
0x2a: {  	_ = 	snop  }
0x2b: {  	[tilespmem:s25], [sflag:$0x1] =	stream.indirect_vreg.gather [hbm4b:s5+s2], $0x80, v3, vm0, $0xb8;
	[tilespmem:$0x10080] =	vst v63  }
0x2c: {  	_ = 	snop  }
0x2d: {  	[tilespmem:s26], [sflag:$0x1] =	stream.indirect_vreg.gather [hbm4b:s6+s2], $0x80, v3, vm0, $0xb8;
	[tilespmem:$0x10080] =	vst v63  }
0x2e: {  	v3 =	vld [tilespmem:$0x10];
	_ =	sdelay $0x4  }
0x2f: {  	v57 =	vshll.u32 v3, $0x3  }
0x30: {  	v3 =	vand.u32 $0x7, v3;
	v4 =	vand.u32 $0xFFFFFFC0, v57  }
0x31: {  	v3 =	vor.u32 v3, v4  }
0x32: {  	v4 =	vperm.xlane v3, v0;
	_ =	sdelay $0x1  }
0x33: {  	v4 =	vadd.s32 v1, v4;
	_ =	sdelay $0x4  }
0x34: {  	[tilespmem:s28], [sflag:$0x1] =	stream.indirect_vreg.gather [hbm4b:s3+s2], $0x80, v4, vm0, $0xb8;
	[tilespmem:$0x10080] =	vst v63  }
0x35: {  	v3 =	vperm.xlane v3, v2  }
0x36: {  	[tilespmem:s29], [sflag:$0x1] =	stream.indirect_vreg.gather [hbm4b:s4+s2], $0x80, v4, vm0, $0xb8;
	[tilespmem:$0x10080] =	vst v63  }
0x37: {  	v3 =	vadd.s32 v1, v3  }
0x38: {  	[tilespmem:s30], [sflag:$0x1] =	stream.indirect_vreg.gather [hbm4b:s5+s2], $0x80, v4, vm0, $0xb8;
	[tilespmem:$0x10080] =	vst v63  }
0x39: {  	_ = 	snop  }
0x3a: {  	[tilespmem:s31], [sflag:$0x1] =	stream.indirect_vreg.gather [hbm4b:s6+s2], $0x80, v4, vm0, $0xb8;
	[tilespmem:$0x10080] =	vst v63  }
0x3b: {  	s1 =	simm.s32 $0x6080  }
0x3c: {  	[tilespmem:s1], [sflag:$0x1] =	stream.indirect_vreg.gather [hbm4b:s3+s2], $0x80, v3, vm0, $0xb8;
	[tilespmem:$0x10080] =	vst v63  }
0x3d: {  	s1 =	simm.s32 $0x6880  }
0x3e: {  	[tilespmem:s1], [sflag:$0x1] =	stream.indirect_vreg.gather [hbm4b:s4+s2], $0x80, v3, vm0, $0xb8;
	[tilespmem:$0x10080] =	vst v63  }
0x3f: {  	_ = 	snop  }
0x40: {  	[tilespmem:s10], [sflag:$0x1] =	stream.indirect_vreg.gather [hbm4b:s5+s2], $0x80, v3, vm0, $0xb8;
	[tilespmem:$0x10080] =	vst v63  }
0x41: {  	_ = 	snop  }
0x42: {  	[tilespmem:s11], [sflag:$0x1] =	stream.indirect_vreg.gather [hbm4b:s6+s2], $0x80, v3, vm0, $0xb8;
	[tilespmem:$0x10080] =	vst v63  }
0x43: {  	v3 =	vld [tilespmem:$0x20];
	_ =	sdelay $0x4  }
0x44: {  	v58 =	vshll.u32 v3, $0x3  }
0x45: {  	v3 =	vand.u32 $0x7, v3;
	v4 =	vand.u32 $0xFFFFFFC0, v58  }
0x46: {  	v3 =	vor.u32 v3, v4  }
0x47: {  	v4 =	vperm.xlane v3, v0;
	_ =	sdelay $0x1  }
0x48: {  	v4 =	vadd.s32 v1, v4;
	_ =	sdelay $0x4  }
0x49: {  	[tilespmem:s12], [sflag:$0x1] =	stream.indirect_vreg.gather [hbm4b:s3+s2], $0x80, v4, vm0, $0xb8;
	[tilespmem:$0x10080] =	vst v63  }
0x4a: {  	v3 =	vperm.xlane v3, v2  }
0x4b: {  	[tilespmem:s13], [sflag:$0x1] =	stream.indirect_vreg.gather [hbm4b:s4+s2], $0x80, v4, vm0, $0xb8;
	[tilespmem:$0x10080] =	vst v63  }
0x4c: {  	v3 =	vadd.s32 v1, v3  }
0x4d: {  	[tilespmem:s14], [sflag:$0x1] =	stream.indirect_vreg.gather [hbm4b:s5+s2], $0x80, v4, vm0, $0xb8;
	[tilespmem:$0x10080] =	vst v63  }
0x4e: {  	_ = 	snop  }
0x4f: {  	[tilespmem:s15], [sflag:$0x1] =	stream.indirect_vreg.gather [hbm4b:s6+s2], $0x80, v4, vm0, $0xb8;
	[tilespmem:$0x10080] =	vst v63  }
0x50: {  	_ = 	snop  }
0x51: {  	[tilespmem:s16], [sflag:$0x1] =	stream.indirect_vreg.gather [hbm4b:s3+s2], $0x80, v3, vm0, $0xb8;
	[tilespmem:$0x10080] =	vst v63  }
0x52: {  	_ = 	snop  }
0x53: {  	[tilespmem:s17], [sflag:$0x1] =	stream.indirect_vreg.gather [hbm4b:s4+s2], $0x80, v3, vm0, $0xb8;
	[tilespmem:$0x10080] =	vst v63  }
0x54: {  	_ = 	snop  }
0x55: {  	[tilespmem:s9], [sflag:$0x1] =	stream.indirect_vreg.gather [hbm4b:s5+s2], $0x80, v3, vm0, $0xb8;
	[tilespmem:$0x10080] =	vst v63  }
0x56: {  	s19 =	simm.s32 $0xB880  }
0x57: {  	[tilespmem:s19], [sflag:$0x1] =	stream.indirect_vreg.gather [hbm4b:s6+s2], $0x80, v3, vm0, $0xb8;
	[tilespmem:$0x10080] =	vst v63  }
0x58: {  	v3 =	vld [tilespmem:$0x30];
	_ =	sdelay $0x4  }
0x59: {  	v59 =	vshll.u32 v3, $0x3  }
0x5a: {  	v3 =	vand.u32 $0x7, v3;
	v4 =	vand.u32 $0xFFFFFFC0, v59  }
0x5b: {  	v3 =	vor.u32 v3, v4  }
0x5c: {  	v4 =	vperm.xlane v3, v0;
	_ =	sdelay $0x1  }
0x5d: {  	v4 =	vadd.s32 v1, v4;
	_ =	sdelay $0x3  }
0x5e: {  	s19 =	simm.s32 $0xC080  }
0x5f: {  	[tilespmem:s19], [sflag:$0x1] =	stream.indirect_vreg.gather [hbm4b:s3+s2], $0x80, v4, vm0, $0xb8;
	[tilespmem:$0x10080] =	vst v63  }
0x60: {  	v3 =	vperm.xlane v3, v2;
	s19 =	simm.s32 $0xC880  }
0x61: {  	[tilespmem:s19], [sflag:$0x1] =	stream.indirect_vreg.gather [hbm4b:s4+s2], $0x80, v4, vm0, $0xb8;
	[tilespmem:$0x10080] =	vst v63  }
0x62: {  	v3 =	vadd.s32 v1, v3;
	s19 =	simm.s32 $0xD080  }
0x63: {  	[tilespmem:s19], [sflag:$0x1] =	stream.indirect_vreg.gather [hbm4b:s5+s2], $0x80, v4, vm0, $0xb8;
	[tilespmem:$0x10080] =	vst v63  }
0x64: {  	s19 =	simm.s32 $0xD880  }
0x65: {  	[tilespmem:s19], [sflag:$0x1] =	stream.indirect_vreg.gather [hbm4b:s6+s2], $0x80, v4, vm0, $0xb8;
	[tilespmem:$0x10080] =	vst v63  }
0x66: {  	s19 =	simm.s32 $0xE080  }
0x67: {  	[tilespmem:s19], [sflag:$0x1] =	stream.indirect_vreg.gather [hbm4b:s3+s2], $0x80, v3, vm0, $0xb8;
	[tilespmem:$0x10080] =	vst v63  }
0x68: {  	s19 =	simm.s32 $0xE880  }
0x69: {  	[tilespmem:s19], [sflag:$0x1] =	stream.indirect_vreg.gather [hbm4b:s4+s2], $0x80, v3, vm0, $0xb8;
	[tilespmem:$0x10080] =	vst v63  }
0x6a: {  	s19 =	simm.s32 $0xF080  }
0x6b: {  	[tilespmem:s19], [sflag:$0x1] =	stream.indirect_vreg.gather [hbm4b:s5+s2], $0x80, v3, vm0, $0xb8;
	[tilespmem:$0x10080] =	vst v63  }
0x6c: {  	s19 =	simm.s32 $0xF880  }
0x6d: {  	[tilespmem:s19], [sflag:$0x1] =	stream.indirect_vreg.gather [hbm4b:s6+s2], $0x80, v3, vm0, $0xb8;
	[tilespmem:$0x10080] =	vst v63  }
0x6e: {  	_ =	swait.ge [sflag:s18], $0x10000  }
0x6f: {  	[sflag:s18] =	ssyncset.done $0x0  }
0x70: {  	s19 =	rddreg [dreg:$0x4];
	[sflag:s18] =	ssyncadd.s32 $0xFFFF0000  }
0x71: {  	[hbm4b:s19+s2] =	stream.linear.scatter [tilespmem:s0], [sflag:$0x2], $0x10000, $0x38;
	[tilespmem:$0x10080] =	vst v63  }
0x72: {  	_ =	swait.ge [sflag:s8], $0x10000  }
0x73: {  	[sflag:s8] =	ssyncset.done $0x0  }
0x74: {  	s19 =	rddreg [dreg:$0x5];
	[sflag:s8] =	ssyncadd.s32 $0xFFFF0000  }
0x75: {  	[tilespmem:s2], [sflag:$0x2] =	stream.linear.gather [hbm4b:s19+s2], $0x40, $0x38;
	[tilespmem:$0x10080] =	vst v63  }
0x76: {  	_ =	swait.ge [sflag:s8], $0x40  }
0x77: {  	[sflag:s8] =	ssyncset.done $0x0  }
0x78: {  	[sflag:s8] =	ssyncadd.s32 $0xFFFFFFC0  }
0x79: {  	v3 =	vld [tilespmem:$0x0];
	_ =	sdelay $0x4  }
0x7a: {  	v60 =	vshll.u32 v3, $0x3  }
0x7b: {  	v3 =	vand.u32 $0x7, v3;
	v4 =	vand.u32 $0xFFFFFFC0, v60  }
0x7c: {  	v3 =	vor.u32 v3, v4  }
0x7d: {  	v4 =	vperm.xlane v3, v0;
	_ =	sdelay $0x1  }
0x7e: {  	v4 =	vadd.s32 v1, v4;
	_ =	sdelay $0x4  }
0x7f: {  	[tilespmem:s0], [sflag:$0x1] =	stream.indirect_vreg.gather [hbm4b:s3+s2], $0x80, v4, vm0, $0xb8;
	[tilespmem:$0x10080] =	vst v63  }
0x80: {  	v3 =	vperm.xlane v3, v2  }
0x81: {  	[tilespmem:s20], [sflag:$0x1] =	stream.indirect_vreg.gather [hbm4b:s4+s2], $0x80, v4, vm0, $0xb8;
	[tilespmem:$0x10080] =	vst v63  }
0x82: {  	v3 =	vadd.s32 v1, v3  }
0x83: {  	[tilespmem:s21], [sflag:$0x1] =	stream.indirect_vreg.gather [hbm4b:s5+s2], $0x80, v4, vm0, $0xb8;
	[tilespmem:$0x10080] =	vst v63  }
0x84: {  	_ = 	snop  }
0x85: {  	[tilespmem:s22], [sflag:$0x1] =	stream.indirect_vreg.gather [hbm4b:s6+s2], $0x80, v4, vm0, $0xb8;
	[tilespmem:$0x10080] =	vst v63  }
0x86: {  	_ = 	snop  }
0x87: {  	[tilespmem:s23], [sflag:$0x1] =	stream.indirect_vreg.gather [hbm4b:s3+s2], $0x80, v3, vm0, $0xb8;
	[tilespmem:$0x10080] =	vst v63  }
0x88: {  	_ = 	snop  }
0x89: {  	[tilespmem:s24], [sflag:$0x1] =	stream.indirect_vreg.gather [hbm4b:s4+s2], $0x80, v3, vm0, $0xb8;
	[tilespmem:$0x10080] =	vst v63  }
0x8a: {  	_ = 	snop  }
0x8b: {  	[tilespmem:s25], [sflag:$0x1] =	stream.indirect_vreg.gather [hbm4b:s5+s2], $0x80, v3, vm0, $0xb8;
	[tilespmem:$0x10080] =	vst v63  }
0x8c: {  	_ = 	snop  }
0x8d: {  	[tilespmem:s26], [sflag:$0x1] =	stream.indirect_vreg.gather [hbm4b:s6+s2], $0x80, v3, vm0, $0xb8;
	[tilespmem:$0x10080] =	vst v63  }
0x8e: {  	v3 =	vld [tilespmem:$0x10];
	_ =	sdelay $0x4  }
0x8f: {  	v61 =	vshll.u32 v3, $0x3  }
0x90: {  	v3 =	vand.u32 $0x7, v3;
	v4 =	vand.u32 $0xFFFFFFC0, v61  }
0x91: {  	v3 =	vor.u32 v3, v4  }
0x92: {  	v4 =	vperm.xlane v3, v0;
	_ =	sdelay $0x1  }
0x93: {  	v4 =	vadd.s32 v1, v4;
	_ =	sdelay $0x4  }
0x94: {  	[tilespmem:s28], [sflag:$0x1] =	stream.indirect_vreg.gather [hbm4b:s3+s2], $0x80, v4, vm0, $0xb8;
	[tilespmem:$0x10080] =	vst v63  }
0x95: {  	v3 =	vperm.xlane v3, v2  }
0x96: {  	[tilespmem:s29], [sflag:$0x1] =	stream.indirect_vreg.gather [hbm4b:s4+s2], $0x80, v4, vm0, $0xb8;
	[tilespmem:$0x10080] =	vst v63  }
0x97: {  	v3 =	vadd.s32 v1, v3  }
0x98: {  	[tilespmem:s30], [sflag:$0x1] =	stream.indirect_vreg.gather [hbm4b:s5+s2], $0x80, v4, vm0, $0xb8;
	[tilespmem:$0x10080] =	vst v63  }
0x99: {  	_ = 	snop  }
0x9a: {  	[tilespmem:s31], [sflag:$0x1] =	stream.indirect_vreg.gather [hbm4b:s6+s2], $0x80, v4, vm0, $0xb8;
	[tilespmem:$0x10080] =	vst v63  }
0x9b: {  	s19 =	simm.s32 $0x6080  }
0x9c: {  	[tilespmem:s19], [sflag:$0x1] =	stream.indirect_vreg.gather [hbm4b:s3+s2], $0x80, v3, vm0, $0xb8;
	[tilespmem:$0x10080] =	vst v63  }
0x9d: {  	_ = 	snop  }
0x9e: {  	[tilespmem:s1], [sflag:$0x1] =	stream.indirect_vreg.gather [hbm4b:s4+s2], $0x80, v3, vm0, $0xb8;
	[tilespmem:$0x10080] =	vst v63  }
0x9f: {  	_ = 	snop  }
0xa0: {  	[tilespmem:s10], [sflag:$0x1] =	stream.indirect_vreg.gather [hbm4b:s5+s2], $0x80, v3, vm0, $0xb8;
	[tilespmem:$0x10080] =	vst v63  }
0xa1: {  	_ = 	snop  }
0xa2: {  	[tilespmem:s11], [sflag:$0x1] =	stream.indirect_vreg.gather [hbm4b:s6+s2], $0x80, v3, vm0, $0xb8;
	[tilespmem:$0x10080] =	vst v63  }
0xa3: {  	v3 =	vld [tilespmem:$0x20];
	_ =	sdelay $0x4  }
0xa4: {  	v62 =	vshll.u32 v3, $0x3  }
0xa5: {  	v3 =	vand.u32 $0x7, v3;
	v4 =	vand.u32 $0xFFFFFFC0, v62  }
0xa6: {  	v3 =	vor.u32 v3, v4  }
0xa7: {  	v4 =	vperm.xlane v3, v0;
	_ =	sdelay $0x1  }
0xa8: {  	v4 =	vadd.s32 v1, v4;
	_ =	sdelay $0x4  }
0xa9: {  	[tilespmem:s12], [sflag:$0x1] =	stream.indirect_vreg.gather [hbm4b:s3+s2], $0x80, v4, vm0, $0xb8;
	[tilespmem:$0x10080] =	vst v63  }
0xaa: {  	v3 =	vperm.xlane v3, v2  }
0xab: {  	[tilespmem:s13], [sflag:$0x1] =	stream.indirect_vreg.gather [hbm4b:s4+s2], $0x80, v4, vm0, $0xb8;
	[tilespmem:$0x10080] =	vst v63  }
0xac: {  	v3 =	vadd.s32 v1, v3  }
0xad: {  	[tilespmem:s14], [sflag:$0x1] =	stream.indirect_vreg.gather [hbm4b:s5+s2], $0x80, v4, vm0, $0xb8;
	[tilespmem:$0x10080] =	vst v63  }
0xae: {  	_ = 	snop  }
0xaf: {  	[tilespmem:s15], [sflag:$0x1] =	stream.indirect_vreg.gather [hbm4b:s6+s2], $0x80, v4, vm0, $0xb8;
	[tilespmem:$0x10080] =	vst v63  }
0xb0: {  	_ = 	snop  }
0xb1: {  	[tilespmem:s16], [sflag:$0x1] =	stream.indirect_vreg.gather [hbm4b:s3+s2], $0x80, v3, vm0, $0xb8;
	[tilespmem:$0x10080] =	vst v63  }
0xb2: {  	_ = 	snop  }
0xb3: {  	[tilespmem:s17], [sflag:$0x1] =	stream.indirect_vreg.gather [hbm4b:s4+s2], $0x80, v3, vm0, $0xb8;
	[tilespmem:$0x10080] =	vst v63  }
0xb4: {  	_ = 	snop  }
0xb5: {  	[tilespmem:s9], [sflag:$0x1] =	stream.indirect_vreg.gather [hbm4b:s5+s2], $0x80, v3, vm0, $0xb8;
	[tilespmem:$0x10080] =	vst v63  }
0xb6: {  	s19 =	simm.s32 $0xB880  }
0xb7: {  	[tilespmem:s19], [sflag:$0x1] =	stream.indirect_vreg.gather [hbm4b:s6+s2], $0x80, v3, vm0, $0xb8;
	[tilespmem:$0x10080] =	vst v63  }
0xb8: {  	v3 =	vld [tilespmem:$0x30];
	_ =	sdelay $0x4  }
0xb9: {  	v63 =	vshll.u32 v3, $0x3  }
0xba: {  	v3 =	vand.u32 $0x7, v3;
	v4 =	vand.u32 $0xFFFFFFC0, v63  }
0xbb: {  	v3 =	vor.u32 v3, v4  }
0xbc: {  	v4 =	vperm.xlane v3, v0;
	_ =	sdelay $0x1  }
0xbd: {  	v4 =	vadd.s32 v1, v4;
	_ =	sdelay $0x3  }
0xbe: {  	s19 =	simm.s32 $0xC080  }
0xbf: {  	[tilespmem:s19], [sflag:$0x1] =	stream.indirect_vreg.gather [hbm4b:s3+s2], $0x80, v4, vm0, $0xb8;
	[tilespmem:$0x10080] =	vst v63  }
0xc0: {  	v3 =	vperm.xlane v3, v2;
	s19 =	simm.s32 $0xC880  }
0xc1: {  	[tilespmem:s19], [sflag:$0x1] =	stream.indirect_vreg.gather [hbm4b:s4+s2], $0x80, v4, vm0, $0xb8;
	[tilespmem:$0x10080] =	vst v63  }
0xc2: {  	v3 =	vadd.s32 v1, v3;
	s19 =	simm.s32 $0xD080  }
0xc3: {  	[tilespmem:s19], [sflag:$0x1] =	stream.indirect_vreg.gather [hbm4b:s5+s2], $0x80, v4, vm0, $0xb8;
	[tilespmem:$0x10080] =	vst v63  }
0xc4: {  	s19 =	simm.s32 $0xD880  }
0xc5: {  	[tilespmem:s19], [sflag:$0x1] =	stream.indirect_vreg.gather [hbm4b:s6+s2], $0x80, v4, vm0, $0xb8;
	[tilespmem:$0x10080] =	vst v63  }
0xc6: {  	s19 =	simm.s32 $0xE080  }
0xc7: {  	[tilespmem:s19], [sflag:$0x1] =	stream.indirect_vreg.gather [hbm4b:s3+s2], $0x80, v3, vm0, $0xb8;
	[tilespmem:$0x10080] =	vst v63  }
0xc8: {  	s19 =	simm.s32 $0xE880  }
0xc9: {  	[tilespmem:s19], [sflag:$0x1] =	stream.indirect_vreg.gather [hbm4b:s4+s2], $0x80, v3, vm0, $0xb8;
	[tilespmem:$0x10080] =	vst v63  }
0xca: {  	s19 =	simm.s32 $0xF080  }
0xcb: {  	[tilespmem:s19], [sflag:$0x1] =	stream.indirect_vreg.gather [hbm4b:s5+s2], $0x80, v3, vm0, $0xb8;
	[tilespmem:$0x10080] =	vst v63  }
0xcc: {  	s19 =	simm.s32 $0xF880  }
0xcd: {  	[tilespmem:s19], [sflag:$0x1] =	stream.indirect_vreg.gather [hbm4b:s6+s2], $0x80, v3, vm0, $0xb8;
	[tilespmem:$0x10080] =	vst v63  }
0xce: {  	_ =	swait.ge [sflag:s18], $0x10000  }
0xcf: {  	p0 =	sne.s32 s7, $0x1;
	[sflag:s18] =	ssyncset.done $0x0  }
.Ltmp0:
0xd0: {  	s1 =	rddreg [dreg:$0x6];
	[sflag:s18] =	ssyncadd.s32 $0xFFFF0000;
	(pc) =	sbr.rel @p0 .LBB2_1-.Ltmp0, $4  }
0xd1: {  	[hbm4b:s1+s2] =	stream.linear.scatter [tilespmem:s0], [sflag:$0x2], $0x10000, $0x38;
	[tilespmem:$0x10080] =	vst v63  }
0xd2: {  	_ =	swait.ge [sflag:s8], $0x10000  }
0xd3: {  	[sflag:s8] =	ssyncset.done $0x0  }
0xd4: {  	s7 =	sadd.s32 $0xFFFFFFFF, s7;
	[sflag:s8] =	ssyncadd.s32 $0xFFFF0000  }
0xd5: {  	_ =	sfence.sel $0x180000  }
0xd6: {  	[bflag:$0x0] =	sbarrier.arrive $0xFFFF  }
0xd7: {  	_ =	strace $0x9000004A  }
0xd8: {  	s0 =	stileid.u32;
	[bflag:$0x2] =	sbarrier.arrive $0xFFFF  }
0xd9: {  	p0 =	sne.s32 s0, $0x0;
	s0 =	rddreg [dreg:$0x2]  }
0xda: {  	s0 =	sadd.s32 @!p0 $0x100000, s0  }
0xdb: {  	[sflag:s0] =	ssyncadd.tile.s32 @!p0 $0x1;
	_ =	shalt  }
.Lfunc_end2:
_tile_overlayer_lowered:
.L_overlay_start_2:
0xdc: {  	(tag) =	ssettag $0x2  }
0xdd: {  	s0 =	rddreg [dreg:$0x0];
	s2 =	stileid.u32  }
0xde: {  	s1 =	rddreg [dreg:$0x1];
	p0 =	sne.s32 s2, $0x0  }
0xdf: {  	s3 =	rddreg [dreg:$0x2];
	[bflag:$0x3] =	sbarrier.arrive $0xFFFF;
	s2 =	simm.s32 @!p0 $0x1C02  }
0xe0: {  	[timem:s3], [sflag:s2] =	dma.local @!p0 [hbm:s0], s1  }
0xe1: {  	s0 =	simm.s32 @!p0 $0x2  }
0xe2: {  	_ =	swait.ge @!p0 [sflag:s0], s1  }
0xe3: {  	s1 =	ssub.s32 @!p0 $0x0, s1;
	[sflag:s0] =	ssyncset.done @!p0 $0x0  }
0xe4: {  	[sflag:s0] =	ssyncadd.s32 @!p0 s1  }
0xe5: {  	[bflag:$0x3] =	sbarrier.arrive $0xFFFF  }
0xe6: {  	_ =	shalt  }

// kernel: kernel.7.cloned.1.call-start
scs
__scs_entry_jumppad:
0x0: {  	(pc) =	sbr.rel $0x88, $3  }
0x1: {  	(tag) =	ssettag $0x0;
	lr =	simm.s32 $0x1  }
0x2: {  	[smem:$0x3F9C] =	sst lr;
	_ =	strace $0xD0000000  }
0x3: {  	_ = 	snop  }
0x4: {  	_ = 	snop  }
0x5: {  	_ = 	snop  }
0x6: {  	_ = 	snop  }
0x7: {  	_ = 	snop  }
__scs_overlays_trampoline_lowered:
0x8: {  	[smem:$0x3FAB] =	sst s0  }
0x9: {  	[smem:$0x3FAC] =	sst s1  }
0xa: {  	[smem:$0x3FAD] =	sst s2  }
0xb: {  	[smem:$0x3FAE] =	sst s3  }
0xc: {  	[smem:$0x3FAF] =	sst s4  }
0xd: {  	[smem:$0x3FB0] =	sst s5  }
0xe: {  	[smem:$0x3FB1] =	sst s6  }
0xf: {  	[smem:$0x3FB2] =	sst s7  }
0x10: {  	[smem:$0x3FB3] =	sst s8  }
0x11: {  	[smem:$0x3FB4] =	sst s9;
	s0 =	simm.s32 @!p0 $0x0  }
0x12: {  	s1 =	sld [smem:$0x3F9A];
	s0 =	simm.s32 @p0 $0x1  }
0x13: {  	[smem:$0x3FB5] =	sst s0;
	s0 =	simm.s32 @!p1 $0x0  }
0x14: {  	s2 =	sld [smem:$0x3F99];
	s0 =	simm.s32 @p1 $0x1  }
0x15: {  	[smem:$0x3FB6] =	sst s0;
	s0 =	simm.s32 @!p2 $0x0  }
0x16: {  	s3 =	sld [smem:$0x3FDB];
	s0 =	simm.s32 @p2 $0x1  }
0x17: {  	s4 =	simm.s32 $0x1BF5;
	[smem:$0x3FB8] =	sst s0  }
0x18: {  	s0 =	sld [smem:$0x3F9B];
	_ =	swait.ge [sflag:s4], $0x0  }
0x19: {  	s7 =	sld [smem:$0x3F9C]  }
0x1a: {  	s8 =	sadd.s32 $0xFFFFE003, lr  }
0x1b: {  	s9 =	sadd.s32 $0xFFFFFEF7, lr;
	s5 =	simm.s32 $0xFFFFFFFF;
	p2 =	slt.u32 s8, $0xFFFFF086  }
0x1c: {  	p1 =	slt.u32 s9, $0xF7A;
	s5 =	simm.s32 @!p2 $0x0  }
0x1d: {  	s5 =	simm.s32 @p1 $0x1;
	p0 =	seq.s32 s7, s2  }
0x1e: {  	s7 =	smul.u32 @!p0 $0xF7A, s2;
	p2 =	seq.s32 @!p0 s5, $0x0  }
0x1f: {  	s9 =	smul.u32 $0xF7A, s1;
	s8 =	simm.s32 @!p0 $0x1BF5;
	p2 =	por !p2, p0  }
0x20: {  	[sflag:s8] =	ssyncset.s32 @!p0 $0xFFFFF086;
	s6 =	sadd.s32 @!p0 s3, s7;
	s7 =	simm.s32 @!p0 $0x108  }
0x21: {  	s3 =	sadd.s32 s3, s9;
	s6 =	sadd.s32 @!p0 $0x88, s6;
	s7 =	simm.s32 @p2 $0x1082  }
0x22: {  	[simem:s7], [sflag:s8] =	dma.local @!p0 [hbm:s6], $0xF7A  }
0x23: {  	s9 =	sor.u32 $0xD0000000, s2;
	s6 =	simm.s32 $0x108;
	_ =	swait.ge @!p0 [sflag:s8], $0x0  }
0x24: {  	s3 =	sadd.s32 $0x88, s3;
	s6 =	simm.s32 @!p1 $0x1082;
	[sflag:s4] =	ssyncset.s32 $0xFFFFF086  }
0x25: {  	[simem:s6], [sflag:s4] =	dma.local [hbm:s3], $0xF7A  }
0x26: {  	[smem:$0x3F9C] =	sst s1;
	(tag) =	ssettag s2;
	_ =	strace s9  }
0x27: {  	s1 =	sld [smem:$0x3FAC]  }
0x28: {  	s2 =	sld [smem:$0x3FAD]  }
0x29: {  	s4 =	sld [smem:$0x3FAF]  }
0x2a: {  	p0 =	seq.s32 s5, $0x0;
	s5 =	sld [smem:$0x3FB0]  }
0x2b: {  	s6 =	sld [smem:$0x3FB1]  }
0x2c: {  	s7 =	sld [smem:$0x3FB2]  }
0x2d: {  	s3 =	simm.s32 $0x108;
	s8 =	sld [smem:$0x3FB3]  }
0x2e: {  	s3 =	simm.s32 @!p0 $0x1082;
	s9 =	sld [smem:$0x3FB4]  }
0x2f: {  	lr =	sadd.s32 s0, s3;
	s0 =	sld [smem:$0x3FAB]  }
0x30: {  	s3 =	sld [smem:$0x3FAE]  }
0x31: {  	[smem:$0x3FB7] =	sst s10  }
0x32: {  	s10 =	sld [smem:$0x3FB5];
	_ =	sdelay $0x3  }
0x33: {  	p0 =	seq.s32 s10, $0x1;
	s10 =	sld [smem:$0x3FB7];
	_ =	sdelay $0x3  }
0x34: {  	[smem:$0x3FB7] =	sst s10  }
0x35: {  	s10 =	sld [smem:$0x3FB6];
	_ =	sdelay $0x3  }
0x36: {  	p1 =	seq.s32 s10, $0x1;
	s10 =	sld [smem:$0x3FB7];
	_ =	sdelay $0x3  }
0x37: {  	[smem:$0x3FB7] =	sst s10  }
0x38: {  	s10 =	sld [smem:$0x3FB8]  }
0x39: {  	_ = 	snop;
	(pc) =	sbr.ind lr, $3  }
0x3a: {  	_ = 	snop  }
0x3b: {  	_ = 	snop  }
0x3c: {  	p2 =	seq.s32 s10, $0x1;
	s10 =	sld [smem:$0x3FB7]  }
0x3d: {  	_ =	shalt  }
0x3e: {  	_ =	shalt  }
0x3f: {  	_ =	shalt  }
0x40: {  	_ =	shalt  }
0x41: {  	_ =	shalt  }
0x42: {  	_ =	shalt  }
0x43: {  	_ =	shalt  }
0x44: {  	_ =	shalt  }
0x45: {  	_ =	shalt  }
0x46: {  	_ =	shalt  }
0x47: {  	_ =	shalt  }
0x48: {  	_ =	shalt  }
0x49: {  	_ =	shalt  }
0x4a: {  	_ =	shalt  }
0x4b: {  	_ =	shalt  }
0x4c: {  	_ =	shalt  }
0x4d: {  	_ =	shalt  }
0x4e: {  	_ =	shalt  }
0x4f: {  	_ =	shalt  }
0x50: {  	_ =	shalt  }
0x51: {  	_ =	shalt  }
0x52: {  	_ =	shalt  }
0x53: {  	_ =	shalt  }
0x54: {  	_ =	shalt  }
0x55: {  	_ =	shalt  }
0x56: {  	_ =	shalt  }
0x57: {  	_ =	shalt  }
0x58: {  	_ =	shalt  }
0x59: {  	_ =	shalt  }
0x5a: {  	_ =	shalt  }
0x5b: {  	_ =	shalt  }
0x5c: {  	_ =	shalt  }
0x5d: {  	_ =	shalt  }
0x5e: {  	_ =	shalt  }
0x5f: {  	_ =	shalt  }
0x60: {  	_ =	shalt  }
0x61: {  	_ =	shalt  }
0x62: {  	_ =	shalt  }
0x63: {  	_ =	shalt  }
0x64: {  	_ =	shalt  }
0x65: {  	_ =	shalt  }
0x66: {  	_ =	shalt  }
0x67: {  	_ =	shalt  }
0x68: {  	_ =	shalt  }
0x69: {  	_ =	shalt  }
0x6a: {  	_ =	shalt  }
0x6b: {  	_ =	shalt  }
0x6c: {  	_ =	shalt  }
0x6d: {  	_ =	shalt  }
0x6e: {  	_ =	shalt  }
0x6f: {  	_ =	shalt  }
0x70: {  	_ =	shalt  }
0x71: {  	_ =	shalt  }
0x72: {  	_ =	shalt  }
0x73: {  	_ =	shalt  }
0x74: {  	_ =	shalt  }
0x75: {  	_ =	shalt  }
0x76: {  	_ =	shalt  }
0x77: {  	_ =	shalt  }
0x78: {  	_ =	shalt  }
0x79: {  	_ =	shalt  }
0x7a: {  	_ =	shalt  }
0x7b: {  	_ =	shalt  }
0x7c: {  	_ =	shalt  }
0x7d: {  	_ =	shalt  }
0x7e: {  	_ =	shalt  }
0x7f: {  	_ =	shalt  }
0x80: {  	_ =	shalt  }
0x81: {  	_ =	shalt  }
0x82: {  	_ =	shalt  }
0x83: {  	_ =	shalt  }
0x84: {  	_ =	shalt  }
0x85: {  	_ =	shalt  }
0x86: {  	_ =	shalt  }
0x87: {  	_ =	shalt  }
.Lfunc_end0:
.L_simem_size_0:
called_computation_lowered:
.L_overlay_start_0:
0x88: {  	s2 =	sld [smem:$0x3FD9]  }
0x89: {  	s3 =	sld [smem:$0x3FFE];
	_ =	sdelay $0x1  }
0x8a: {  	s1 =	srdreg.scid  }
0x8b: {  	s0 =	sand.u32 $0x1, s1  }
0x8c: {  	s17 =	sshll.u32 s0, $0xA;
	s2 =	sadd.s32 s3, s2  }
0x8d: {  	s2 =	sadd.s32 s2, s17  }
0x8e: {  	[smem:$0x3FC3] =	sst s2  }
0x8f: {  	_ = 	snop  }
0x90: {  	s2 =	sld [smem:$0x3FC9];
	(tm) =	ssettm $0x1  }
0x91: {  	s18 =	sld [smem:$0x3FFB];
	_ =	sdelay $0x3  }
0x92: {  	_ =	strace s18  }
0x93: {  	s3 =	sld [smem:$0x3FFC];
	_ =	sdelay $0x3  }
0x94: {  	_ =	strace s3  }
0x95: {  	s3 =	sld [smem:$0x3FFD];
	_ =	sdelay $0x3  }
0x96: {  	_ =	strace s3  }
0x97: {  	_ =	strace $0x8FFFFFFF  }
0x98: {  	s19 =	sld [smem:$0x3FDB];
	_ =	sdelay $0x1  }
0x99: {  	s4 =	simm.s32 $_scs_section_size  }
0x9a: {  	s5 =	simm.s32 $_size__tile_overlayer_lowered;
	s6 =	simm.s32 $_tile_overlayer_lowered  }
0x9b: {  	s22 =	simm.s32 $0x1BFF;
	s21 =	sshll.u32 s6, $0x1;
	s3 =	sadd.s32 s4, s19  }
0x9c: {  	s7 =	simm.s32 $0x0;
	s20 =	sshll.u32 s5, $0x1;
	s5 =	sadd.s32 s21, s3  }
0x9d: {  	[timem:s7], [sflag:s22] =	dma.local [hbm:s5], s20  }
0x9e: {  	_ =	swait.ge [sflag:s22], s20  }
0x9f: {  	s4 =	ssub.s32 $0x0, s20;
	[sflag:s22] =	ssyncset.done $0x0  }
0xa0: {  	[sflag:s22] =	ssyncadd.s32 s4;
	_ =	sdelay $0x1  }
0xa1: {  	s23 =	simm.s32 $0x1B8B  }
0xa2: {  	_ =	swait.ge [sflag:s23], $0x1  }
0xa3: {  	[sflag:s23] =	ssyncset.done $0x0  }
0xa4: {  	s25 =	simm.s32 $0x1B8E;
	s24 =	sld [smem:$0x3FFE];
	[sflag:s23] =	ssyncadd.s32 $0xFFFFFFFF  }
0xa5: {  	s26 =	simm.s32 $execute0_lowered;
	[smem:$0x3FD2] =	sst s25  }
0xa6: {  	s5 =	sshll.u32 s26, $0x1;
	_ =	strace $0x80000046;
	[dreg:$0x1] =	wrdreg $0xFFFFFFFF  }
0xa7: {  	s28 =	simm.s32 $_size_execute0_lowered;
	s3 =	sadd.s32 s3, s5;
	[dreg:$0x0] =	wrdreg $0x0  }
0xa8: {  	s5 =	sshll.u32 s28, $0x1;
	[dreg:$0x2] =	wrdreg s3  }
0xa9: {  	[dreg:$0x3] =	wrdreg s5  }
0xaa: {  	[dreg:$0x4] =	wrdreg $0xC0  }
0xab: {  	_ =	task [dreg:s7], $0x5FFFF  }
0xac: {  	[dreg:$0x1] =	wrdreg $0xFFFFFFFF  }
0xad: {  	[dreg:$0x0] =	wrdreg $0x60  }
0xae: {  	[dreg:$0x2] =	wrdreg s2  }
0xaf: {  	[dreg:$0x3] =	wrdreg s24  }
0xb0: {  	[dreg:$0x4] =	wrdreg $0x9  }
0xb1: {  	_ =	task.clear_ibuf [dreg:s7], $0x5FFFF;
	_ =	strace $0x90000046  }
0xb2: {  	s29 =	simm.s32 $0x9;
	_ =	strace $0x80000048  }
0xb3: {  	_ =	swait.ge [sflag:s29], $0x1  }
0xb4: {  	[sflag:s29] =	ssyncadd.s32 $0xFFFFFFFF  }
0xb5: {  	_ =	strace $0x90000048  }
0xb6: {  	_ =	sfence  }
0xb7: {  	s30 =	sld [smem:$0x0];
	_ =	sdelay $0x2  }
0xb8: {  	s31 =	sshll.u32 s1, $0xD;
	s1 =	sshrl.u32 s1, $0x2  }
0xb9: {  	s3 =	sand.u32 $0x4000, s31;
	s1 =	sadd.s32 s1, s30  }
0xba: {  	s0 =	sor.u32 s3, s0;
	s1 =	sshll.u32 s1, $0x11  }
0xbb: {  	s0 =	sor.u32 s1, s0  }
0xbc: {  	s0 =	sadd.s32 $0x8F2B, s0  }
0xbd: {  	[sflag:s0] =	ssyncadd.remote.s32 $0x1  }
0xbe: {  	_ =	sfence.sel $0xFFFF  }
0xbf: {  	[dreg:$0x0] =	wrdreg $0xFFFFFFFF;
	(pc) =	sbr.abs _section_cstart, $3  }
0xc0: {  	[dreg:$0x1] =	wrdreg $0xFFFFFFFF  }
0xc1: {  	_ =	task.clear_ibuf [dreg:s7], $0x2FFFF;
	_ =	strace $0x9FFFFFFF  }
0xc2: {  	(tm) =	ssettm $0x7FFFFFFF  }
0xc3: {  	_ =	shalt  }
tec
execute0_lowered:
.L_overlay_start_1:
0x0: {  	(tag) =	ssettag $0x1  }
0x1: {  	s0 =	srdreg.scid;
	s1 =	rddreg [dreg:$0x0]  }
0x2: {  	s2 =	stileid.u32;
	s6 =	rddreg [dreg:$0x1];
	s26 =	simm.s32 $0x80  }
0x3: {  	s8 =	simm.s32 $0x2;
	s18 =	simm.s32 $0x1;
	s21 =	simm.s32 $0x1900  }
0x4: {  	s22 =	simm.s32 $0x2100;
	s23 =	simm.s32 $0x2900;
	s24 =	simm.s32 $0x3100  }
0x5: {  	s28 =	simm.s32 $0x4900;
	s29 =	simm.s32 $0x5100;
	s30 =	simm.s32 $0x5900  }
0x6: {  	s31 =	simm.s32 $0x6100;
	s10 =	simm.s32 $0x7900;
	s11 =	simm.s32 $0x8100  }
0x7: {  	s12 =	simm.s32 $0x8900;
	s13 =	simm.s32 $0x9100;
	s14 =	simm.s32 $0x9900  }
0x8: {  	s15 =	simm.s32 $0xA100;
	s16 =	simm.s32 $0xA900;
	s17 =	simm.s32 $0xB100  }
0x9: {  	s0 =	sand.u32 $0x1, s0;
	s3 =	sshll.u32 s2, $0x7;
	s2 =	simm.s32 $0x0  }
0xa: {  	s4 =	sshll.u32 s0, $0x6;
	[smem:$0x7FF] =	sst s2;
	s0 =	ssub.s32 $0x2, s0  }
0xb: {  	s4 =	sor.u32 s4, s3;
	_ =	strace $0x80000047;
	s25 =	sshrl.u32 s0, $0x1  }
0xc: {  	[dreg:$0x6] =	wrdreg s26;
	s3 =	sshrl.u32 s4, $0x3;
	s4 =	sshll.u32 s4, $0x7  }
0xd: {  	s26 =	simm.s32 $0x4100;
	s5 =	sadd.s32 s3, s6;
	s1 =	sadd.s32 s1, s4  }
0xe: {  	s0 =	ssub.s32 s0, s25;
	s7 =	sadd.s32 $0x10800, s5;
	[dreg:$0x5] =	wrdreg s1  }
0xf: {  	v2 =	vlaneseq.u32;
	s25 =	simm.s32 $0x3900;
	s5 =	sadd.s32 $0x10A00, s5;
	[dreg:$0x3] =	wrdreg s7  }
0x10: {  	vm0 =	vmmov $0xffff;
	v1 =	vshrl.u32 v2, $0x3;
	s3 =	sadd.s32 $0x10C00, s6;
	s4 =	sadd.s32 $0x10D00, s6;
	[dreg:$0x4] =	wrdreg s5  }
0x11: {  	v0 =	vand.u32 $0x7, v2;
	v2 =	vor.u32 $0x8, v2;
	v1 =	vmul.u32 $0x8, v1;
	s5 =	sadd.s32 $0x10E00, s6;
	s6 =	sadd.s32 $0x10F00, s6;
	s7 =	smax.u32 s0, $0x1  }
.LBB2_1:
0x12: {  	s19 =	rddreg [dreg:$0x3]  }
0x13: {  	[tilespmem:s2], [sflag:$0x2] =	stream.linear.gather [hbm4b:s19+s2], $0x40, $0x38;
	[tilespmem:$0x10100] =	vst v63  }
0x14: {  	_ =	swait.ge [sflag:s8], $0x40  }
0x15: {  	s1 =	rddreg [dreg:$0x4];
	[sflag:s8] =	ssyncset.done $0x0  }
0x16: {  	s20 =	rddreg [dreg:$0x6];
	[sflag:s8] =	ssyncadd.s32 $0xFFFFFFC0  }
0x17: {  	[tilespmem:s20], [sflag:$0x2] =	stream.linear.gather [hbm4b:s1+s2], $0x40, $0x38;
	[tilespmem:$0x10100] =	vst v63  }
0x18: {  	_ =	swait.ge [sflag:s8], $0x40  }
0x19: {  	[sflag:s8] =	ssyncset.done $0x0  }
0x1a: {  	s0 =	simm.s32 $0x100;
	s9 =	rddreg [dreg:$0x5];
	[sflag:s8] =	ssyncadd.s32 $0xFFFFFFC0  }
0x1b: {  	[tilespmem:s0], [sflag:$0x2] =	stream.linear.gather [hbm4b:s9+s2], $0x10000, $0x38;
	[tilespmem:$0x10100] =	vst v63  }
0x1c: {  	_ =	swait.ge [sflag:s8], $0x10000  }
0x1d: {  	[sflag:s8] =	ssyncset.done $0x0  }
0x1e: {  	[sflag:s8] =	ssyncadd.s32 $0xFFFF0000  }
0x1f: {  	v3 =	vld [tilespmem:$0x0];
	_ =	sdelay $0x4  }
0x20: {  	v4 =	vshll.u32 v3, $0x3  }
0x21: {  	v3 =	vand.u32 $0x7, v3;
	v4 =	vand.u32 $0xFFFFFFC0, v4  }
0x22: {  	v3 =	vor.u32 v3, v4  }
0x23: {  	v4 =	vperm.xlane v3, v0;
	_ =	sdelay $0x1  }
0x24: {  	v4 =	vadd.s32 v1, v4;
	_ =	sdelay $0x4  }
0x25: {  	[hbm4b:s3+s2] =	stream.indirect_vreg.scatter [tilespmem:s0], [sflag:$0x1], $0x80, v4, vm0, $0xb8;
	[tilespmem:$0x10100] =	vst v63  }
0x26: {  	s19 =	simm.s32 $0x900;
	v3 =	vperm.xlane v3, v2  }
0x27: {  	[hbm4b:s4+s2] =	stream.indirect_vreg.scatter [tilespmem:s19], [sflag:$0x1], $0x80, v4, vm0, $0xb8;
	[tilespmem:$0x10100] =	vst v63  }
0x28: {  	s20 =	simm.s32 $0x1100;
	v3 =	vadd.s32 v1, v3  }
0x29: {  	[hbm4b:s5+s2] =	stream.indirect_vreg.scatter [tilespmem:s20], [sflag:$0x1], $0x80, v4, vm0, $0xb8;
	[tilespmem:$0x10100] =	vst v63  }
0x2a: {  	_ = 	snop  }
0x2b: {  	[hbm4b:s6+s2] =	stream.indirect_vreg.scatter [tilespmem:s21], [sflag:$0x1], $0x80, v4, vm0, $0xb8;
	[tilespmem:$0x10100] =	vst v63  }
0x2c: {  	_ = 	snop  }
0x2d: {  	[hbm4b:s3+s2] =	stream.indirect_vreg.scatter [tilespmem:s22], [sflag:$0x1], $0x80, v3, vm0, $0xb8;
	[tilespmem:$0x10100] =	vst v63  }
0x2e: {  	_ = 	snop  }
0x2f: {  	[hbm4b:s4+s2] =	stream.indirect_vreg.scatter [tilespmem:s23], [sflag:$0x1], $0x80, v3, vm0, $0xb8;
	[tilespmem:$0x10100] =	vst v63  }
0x30: {  	_ = 	snop  }
0x31: {  	[hbm4b:s5+s2] =	stream.indirect_vreg.scatter [tilespmem:s24], [sflag:$0x1], $0x80, v3, vm0, $0xb8;
	[tilespmem:$0x10100] =	vst v63  }
0x32: {  	_ = 	snop  }
0x33: {  	[hbm4b:s6+s2] =	stream.indirect_vreg.scatter [tilespmem:s25], [sflag:$0x1], $0x80, v3, vm0, $0xb8;
	[tilespmem:$0x10100] =	vst v63  }
0x34: {  	v3 =	vld [tilespmem:$0x10];
	_ =	sdelay $0x4  }
0x35: {  	v57 =	vshll.u32 v3, $0x3  }
0x36: {  	v3 =	vand.u32 $0x7, v3;
	v4 =	vand.u32 $0xFFFFFFC0, v57  }
0x37: {  	v3 =	vor.u32 v3, v4  }
0x38: {  	v4 =	vperm.xlane v3, v0;
	_ =	sdelay $0x1  }
0x39: {  	v4 =	vadd.s32 v1, v4;
	_ =	sdelay $0x4  }
0x3a: {  	[hbm4b:s3+s2] =	stream.indirect_vreg.scatter [tilespmem:s26], [sflag:$0x1], $0x80, v4, vm0, $0xb8;
	[tilespmem:$0x10100] =	vst v63  }
0x3b: {  	v3 =	vperm.xlane v3, v2  }
0x3c: {  	[hbm4b:s4+s2] =	stream.indirect_vreg.scatter [tilespmem:s28], [sflag:$0x1], $0x80, v4, vm0, $0xb8;
	[tilespmem:$0x10100] =	vst v63  }
0x3d: {  	v3 =	vadd.s32 v1, v3  }
0x3e: {  	[hbm4b:s5+s2] =	stream.indirect_vreg.scatter [tilespmem:s29], [sflag:$0x1], $0x80, v4, vm0, $0xb8;
	[tilespmem:$0x10100] =	vst v63  }
0x3f: {  	_ = 	snop  }
0x40: {  	[hbm4b:s6+s2] =	stream.indirect_vreg.scatter [tilespmem:s30], [sflag:$0x1], $0x80, v4, vm0, $0xb8;
	[tilespmem:$0x10100] =	vst v63  }
0x41: {  	_ = 	snop  }
0x42: {  	[hbm4b:s3+s2] =	stream.indirect_vreg.scatter [tilespmem:s31], [sflag:$0x1], $0x80, v3, vm0, $0xb8;
	[tilespmem:$0x10100] =	vst v63  }
0x43: {  	s1 =	simm.s32 $0x6900  }
0x44: {  	[hbm4b:s4+s2] =	stream.indirect_vreg.scatter [tilespmem:s1], [sflag:$0x1], $0x80, v3, vm0, $0xb8;
	[tilespmem:$0x10100] =	vst v63  }
0x45: {  	s9 =	simm.s32 $0x7100  }
0x46: {  	[hbm4b:s5+s2] =	stream.indirect_vreg.scatter [tilespmem:s9], [sflag:$0x1], $0x80, v3, vm0, $0xb8;
	[tilespmem:$0x10100] =	vst v63  }
0x47: {  	_ = 	snop  }
0x48: {  	[hbm4b:s6+s2] =	stream.indirect_vreg.scatter [tilespmem:s10], [sflag:$0x1], $0x80, v3, vm0, $0xb8;
	[tilespmem:$0x10100] =	vst v63  }
0x49: {  	v3 =	vld [tilespmem:$0x20];
	_ =	sdelay $0x4  }
0x4a: {  	v58 =	vshll.u32 v3, $0x3  }
0x4b: {  	v3 =	vand.u32 $0x7, v3;
	v4 =	vand.u32 $0xFFFFFFC0, v58  }
0x4c: {  	v3 =	vor.u32 v3, v4  }
0x4d: {  	v4 =	vperm.xlane v3, v0;
	_ =	sdelay $0x1  }
0x4e: {  	v4 =	vadd.s32 v1, v4;
	_ =	sdelay $0x4  }
0x4f: {  	[hbm4b:s3+s2] =	stream.indirect_vreg.scatter [tilespmem:s11], [sflag:$0x1], $0x80, v4, vm0, $0xb8;
	[tilespmem:$0x10100] =	vst v63  }
0x50: {  	v3 =	vperm.xlane v3, v2  }
0x51: {  	[hbm4b:s4+s2] =	stream.indirect_vreg.scatter [tilespmem:s12], [sflag:$0x1], $0x80, v4, vm0, $0xb8;
	[tilespmem:$0x10100] =	vst v63  }
0x52: {  	v3 =	vadd.s32 v1, v3  }
0x53: {  	[hbm4b:s5+s2] =	stream.indirect_vreg.scatter [tilespmem:s13], [sflag:$0x1], $0x80, v4, vm0, $0xb8;
	[tilespmem:$0x10100] =	vst v63  }
0x54: {  	_ = 	snop  }
0x55: {  	[hbm4b:s6+s2] =	stream.indirect_vreg.scatter [tilespmem:s14], [sflag:$0x1], $0x80, v4, vm0, $0xb8;
	[tilespmem:$0x10100] =	vst v63  }
0x56: {  	_ = 	snop  }
0x57: {  	[hbm4b:s3+s2] =	stream.indirect_vreg.scatter [tilespmem:s15], [sflag:$0x1], $0x80, v3, vm0, $0xb8;
	[tilespmem:$0x10100] =	vst v63  }
0x58: {  	_ = 	snop  }
0x59: {  	[hbm4b:s4+s2] =	stream.indirect_vreg.scatter [tilespmem:s16], [sflag:$0x1], $0x80, v3, vm0, $0xb8;
	[tilespmem:$0x10100] =	vst v63  }
0x5a: {  	_ = 	snop  }
0x5b: {  	[hbm4b:s5+s2] =	stream.indirect_vreg.scatter [tilespmem:s17], [sflag:$0x1], $0x80, v3, vm0, $0xb8;
	[tilespmem:$0x10100] =	vst v63  }
0x5c: {  	s9 =	simm.s32 $0xB900  }
0x5d: {  	[hbm4b:s6+s2] =	stream.indirect_vreg.scatter [tilespmem:s9], [sflag:$0x1], $0x80, v3, vm0, $0xb8;
	[tilespmem:$0x10100] =	vst v63  }
0x5e: {  	v3 =	vld [tilespmem:$0x30];
	_ =	sdelay $0x4  }
0x5f: {  	v59 =	vshll.u32 v3, $0x3  }
0x60: {  	v3 =	vand.u32 $0x7, v3;
	v4 =	vand.u32 $0xFFFFFFC0, v59  }
0x61: {  	v3 =	vor.u32 v3, v4  }
0x62: {  	v4 =	vperm.xlane v3, v0;
	_ =	sdelay $0x1  }
0x63: {  	v4 =	vadd.s32 v1, v4;
	_ =	sdelay $0x3  }
0x64: {  	s1 =	simm.s32 $0xC100  }
0x65: {  	[hbm4b:s3+s2] =	stream.indirect_vreg.scatter [tilespmem:s1], [sflag:$0x1], $0x80, v4, vm0, $0xb8;
	[tilespmem:$0x10100] =	vst v63  }
0x66: {  	v3 =	vperm.xlane v3, v2;
	s1 =	simm.s32 $0xC900  }
0x67: {  	[hbm4b:s4+s2] =	stream.indirect_vreg.scatter [tilespmem:s1], [sflag:$0x1], $0x80, v4, vm0, $0xb8;
	[tilespmem:$0x10100] =	vst v63  }
0x68: {  	v3 =	vadd.s32 v1, v3;
	s1 =	simm.s32 $0xD100  }
0x69: {  	[hbm4b:s5+s2] =	stream.indirect_vreg.scatter [tilespmem:s1], [sflag:$0x1], $0x80, v4, vm0, $0xb8;
	[tilespmem:$0x10100] =	vst v63  }
0x6a: {  	s1 =	simm.s32 $0xD900  }
0x6b: {  	[hbm4b:s6+s2] =	stream.indirect_vreg.scatter [tilespmem:s1], [sflag:$0x1], $0x80, v4, vm0, $0xb8;
	[tilespmem:$0x10100] =	vst v63  }
0x6c: {  	s1 =	simm.s32 $0xE100  }
0x6d: {  	[hbm4b:s3+s2] =	stream.indirect_vreg.scatter [tilespmem:s1], [sflag:$0x1], $0x80, v3, vm0, $0xb8;
	[tilespmem:$0x10100] =	vst v63  }
0x6e: {  	s1 =	simm.s32 $0xE900  }
0x6f: {  	[hbm4b:s4+s2] =	stream.indirect_vreg.scatter [tilespmem:s1], [sflag:$0x1], $0x80, v3, vm0, $0xb8;
	[tilespmem:$0x10100] =	vst v63  }
0x70: {  	s1 =	simm.s32 $0xF100  }
0x71: {  	[hbm4b:s5+s2] =	stream.indirect_vreg.scatter [tilespmem:s1], [sflag:$0x1], $0x80, v3, vm0, $0xb8;
	[tilespmem:$0x10100] =	vst v63  }
0x72: {  	s1 =	simm.s32 $0xF900  }
0x73: {  	[hbm4b:s6+s2] =	stream.indirect_vreg.scatter [tilespmem:s1], [sflag:$0x1], $0x80, v3, vm0, $0xb8;
	[tilespmem:$0x10100] =	vst v63  }
0x74: {  	_ =	swait.ge [sflag:s18], $0x10000  }
0x75: {  	[sflag:s18] =	ssyncset.done $0x0  }
0x76: {  	[sflag:s18] =	ssyncadd.s32 $0xFFFF0000  }
0x77: {  	v3 =	vld [tilespmem:$0x80];
	_ =	sdelay $0x4  }
0x78: {  	v60 =	vshll.u32 v3, $0x3  }
0x79: {  	v3 =	vand.u32 $0x7, v3;
	v4 =	vand.u32 $0xFFFFFFC0, v60  }
0x7a: {  	v3 =	vor.u32 v3, v4  }
0x7b: {  	v4 =	vperm.xlane v3, v0;
	_ =	sdelay $0x1  }
0x7c: {  	v4 =	vadd.s32 v1, v4;
	_ =	sdelay $0x4  }
0x7d: {  	[hbm4b:s3+s2] =	stream.indirect_vreg.scatter [tilespmem:s0], [sflag:$0x1], $0x80, v4, vm0, $0xb8;
	[tilespmem:$0x10100] =	vst v63  }
0x7e: {  	v3 =	vperm.xlane v3, v2  }
0x7f: {  	[hbm4b:s4+s2] =	stream.indirect_vreg.scatter [tilespmem:s19], [sflag:$0x1], $0x80, v4, vm0, $0xb8;
	[tilespmem:$0x10100] =	vst v63  }
0x80: {  	v3 =	vadd.s32 v1, v3  }
0x81: {  	[hbm4b:s5+s2] =	stream.indirect_vreg.scatter [tilespmem:s20], [sflag:$0x1], $0x80, v4, vm0, $0xb8;
	[tilespmem:$0x10100] =	vst v63  }
0x82: {  	_ = 	snop  }
0x83: {  	[hbm4b:s6+s2] =	stream.indirect_vreg.scatter [tilespmem:s21], [sflag:$0x1], $0x80, v4, vm0, $0xb8;
	[tilespmem:$0x10100] =	vst v63  }
0x84: {  	_ = 	snop  }
0x85: {  	[hbm4b:s3+s2] =	stream.indirect_vreg.scatter [tilespmem:s22], [sflag:$0x1], $0x80, v3, vm0, $0xb8;
	[tilespmem:$0x10100] =	vst v63  }
0x86: {  	_ = 	snop  }
0x87: {  	[hbm4b:s4+s2] =	stream.indirect_vreg.scatter [tilespmem:s23], [sflag:$0x1], $0x80, v3, vm0, $0xb8;
	[tilespmem:$0x10100] =	vst v63  }
0x88: {  	_ = 	snop  }
0x89: {  	[hbm4b:s5+s2] =	stream.indirect_vreg.scatter [tilespmem:s24], [sflag:$0x1], $0x80, v3, vm0, $0xb8;
	[tilespmem:$0x10100] =	vst v63  }
0x8a: {  	_ = 	snop  }
0x8b: {  	[hbm4b:s6+s2] =	stream.indirect_vreg.scatter [tilespmem:s25], [sflag:$0x1], $0x80, v3, vm0, $0xb8;
	[tilespmem:$0x10100] =	vst v63  }
0x8c: {  	v3 =	vld [tilespmem:$0x90];
	_ =	sdelay $0x4  }
0x8d: {  	v61 =	vshll.u32 v3, $0x3  }
0x8e: {  	v3 =	vand.u32 $0x7, v3;
	v4 =	vand.u32 $0xFFFFFFC0, v61  }
0x8f: {  	v3 =	vor.u32 v3, v4  }
0x90: {  	v4 =	vperm.xlane v3, v0;
	_ =	sdelay $0x1  }
0x91: {  	v4 =	vadd.s32 v1, v4;
	_ =	sdelay $0x4  }
0x92: {  	[hbm4b:s3+s2] =	stream.indirect_vreg.scatter [tilespmem:s26], [sflag:$0x1], $0x80, v4, vm0, $0xb8;
	[tilespmem:$0x10100] =	vst v63  }
0x93: {  	v3 =	vperm.xlane v3, v2  }
0x94: {  	[hbm4b:s4+s2] =	stream.indirect_vreg.scatter [tilespmem:s28], [sflag:$0x1], $0x80, v4, vm0, $0xb8;
	[tilespmem:$0x10100] =	vst v63  }
0x95: {  	v3 =	vadd.s32 v1, v3  }
0x96: {  	[hbm4b:s5+s2] =	stream.indirect_vreg.scatter [tilespmem:s29], [sflag:$0x1], $0x80, v4, vm0, $0xb8;
	[tilespmem:$0x10100] =	vst v63  }
0x97: {  	_ = 	snop  }
0x98: {  	[hbm4b:s6+s2] =	stream.indirect_vreg.scatter [tilespmem:s30], [sflag:$0x1], $0x80, v4, vm0, $0xb8;
	[tilespmem:$0x10100] =	vst v63  }
0x99: {  	_ = 	snop  }
0x9a: {  	[hbm4b:s3+s2] =	stream.indirect_vreg.scatter [tilespmem:s31], [sflag:$0x1], $0x80, v3, vm0, $0xb8;
	[tilespmem:$0x10100] =	vst v63  }
0x9b: {  	s20 =	simm.s32 $0x6900  }
0x9c: {  	[hbm4b:s4+s2] =	stream.indirect_vreg.scatter [tilespmem:s20], [sflag:$0x1], $0x80, v3, vm0, $0xb8;
	[tilespmem:$0x10100] =	vst v63  }
0x9d: {  	s19 =	simm.s32 $0x7100  }
0x9e: {  	[hbm4b:s5+s2] =	stream.indirect_vreg.scatter [tilespmem:s19], [sflag:$0x1], $0x80, v3, vm0, $0xb8;
	[tilespmem:$0x10100] =	vst v63  }
0x9f: {  	_ = 	snop  }
0xa0: {  	[hbm4b:s6+s2] =	stream.indirect_vreg.scatter [tilespmem:s10], [sflag:$0x1], $0x80, v3, vm0, $0xb8;
	[tilespmem:$0x10100] =	vst v63  }
0xa1: {  	v3 =	vld [tilespmem:$0xA0];
	_ =	sdelay $0x4  }
0xa2: {  	v62 =	vshll.u32 v3, $0x3  }
0xa3: {  	v3 =	vand.u32 $0x7, v3;
	v4 =	vand.u32 $0xFFFFFFC0, v62  }
0xa4: {  	v3 =	vor.u32 v3, v4  }
0xa5: {  	v4 =	vperm.xlane v3, v0;
	_ =	sdelay $0x1  }
0xa6: {  	v4 =	vadd.s32 v1, v4;
	_ =	sdelay $0x4  }
0xa7: {  	[hbm4b:s3+s2] =	stream.indirect_vreg.scatter [tilespmem:s11], [sflag:$0x1], $0x80, v4, vm0, $0xb8;
	[tilespmem:$0x10100] =	vst v63  }
0xa8: {  	v3 =	vperm.xlane v3, v2  }
0xa9: {  	[hbm4b:s4+s2] =	stream.indirect_vreg.scatter [tilespmem:s12], [sflag:$0x1], $0x80, v4, vm0, $0xb8;
	[tilespmem:$0x10100] =	vst v63  }
0xaa: {  	v3 =	vadd.s32 v1, v3  }
0xab: {  	[hbm4b:s5+s2] =	stream.indirect_vreg.scatter [tilespmem:s13], [sflag:$0x1], $0x80, v4, vm0, $0xb8;
	[tilespmem:$0x10100] =	vst v63  }
0xac: {  	_ = 	snop  }
0xad: {  	[hbm4b:s6+s2] =	stream.indirect_vreg.scatter [tilespmem:s14], [sflag:$0x1], $0x80, v4, vm0, $0xb8;
	[tilespmem:$0x10100] =	vst v63  }
0xae: {  	_ = 	snop  }
0xaf: {  	[hbm4b:s3+s2] =	stream.indirect_vreg.scatter [tilespmem:s15], [sflag:$0x1], $0x80, v3, vm0, $0xb8;
	[tilespmem:$0x10100] =	vst v63  }
0xb0: {  	_ = 	snop  }
0xb1: {  	[hbm4b:s4+s2] =	stream.indirect_vreg.scatter [tilespmem:s16], [sflag:$0x1], $0x80, v3, vm0, $0xb8;
	[tilespmem:$0x10100] =	vst v63  }
0xb2: {  	_ = 	snop  }
0xb3: {  	[hbm4b:s5+s2] =	stream.indirect_vreg.scatter [tilespmem:s17], [sflag:$0x1], $0x80, v3, vm0, $0xb8;
	[tilespmem:$0x10100] =	vst v63  }
0xb4: {  	_ = 	snop  }
0xb5: {  	[hbm4b:s6+s2] =	stream.indirect_vreg.scatter [tilespmem:s9], [sflag:$0x1], $0x80, v3, vm0, $0xb8;
	[tilespmem:$0x10100] =	vst v63  }
0xb6: {  	v3 =	vld [tilespmem:$0xB0];
	_ =	sdelay $0x4  }
0xb7: {  	v63 =	vshll.u32 v3, $0x3  }
0xb8: {  	v3 =	vand.u32 $0x7, v3;
	v4 =	vand.u32 $0xFFFFFFC0, v63  }
0xb9: {  	v3 =	vor.u32 v3, v4  }
0xba: {  	v4 =	vperm.xlane v3, v0;
	_ =	sdelay $0x1  }
0xbb: {  	v4 =	vadd.s32 v1, v4;
	_ =	sdelay $0x3  }
0xbc: {  	s20 =	simm.s32 $0xC100  }
0xbd: {  	[hbm4b:s3+s2] =	stream.indirect_vreg.scatter [tilespmem:s20], [sflag:$0x1], $0x80, v4, vm0, $0xb8;
	[tilespmem:$0x10100] =	vst v63  }
0xbe: {  	s9 =	simm.s32 $0xC900;
	v3 =	vperm.xlane v3, v2  }
0xbf: {  	[hbm4b:s4+s2] =	stream.indirect_vreg.scatter [tilespmem:s9], [sflag:$0x1], $0x80, v4, vm0, $0xb8;
	[tilespmem:$0x10100] =	vst v63  }
0xc0: {  	s19 =	simm.s32 $0xD100;
	v3 =	vadd.s32 v1, v3  }
0xc1: {  	[hbm4b:s5+s2] =	stream.indirect_vreg.scatter [tilespmem:s19], [sflag:$0x1], $0x80, v4, vm0, $0xb8;
	[tilespmem:$0x10100] =	vst v63  }
0xc2: {  	s20 =	simm.s32 $0xD900  }
0xc3: {  	[hbm4b:s6+s2] =	stream.indirect_vreg.scatter [tilespmem:s20], [sflag:$0x1], $0x80, v4, vm0, $0xb8;
	[tilespmem:$0x10100] =	vst v63  }
0xc4: {  	s9 =	simm.s32 $0xE100  }
0xc5: {  	[hbm4b:s3+s2] =	stream.indirect_vreg.scatter [tilespmem:s9], [sflag:$0x1], $0x80, v3, vm0, $0xb8;
	[tilespmem:$0x10100] =	vst v63  }
0xc6: {  	s19 =	simm.s32 $0xE900  }
0xc7: {  	[hbm4b:s4+s2] =	stream.indirect_vreg.scatter [tilespmem:s19], [sflag:$0x1], $0x80, v3, vm0, $0xb8;
	[tilespmem:$0x10100] =	vst v63  }
0xc8: {  	p0 =	sne.s32 s7, $0x1;
	s20 =	simm.s32 $0xF100  }
0xc9: {  	[hbm4b:s5+s2] =	stream.indirect_vreg.scatter [tilespmem:s20], [sflag:$0x1], $0x80, v3, vm0, $0xb8;
	[tilespmem:$0x10100] =	vst v63  }
.Ltmp0:
0xca: {  	_ = 	snop;
	(pc) =	sbr.rel @p0 .LBB2_1-.Ltmp0, $4  }
0xcb: {  	[hbm4b:s6+s2] =	stream.indirect_vreg.scatter [tilespmem:s1], [sflag:$0x1], $0x80, v3, vm0, $0xb8;
	[tilespmem:$0x10100] =	vst v63  }
0xcc: {  	_ =	swait.ge [sflag:s18], $0x10000  }
0xcd: {  	[sflag:s18] =	ssyncset.done $0x0  }
0xce: {  	s7 =	sadd.s32 $0xFFFFFFFF, s7;
	[sflag:s18] =	ssyncadd.s32 $0xFFFF0000  }
0xcf: {  	_ =	sfence.sel $0x180000  }
0xd0: {  	[bflag:$0x0] =	sbarrier.arrive $0xFFFF  }
0xd1: {  	_ =	strace $0x90000047  }
0xd2: {  	s0 =	stileid.u32;
	[bflag:$0x2] =	sbarrier.arrive $0xFFFF  }
0xd3: {  	p0 =	sne.s32 s0, $0x0;
	s0 =	rddreg [dreg:$0x2]  }
0xd4: {  	s0 =	sadd.s32 @!p0 $0x100000, s0  }
0xd5: {  	[sflag:s0] =	ssyncadd.tile.s32 @!p0 $0x1;
	_ =	shalt  }
.Lfunc_end2:
_tile_overlayer_lowered:
.L_overlay_start_2:
0xd6: {  	(tag) =	ssettag $0x2  }
0xd7: {  	s0 =	rddreg [dreg:$0x0];
	s2 =	stileid.u32  }
0xd8: {  	s1 =	rddreg [dreg:$0x1];
	p0 =	sne.s32 s2, $0x0  }
0xd9: {  	s3 =	rddreg [dreg:$0x2];
	[bflag:$0x3] =	sbarrier.arrive $0xFFFF;
	s2 =	simm.s32 @!p0 $0x1C02  }
0xda: {  	[timem:s3], [sflag:s2] =	dma.local @!p0 [hbm:s0], s1  }
0xdb: {  	s0 =	simm.s32 @!p0 $0x2  }
0xdc: {  	_ =	swait.ge @!p0 [sflag:s0], s1  }
0xdd: {  	s1 =	ssub.s32 @!p0 $0x0, s1;
	[sflag:s0] =	ssyncset.done @!p0 $0x0  }
0xde: {  	[sflag:s0] =	ssyncadd.s32 @!p0 s1  }
0xdf: {  	[bflag:$0x3] =	sbarrier.arrive $0xFFFF  }
0xe0: {  	_ =	shalt  }

</sc_bundles>
